<compile_context>
chip_gen: v7x
topology: tpu7x:2x2x1
jax: 0.10.2.dev20260603
libtpu: 0.0.44.dev20260713+nightly
codegen_flags: <defaults>
</compile_context>

<pallas_src>
import functools

import jax
import jax.numpy as jnp
from jax import lax
from jax.experimental import pallas as pl
from jax.experimental.pallas import tpu as pltpu
from jax.experimental.pallas import tpu_sc as plsc

EPS2 = 2.0 ** 0.5
N_NODES = 10000
N_EDGES = 320000
D = 128
SQRT_D = float(D) ** 0.5

NC = 2
NS = 16
NW = NC * NS

P = 10240
RPT = P // NS

CH = 125
EPW = N_EDGES // NW
NCHUNK = EPW // CH
GRP = 8
NGRP = NCHUNK // GRP

BLK = P // 8

@functools.cache
def _sc_mesh():
    return plsc.VectorSubcoreMesh(
        core_axis_name="c", subcore_axis_name="s",
        num_cores=NC, num_subcores=NS)


def _deg_body(ei_hbm, out_hbm, sidx, ones_v, acc, ssem, isem):
    cid = lax.axis_index("c")
    sid = lax.axis_index("s")
    wid = sid * NC + cid
    c0 = wid * NCHUNK
    pltpu.async_copy(ei_hbm.at[1, pl.ds(c0, NCHUNK), :], sidx, isem)

    def _fill_zero(i, _):
        r = i // (D // 16)
        col = lax.rem(i, D // 16) * 16
        ones_v[r, pl.ds(col, 16)] = jnp.zeros((16,), jnp.float32)
        return 0
    lax.fori_loop(0, (128 * D) // 16, _fill_zero, 0, unroll=8)
    for k in range(RPT // 128):
        pltpu.sync_copy(ones_v, acc.at[pl.ds(sid * RPT + k * 128, 128)])

    def _fill_ones(i, _):
        r = i // (D // 16)
        col = lax.rem(i, D // 16) * 16
        ones_v[r, pl.ds(col, 16)] = jnp.ones((16,), jnp.float32)
        return 0
    lax.fori_loop(0, (128 * D) // 16, _fill_ones, 0, unroll=8)

    pltpu.make_async_copy(ei_hbm.at[1, pl.ds(c0, NCHUNK), :], sidx, isem).wait()
    plsc.subcore_barrier()

    def _fire(j, _):
        pltpu.async_copy(ones_v.at[pl.ds(0, CH), :],
                         acc.at[sidx.at[j]], ssem, add=True)

        @pl.when(j >= 3)
        def _():
            pltpu.make_async_copy(ones_v.at[pl.ds(0, CH), :],
                                  acc.at[sidx.at[0]], ssem).wait()
        return 0
    lax.fori_loop(0, NCHUNK, _fire, 0)
    for _ in range(3):
        pltpu.make_async_copy(ones_v.at[pl.ds(0, CH), :],
                              acc.at[sidx.at[0]], ssem).wait()

    plsc.subcore_barrier()
    pltpu.sync_copy(acc.at[pl.ds(sid * RPT, RPT)],
                    out_hbm.at[cid, pl.ds(sid * RPT, RPT), :])


@functools.cache
def _deg_call():
    return pl.kernel(
        _deg_body,
        out_type=jax.ShapeDtypeStruct((NC, P, D), jnp.float32),
        mesh=_sc_mesh(),
        scratch_types=[
            pltpu.VMEM((NCHUNK, CH), jnp.int32),
            pltpu.VMEM((128, D), jnp.float32),
            pltpu.VMEM_SHARED((P, D), jnp.float32),
            pltpu.SemaphoreType.DMA,
            pltpu.SemaphoreType.DMA,
        ],
    )


def _mp_body(h_hbm, ei_hbm, out_hbm, sidx, didx, rows, acc,
             gsem0, gsem1, ssem0, ssem1, isem):
    cid = lax.axis_index("c")
    sid = lax.axis_index("s")
    wid = sid * NC + cid
    c0 = wid * NCHUNK
    pltpu.async_copy(ei_hbm.at[1, pl.ds(c0, NCHUNK), :], sidx, isem)

    def _fill_zero(i, _):
        b = i // (128 * (D // 16))
        r = lax.rem(i, 128 * (D // 16)) // (D // 16)
        col = lax.rem(i, D // 16) * 16
        rows[b, r, pl.ds(col, 16)] = jnp.zeros((16,), jnp.float32)
        return 0
    lax.fori_loop(0, 2 * 128 * (D // 16), _fill_zero, 0, unroll=8)
    for k in range(RPT // 128):
        pltpu.sync_copy(rows.at[0], acc.at[pl.ds(sid * RPT + k * 128, 128)])

    pltpu.make_async_copy(ei_hbm.at[1, pl.ds(c0, NCHUNK), :], sidx, isem).wait()

    pltpu.async_copy(ei_hbm.at[0, pl.ds(c0, GRP), :], didx.at[0], isem)
    pltpu.make_async_copy(ei_hbm.at[0, pl.ds(c0, GRP), :], didx.at[0], isem).wait()
    pltpu.async_copy(ei_hbm.at[0, pl.ds(c0 + GRP, GRP), :], didx.at[1], isem)
    plsc.subcore_barrier()

    pltpu.async_copy(h_hbm.at[sidx.at[0]], rows.at[0, pl.ds(0, CH), :], gsem0)

    def _pair(k, _):
        a = 2 * k
        g = a // GRP
        gslot = lax.rem(g, 2)
        sub = lax.rem(a, GRP)

        pltpu.make_async_copy(h_hbm.at[sidx.at[a]],
                              rows.at[0, pl.ds(0, CH), :], gsem0).wait()

        @pl.when(k > 0)
        def _():
            pltpu.make_async_copy(rows.at[1, pl.ds(0, CH), :],
                                  acc.at[didx.at[0, 0]], ssem1).wait()

        @pl.when((sub == 0) & (g > 0))
        def _():
            pltpu.make_async_copy(ei_hbm.at[0, pl.ds(c0 + g * GRP, GRP), :],
                                  didx.at[gslot], isem).wait()

            @pl.when(g + 1 < NGRP)
            def _():
                pltpu.async_copy(ei_hbm.at[0, pl.ds(c0 + (g + 1) * GRP, GRP), :],
                                 didx.at[1 - gslot], isem)

        pltpu.async_copy(h_hbm.at[sidx.at[a + 1]],
                         rows.at[1, pl.ds(0, CH), :], gsem1)
        pltpu.async_copy(rows.at[0, pl.ds(0, CH), :],
                         acc.at[didx.at[gslot, sub]], ssem0, add=True)

        pltpu.make_async_copy(h_hbm.at[sidx.at[a + 1]],
                              rows.at[1, pl.ds(0, CH), :], gsem1).wait()
        pltpu.make_async_copy(rows.at[0, pl.ds(0, CH), :],
                              acc.at[didx.at[0, 0]], ssem0).wait()

        @pl.when(a + 2 < NCHUNK)
        def _():
            pltpu.async_copy(h_hbm.at[sidx.at[a + 2]],
                             rows.at[0, pl.ds(0, CH), :], gsem0)

        pltpu.async_copy(rows.at[1, pl.ds(0, CH), :],
                         acc.at[didx.at[gslot, sub + 1]], ssem1, add=True)
        return 0
    lax.fori_loop(0, NCHUNK // 2, _pair, 0)
    pltpu.make_async_copy(rows.at[1, pl.ds(0, CH), :],
                          acc.at[didx.at[0, 0]], ssem1).wait()

    plsc.subcore_barrier()
    pltpu.sync_copy(acc.at[pl.ds(sid * RPT, RPT)],
                    out_hbm.at[cid, pl.ds(sid * RPT, RPT), :])


@functools.cache
def _mp_call():
    return pl.kernel(
        _mp_body,
        out_type=jax.ShapeDtypeStruct((NC, P, D), jnp.float32),
        mesh=_sc_mesh(),
        scratch_types=[
            pltpu.VMEM((NCHUNK, CH), jnp.int32),
            pltpu.VMEM((2, GRP, CH), jnp.int32),
            pltpu.VMEM((2, 128, D), jnp.float32),
            pltpu.VMEM_SHARED((P, D), jnp.float32),
            pltpu.SemaphoreType.DMA,
            pltpu.SemaphoreType.DMA,
            pltpu.SemaphoreType.DMA,
            pltpu.SemaphoreType.DMA,
            pltpu.SemaphoreType.DMA,
        ],
    )


def _dg(a, w):
    return lax.dot_general(a, w, (((1,), (1,)), ((), ())),
                           preferred_element_type=jnp.float32)


def _u_tc(x_ref, w_ref, b_ref, u_ref):
    u_ref[...] = jnp.maximum(_dg(x_ref[...], w_ref[...]) + b_ref[...], 0.0)


def _scale_tc(u_ref, degp_ref, h_ref, invn_ref):
    deg = degp_ref[0, :, 0:1] + degp_ref[1, :, 0:1]
    invn = 1.0 / (SQRT_D * (1.0 + EPS2 + deg))
    h_ref[...] = u_ref[...] * jnp.broadcast_to(invn, u_ref.shape)
    invn_ref[...] = invn


def _combine_tc(h_ref, p_ref, w_ref, b_ref, invn_ref, o_ref):
    t = (1.0 + EPS2) * h_ref[...] + p_ref[0] + p_ref[1]
    o_ref[...] = (jnp.maximum(_dg(t, w_ref[...]) + b_ref[...], 0.0)
                  * jnp.broadcast_to(invn_ref[...], t.shape))


def _tail_tc(h_ref, p_ref, fw0, fb0, fw1, fb1, pw0, pb0, pw1, pb1, ow, ob,
             o_ref):
    t = (1.0 + EPS2) * h_ref[...] + p_ref[0] + p_ref[1]
    h4 = _dg(jnp.maximum(t, 0.0), fw0[...]) + fb0[...] + _dg(t, pw0[...]) + pb0[...]
    h5 = _dg(jnp.maximum(h4, 0.0), fw1[...]) + fb1[...] + _dg(t, pw1[...]) + pb1[...]
    o_ref[...] = _dg(h5, ow[...]) + ob[...]


_row_spec = pl.BlockSpec((BLK, D), lambda i: (i, 0))
_w_spec = pl.BlockSpec((D, D), lambda i: (0, 0))
_b_spec = pl.BlockSpec((1, D), lambda i: (0, 0))
_p_spec = pl.BlockSpec((NC, BLK, D), lambda i: (0, i, 0))

_u_call = pl.pallas_call(
    _u_tc,
    grid=(P // BLK,),
    in_specs=[_row_spec, _w_spec, _b_spec],
    out_specs=_row_spec,
    out_shape=jax.ShapeDtypeStruct((P, D), jnp.float32),
)

_c_spec = pl.BlockSpec((BLK, 1), lambda i: (i, 0))

_scale_call = pl.pallas_call(
    _scale_tc,
    grid=(P // BLK,),
    in_specs=[_row_spec, _p_spec],
    out_specs=[_row_spec, _c_spec],
    out_shape=[jax.ShapeDtypeStruct((P, D), jnp.float32),
               jax.ShapeDtypeStruct((P, 1), jnp.float32)],
)

_combine_call = pl.pallas_call(
    _combine_tc,
    grid=(P // BLK,),
    in_specs=[_row_spec, _p_spec, _w_spec, _b_spec, _c_spec],
    out_specs=_row_spec,
    out_shape=jax.ShapeDtypeStruct((P, D), jnp.float32),
)

_tail_call = pl.pallas_call(
    _tail_tc,
    grid=(P // BLK,),
    in_specs=[_row_spec, _p_spec] + [_w_spec, _b_spec] * 5,
    out_specs=_row_spec,
    out_shape=jax.ShapeDtypeStruct((P, D), jnp.float32),
)


def kernel(x, edge_index, mp_w0, mp_b0, mp_w1, mp_b1, mp_w2, mp_b2,
           fc_w0, fc_b0, fc_w1, fc_b1, pj_w0, pj_b0, pj_w1, pj_b1,
           out_w, out_b):
    xp = jnp.pad(x, ((0, P - N_NODES), (0, 0)))
    ei3 = edge_index.reshape(2, N_EDGES // CH, CH)

    u = _u_call(xp, mp_w0, mp_b0.reshape(1, D))
    degp = _deg_call()(ei3)
    h, invn = _scale_call(u, degp)
    for w, b in ((mp_w1, mp_b1), (mp_w2, mp_b2)):
        part = _mp_call()(h, ei3)
        h = _combine_call(h, part, w, b.reshape(1, D), invn)
    part = _mp_call()(h, ei3)
    outp = _tail_call(h, part,
                      fc_w0, fc_b0.reshape(1, D), fc_w1, fc_b1.reshape(1, D),
                      pj_w0, pj_b0.reshape(1, D), pj_w1, pj_b1.reshape(1, D),
                      out_w, out_b.reshape(1, D))
    return outp[:N_NODES]

# --- scband reference (transcript-rebuilt; emitter-appended) ---
"""Pipeline reference for scband-decouple-model-10350871183483 (READ-ONLY COPY).

The authoritative reference and input builder live on the scoring server;
editing this copy changes nothing except your own understanding.
"""

import jax, jax.numpy as jnp
import numpy as np

EPS = 2.0 ** 0.5
N_NODES = 10000
N_EDGES = 320000
D = 128


def _linear(x, W, b):
    # torch nn.Linear: y = x @ W.T + b, W shape [out, in]
    return x @ W.T + b


def _injective_mp(x, edge_index, W, b):
    num_nodes = x.shape[0]
    target = edge_index[0]
    source = edge_index[1]
    deg = jnp.zeros((num_nodes,), dtype=x.dtype).at[source].add(1.0)
    norm_factor = 1.0 + EPS + deg
    h = jax.nn.relu(_linear(x, W, b))
    h = h / jnp.sqrt(float(W.shape[0]))
    h = h / norm_factor[:, None]
    Ah = jnp.zeros_like(h).at[target].add(h[source])
    return (1.0 + EPS) * h + Ah


def setup_inputs(seed: int = 0) -> dict:
    key = jax.random.key(seed)
    ks = jax.random.split(key, 24)
    inp = {}
    inp["x"] = jax.random.normal(ks[0], (N_NODES, D), dtype=jnp.float32)
    inp["edge_index"] = jax.random.randint(ks[1], (2, N_EDGES), 0, N_NODES, dtype=jnp.int32)
    # InjectiveMP weights: normal std=1.0 (as in torch init), biases small uniform
    for i in range(3):
        inp[f"mp_w{i}"] = jax.random.normal(ks[2 + 2 * i], (D, D), dtype=jnp.float32)
        inp[f"mp_b{i}"] = jax.random.uniform(ks[3 + 2 * i], (D,), dtype=jnp.float32, minval=-0.05, maxval=0.05)
    # fc layers, injection projections, output layer
    for j, name in enumerate(["fc_w0", "fc_w1", "pj_w0", "pj_w1", "out_w"]):
        inp[name] = jax.random.normal(ks[10 + 2 * j], (D, D), dtype=jnp.float32) * 0.05
        inp[name.replace("_w", "_b")] = jnp.zeros((D,), dtype=jnp.float32)
    return inp


def reference(x, edge_index, mp_w0, mp_b0, mp_w1, mp_b1, mp_w2, mp_b2,
              fc_w0, fc_b0, fc_w1, fc_b1, pj_w0, pj_b0, pj_w1, pj_b1, out_w, out_b):
    h = x
    for W, b in [(mp_w0, mp_b0), (mp_w1, mp_b1), (mp_w2, mp_b2)]:
        h = _injective_mp(h, edge_index, W, b)
    x_inject = h
    for (Wl, bl), (Wp, bp) in [((fc_w0, fc_b0), (pj_w0, pj_b0)), ((fc_w1, fc_b1), (pj_w1, pj_b1))]:
        injected = _linear(x_inject, Wp, bp)
        h = _linear(jax.nn.relu(h), Wl, bl) + injected
    return _linear(h, out_w, out_b)

if __name__ == "__main__":
    import jax
    _d = setup_inputs()
    print(jax.jit(kernel)(*tuple(_d.values())))

</pallas_src>

<mosaic_0001>
#map = affine_map<(d0, d1) -> (0, 0)>
#map1 = affine_map<(d0, d1) -> (0, 0, 0)>
module attributes {stable_mosaic.version = 14 : i64} {
  func.func @_mp_body(%arg0: i32, %arg1: i32, %arg2: memref<10240x128xf32, #tpu.memory_space<hbm>>, %arg3: memref<2x2560x125xi32, #tpu.memory_space<hbm>>, %arg4: memref<2x10240x128xf32, #tpu.memory_space<hbm>>, %arg5: memref<80x125xi32, #tpu.memory_space<vmem>>, %arg6: memref<2x8x125xi32, #tpu.memory_space<vmem>>, %arg7: memref<2x128x128xf32, #tpu.memory_space<vmem>>, %arg8: memref<10240x128xf32, #tpu.memory_space<vmem_shared>>, %arg9: memref<!tpu.dma_semaphore, #tpu.memory_space<semaphore_mem>>, %arg10: memref<!tpu.dma_semaphore, #tpu.memory_space<semaphore_mem>>, %arg11: memref<!tpu.dma_semaphore, #tpu.memory_space<semaphore_mem>>, %arg12: memref<!tpu.dma_semaphore, #tpu.memory_space<semaphore_mem>>, %arg13: memref<!tpu.dma_semaphore, #tpu.memory_space<semaphore_mem>>) attributes {dimension_semantics = [#tpu.dimension_semantics<core_parallel>, #tpu.dimension_semantics<subcore_parallel>], iteration_bounds = array<i64: 2, 16>, scalar_prefetch = 0 : i64, scratch_operands = 9 : i64, tpu.core_type = #tpu.core_type<sc_vector_subcore>, window_params = [{transform_indices = #map}, {transform_indices = #map1}, {transform_indices = #map1}]} {
    %mul3A = arith.constant 2 : i32
    %mul3A_0 = arith.muli %arg1, %mul3A : i32
    %add3A = arith.addi %mul3A_0, %arg0 : i32
    %mul3A_1 = arith.constant 80 : i32
    %mul3A_2 = arith.muli %add3A, %mul3A_1 : i32
    %dma_start3A = arith.constant 1 : i32
    %dma_start3A_3 = arith.constant 0 : i32
    %dma_start3A_4 = tpu.memref_slice %arg3[%dma_start3A, %mul3A_2, %dma_start3A_3] : memref<2x2560x125xi32, #tpu.memory_space<hbm>> -> memref<1x80x125xi32, #tpu.memory_space<hbm>>
    %dma_start3A_5 = tpu.memref_squeeze %dma_start3A_4 : memref<1x80x125xi32, #tpu.memory_space<hbm>> -> memref<80x125xi32, #tpu.memory_space<hbm>>
    %dma_start3A_6 = arith.constant 0 : i32
    %dma_start3A_7 = tpu.memref_slice %arg3[%dma_start3A, %mul3A_2, %dma_start3A_6] : memref<2x2560x125xi32, #tpu.memory_space<hbm>> -> memref<1x80x125xi32, #tpu.memory_space<hbm>>
    %dma_start3A_8 = tpu.memref_squeeze %dma_start3A_7 : memref<1x80x125xi32, #tpu.memory_space<hbm>> -> memref<80x125xi32, #tpu.memory_space<hbm>>
    tpu.enqueue_dma source(%dma_start3A_8 : memref<80x125xi32, #tpu.memory_space<hbm>>) target(%arg5 : memref<80x125xi32, #tpu.memory_space<vmem>>) target_semaphore(%arg13 : memref<!tpu.dma_semaphore, #tpu.memory_space<semaphore_mem>>)
    %scan3A = arith.constant 0 : i32
    %scan3A_9 = arith.constant 0 : i32
    %scan3A_10 = arith.constant 2048 : i32
    %scan3A_11 = arith.addi %scan3A_9, %scan3A_10 : i32
    %scan3A_12 = arith.constant 8 : i32
    %scan3A_13 = scf.for %scan3A_132 = %scan3A_9 to %scan3A_11 step %scan3A_12 iter_args(%scan3A_133 = %scan3A) -> (i32)  : i32 {
      %jit3A = arith.constant 1024 : i32
      %div3A = arith.divsi %scan3A_132, %jit3A : i32
      %sign3A = arith.constant 0 : i32
      %sign3A_134 = arith.cmpi sgt, %scan3A_132, %sign3A : i32
      %sign3A_135 = arith.extui %sign3A_134 : i1 to i32
      %sign3A_136 = arith.constant 0 : i32
      %sign3A_137 = arith.cmpi slt, %scan3A_132, %sign3A_136 : i32
      %sign3A_138 = arith.extui %sign3A_137 : i1 to i32
      %sign3A_139 = arith.subi %sign3A_135, %sign3A_138 : i32
      %sign3A_140 = arith.constant 0 : i32
      %sign3A_141 = arith.cmpi sgt, %jit3A, %sign3A_140 : i32
      %sign3A_142 = arith.extui %sign3A_141 : i1 to i32
      %sign3A_143 = arith.constant 0 : i32
      %sign3A_144 = arith.cmpi slt, %jit3A, %sign3A_143 : i32
      %sign3A_145 = arith.extui %sign3A_144 : i1 to i32
      %sign3A_146 = arith.subi %sign3A_142, %sign3A_145 : i32
      %ne3A = arith.cmpi ne, %sign3A_139, %sign3A_146 : i32
      %rem3A = arith.remsi %scan3A_132, %jit3A : i32
      %ne3A_147 = arith.constant 0 : i32
      %ne3A_148 = arith.cmpi ne, %rem3A, %ne3A_147 : i32
      %and3A = arith.andi %ne3A, %ne3A_148 : i1
      %sub3A = arith.constant 1 : i32
      %sub3A_149 = arith.subi %div3A, %sub3A : i32
      %select_n3A = arith.select %and3A, %sub3A_149, %div3A : i32
      %rem3A_150 = arith.constant 1024 : i32
      %rem3A_151 = arith.remsi %scan3A_132, %rem3A_150 : i32
      %jit3A_152 = arith.constant 8 : i32
      %div3A_153 = arith.divsi %rem3A_151, %jit3A_152 : i32
      %sign3A_154 = arith.constant 0 : i32
      %sign3A_155 = arith.cmpi sgt, %rem3A_151, %sign3A_154 : i32
      %sign3A_156 = arith.extui %sign3A_155 : i1 to i32
      %sign3A_157 = arith.constant 0 : i32
      %sign3A_158 = arith.cmpi slt, %rem3A_151, %sign3A_157 : i32
      %sign3A_159 = arith.extui %sign3A_158 : i1 to i32
      %sign3A_160 = arith.subi %sign3A_156, %sign3A_159 : i32
      %sign3A_161 = arith.constant 0 : i32
      %sign3A_162 = arith.cmpi sgt, %jit3A_152, %sign3A_161 : i32
      %sign3A_163 = arith.extui %sign3A_162 : i1 to i32
      %sign3A_164 = arith.constant 0 : i32
      %sign3A_165 = arith.cmpi slt, %jit3A_152, %sign3A_164 : i32
      %sign3A_166 = arith.extui %sign3A_165 : i1 to i32
      %sign3A_167 = arith.subi %sign3A_163, %sign3A_166 : i32
      %ne3A_168 = arith.cmpi ne, %sign3A_160, %sign3A_167 : i32
      %rem3A_169 = arith.remsi %rem3A_151, %jit3A_152 : i32
      %ne3A_170 = arith.constant 0 : i32
      %ne3A_171 = arith.cmpi ne, %rem3A_169, %ne3A_170 : i32
      %and3A_172 = arith.andi %ne3A_168, %ne3A_171 : i1
      %sub3A_173 = arith.constant 1 : i32
      %sub3A_174 = arith.subi %div3A_153, %sub3A_173 : i32
      %select_n3A_175 = arith.select %and3A_172, %sub3A_174, %div3A_153 : i32
      %rem3A_176 = arith.constant 8 : i32
      %rem3A_177 = arith.remsi %scan3A_132, %rem3A_176 : i32
      %mul3A_178 = arith.constant 16 : i32
      %mul3A_179 = arith.muli %rem3A_177, %mul3A_178 : i32
      %broadcast_in_dim3A = arith.constant 0.000000e+00 : f32
      %broadcast_in_dim3A_180 = vector.broadcast %broadcast_in_dim3A : f32 to vector<16xf32>
      %swap3A = arith.index_cast %select_n3A : i32 to index
      %swap3A_181 = arith.index_cast %select_n3A_175 : i32 to index
      %swap3A_182 = arith.index_cast %mul3A_179 : i32 to index
      %swap3A_183 = tpu.vector_load %arg7[%swap3A, %swap3A_181, %swap3A_182] {strides = array<i32>} : memref<2x128x128xf32, #tpu.memory_space<vmem>>, vector<1x1x16xf32>,
      %swap3A_184 = vector.shape_cast %swap3A_183 : vector<1x1x16xf32> to vector<16xf32>
      %swap3A_185 = vector.shape_cast %broadcast_in_dim3A_180 : vector<16xf32> to vector<1x1x16xf32>
      tpu.vector_store %arg7[%swap3A, %swap3A_181, %swap3A_182], %swap3A_185 {strides = array<i32>} : memref<2x128x128xf32, #tpu.memory_space<vmem>>, vector<1x1x16xf32>,
      %scan3A_186 = arith.constant 0 : i32
      %scan3A_187 = arith.constant 1 : i32
      %scan3A_188 = arith.addi %scan3A_132, %scan3A_187 : i32
      %jit3A_189 = arith.constant 1024 : i32
      %div3A_190 = arith.divsi %scan3A_188, %jit3A_189 : i32
      %sign3A_191 = arith.constant 0 : i32
      %sign3A_192 = arith.cmpi sgt, %scan3A_188, %sign3A_191 : i32
      %sign3A_193 = arith.extui %sign3A_192 : i1 to i32
      %sign3A_194 = arith.constant 0 : i32
      %sign3A_195 = arith.cmpi slt, %scan3A_188, %sign3A_194 : i32
      %sign3A_196 = arith.extui %sign3A_195 : i1 to i32
      %sign3A_197 = arith.subi %sign3A_193, %sign3A_196 : i32
      %sign3A_198 = arith.constant 0 : i32
      %sign3A_199 = arith.cmpi sgt, %jit3A_189, %sign3A_198 : i32
      %sign3A_200 = arith.extui %sign3A_199 : i1 to i32
      %sign3A_201 = arith.constant 0 : i32
      %sign3A_202 = arith.cmpi slt, %jit3A_189, %sign3A_201 : i32
      %sign3A_203 = arith.extui %sign3A_202 : i1 to i32
      %sign3A_204 = arith.subi %sign3A_200, %sign3A_203 : i32
      %ne3A_205 = arith.cmpi ne, %sign3A_197, %sign3A_204 : i32
      %rem3A_206 = arith.remsi %scan3A_188, %jit3A_189 : i32
      %ne3A_207 = arith.constant 0 : i32
      %ne3A_208 = arith.cmpi ne, %rem3A_206, %ne3A_207 : i32
      %and3A_209 = arith.andi %ne3A_205, %ne3A_208 : i1
      %sub3A_210 = arith.constant 1 : i32
      %sub3A_211 = arith.subi %div3A_190, %sub3A_210 : i32
      %select_n3A_212 = arith.select %and3A_209, %sub3A_211, %div3A_190 : i32
      %rem3A_213 = arith.constant 1024 : i32
      %rem3A_214 = arith.remsi %scan3A_188, %rem3A_213 : i32
      %jit3A_215 = arith.constant 8 : i32
      %div3A_216 = arith.divsi %rem3A_214, %jit3A_215 : i32
      %sign3A_217 = arith.constant 0 : i32
      %sign3A_218 = arith.cmpi sgt, %rem3A_214, %sign3A_217 : i32
      %sign3A_219 = arith.extui %sign3A_218 : i1 to i32
      %sign3A_220 = arith.constant 0 : i32
      %sign3A_221 = arith.cmpi slt, %rem3A_214, %sign3A_220 : i32
      %sign3A_222 = arith.extui %sign3A_221 : i1 to i32
      %sign3A_223 = arith.subi %sign3A_219, %sign3A_222 : i32
      %sign3A_224 = arith.constant 0 : i32
      %sign3A_225 = arith.cmpi sgt, %jit3A_215, %sign3A_224 : i32
      %sign3A_226 = arith.extui %sign3A_225 : i1 to i32
      %sign3A_227 = arith.constant 0 : i32
      %sign3A_228 = arith.cmpi slt, %jit3A_215, %sign3A_227 : i32
      %sign3A_229 = arith.extui %sign3A_228 : i1 to i32
      %sign3A_230 = arith.subi %sign3A_226, %sign3A_229 : i32
      %ne3A_231 = arith.cmpi ne, %sign3A_223, %sign3A_230 : i32
      %rem3A_232 = arith.remsi %rem3A_214, %jit3A_215 : i32
      %ne3A_233 = arith.constant 0 : i32
      %ne3A_234 = arith.cmpi ne, %rem3A_232, %ne3A_233 : i32
      %and3A_235 = arith.andi %ne3A_231, %ne3A_234 : i1
      %sub3A_236 = arith.constant 1 : i32
      %sub3A_237 = arith.subi %div3A_216, %sub3A_236 : i32
      %select_n3A_238 = arith.select %and3A_235, %sub3A_237, %div3A_216 : i32
      %rem3A_239 = arith.constant 8 : i32
      %rem3A_240 = arith.remsi %scan3A_188, %rem3A_239 : i32
      %mul3A_241 = arith.constant 16 : i32
      %mul3A_242 = arith.muli %rem3A_240, %mul3A_241 : i32
      %broadcast_in_dim3A_243 = arith.constant 0.000000e+00 : f32
      %broadcast_in_dim3A_244 = vector.broadcast %broadcast_in_dim3A_243 : f32 to vector<16xf32>
      %swap3A_245 = arith.index_cast %select_n3A_212 : i32 to index
      %swap3A_246 = arith.index_cast %select_n3A_238 : i32 to index
      %swap3A_247 = arith.index_cast %mul3A_242 : i32 to index
      %swap3A_248 = tpu.vector_load %arg7[%swap3A_245, %swap3A_246, %swap3A_247] {strides = array<i32>} : memref<2x128x128xf32, #tpu.memory_space<vmem>>, vector<1x1x16xf32>,
      %swap3A_249 = vector.shape_cast %swap3A_248 : vector<1x1x16xf32> to vector<16xf32>
      %swap3A_250 = vector.shape_cast %broadcast_in_dim3A_244 : vector<16xf32> to vector<1x1x16xf32>
      tpu.vector_store %arg7[%swap3A_245, %swap3A_246, %swap3A_247], %swap3A_250 {strides = array<i32>} : memref<2x128x128xf32, #tpu.memory_space<vmem>>, vector<1x1x16xf32>,
      %scan3A_251 = arith.constant 0 : i32
      %scan3A_252 = arith.constant 2 : i32
      %scan3A_253 = arith.addi %scan3A_132, %scan3A_252 : i32
      %jit3A_254 = arith.constant 1024 : i32
      %div3A_255 = arith.divsi %scan3A_253, %jit3A_254 : i32
      %sign3A_256 = arith.constant 0 : i32
      %sign3A_257 = arith.cmpi sgt, %scan3A_253, %sign3A_256 : i32
      %sign3A_258 = arith.extui %sign3A_257 : i1 to i32
      %sign3A_259 = arith.constant 0 : i32
      %sign3A_260 = arith.cmpi slt, %scan3A_253, %sign3A_259 : i32
      %sign3A_261 = arith.extui %sign3A_260 : i1 to i32
      %sign3A_262 = arith.subi %sign3A_258, %sign3A_261 : i32
      %sign3A_263 = arith.constant 0 : i32
      %sign3A_264 = arith.cmpi sgt, %jit3A_254, %sign3A_263 : i32
      %sign3A_265 = arith.extui %sign3A_264 : i1 to i32
      %sign3A_266 = arith.constant 0 : i32
      %sign3A_267 = arith.cmpi slt, %jit3A_254, %sign3A_266 : i32
      %sign3A_268 = arith.extui %sign3A_267 : i1 to i32
      %sign3A_269 = arith.subi %sign3A_265, %sign3A_268 : i32
      %ne3A_270 = arith.cmpi ne, %sign3A_262, %sign3A_269 : i32
      %rem3A_271 = arith.remsi %scan3A_253, %jit3A_254 : i32
      %ne3A_272 = arith.constant 0 : i32
      %ne3A_273 = arith.cmpi ne, %rem3A_271, %ne3A_272 : i32
      %and3A_274 = arith.andi %ne3A_270, %ne3A_273 : i1
      %sub3A_275 = arith.constant 1 : i32
      %sub3A_276 = arith.subi %div3A_255, %sub3A_275 : i32
      %select_n3A_277 = arith.select %and3A_274, %sub3A_276, %div3A_255 : i32
      %rem3A_278 = arith.constant 1024 : i32
      %rem3A_279 = arith.remsi %scan3A_253, %rem3A_278 : i32
      %jit3A_280 = arith.constant 8 : i32
      %div3A_281 = arith.divsi %rem3A_279, %jit3A_280 : i32
      %sign3A_282 = arith.constant 0 : i32
      %sign3A_283 = arith.cmpi sgt, %rem3A_279, %sign3A_282 : i32
      %sign3A_284 = arith.extui %sign3A_283 : i1 to i32
      %sign3A_285 = arith.constant 0 : i32
      %sign3A_286 = arith.cmpi slt, %rem3A_279, %sign3A_285 : i32
      %sign3A_287 = arith.extui %sign3A_286 : i1 to i32
      %sign3A_288 = arith.subi %sign3A_284, %sign3A_287 : i32
      %sign3A_289 = arith.constant 0 : i32
      %sign3A_290 = arith.cmpi sgt, %jit3A_280, %sign3A_289 : i32
      %sign3A_291 = arith.extui %sign3A_290 : i1 to i32
      %sign3A_292 = arith.constant 0 : i32
      %sign3A_293 = arith.cmpi slt, %jit3A_280, %sign3A_292 : i32
      %sign3A_294 = arith.extui %sign3A_293 : i1 to i32
      %sign3A_295 = arith.subi %sign3A_291, %sign3A_294 : i32
      %ne3A_296 = arith.cmpi ne, %sign3A_288, %sign3A_295 : i32
      %rem3A_297 = arith.remsi %rem3A_279, %jit3A_280 : i32
      %ne3A_298 = arith.constant 0 : i32
      %ne3A_299 = arith.cmpi ne, %rem3A_297, %ne3A_298 : i32
      %and3A_300 = arith.andi %ne3A_296, %ne3A_299 : i1
      %sub3A_301 = arith.constant 1 : i32
      %sub3A_302 = arith.subi %div3A_281, %sub3A_301 : i32
      %select_n3A_303 = arith.select %and3A_300, %sub3A_302, %div3A_281 : i32
      %rem3A_304 = arith.constant 8 : i32
      %rem3A_305 = arith.remsi %scan3A_253, %rem3A_304 : i32
      %mul3A_306 = arith.constant 16 : i32
      %mul3A_307 = arith.muli %rem3A_305, %mul3A_306 : i32
      %broadcast_in_dim3A_308 = arith.constant 0.000000e+00 : f32
      %broadcast_in_dim3A_309 = vector.broadcast %broadcast_in_dim3A_308 : f32 to vector<16xf32>
      %swap3A_310 = arith.index_cast %select_n3A_277 : i32 to index
      %swap3A_311 = arith.index_cast %select_n3A_303 : i32 to index
      %swap3A_312 = arith.index_cast %mul3A_307 : i32 to index
      %swap3A_313 = tpu.vector_load %arg7[%swap3A_310, %swap3A_311, %swap3A_312] {strides = array<i32>} : memref<2x128x128xf32, #tpu.memory_space<vmem>>, vector<1x1x16xf32>,
      %swap3A_314 = vector.shape_cast %swap3A_313 : vector<1x1x16xf32> to vector<16xf32>
      %swap3A_315 = vector.shape_cast %broadcast_in_dim3A_309 : vector<16xf32> to vector<1x1x16xf32>
      tpu.vector_store %arg7[%swap3A_310, %swap3A_311, %swap3A_312], %swap3A_315 {strides = array<i32>} : memref<2x128x128xf32, #tpu.memory_space<vmem>>, vector<1x1x16xf32>,
      %scan3A_316 = arith.constant 0 : i32
      %scan3A_317 = arith.constant 3 : i32
      %scan3A_318 = arith.addi %scan3A_132, %scan3A_317 : i32
      %jit3A_319 = arith.constant 1024 : i32
      %div3A_320 = arith.divsi %scan3A_318, %jit3A_319 : i32
      %sign3A_321 = arith.constant 0 : i32
      %sign3A_322 = arith.cmpi sgt, %scan3A_318, %sign3A_321 : i32
      %sign3A_323 = arith.extui %sign3A_322 : i1 to i32
      %sign3A_324 = arith.constant 0 : i32
      %sign3A_325 = arith.cmpi slt, %scan3A_318, %sign3A_324 : i32
      %sign3A_326 = arith.extui %sign3A_325 : i1 to i32
      %sign3A_327 = arith.subi %sign3A_323, %sign3A_326 : i32
      %sign3A_328 = arith.constant 0 : i32
      %sign3A_329 = arith.cmpi sgt, %jit3A_319, %sign3A_328 : i32
      %sign3A_330 = arith.extui %sign3A_329 : i1 to i32
      %sign3A_331 = arith.constant 0 : i32
      %sign3A_332 = arith.cmpi slt, %jit3A_319, %sign3A_331 : i32
      %sign3A_333 = arith.extui %sign3A_332 : i1 to i32
      %sign3A_334 = arith.subi %sign3A_330, %sign3A_333 : i32
      %ne3A_335 = arith.cmpi ne, %sign3A_327, %sign3A_334 : i32
      %rem3A_336 = arith.remsi %scan3A_318, %jit3A_319 : i32
      %ne3A_337 = arith.constant 0 : i32
      %ne3A_338 = arith.cmpi ne, %rem3A_336, %ne3A_337 : i32
      %and3A_339 = arith.andi %ne3A_335, %ne3A_338 : i1
      %sub3A_340 = arith.constant 1 : i32
      %sub3A_341 = arith.subi %div3A_320, %sub3A_340 : i32
      %select_n3A_342 = arith.select %and3A_339, %sub3A_341, %div3A_320 : i32
      %rem3A_343 = arith.constant 1024 : i32
      %rem3A_344 = arith.remsi %scan3A_318, %rem3A_343 : i32
      %jit3A_345 = arith.constant 8 : i32
      %div3A_346 = arith.divsi %rem3A_344, %jit3A_345 : i32
      %sign3A_347 = arith.constant 0 : i32
      %sign3A_348 = arith.cmpi sgt, %rem3A_344, %sign3A_347 : i32
      %sign3A_349 = arith.extui %sign3A_348 : i1 to i32
      %sign3A_350 = arith.constant 0 : i32
      %sign3A_351 = arith.cmpi slt, %rem3A_344, %sign3A_350 : i32
      %sign3A_352 = arith.extui %sign3A_351 : i1 to i32
      %sign3A_353 = arith.subi %sign3A_349, %sign3A_352 : i32
      %sign3A_354 = arith.constant 0 : i32
      %sign3A_355 = arith.cmpi sgt, %jit3A_345, %sign3A_354 : i32
      %sign3A_356 = arith.extui %sign3A_355 : i1 to i32
      %sign3A_357 = arith.constant 0 : i32
      %sign3A_358 = arith.cmpi slt, %jit3A_345, %sign3A_357 : i32
      %sign3A_359 = arith.extui %sign3A_358 : i1 to i32
      %sign3A_360 = arith.subi %sign3A_356, %sign3A_359 : i32
      %ne3A_361 = arith.cmpi ne, %sign3A_353, %sign3A_360 : i32
      %rem3A_362 = arith.remsi %rem3A_344, %jit3A_345 : i32
      %ne3A_363 = arith.constant 0 : i32
      %ne3A_364 = arith.cmpi ne, %rem3A_362, %ne3A_363 : i32
      %and3A_365 = arith.andi %ne3A_361, %ne3A_364 : i1
      %sub3A_366 = arith.constant 1 : i32
      %sub3A_367 = arith.subi %div3A_346, %sub3A_366 : i32
      %select_n3A_368 = arith.select %and3A_365, %sub3A_367, %div3A_346 : i32
      %rem3A_369 = arith.constant 8 : i32
      %rem3A_370 = arith.remsi %scan3A_318, %rem3A_369 : i32
      %mul3A_371 = arith.constant 16 : i32
      %mul3A_372 = arith.muli %rem3A_370, %mul3A_371 : i32
      %broadcast_in_dim3A_373 = arith.constant 0.000000e+00 : f32
      %broadcast_in_dim3A_374 = vector.broadcast %broadcast_in_dim3A_373 : f32 to vector<16xf32>
      %swap3A_375 = arith.index_cast %select_n3A_342 : i32 to index
      %swap3A_376 = arith.index_cast %select_n3A_368 : i32 to index
      %swap3A_377 = arith.index_cast %mul3A_372 : i32 to index
      %swap3A_378 = tpu.vector_load %arg7[%swap3A_375, %swap3A_376, %swap3A_377] {strides = array<i32>} : memref<2x128x128xf32, #tpu.memory_space<vmem>>, vector<1x1x16xf32>,
      %swap3A_379 = vector.shape_cast %swap3A_378 : vector<1x1x16xf32> to vector<16xf32>
      %swap3A_380 = vector.shape_cast %broadcast_in_dim3A_374 : vector<16xf32> to vector<1x1x16xf32>
      tpu.vector_store %arg7[%swap3A_375, %swap3A_376, %swap3A_377], %swap3A_380 {strides = array<i32>} : memref<2x128x128xf32, #tpu.memory_space<vmem>>, vector<1x1x16xf32>,
      %scan3A_381 = arith.constant 0 : i32
      %scan3A_382 = arith.constant 4 : i32
      %scan3A_383 = arith.addi %scan3A_132, %scan3A_382 : i32
      %jit3A_384 = arith.constant 1024 : i32
      %div3A_385 = arith.divsi %scan3A_383, %jit3A_384 : i32
      %sign3A_386 = arith.constant 0 : i32
      %sign3A_387 = arith.cmpi sgt, %scan3A_383, %sign3A_386 : i32
      %sign3A_388 = arith.extui %sign3A_387 : i1 to i32
      %sign3A_389 = arith.constant 0 : i32
      %sign3A_390 = arith.cmpi slt, %scan3A_383, %sign3A_389 : i32
      %sign3A_391 = arith.extui %sign3A_390 : i1 to i32
      %sign3A_392 = arith.subi %sign3A_388, %sign3A_391 : i32
      %sign3A_393 = arith.constant 0 : i32
      %sign3A_394 = arith.cmpi sgt, %jit3A_384, %sign3A_393 : i32
      %sign3A_395 = arith.extui %sign3A_394 : i1 to i32
      %sign3A_396 = arith.constant 0 : i32
      %sign3A_397 = arith.cmpi slt, %jit3A_384, %sign3A_396 : i32
      %sign3A_398 = arith.extui %sign3A_397 : i1 to i32
      %sign3A_399 = arith.subi %sign3A_395, %sign3A_398 : i32
      %ne3A_400 = arith.cmpi ne, %sign3A_392, %sign3A_399 : i32
      %rem3A_401 = arith.remsi %scan3A_383, %jit3A_384 : i32
      %ne3A_402 = arith.constant 0 : i32
      %ne3A_403 = arith.cmpi ne, %rem3A_401, %ne3A_402 : i32
      %and3A_404 = arith.andi %ne3A_400, %ne3A_403 : i1
      %sub3A_405 = arith.constant 1 : i32
      %sub3A_406 = arith.subi %div3A_385, %sub3A_405 : i32
      %select_n3A_407 = arith.select %and3A_404, %sub3A_406, %div3A_385 : i32
      %rem3A_408 = arith.constant 1024 : i32
      %rem3A_409 = arith.remsi %scan3A_383, %rem3A_408 : i32
      %jit3A_410 = arith.constant 8 : i32
      %div3A_411 = arith.divsi %rem3A_409, %jit3A_410 : i32
      %sign3A_412 = arith.constant 0 : i32
      %sign3A_413 = arith.cmpi sgt, %rem3A_409, %sign3A_412 : i32
      %sign3A_414 = arith.extui %sign3A_413 : i1 to i32
      %sign3A_415 = arith.constant 0 : i32
      %sign3A_416 = arith.cmpi slt, %rem3A_409, %sign3A_415 : i32
      %sign3A_417 = arith.extui %sign3A_416 : i1 to i32
      %sign3A_418 = arith.subi %sign3A_414, %sign3A_417 : i32
      %sign3A_419 = arith.constant 0 : i32
      %sign3A_420 = arith.cmpi sgt, %jit3A_410, %sign3A_419 : i32
      %sign3A_421 = arith.extui %sign3A_420 : i1 to i32
      %sign3A_422 = arith.constant 0 : i32
      %sign3A_423 = arith.cmpi slt, %jit3A_410, %sign3A_422 : i32
      %sign3A_424 = arith.extui %sign3A_423 : i1 to i32
      %sign3A_425 = arith.subi %sign3A_421, %sign3A_424 : i32
      %ne3A_426 = arith.cmpi ne, %sign3A_418, %sign3A_425 : i32
      %rem3A_427 = arith.remsi %rem3A_409, %jit3A_410 : i32
      %ne3A_428 = arith.constant 0 : i32
      %ne3A_429 = arith.cmpi ne, %rem3A_427, %ne3A_428 : i32
      %and3A_430 = arith.andi %ne3A_426, %ne3A_429 : i1
      %sub3A_431 = arith.constant 1 : i32
      %sub3A_432 = arith.subi %div3A_411, %sub3A_431 : i32
      %select_n3A_433 = arith.select %and3A_430, %sub3A_432, %div3A_411 : i32
      %rem3A_434 = arith.constant 8 : i32
      %rem3A_435 = arith.remsi %scan3A_383, %rem3A_434 : i32
      %mul3A_436 = arith.constant 16 : i32
      %mul3A_437 = arith.muli %rem3A_435, %mul3A_436 : i32
      %broadcast_in_dim3A_438 = arith.constant 0.000000e+00 : f32
      %broadcast_in_dim3A_439 = vector.broadcast %broadcast_in_dim3A_438 : f32 to vector<16xf32>
      %swap3A_440 = arith.index_cast %select_n3A_407 : i32 to index
      %swap3A_441 = arith.index_cast %select_n3A_433 : i32 to index
      %swap3A_442 = arith.index_cast %mul3A_437 : i32 to index
      %swap3A_443 = tpu.vector_load %arg7[%swap3A_440, %swap3A_441, %swap3A_442] {strides = array<i32>} : memref<2x128x128xf32, #tpu.memory_space<vmem>>, vector<1x1x16xf32>,
      %swap3A_444 = vector.shape_cast %swap3A_443 : vector<1x1x16xf32> to vector<16xf32>
      %swap3A_445 = vector.shape_cast %broadcast_in_dim3A_439 : vector<16xf32> to vector<1x1x16xf32>
      tpu.vector_store %arg7[%swap3A_440, %swap3A_441, %swap3A_442], %swap3A_445 {strides = array<i32>} : memref<2x128x128xf32, #tpu.memory_space<vmem>>, vector<1x1x16xf32>,
      %scan3A_446 = arith.constant 0 : i32
      %scan3A_447 = arith.constant 5 : i32
      %scan3A_448 = arith.addi %scan3A_132, %scan3A_447 : i32
      %jit3A_449 = arith.constant 1024 : i32
      %div3A_450 = arith.divsi %scan3A_448, %jit3A_449 : i32
      %sign3A_451 = arith.constant 0 : i32
      %sign3A_452 = arith.cmpi sgt, %scan3A_448, %sign3A_451 : i32
      %sign3A_453 = arith.extui %sign3A_452 : i1 to i32
      %sign3A_454 = arith.constant 0 : i32
      %sign3A_455 = arith.cmpi slt, %scan3A_448, %sign3A_454 : i32
      %sign3A_456 = arith.extui %sign3A_455 : i1 to i32
      %sign3A_457 = arith.subi %sign3A_453, %sign3A_456 : i32
      %sign3A_458 = arith.constant 0 : i32
      %sign3A_459 = arith.cmpi sgt, %jit3A_449, %sign3A_458 : i32
      %sign3A_460 = arith.extui %sign3A_459 : i1 to i32
      %sign3A_461 = arith.constant 0 : i32
      %sign3A_462 = arith.cmpi slt, %jit3A_449, %sign3A_461 : i32
      %sign3A_463 = arith.extui %sign3A_462 : i1 to i32
      %sign3A_464 = arith.subi %sign3A_460, %sign3A_463 : i32
      %ne3A_465 = arith.cmpi ne, %sign3A_457, %sign3A_464 : i32
      %rem3A_466 = arith.remsi %scan3A_448, %jit3A_449 : i32
      %ne3A_467 = arith.constant 0 : i32
      %ne3A_468 = arith.cmpi ne, %rem3A_466, %ne3A_467 : i32
      %and3A_469 = arith.andi %ne3A_465, %ne3A_468 : i1
      %sub3A_470 = arith.constant 1 : i32
      %sub3A_471 = arith.subi %div3A_450, %sub3A_470 : i32
      %select_n3A_472 = arith.select %and3A_469, %sub3A_471, %div3A_450 : i32
      %rem3A_473 = arith.constant 1024 : i32
      %rem3A_474 = arith.remsi %scan3A_448, %rem3A_473 : i32
      %jit3A_475 = arith.constant 8 : i32
      %div3A_476 = arith.divsi %rem3A_474, %jit3A_475 : i32
      %sign3A_477 = arith.constant 0 : i32
      %sign3A_478 = arith.cmpi sgt, %rem3A_474, %sign3A_477 : i32
      %sign3A_479 = arith.extui %sign3A_478 : i1 to i32
      %sign3A_480 = arith.constant 0 : i32
      %sign3A_481 = arith.cmpi slt, %rem3A_474, %sign3A_480 : i32
      %sign3A_482 = arith.extui %sign3A_481 : i1 to i32
      %sign3A_483 = arith.subi %sign3A_479, %sign3A_482 : i32
      %sign3A_484 = arith.constant 0 : i32
      %sign3A_485 = arith.cmpi sgt, %jit3A_475, %sign3A_484 : i32
      %sign3A_486 = arith.extui %sign3A_485 : i1 to i32
      %sign3A_487 = arith.constant 0 : i32
      %sign3A_488 = arith.cmpi slt, %jit3A_475, %sign3A_487 : i32
      %sign3A_489 = arith.extui %sign3A_488 : i1 to i32
      %sign3A_490 = arith.subi %sign3A_486, %sign3A_489 : i32
      %ne3A_491 = arith.cmpi ne, %sign3A_483, %sign3A_490 : i32
      %rem3A_492 = arith.remsi %rem3A_474, %jit3A_475 : i32
      %ne3A_493 = arith.constant 0 : i32
      %ne3A_494 = arith.cmpi ne, %rem3A_492, %ne3A_493 : i32
      %and3A_495 = arith.andi %ne3A_491, %ne3A_494 : i1
      %sub3A_496 = arith.constant 1 : i32
      %sub3A_497 = arith.subi %div3A_476, %sub3A_496 : i32
      %select_n3A_498 = arith.select %and3A_495, %sub3A_497, %div3A_476 : i32
      %rem3A_499 = arith.constant 8 : i32
      %rem3A_500 = arith.remsi %scan3A_448, %rem3A_499 : i32
      %mul3A_501 = arith.constant 16 : i32
      %mul3A_502 = arith.muli %rem3A_500, %mul3A_501 : i32
      %broadcast_in_dim3A_503 = arith.constant 0.000000e+00 : f32
      %broadcast_in_dim3A_504 = vector.broadcast %broadcast_in_dim3A_503 : f32 to vector<16xf32>
      %swap3A_505 = arith.index_cast %select_n3A_472 : i32 to index
      %swap3A_506 = arith.index_cast %select_n3A_498 : i32 to index
      %swap3A_507 = arith.index_cast %mul3A_502 : i32 to index
      %swap3A_508 = tpu.vector_load %arg7[%swap3A_505, %swap3A_506, %swap3A_507] {strides = array<i32>} : memref<2x128x128xf32, #tpu.memory_space<vmem>>, vector<1x1x16xf32>,
      %swap3A_509 = vector.shape_cast %swap3A_508 : vector<1x1x16xf32> to vector<16xf32>
      %swap3A_510 = vector.shape_cast %broadcast_in_dim3A_504 : vector<16xf32> to vector<1x1x16xf32>
      tpu.vector_store %arg7[%swap3A_505, %swap3A_506, %swap3A_507], %swap3A_510 {strides = array<i32>} : memref<2x128x128xf32, #tpu.memory_space<vmem>>, vector<1x1x16xf32>,
      %scan3A_511 = arith.constant 0 : i32
      %scan3A_512 = arith.constant 6 : i32
      %scan3A_513 = arith.addi %scan3A_132, %scan3A_512 : i32
      %jit3A_514 = arith.constant 1024 : i32
      %div3A_515 = arith.divsi %scan3A_513, %jit3A_514 : i32
      %sign3A_516 = arith.constant 0 : i32
      %sign3A_517 = arith.cmpi sgt, %scan3A_513, %sign3A_516 : i32
      %sign3A_518 = arith.extui %sign3A_517 : i1 to i32
      %sign3A_519 = arith.constant 0 : i32
      %sign3A_520 = arith.cmpi slt, %scan3A_513, %sign3A_519 : i32
      %sign3A_521 = arith.extui %sign3A_520 : i1 to i32
      %sign3A_522 = arith.subi %sign3A_518, %sign3A_521 : i32
      %sign3A_523 = arith.constant 0 : i32
      %sign3A_524 = arith.cmpi sgt, %jit3A_514, %sign3A_523 : i32
      %sign3A_525 = arith.extui %sign3A_524 : i1 to i32
      %sign3A_526 = arith.constant 0 : i32
      %sign3A_527 = arith.cmpi slt, %jit3A_514, %sign3A_526 : i32
      %sign3A_528 = arith.extui %sign3A_527 : i1 to i32
      %sign3A_529 = arith.subi %sign3A_525, %sign3A_528 : i32
      %ne3A_530 = arith.cmpi ne, %sign3A_522, %sign3A_529 : i32
      %rem3A_531 = arith.remsi %scan3A_513, %jit3A_514 : i32
      %ne3A_532 = arith.constant 0 : i32
      %ne3A_533 = arith.cmpi ne, %rem3A_531, %ne3A_532 : i32
      %and3A_534 = arith.andi %ne3A_530, %ne3A_533 : i1
      %sub3A_535 = arith.constant 1 : i32
      %sub3A_536 = arith.subi %div3A_515, %sub3A_535 : i32
      %select_n3A_537 = arith.select %and3A_534, %sub3A_536, %div3A_515 : i32
      %rem3A_538 = arith.constant 1024 : i32
      %rem3A_539 = arith.remsi %scan3A_513, %rem3A_538 : i32
      %jit3A_540 = arith.constant 8 : i32
      %div3A_541 = arith.divsi %rem3A_539, %jit3A_540 : i32
      %sign3A_542 = arith.constant 0 : i32
      %sign3A_543 = arith.cmpi sgt, %rem3A_539, %sign3A_542 : i32
      %sign3A_544 = arith.extui %sign3A_543 : i1 to i32
      %sign3A_545 = arith.constant 0 : i32
      %sign3A_546 = arith.cmpi slt, %rem3A_539, %sign3A_545 : i32
      %sign3A_547 = arith.extui %sign3A_546 : i1 to i32
      %sign3A_548 = arith.subi %sign3A_544, %sign3A_547 : i32
      %sign3A_549 = arith.constant 0 : i32
      %sign3A_550 = arith.cmpi sgt, %jit3A_540, %sign3A_549 : i32
      %sign3A_551 = arith.extui %sign3A_550 : i1 to i32
      %sign3A_552 = arith.constant 0 : i32
      %sign3A_553 = arith.cmpi slt, %jit3A_540, %sign3A_552 : i32
      %sign3A_554 = arith.extui %sign3A_553 : i1 to i32
      %sign3A_555 = arith.subi %sign3A_551, %sign3A_554 : i32
      %ne3A_556 = arith.cmpi ne, %sign3A_548, %sign3A_555 : i32
      %rem3A_557 = arith.remsi %rem3A_539, %jit3A_540 : i32
      %ne3A_558 = arith.constant 0 : i32
      %ne3A_559 = arith.cmpi ne, %rem3A_557, %ne3A_558 : i32
      %and3A_560 = arith.andi %ne3A_556, %ne3A_559 : i1
      %sub3A_561 = arith.constant 1 : i32
      %sub3A_562 = arith.subi %div3A_541, %sub3A_561 : i32
      %select_n3A_563 = arith.select %and3A_560, %sub3A_562, %div3A_541 : i32
      %rem3A_564 = arith.constant 8 : i32
      %rem3A_565 = arith.remsi %scan3A_513, %rem3A_564 : i32
      %mul3A_566 = arith.constant 16 : i32
      %mul3A_567 = arith.muli %rem3A_565, %mul3A_566 : i32
      %broadcast_in_dim3A_568 = arith.constant 0.000000e+00 : f32
      %broadcast_in_dim3A_569 = vector.broadcast %broadcast_in_dim3A_568 : f32 to vector<16xf32>
      %swap3A_570 = arith.index_cast %select_n3A_537 : i32 to index
      %swap3A_571 = arith.index_cast %select_n3A_563 : i32 to index
      %swap3A_572 = arith.index_cast %mul3A_567 : i32 to index
      %swap3A_573 = tpu.vector_load %arg7[%swap3A_570, %swap3A_571, %swap3A_572] {strides = array<i32>} : memref<2x128x128xf32, #tpu.memory_space<vmem>>, vector<1x1x16xf32>,
      %swap3A_574 = vector.shape_cast %swap3A_573 : vector<1x1x16xf32> to vector<16xf32>
      %swap3A_575 = vector.shape_cast %broadcast_in_dim3A_569 : vector<16xf32> to vector<1x1x16xf32>
      tpu.vector_store %arg7[%swap3A_570, %swap3A_571, %swap3A_572], %swap3A_575 {strides = array<i32>} : memref<2x128x128xf32, #tpu.memory_space<vmem>>, vector<1x1x16xf32>,
      %scan3A_576 = arith.constant 0 : i32
      %scan3A_577 = arith.constant 7 : i32
      %scan3A_578 = arith.addi %scan3A_132, %scan3A_577 : i32
      %jit3A_579 = arith.constant 1024 : i32
      %div3A_580 = arith.divsi %scan3A_578, %jit3A_579 : i32
      %sign3A_581 = arith.constant 0 : i32
      %sign3A_582 = arith.cmpi sgt, %scan3A_578, %sign3A_581 : i32
      %sign3A_583 = arith.extui %sign3A_582 : i1 to i32
      %sign3A_584 = arith.constant 0 : i32
      %sign3A_585 = arith.cmpi slt, %scan3A_578, %sign3A_584 : i32
      %sign3A_586 = arith.extui %sign3A_585 : i1 to i32
      %sign3A_587 = arith.subi %sign3A_583, %sign3A_586 : i32
      %sign3A_588 = arith.constant 0 : i32
      %sign3A_589 = arith.cmpi sgt, %jit3A_579, %sign3A_588 : i32
      %sign3A_590 = arith.extui %sign3A_589 : i1 to i32
      %sign3A_591 = arith.constant 0 : i32
      %sign3A_592 = arith.cmpi slt, %jit3A_579, %sign3A_591 : i32
      %sign3A_593 = arith.extui %sign3A_592 : i1 to i32
      %sign3A_594 = arith.subi %sign3A_590, %sign3A_593 : i32
      %ne3A_595 = arith.cmpi ne, %sign3A_587, %sign3A_594 : i32
      %rem3A_596 = arith.remsi %scan3A_578, %jit3A_579 : i32
      %ne3A_597 = arith.constant 0 : i32
      %ne3A_598 = arith.cmpi ne, %rem3A_596, %ne3A_597 : i32
      %and3A_599 = arith.andi %ne3A_595, %ne3A_598 : i1
      %sub3A_600 = arith.constant 1 : i32
      %sub3A_601 = arith.subi %div3A_580, %sub3A_600 : i32
      %select_n3A_602 = arith.select %and3A_599, %sub3A_601, %div3A_580 : i32
      %rem3A_603 = arith.constant 1024 : i32
      %rem3A_604 = arith.remsi %scan3A_578, %rem3A_603 : i32
      %jit3A_605 = arith.constant 8 : i32
      %div3A_606 = arith.divsi %rem3A_604, %jit3A_605 : i32
      %sign3A_607 = arith.constant 0 : i32
      %sign3A_608 = arith.cmpi sgt, %rem3A_604, %sign3A_607 : i32
      %sign3A_609 = arith.extui %sign3A_608 : i1 to i32
      %sign3A_610 = arith.constant 0 : i32
      %sign3A_611 = arith.cmpi slt, %rem3A_604, %sign3A_610 : i32
      %sign3A_612 = arith.extui %sign3A_611 : i1 to i32
      %sign3A_613 = arith.subi %sign3A_609, %sign3A_612 : i32
      %sign3A_614 = arith.constant 0 : i32
      %sign3A_615 = arith.cmpi sgt, %jit3A_605, %sign3A_614 : i32
      %sign3A_616 = arith.extui %sign3A_615 : i1 to i32
      %sign3A_617 = arith.constant 0 : i32
      %sign3A_618 = arith.cmpi slt, %jit3A_605, %sign3A_617 : i32
      %sign3A_619 = arith.extui %sign3A_618 : i1 to i32
      %sign3A_620 = arith.subi %sign3A_616, %sign3A_619 : i32
      %ne3A_621 = arith.cmpi ne, %sign3A_613, %sign3A_620 : i32
      %rem3A_622 = arith.remsi %rem3A_604, %jit3A_605 : i32
      %ne3A_623 = arith.constant 0 : i32
      %ne3A_624 = arith.cmpi ne, %rem3A_622, %ne3A_623 : i32
      %and3A_625 = arith.andi %ne3A_621, %ne3A_624 : i1
      %sub3A_626 = arith.constant 1 : i32
      %sub3A_627 = arith.subi %div3A_606, %sub3A_626 : i32
      %select_n3A_628 = arith.select %and3A_625, %sub3A_627, %div3A_606 : i32
      %rem3A_629 = arith.constant 8 : i32
      %rem3A_630 = arith.remsi %scan3A_578, %rem3A_629 : i32
      %mul3A_631 = arith.constant 16 : i32
      %mul3A_632 = arith.muli %rem3A_630, %mul3A_631 : i32
      %broadcast_in_dim3A_633 = arith.constant 0.000000e+00 : f32
      %broadcast_in_dim3A_634 = vector.broadcast %broadcast_in_dim3A_633 : f32 to vector<16xf32>
      %swap3A_635 = arith.index_cast %select_n3A_602 : i32 to index
      %swap3A_636 = arith.index_cast %select_n3A_628 : i32 to index
      %swap3A_637 = arith.index_cast %mul3A_632 : i32 to index
      %swap3A_638 = tpu.vector_load %arg7[%swap3A_635, %swap3A_636, %swap3A_637] {strides = array<i32>} : memref<2x128x128xf32, #tpu.memory_space<vmem>>, vector<1x1x16xf32>,
      %swap3A_639 = vector.shape_cast %swap3A_638 : vector<1x1x16xf32> to vector<16xf32>
      %swap3A_640 = vector.shape_cast %broadcast_in_dim3A_634 : vector<16xf32> to vector<1x1x16xf32>
      tpu.vector_store %arg7[%swap3A_635, %swap3A_636, %swap3A_637], %swap3A_640 {strides = array<i32>} : memref<2x128x128xf32, #tpu.memory_space<vmem>>, vector<1x1x16xf32>,
      %scan3A_641 = arith.constant 0 : i32
      scf.yield %scan3A_641 : i32
    }
    %scan3A_14 = arith.constant 2048 : i32
    %mul3A_15 = arith.constant 640 : i32
    %mul3A_16 = arith.muli %arg1, %mul3A_15 : i32
    %add3A_17 = arith.constant 0 : i32
    %add3A_18 = arith.addi %mul3A_16, %add3A_17 : i32
    %run_scoped3A = arith.constant 0 : i32
    "tpu.region"() ({
      %run_scoped3A_132 = tpu.sem_alloc : memref<!tpu.dma_semaphore, #tpu.memory_space<semaphore_mem>>
      %dma_start3A_133 = arith.constant 0 : i32
      %dma_start3A_134 = arith.constant 0 : i32
      %dma_start3A_135 = tpu.memref_slice %arg7[%run_scoped3A, %dma_start3A_133, %dma_start3A_134] : memref<2x128x128xf32, #tpu.memory_space<vmem>> -> memref<1x128x128xf32, #tpu.memory_space<vmem>>
      %dma_start3A_136 = tpu.memref_squeeze %dma_start3A_135 : memref<1x128x128xf32, #tpu.memory_space<vmem>> -> memref<128x128xf32, #tpu.memory_space<vmem>>
      %dma_start3A_137 = arith.constant 0 : i32
      %dma_start3A_138 = tpu.memref_slice %arg8[%add3A_18, %dma_start3A_137] : memref<10240x128xf32, #tpu.memory_space<vmem_shared>> -> memref<128x128xf32, #tpu.memory_space<vmem_shared>>
      %dma_start3A_139 = arith.constant 0 : i32
      %dma_start3A_140 = tpu.memref_slice %arg8[%add3A_18, %dma_start3A_139] : memref<10240x128xf32, #tpu.memory_space<vmem_shared>> -> memref<128x128xf32, #tpu.memory_space<vmem_shared>>
      %dma_start3A_141 = arith.constant 0 : i32
      %dma_start3A_142 = arith.constant 0 : i32
      %dma_start3A_143 = tpu.memref_slice %arg7[%run_scoped3A, %dma_start3A_141, %dma_start3A_142] : memref<2x128x128xf32, #tpu.memory_space<vmem>> -> memref<1x128x128xf32, #tpu.memory_space<vmem>>
      %dma_start3A_144 = tpu.memref_squeeze %dma_start3A_143 : memref<1x128x128xf32, #tpu.memory_space<vmem>> -> memref<128x128xf32, #tpu.memory_space<vmem>>
      tpu.enqueue_dma source(%dma_start3A_144 : memref<128x128xf32, #tpu.memory_space<vmem>>) target(%dma_start3A_140 : memref<128x128xf32, #tpu.memory_space<vmem_shared>>) target_semaphore(%run_scoped3A_132 : memref<!tpu.dma_semaphore, #tpu.memory_space<semaphore_mem>>)
      %dma_wait3A_145 = arith.constant 0 : i32
      %dma_wait3A_146 = arith.constant 0 : i32
      %dma_wait3A_147 = tpu.memref_slice %arg7[%run_scoped3A, %dma_wait3A_145, %dma_wait3A_146] : memref<2x128x128xf32, #tpu.memory_space<vmem>> -> memref<1x128x128xf32, #tpu.memory_space<vmem>>
      %dma_wait3A_148 = tpu.memref_squeeze %dma_wait3A_147 : memref<1x128x128xf32, #tpu.memory_space<vmem>> -> memref<128x128xf32, #tpu.memory_space<vmem>>
      %dma_wait3A_149 = arith.constant 0 : i32
      %dma_wait3A_150 = tpu.memref_slice %arg8[%add3A_18, %dma_wait3A_149] : memref<10240x128xf32, #tpu.memory_space<vmem_shared>> -> memref<128x128xf32, #tpu.memory_space<vmem_shared>>
      %dma_wait3A_151 = arith.constant 0 : i32
      %dma_wait3A_152 = tpu.memref_slice %arg8[%add3A_18, %dma_wait3A_151] : memref<10240x128xf32, #tpu.memory_space<vmem_shared>> -> memref<128x128xf32, #tpu.memory_space<vmem_shared>>
      %dma_wait3A_153 = arith.constant 0 : i32
      %dma_wait3A_154 = arith.constant 0 : i32
      %dma_wait3A_155 = tpu.memref_slice %arg7[%run_scoped3A, %dma_wait3A_153, %dma_wait3A_154] : memref<2x128x128xf32, #tpu.memory_space<vmem>> -> memref<1x128x128xf32, #tpu.memory_space<vmem>>
      %dma_wait3A_156 = tpu.memref_squeeze %dma_wait3A_155 : memref<1x128x128xf32, #tpu.memory_space<vmem>> -> memref<128x128xf32, #tpu.memory_space<vmem>>
      tpu.wait_dma2 semaphore(%run_scoped3A_132 : memref<!tpu.dma_semaphore, #tpu.memory_space<semaphore_mem>>) src(%dma_wait3A_156 : memref<128x128xf32, #tpu.memory_space<vmem>>) dst(%dma_wait3A_152 : memref<128x128xf32, #tpu.memory_space<vmem_shared>>)
      tpu.yield
    }) : () -> ()
    %mul3A_19 = arith.constant 640 : i32
    %mul3A_20 = arith.muli %arg1, %mul3A_19 : i32
    %add3A_21 = arith.constant 128 : i32
    %add3A_22 = arith.addi %mul3A_20, %add3A_21 : i32
    %run_scoped3A_23 = arith.constant 0 : i32
    "tpu.region"() ({
      %run_scoped3A_132 = tpu.sem_alloc : memref<!tpu.dma_semaphore, #tpu.memory_space<semaphore_mem>>
      %dma_start3A_133 = arith.constant 0 : i32
      %dma_start3A_134 = arith.constant 0 : i32
      %dma_start3A_135 = tpu.memref_slice %arg7[%run_scoped3A_23, %dma_start3A_133, %dma_start3A_134] : memref<2x128x128xf32, #tpu.memory_space<vmem>> -> memref<1x128x128xf32, #tpu.memory_space<vmem>>
      %dma_start3A_136 = tpu.memref_squeeze %dma_start3A_135 : memref<1x128x128xf32, #tpu.memory_space<vmem>> -> memref<128x128xf32, #tpu.memory_space<vmem>>
      %dma_start3A_137 = arith.constant 0 : i32
      %dma_start3A_138 = tpu.memref_slice %arg8[%add3A_22, %dma_start3A_137] : memref<10240x128xf32, #tpu.memory_space<vmem_shared>> -> memref<128x128xf32, #tpu.memory_space<vmem_shared>>
      %dma_start3A_139 = arith.constant 0 : i32
      %dma_start3A_140 = tpu.memref_slice %arg8[%add3A_22, %dma_start3A_139] : memref<10240x128xf32, #tpu.memory_space<vmem_shared>> -> memref<128x128xf32, #tpu.memory_space<vmem_shared>>
      %dma_start3A_141 = arith.constant 0 : i32
      %dma_start3A_142 = arith.constant 0 : i32
      %dma_start3A_143 = tpu.memref_slice %arg7[%run_scoped3A_23, %dma_start3A_141, %dma_start3A_142] : memref<2x128x128xf32, #tpu.memory_space<vmem>> -> memref<1x128x128xf32, #tpu.memory_space<vmem>>
      %dma_start3A_144 = tpu.memref_squeeze %dma_start3A_143 : memref<1x128x128xf32, #tpu.memory_space<vmem>> -> memref<128x128xf32, #tpu.memory_space<vmem>>
      tpu.enqueue_dma source(%dma_start3A_144 : memref<128x128xf32, #tpu.memory_space<vmem>>) target(%dma_start3A_140 : memref<128x128xf32, #tpu.memory_space<vmem_shared>>) target_semaphore(%run_scoped3A_132 : memref<!tpu.dma_semaphore, #tpu.memory_space<semaphore_mem>>)
      %dma_wait3A_145 = arith.constant 0 : i32
      %dma_wait3A_146 = arith.constant 0 : i32
      %dma_wait3A_147 = tpu.memref_slice %arg7[%run_scoped3A_23, %dma_wait3A_145, %dma_wait3A_146] : memref<2x128x128xf32, #tpu.memory_space<vmem>> -> memref<1x128x128xf32, #tpu.memory_space<vmem>>
      %dma_wait3A_148 = tpu.memref_squeeze %dma_wait3A_147 : memref<1x128x128xf32, #tpu.memory_space<vmem>> -> memref<128x128xf32, #tpu.memory_space<vmem>>
      %dma_wait3A_149 = arith.constant 0 : i32
      %dma_wait3A_150 = tpu.memref_slice %arg8[%add3A_22, %dma_wait3A_149] : memref<10240x128xf32, #tpu.memory_space<vmem_shared>> -> memref<128x128xf32, #tpu.memory_space<vmem_shared>>
      %dma_wait3A_151 = arith.constant 0 : i32
      %dma_wait3A_152 = tpu.memref_slice %arg8[%add3A_22, %dma_wait3A_151] : memref<10240x128xf32, #tpu.memory_space<vmem_shared>> -> memref<128x128xf32, #tpu.memory_space<vmem_shared>>
      %dma_wait3A_153 = arith.constant 0 : i32
      %dma_wait3A_154 = arith.constant 0 : i32
      %dma_wait3A_155 = tpu.memref_slice %arg7[%run_scoped3A_23, %dma_wait3A_153, %dma_wait3A_154] : memref<2x128x128xf32, #tpu.memory_space<vmem>> -> memref<1x128x128xf32, #tpu.memory_space<vmem>>
      %dma_wait3A_156 = tpu.memref_squeeze %dma_wait3A_155 : memref<1x128x128xf32, #tpu.memory_space<vmem>> -> memref<128x128xf32, #tpu.memory_space<vmem>>
      tpu.wait_dma2 semaphore(%run_scoped3A_132 : memref<!tpu.dma_semaphore, #tpu.memory_space<semaphore_mem>>) src(%dma_wait3A_156 : memref<128x128xf32, #tpu.memory_space<vmem>>) dst(%dma_wait3A_152 : memref<128x128xf32, #tpu.memory_space<vmem_shared>>)
      tpu.yield
    }) : () -> ()
    %mul3A_24 = arith.constant 640 : i32
    %mul3A_25 = arith.muli %arg1, %mul3A_24 : i32
    %add3A_26 = arith.constant 256 : i32
    %add3A_27 = arith.addi %mul3A_25, %add3A_26 : i32
    %run_scoped3A_28 = arith.constant 0 : i32
    "tpu.region"() ({
      %run_scoped3A_132 = tpu.sem_alloc : memref<!tpu.dma_semaphore, #tpu.memory_space<semaphore_mem>>
      %dma_start3A_133 = arith.constant 0 : i32
      %dma_start3A_134 = arith.constant 0 : i32
      %dma_start3A_135 = tpu.memref_slice %arg7[%run_scoped3A_28, %dma_start3A_133, %dma_start3A_134] : memref<2x128x128xf32, #tpu.memory_space<vmem>> -> memref<1x128x128xf32, #tpu.memory_space<vmem>>
      %dma_start3A_136 = tpu.memref_squeeze %dma_start3A_135 : memref<1x128x128xf32, #tpu.memory_space<vmem>> -> memref<128x128xf32, #tpu.memory_space<vmem>>
      %dma_start3A_137 = arith.constant 0 : i32
      %dma_start3A_138 = tpu.memref_slice %arg8[%add3A_27, %dma_start3A_137] : memref<10240x128xf32, #tpu.memory_space<vmem_shared>> -> memref<128x128xf32, #tpu.memory_space<vmem_shared>>
      %dma_start3A_139 = arith.constant 0 : i32
      %dma_start3A_140 = tpu.memref_slice %arg8[%add3A_27, %dma_start3A_139] : memref<10240x128xf32, #tpu.memory_space<vmem_shared>> -> memref<128x128xf32, #tpu.memory_space<vmem_shared>>
      %dma_start3A_141 = arith.constant 0 : i32
      %dma_start3A_142 = arith.constant 0 : i32
      %dma_start3A_143 = tpu.memref_slice %arg7[%run_scoped3A_28, %dma_start3A_141, %dma_start3A_142] : memref<2x128x128xf32, #tpu.memory_space<vmem>> -> memref<1x128x128xf32, #tpu.memory_space<vmem>>
      %dma_start3A_144 = tpu.memref_squeeze %dma_start3A_143 : memref<1x128x128xf32, #tpu.memory_space<vmem>> -> memref<128x128xf32, #tpu.memory_space<vmem>>
      tpu.enqueue_dma source(%dma_start3A_144 : memref<128x128xf32, #tpu.memory_space<vmem>>) target(%dma_start3A_140 : memref<128x128xf32, #tpu.memory_space<vmem_shared>>) target_semaphore(%run_scoped3A_132 : memref<!tpu.dma_semaphore, #tpu.memory_space<semaphore_mem>>)
      %dma_wait3A_145 = arith.constant 0 : i32
      %dma_wait3A_146 = arith.constant 0 : i32
      %dma_wait3A_147 = tpu.memref_slice %arg7[%run_scoped3A_28, %dma_wait3A_145, %dma_wait3A_146] : memref<2x128x128xf32, #tpu.memory_space<vmem>> -> memref<1x128x128xf32, #tpu.memory_space<vmem>>
      %dma_wait3A_148 = tpu.memref_squeeze %dma_wait3A_147 : memref<1x128x128xf32, #tpu.memory_space<vmem>> -> memref<128x128xf32, #tpu.memory_space<vmem>>
      %dma_wait3A_149 = arith.constant 0 : i32
      %dma_wait3A_150 = tpu.memref_slice %arg8[%add3A_27, %dma_wait3A_149] : memref<10240x128xf32, #tpu.memory_space<vmem_shared>> -> memref<128x128xf32, #tpu.memory_space<vmem_shared>>
      %dma_wait3A_151 = arith.constant 0 : i32
      %dma_wait3A_152 = tpu.memref_slice %arg8[%add3A_27, %dma_wait3A_151] : memref<10240x128xf32, #tpu.memory_space<vmem_shared>> -> memref<128x128xf32, #tpu.memory_space<vmem_shared>>
      %dma_wait3A_153 = arith.constant 0 : i32
      %dma_wait3A_154 = arith.constant 0 : i32
      %dma_wait3A_155 = tpu.memref_slice %arg7[%run_scoped3A_28, %dma_wait3A_153, %dma_wait3A_154] : memref<2x128x128xf32, #tpu.memory_space<vmem>> -> memref<1x128x128xf32, #tpu.memory_space<vmem>>
      %dma_wait3A_156 = tpu.memref_squeeze %dma_wait3A_155 : memref<1x128x128xf32, #tpu.memory_space<vmem>> -> memref<128x128xf32, #tpu.memory_space<vmem>>
      tpu.wait_dma2 semaphore(%run_scoped3A_132 : memref<!tpu.dma_semaphore, #tpu.memory_space<semaphore_mem>>) src(%dma_wait3A_156 : memref<128x128xf32, #tpu.memory_space<vmem>>) dst(%dma_wait3A_152 : memref<128x128xf32, #tpu.memory_space<vmem_shared>>)
      tpu.yield
    }) : () -> ()
    %mul3A_29 = arith.constant 640 : i32
    %mul3A_30 = arith.muli %arg1, %mul3A_29 : i32
    %add3A_31 = arith.constant 384 : i32
    %add3A_32 = arith.addi %mul3A_30, %add3A_31 : i32
    %run_scoped3A_33 = arith.constant 0 : i32
    "tpu.region"() ({
      %run_scoped3A_132 = tpu.sem_alloc : memref<!tpu.dma_semaphore, #tpu.memory_space<semaphore_mem>>
      %dma_start3A_133 = arith.constant 0 : i32
      %dma_start3A_134 = arith.constant 0 : i32
      %dma_start3A_135 = tpu.memref_slice %arg7[%run_scoped3A_33, %dma_start3A_133, %dma_start3A_134] : memref<2x128x128xf32, #tpu.memory_space<vmem>> -> memref<1x128x128xf32, #tpu.memory_space<vmem>>
      %dma_start3A_136 = tpu.memref_squeeze %dma_start3A_135 : memref<1x128x128xf32, #tpu.memory_space<vmem>> -> memref<128x128xf32, #tpu.memory_space<vmem>>
      %dma_start3A_137 = arith.constant 0 : i32
      %dma_start3A_138 = tpu.memref_slice %arg8[%add3A_32, %dma_start3A_137] : memref<10240x128xf32, #tpu.memory_space<vmem_shared>> -> memref<128x128xf32, #tpu.memory_space<vmem_shared>>
      %dma_start3A_139 = arith.constant 0 : i32
      %dma_start3A_140 = tpu.memref_slice %arg8[%add3A_32, %dma_start3A_139] : memref<10240x128xf32, #tpu.memory_space<vmem_shared>> -> memref<128x128xf32, #tpu.memory_space<vmem_shared>>
      %dma_start3A_141 = arith.constant 0 : i32
      %dma_start3A_142 = arith.constant 0 : i32
      %dma_start3A_143 = tpu.memref_slice %arg7[%run_scoped3A_33, %dma_start3A_141, %dma_start3A_142] : memref<2x128x128xf32, #tpu.memory_space<vmem>> -> memref<1x128x128xf32, #tpu.memory_space<vmem>>
      %dma_start3A_144 = tpu.memref_squeeze %dma_start3A_143 : memref<1x128x128xf32, #tpu.memory_space<vmem>> -> memref<128x128xf32, #tpu.memory_space<vmem>>
      tpu.enqueue_dma source(%dma_start3A_144 : memref<128x128xf32, #tpu.memory_space<vmem>>) target(%dma_start3A_140 : memref<128x128xf32, #tpu.memory_space<vmem_shared>>) target_semaphore(%run_scoped3A_132 : memref<!tpu.dma_semaphore, #tpu.memory_space<semaphore_mem>>)
      %dma_wait3A_145 = arith.constant 0 : i32
      %dma_wait3A_146 = arith.constant 0 : i32
      %dma_wait3A_147 = tpu.memref_slice %arg7[%run_scoped3A_33, %dma_wait3A_145, %dma_wait3A_146] : memref<2x128x128xf32, #tpu.memory_space<vmem>> -> memref<1x128x128xf32, #tpu.memory_space<vmem>>
      %dma_wait3A_148 = tpu.memref_squeeze %dma_wait3A_147 : memref<1x128x128xf32, #tpu.memory_space<vmem>> -> memref<128x128xf32, #tpu.memory_space<vmem>>
      %dma_wait3A_149 = arith.constant 0 : i32
      %dma_wait3A_150 = tpu.memref_slice %arg8[%add3A_32, %dma_wait3A_149] : memref<10240x128xf32, #tpu.memory_space<vmem_shared>> -> memref<128x128xf32, #tpu.memory_space<vmem_shared>>
      %dma_wait3A_151 = arith.constant 0 : i32
      %dma_wait3A_152 = tpu.memref_slice %arg8[%add3A_32, %dma_wait3A_151] : memref<10240x128xf32, #tpu.memory_space<vmem_shared>> -> memref<128x128xf32, #tpu.memory_space<vmem_shared>>
      %dma_wait3A_153 = arith.constant 0 : i32
      %dma_wait3A_154 = arith.constant 0 : i32
      %dma_wait3A_155 = tpu.memref_slice %arg7[%run_scoped3A_33, %dma_wait3A_153, %dma_wait3A_154] : memref<2x128x128xf32, #tpu.memory_space<vmem>> -> memref<1x128x128xf32, #tpu.memory_space<vmem>>
      %dma_wait3A_156 = tpu.memref_squeeze %dma_wait3A_155 : memref<1x128x128xf32, #tpu.memory_space<vmem>> -> memref<128x128xf32, #tpu.memory_space<vmem>>
      tpu.wait_dma2 semaphore(%run_scoped3A_132 : memref<!tpu.dma_semaphore, #tpu.memory_space<semaphore_mem>>) src(%dma_wait3A_156 : memref<128x128xf32, #tpu.memory_space<vmem>>) dst(%dma_wait3A_152 : memref<128x128xf32, #tpu.memory_space<vmem_shared>>)
      tpu.yield
    }) : () -> ()
    %mul3A_34 = arith.constant 640 : i32
    %mul3A_35 = arith.muli %arg1, %mul3A_34 : i32
    %add3A_36 = arith.constant 512 : i32
    %add3A_37 = arith.addi %mul3A_35, %add3A_36 : i32
    %run_scoped3A_38 = arith.constant 0 : i32
    "tpu.region"() ({
      %run_scoped3A_132 = tpu.sem_alloc : memref<!tpu.dma_semaphore, #tpu.memory_space<semaphore_mem>>
      %dma_start3A_133 = arith.constant 0 : i32
      %dma_start3A_134 = arith.constant 0 : i32
      %dma_start3A_135 = tpu.memref_slice %arg7[%run_scoped3A_38, %dma_start3A_133, %dma_start3A_134] : memref<2x128x128xf32, #tpu.memory_space<vmem>> -> memref<1x128x128xf32, #tpu.memory_space<vmem>>
      %dma_start3A_136 = tpu.memref_squeeze %dma_start3A_135 : memref<1x128x128xf32, #tpu.memory_space<vmem>> -> memref<128x128xf32, #tpu.memory_space<vmem>>
      %dma_start3A_137 = arith.constant 0 : i32
      %dma_start3A_138 = tpu.memref_slice %arg8[%add3A_37, %dma_start3A_137] : memref<10240x128xf32, #tpu.memory_space<vmem_shared>> -> memref<128x128xf32, #tpu.memory_space<vmem_shared>>
      %dma_start3A_139 = arith.constant 0 : i32
      %dma_start3A_140 = tpu.memref_slice %arg8[%add3A_37, %dma_start3A_139] : memref<10240x128xf32, #tpu.memory_space<vmem_shared>> -> memref<128x128xf32, #tpu.memory_space<vmem_shared>>
      %dma_start3A_141 = arith.constant 0 : i32
      %dma_start3A_142 = arith.constant 0 : i32
      %dma_start3A_143 = tpu.memref_slice %arg7[%run_scoped3A_38, %dma_start3A_141, %dma_start3A_142] : memref<2x128x128xf32, #tpu.memory_space<vmem>> -> memref<1x128x128xf32, #tpu.memory_space<vmem>>
      %dma_start3A_144 = tpu.memref_squeeze %dma_start3A_143 : memref<1x128x128xf32, #tpu.memory_space<vmem>> -> memref<128x128xf32, #tpu.memory_space<vmem>>
      tpu.enqueue_dma source(%dma_start3A_144 : memref<128x128xf32, #tpu.memory_space<vmem>>) target(%dma_start3A_140 : memref<128x128xf32, #tpu.memory_space<vmem_shared>>) target_semaphore(%run_scoped3A_132 : memref<!tpu.dma_semaphore, #tpu.memory_space<semaphore_mem>>)
      %dma_wait3A_145 = arith.constant 0 : i32
      %dma_wait3A_146 = arith.constant 0 : i32
      %dma_wait3A_147 = tpu.memref_slice %arg7[%run_scoped3A_38, %dma_wait3A_145, %dma_wait3A_146] : memref<2x128x128xf32, #tpu.memory_space<vmem>> -> memref<1x128x128xf32, #tpu.memory_space<vmem>>
      %dma_wait3A_148 = tpu.memref_squeeze %dma_wait3A_147 : memref<1x128x128xf32, #tpu.memory_space<vmem>> -> memref<128x128xf32, #tpu.memory_space<vmem>>
      %dma_wait3A_149 = arith.constant 0 : i32
      %dma_wait3A_150 = tpu.memref_slice %arg8[%add3A_37, %dma_wait3A_149] : memref<10240x128xf32, #tpu.memory_space<vmem_shared>> -> memref<128x128xf32, #tpu.memory_space<vmem_shared>>
      %dma_wait3A_151 = arith.constant 0 : i32
      %dma_wait3A_152 = tpu.memref_slice %arg8[%add3A_37, %dma_wait3A_151] : memref<10240x128xf32, #tpu.memory_space<vmem_shared>> -> memref<128x128xf32, #tpu.memory_space<vmem_shared>>
      %dma_wait3A_153 = arith.constant 0 : i32
      %dma_wait3A_154 = arith.constant 0 : i32
      %dma_wait3A_155 = tpu.memref_slice %arg7[%run_scoped3A_38, %dma_wait3A_153, %dma_wait3A_154] : memref<2x128x128xf32, #tpu.memory_space<vmem>> -> memref<1x128x128xf32, #tpu.memory_space<vmem>>
      %dma_wait3A_156 = tpu.memref_squeeze %dma_wait3A_155 : memref<1x128x128xf32, #tpu.memory_space<vmem>> -> memref<128x128xf32, #tpu.memory_space<vmem>>
      tpu.wait_dma2 semaphore(%run_scoped3A_132 : memref<!tpu.dma_semaphore, #tpu.memory_space<semaphore_mem>>) src(%dma_wait3A_156 : memref<128x128xf32, #tpu.memory_space<vmem>>) dst(%dma_wait3A_152 : memref<128x128xf32, #tpu.memory_space<vmem_shared>>)
      tpu.yield
    }) : () -> ()
    %dma_wait3A = arith.constant 1 : i32
    %dma_wait3A_39 = arith.constant 0 : i32
    %dma_wait3A_40 = tpu.memref_slice %arg3[%dma_wait3A, %mul3A_2, %dma_wait3A_39] : memref<2x2560x125xi32, #tpu.memory_space<hbm>> -> memref<1x80x125xi32, #tpu.memory_space<hbm>>
    %dma_wait3A_41 = tpu.memref_squeeze %dma_wait3A_40 : memref<1x80x125xi32, #tpu.memory_space<hbm>> -> memref<80x125xi32, #tpu.memory_space<hbm>>
    %dma_wait3A_42 = arith.constant 0 : i32
    %dma_wait3A_43 = tpu.memref_slice %arg3[%dma_wait3A, %mul3A_2, %dma_wait3A_42] : memref<2x2560x125xi32, #tpu.memory_space<hbm>> -> memref<1x80x125xi32, #tpu.memory_space<hbm>>
    %dma_wait3A_44 = tpu.memref_squeeze %dma_wait3A_43 : memref<1x80x125xi32, #tpu.memory_space<hbm>> -> memref<80x125xi32, #tpu.memory_space<hbm>>
    tpu.wait_dma2 semaphore(%arg13 : memref<!tpu.dma_semaphore, #tpu.memory_space<semaphore_mem>>) src(%dma_wait3A_44 : memref<80x125xi32, #tpu.memory_space<hbm>>) dst(%arg5 : memref<80x125xi32, #tpu.memory_space<vmem>>)
    %dma_start3A_45 = arith.constant 0 : i32
    %dma_start3A_46 = arith.constant 0 : i32
    %dma_start3A_47 = arith.constant 0 : i32
    %dma_start3A_48 = arith.constant 0 : i32
    %dma_start3A_49 = tpu.memref_slice %arg6[%dma_start3A_46, %dma_start3A_47, %dma_start3A_48] : memref<2x8x125xi32, #tpu.memory_space<vmem>> -> memref<1x8x125xi32, #tpu.memory_space<vmem>>
    %dma_start3A_50 = tpu.memref_squeeze %dma_start3A_49 : memref<1x8x125xi32, #tpu.memory_space<vmem>> -> memref<8x125xi32, #tpu.memory_space<vmem>>
    %dma_start3A_51 = arith.constant 0 : i32
    %dma_start3A_52 = tpu.memref_slice %arg3[%dma_start3A_45, %mul3A_2, %dma_start3A_51] : memref<2x2560x125xi32, #tpu.memory_space<hbm>> -> memref<1x8x125xi32, #tpu.memory_space<hbm>>
    %dma_start3A_53 = tpu.memref_squeeze %dma_start3A_52 : memref<1x8x125xi32, #tpu.memory_space<hbm>> -> memref<8x125xi32, #tpu.memory_space<hbm>>
    %dma_start3A_54 = arith.constant 0 : i32
    %dma_start3A_55 = arith.constant 0 : i32
    %dma_start3A_56 = tpu.memref_slice %arg6[%dma_start3A_46, %dma_start3A_54, %dma_start3A_55] : memref<2x8x125xi32, #tpu.memory_space<vmem>> -> memref<1x8x125xi32, #tpu.memory_space<vmem>>
    %dma_start3A_57 = tpu.memref_squeeze %dma_start3A_56 : memref<1x8x125xi32, #tpu.memory_space<vmem>> -> memref<8x125xi32, #tpu.memory_space<vmem>>
    %dma_start3A_58 = arith.constant 0 : i32
    %dma_start3A_59 = tpu.memref_slice %arg3[%dma_start3A_45, %mul3A_2, %dma_start3A_58] : memref<2x2560x125xi32, #tpu.memory_space<hbm>> -> memref<1x8x125xi32, #tpu.memory_space<hbm>>
    %dma_start3A_60 = tpu.memref_squeeze %dma_start3A_59 : memref<1x8x125xi32, #tpu.memory_space<hbm>> -> memref<8x125xi32, #tpu.memory_space<hbm>>
    tpu.enqueue_dma source(%dma_start3A_60 : memref<8x125xi32, #tpu.memory_space<hbm>>) target(%dma_start3A_57 : memref<8x125xi32, #tpu.memory_space<vmem>>) target_semaphore(%arg13 : memref<!tpu.dma_semaphore, #tpu.memory_space<semaphore_mem>>)
    %dma_wait3A_61 = arith.constant 0 : i32
    %dma_wait3A_62 = arith.constant 0 : i32
    %dma_wait3A_63 = arith.constant 0 : i32
    %dma_wait3A_64 = arith.constant 0 : i32
    %dma_wait3A_65 = tpu.memref_slice %arg6[%dma_wait3A_62, %dma_wait3A_63, %dma_wait3A_64] : memref<2x8x125xi32, #tpu.memory_space<vmem>> -> memref<1x8x125xi32, #tpu.memory_space<vmem>>
    %dma_wait3A_66 = tpu.memref_squeeze %dma_wait3A_65 : memref<1x8x125xi32, #tpu.memory_space<vmem>> -> memref<8x125xi32, #tpu.memory_space<vmem>>
    %dma_wait3A_67 = arith.constant 0 : i32
    %dma_wait3A_68 = tpu.memref_slice %arg3[%dma_wait3A_61, %mul3A_2, %dma_wait3A_67] : memref<2x2560x125xi32, #tpu.memory_space<hbm>> -> memref<1x8x125xi32, #tpu.memory_space<hbm>>
    %dma_wait3A_69 = tpu.memref_squeeze %dma_wait3A_68 : memref<1x8x125xi32, #tpu.memory_space<hbm>> -> memref<8x125xi32, #tpu.memory_space<hbm>>
    %dma_wait3A_70 = arith.constant 0 : i32
    %dma_wait3A_71 = arith.constant 0 : i32
    %dma_wait3A_72 = tpu.memref_slice %arg6[%dma_wait3A_62, %dma_wait3A_70, %dma_wait3A_71] : memref<2x8x125xi32, #tpu.memory_space<vmem>> -> memref<1x8x125xi32, #tpu.memory_space<vmem>>
    %dma_wait3A_73 = tpu.memref_squeeze %dma_wait3A_72 : memref<1x8x125xi32, #tpu.memory_space<vmem>> -> memref<8x125xi32, #tpu.memory_space<vmem>>
    %dma_wait3A_74 = arith.constant 0 : i32
    %dma_wait3A_75 = tpu.memref_slice %arg3[%dma_wait3A_61, %mul3A_2, %dma_wait3A_74] : memref<2x2560x125xi32, #tpu.memory_space<hbm>> -> memref<1x8x125xi32, #tpu.memory_space<hbm>>
    %dma_wait3A_76 = tpu.memref_squeeze %dma_wait3A_75 : memref<1x8x125xi32, #tpu.memory_space<hbm>> -> memref<8x125xi32, #tpu.memory_space<hbm>>
    tpu.wait_dma2 semaphore(%arg13 : memref<!tpu.dma_semaphore, #tpu.memory_space<semaphore_mem>>) src(%dma_wait3A_76 : memref<8x125xi32, #tpu.memory_space<hbm>>) dst(%dma_wait3A_73 : memref<8x125xi32, #tpu.memory_space<vmem>>)
    %add3A_77 = arith.constant 8 : i32
    %add3A_78 = arith.addi %mul3A_2, %add3A_77 : i32
    %dma_start3A_79 = arith.constant 0 : i32
    %dma_start3A_80 = arith.constant 1 : i32
    %dma_start3A_81 = arith.constant 0 : i32
    %dma_start3A_82 = arith.constant 0 : i32
    %dma_start3A_83 = tpu.memref_slice %arg6[%dma_start3A_80, %dma_start3A_81, %dma_start3A_82] : memref<2x8x125xi32, #tpu.memory_space<vmem>> -> memref<1x8x125xi32, #tpu.memory_space<vmem>>
    %dma_start3A_84 = tpu.memref_squeeze %dma_start3A_83 : memref<1x8x125xi32, #tpu.memory_space<vmem>> -> memref<8x125xi32, #tpu.memory_space<vmem>>
    %dma_start3A_85 = arith.constant 0 : i32
    %dma_start3A_86 = tpu.memref_slice %arg3[%dma_start3A_79, %add3A_78, %dma_start3A_85] : memref<2x2560x125xi32, #tpu.memory_space<hbm>> -> memref<1x8x125xi32, #tpu.memory_space<hbm>>
    %dma_start3A_87 = tpu.memref_squeeze %dma_start3A_86 : memref<1x8x125xi32, #tpu.memory_space<hbm>> -> memref<8x125xi32, #tpu.memory_space<hbm>>
    %dma_start3A_88 = arith.constant 0 : i32
    %dma_start3A_89 = arith.constant 0 : i32
    %dma_start3A_90 = tpu.memref_slice %arg6[%dma_start3A_80, %dma_start3A_88, %dma_start3A_89] : memref<2x8x125xi32, #tpu.memory_space<vmem>> -> memref<1x8x125xi32, #tpu.memory_space<vmem>>
    %dma_start3A_91 = tpu.memref_squeeze %dma_start3A_90 : memref<1x8x125xi32, #tpu.memory_space<vmem>> -> memref<8x125xi32, #tpu.memory_space<vmem>>
    %dma_start3A_92 = arith.constant 0 : i32
    %dma_start3A_93 = tpu.memref_slice %arg3[%dma_start3A_79, %add3A_78, %dma_start3A_92] : memref<2x2560x125xi32, #tpu.memory_space<hbm>> -> memref<1x8x125xi32, #tpu.memory_space<hbm>>
    %dma_start3A_94 = tpu.memref_squeeze %dma_start3A_93 : memref<1x8x125xi32, #tpu.memory_space<hbm>> -> memref<8x125xi32, #tpu.memory_space<hbm>>
    tpu.enqueue_dma source(%dma_start3A_94 : memref<8x125xi32, #tpu.memory_space<hbm>>) target(%dma_start3A_91 : memref<8x125xi32, #tpu.memory_space<vmem>>) target_semaphore(%arg13 : memref<!tpu.dma_semaphore, #tpu.memory_space<semaphore_mem>>)
    %barrier3A = arith.constant 0 : index
    tpu.barrier barrier_id(%barrier3A)
    %dma_start3A_95 = arith.constant 0 : i32
    %dma_start3A_96 = arith.constant 0 : i32
    %dma_start3A_97 = arith.constant 0 : i32
    %dma_start3A_98 = arith.constant 0 : i32
    %dma_start3A_99 = tpu.memref_slice %arg7[%dma_start3A_96, %dma_start3A_97, %dma_start3A_98] : memref<2x128x128xf32, #tpu.memory_space<vmem>> -> memref<1x125x128xf32, #tpu.memory_space<vmem>>
    %dma_start3A_100 = tpu.memref_squeeze %dma_start3A_99 : memref<1x125x128xf32, #tpu.memory_space<vmem>> -> memref<125x128xf32, #tpu.memory_space<vmem>>
    %dma_start3A_101 = arith.constant 0 : i32
    %dma_start3A_102 = tpu.memref_slice %arg5[%dma_start3A_95, %dma_start3A_101] : memref<80x125xi32, #tpu.memory_space<vmem>> -> memref<1x125xi32, #tpu.memory_space<vmem>>
    %dma_start3A_103 = tpu.memref_squeeze %dma_start3A_102 : memref<1x125xi32, #tpu.memory_space<vmem>> -> memref<125xi32, #tpu.memory_space<vmem>>
    %dma_start3A_104 = arith.constant 0 : i32
    %dma_start3A_105 = arith.constant 0 : i32
    %dma_start3A_106 = tpu.memref_slice %arg2[%dma_start3A_104, %dma_start3A_105] : memref<10240x128xf32, #tpu.memory_space<hbm>> -> memref<10240x128xf32, #tpu.memory_space<hbm>>
    tpu.enqueue_indirect_dma source(%dma_start3A_106 : memref<10240x128xf32, #tpu.memory_space<hbm>>) target(%dma_start3A_100 : memref<125x128xf32, #tpu.memory_space<vmem>>) offsets(%dma_start3A_103 : memref<125xi32, #tpu.memory_space<vmem>>) semaphore(%arg9 : memref<!tpu.dma_semaphore, #tpu.memory_space<semaphore_mem>>)
    %scan3A_107 = arith.constant 0 : i32
    %scan3A_108 = arith.constant 0 : i32
    %scan3A_109 = arith.constant 40 : i32
    %scan3A_110 = arith.addi %scan3A_108, %scan3A_109 : i32
    %scan3A_111 = arith.constant 1 : i32
    %scan3A_112 = scf.for %scan3A_132 = %scan3A_108 to %scan3A_110 step %scan3A_111 iter_args(%scan3A_133 = %scan3A_107) -> (i32)  : i32 {
      %mul3A_134 = arith.constant 2 : i32
      %mul3A_135 = arith.muli %mul3A_134, %scan3A_132 : i32
      %jit3A = arith.constant 8 : i32
      %div3A = arith.divsi %mul3A_135, %jit3A : i32
      %sign3A = arith.constant 0 : i32
      %sign3A_136 = arith.cmpi sgt, %mul3A_135, %sign3A : i32
      %sign3A_137 = arith.extui %sign3A_136 : i1 to i32
      %sign3A_138 = arith.constant 0 : i32
      %sign3A_139 = arith.cmpi slt, %mul3A_135, %sign3A_138 : i32
      %sign3A_140 = arith.extui %sign3A_139 : i1 to i32
      %sign3A_141 = arith.subi %sign3A_137, %sign3A_140 : i32
      %sign3A_142 = arith.constant 0 : i32
      %sign3A_143 = arith.cmpi sgt, %jit3A, %sign3A_142 : i32
      %sign3A_144 = arith.extui %sign3A_143 : i1 to i32
      %sign3A_145 = arith.constant 0 : i32
      %sign3A_146 = arith.cmpi slt, %jit3A, %sign3A_145 : i32
      %sign3A_147 = arith.extui %sign3A_146 : i1 to i32
      %sign3A_148 = arith.subi %sign3A_144, %sign3A_147 : i32
      %ne3A = arith.cmpi ne, %sign3A_141, %sign3A_148 : i32
      %rem3A = arith.remsi %mul3A_135, %jit3A : i32
      %ne3A_149 = arith.constant 0 : i32
      %ne3A_150 = arith.cmpi ne, %rem3A, %ne3A_149 : i32
      %and3A = arith.andi %ne3A, %ne3A_150 : i1
      %sub3A = arith.constant 1 : i32
      %sub3A_151 = arith.subi %div3A, %sub3A : i32
      %select_n3A = arith.select %and3A, %sub3A_151, %div3A : i32
      %rem3A_152 = arith.constant 2 : i32
      %rem3A_153 = arith.remsi %select_n3A, %rem3A_152 : i32
      %rem3A_154 = arith.constant 8 : i32
      %rem3A_155 = arith.remsi %mul3A_135, %rem3A_154 : i32
      %dma_wait3A_156 = arith.constant 0 : i32
      %dma_wait3A_157 = arith.constant 0 : i32
      %dma_wait3A_158 = arith.constant 0 : i32
      %dma_wait3A_159 = tpu.memref_slice %arg7[%dma_wait3A_156, %dma_wait3A_157, %dma_wait3A_158] : memref<2x128x128xf32, #tpu.memory_space<vmem>> -> memref<1x125x128xf32, #tpu.memory_space<vmem>>
      %dma_wait3A_160 = tpu.memref_squeeze %dma_wait3A_159 : memref<1x125x128xf32, #tpu.memory_space<vmem>> -> memref<125x128xf32, #tpu.memory_space<vmem>>
      %dma_wait3A_161 = arith.constant 0 : i32
      %dma_wait3A_162 = tpu.memref_slice %arg5[%mul3A_135, %dma_wait3A_161] : memref<80x125xi32, #tpu.memory_space<vmem>> -> memref<1x125xi32, #tpu.memory_space<vmem>>
      %dma_wait3A_163 = tpu.memref_squeeze %dma_wait3A_162 : memref<1x125xi32, #tpu.memory_space<vmem>> -> memref<125xi32, #tpu.memory_space<vmem>>
      %dma_wait3A_164 = arith.constant 0 : i32
      %dma_wait3A_165 = arith.constant 0 : i32
      %dma_wait3A_166 = tpu.memref_slice %arg2[%dma_wait3A_164, %dma_wait3A_165] : memref<10240x128xf32, #tpu.memory_space<hbm>> -> memref<10240x128xf32, #tpu.memory_space<hbm>>
      tpu.wait_indirect_dma semaphore(%arg9 : memref<!tpu.dma_semaphore, #tpu.memory_space<semaphore_mem>>) src(%dma_wait3A_166 : memref<10240x128xf32, #tpu.memory_space<hbm>>) dst(%dma_wait3A_160 : memref<125x128xf32, #tpu.memory_space<vmem>>)
      %gt3A = arith.constant 0 : i32
      %gt3A_167 = arith.cmpi sgt, %scan3A_132, %gt3A : i32
      %convert_element_type3A = arith.extui %gt3A_167 : i1 to i32
      %cond3A = arith.constant 0 : i32
      %cond3A_168 = arith.cmpi ne, %convert_element_type3A, %cond3A : i32
      scf.if %cond3A_168 {
        %dma_wait3A_246 = arith.constant 1 : i32
        %dma_wait3A_247 = arith.constant 0 : i32
        %dma_wait3A_248 = arith.constant 0 : i32
        %dma_wait3A_249 = arith.constant 0 : i32
        %dma_wait3A_250 = arith.constant 0 : i32
        %dma_wait3A_251 = tpu.memref_slice %arg7[%dma_wait3A_246, %dma_wait3A_249, %dma_wait3A_250] : memref<2x128x128xf32, #tpu.memory_space<vmem>> -> memref<1x125x128xf32, #tpu.memory_space<vmem>>
        %dma_wait3A_252 = tpu.memref_squeeze %dma_wait3A_251 : memref<1x125x128xf32, #tpu.memory_space<vmem>> -> memref<125x128xf32, #tpu.memory_space<vmem>>
        %dma_wait3A_253 = arith.constant 0 : i32
        %dma_wait3A_254 = tpu.memref_slice %arg6[%dma_wait3A_247, %dma_wait3A_248, %dma_wait3A_253] : memref<2x8x125xi32, #tpu.memory_space<vmem>> -> memref<1x1x125xi32, #tpu.memory_space<vmem>>
        %dma_wait3A_255 = tpu.memref_squeeze %dma_wait3A_254 : memref<1x1x125xi32, #tpu.memory_space<vmem>> -> memref<125xi32, #tpu.memory_space<vmem>>
        %dma_wait3A_256 = arith.constant 0 : i32
        %dma_wait3A_257 = arith.constant 0 : i32
        %dma_wait3A_258 = tpu.memref_slice %arg8[%dma_wait3A_256, %dma_wait3A_257] : memref<10240x128xf32, #tpu.memory_space<vmem_shared>> -> memref<10240x128xf32, #tpu.memory_space<vmem_shared>>
        tpu.wait_indirect_dma semaphore(%arg12 : memref<!tpu.dma_semaphore, #tpu.memory_space<semaphore_mem>>) src(%dma_wait3A_252 : memref<125x128xf32, #tpu.memory_space<vmem>>) dst(%dma_wait3A_258 : memref<10240x128xf32, #tpu.memory_space<vmem_shared>>)
      } else {
      }
      %eq3A = arith.constant 0 : i32
      %eq3A_169 = arith.cmpi eq, %rem3A_155, %eq3A : i32
      %gt3A_170 = arith.constant 0 : i32
      %gt3A_171 = arith.cmpi sgt, %select_n3A, %gt3A_170 : i32
      %and3A_172 = arith.andi %eq3A_169, %gt3A_171 : i1
      %convert_element_type3A_173 = arith.extui %and3A_172 : i1 to i32
      %cond3A_174 = arith.constant 0 : i32
      %cond3A_175 = arith.cmpi ne, %convert_element_type3A_173, %cond3A_174 : i32
      scf.if %cond3A_175 {
        %mul3A_246 = arith.constant 8 : i32
        %mul3A_247 = arith.muli %select_n3A, %mul3A_246 : i32
        %add3A_248 = arith.addi %mul3A_2, %mul3A_247 : i32
        %dma_wait3A_249 = arith.constant 0 : i32
        %dma_wait3A_250 = arith.constant 0 : i32
        %dma_wait3A_251 = arith.constant 0 : i32
        %dma_wait3A_252 = tpu.memref_slice %arg6[%rem3A_153, %dma_wait3A_250, %dma_wait3A_251] : memref<2x8x125xi32, #tpu.memory_space<vmem>> -> memref<1x8x125xi32, #tpu.memory_space<vmem>>
        %dma_wait3A_253 = tpu.memref_squeeze %dma_wait3A_252 : memref<1x8x125xi32, #tpu.memory_space<vmem>> -> memref<8x125xi32, #tpu.memory_space<vmem>>
        %dma_wait3A_254 = arith.constant 0 : i32
        %dma_wait3A_255 = tpu.memref_slice %arg3[%dma_wait3A_249, %add3A_248, %dma_wait3A_254] : memref<2x2560x125xi32, #tpu.memory_space<hbm>> -> memref<1x8x125xi32, #tpu.memory_space<hbm>>
        %dma_wait3A_256 = tpu.memref_squeeze %dma_wait3A_255 : memref<1x8x125xi32, #tpu.memory_space<hbm>> -> memref<8x125xi32, #tpu.memory_space<hbm>>
        %dma_wait3A_257 = arith.constant 0 : i32
        %dma_wait3A_258 = arith.constant 0 : i32
        %dma_wait3A_259 = tpu.memref_slice %arg6[%rem3A_153, %dma_wait3A_257, %dma_wait3A_258] : memref<2x8x125xi32, #tpu.memory_space<vmem>> -> memref<1x8x125xi32, #tpu.memory_space<vmem>>
        %dma_wait3A_260 = tpu.memref_squeeze %dma_wait3A_259 : memref<1x8x125xi32, #tpu.memory_space<vmem>> -> memref<8x125xi32, #tpu.memory_space<vmem>>
        %dma_wait3A_261 = arith.constant 0 : i32
        %dma_wait3A_262 = tpu.memref_slice %arg3[%dma_wait3A_249, %add3A_248, %dma_wait3A_261] : memref<2x2560x125xi32, #tpu.memory_space<hbm>> -> memref<1x8x125xi32, #tpu.memory_space<hbm>>
        %dma_wait3A_263 = tpu.memref_squeeze %dma_wait3A_262 : memref<1x8x125xi32, #tpu.memory_space<hbm>> -> memref<8x125xi32, #tpu.memory_space<hbm>>
        tpu.wait_dma2 semaphore(%arg13 : memref<!tpu.dma_semaphore, #tpu.memory_space<semaphore_mem>>) src(%dma_wait3A_263 : memref<8x125xi32, #tpu.memory_space<hbm>>) dst(%dma_wait3A_260 : memref<8x125xi32, #tpu.memory_space<vmem>>)
        %add3A_264 = arith.constant 1 : i32
        %add3A_265 = arith.addi %select_n3A, %add3A_264 : i32
        %lt3A_266 = arith.constant 10 : i32
        %lt3A_267 = arith.cmpi slt, %add3A_265, %lt3A_266 : i32
        %convert_element_type3A_268 = arith.extui %lt3A_267 : i1 to i32
        %cond3A_269 = arith.constant 0 : i32
        %cond3A_270 = arith.cmpi ne, %convert_element_type3A_268, %cond3A_269 : i32
        scf.if %cond3A_270 {
          %add3A_271 = arith.constant 1 : i32
          %add3A_272 = arith.addi %select_n3A, %add3A_271 : i32
          %mul3A_273 = arith.constant 8 : i32
          %mul3A_274 = arith.muli %add3A_272, %mul3A_273 : i32
          %add3A_275 = arith.addi %mul3A_2, %mul3A_274 : i32
          %sub3A_276 = arith.constant 1 : i32
          %sub3A_277 = arith.subi %sub3A_276, %rem3A_153 : i32
          %dma_start3A_278 = arith.constant 0 : i32
          %dma_start3A_279 = arith.constant 0 : i32
          %dma_start3A_280 = arith.constant 0 : i32
          %dma_start3A_281 = tpu.memref_slice %arg6[%sub3A_277, %dma_start3A_279, %dma_start3A_280] : memref<2x8x125xi32, #tpu.memory_space<vmem>> -> memref<1x8x125xi32, #tpu.memory_space<vmem>>
          %dma_start3A_282 = tpu.memref_squeeze %dma_start3A_281 : memref<1x8x125xi32, #tpu.memory_space<vmem>> -> memref<8x125xi32, #tpu.memory_space<vmem>>
          %dma_start3A_283 = arith.constant 0 : i32
          %dma_start3A_284 = tpu.memref_slice %arg3[%dma_start3A_278, %add3A_275, %dma_start3A_283] : memref<2x2560x125xi32, #tpu.memory_space<hbm>> -> memref<1x8x125xi32, #tpu.memory_space<hbm>>
          %dma_start3A_285 = tpu.memref_squeeze %dma_start3A_284 : memref<1x8x125xi32, #tpu.memory_space<hbm>> -> memref<8x125xi32, #tpu.memory_space<hbm>>
          %dma_start3A_286 = arith.constant 0 : i32
          %dma_start3A_287 = arith.constant 0 : i32
          %dma_start3A_288 = tpu.memref_slice %arg6[%sub3A_277, %dma_start3A_286, %dma_start3A_287] : memref<2x8x125xi32, #tpu.memory_space<vmem>> -> memref<1x8x125xi32, #tpu.memory_space<vmem>>
          %dma_start3A_289 = tpu.memref_squeeze %dma_start3A_288 : memref<1x8x125xi32, #tpu.memory_space<vmem>> -> memref<8x125xi32, #tpu.memory_space<vmem>>
          %dma_start3A_290 = arith.constant 0 : i32
          %dma_start3A_291 = tpu.memref_slice %arg3[%dma_start3A_278, %add3A_275, %dma_start3A_290] : memref<2x2560x125xi32, #tpu.memory_space<hbm>> -> memref<1x8x125xi32, #tpu.memory_space<hbm>>
          %dma_start3A_292 = tpu.memref_squeeze %dma_start3A_291 : memref<1x8x125xi32, #tpu.memory_space<hbm>> -> memref<8x125xi32, #tpu.memory_space<hbm>>
          tpu.enqueue_dma source(%dma_start3A_292 : memref<8x125xi32, #tpu.memory_space<hbm>>) target(%dma_start3A_289 : memref<8x125xi32, #tpu.memory_space<vmem>>) target_semaphore(%arg13 : memref<!tpu.dma_semaphore, #tpu.memory_space<semaphore_mem>>)
        } else {
        }
      } else {
      }
      %add3A_176 = arith.constant 1 : i32
      %add3A_177 = arith.addi %mul3A_135, %add3A_176 : i32
      %dma_start3A_178 = arith.constant 1 : i32
      %dma_start3A_179 = arith.constant 0 : i32
      %dma_start3A_180 = arith.constant 0 : i32
      %dma_start3A_181 = tpu.memref_slice %arg7[%dma_start3A_178, %dma_start3A_179, %dma_start3A_180] : memref<2x128x128xf32, #tpu.memory_space<vmem>> -> memref<1x125x128xf32, #tpu.memory_space<vmem>>
      %dma_start3A_182 = tpu.memref_squeeze %dma_start3A_181 : memref<1x125x128xf32, #tpu.memory_space<vmem>> -> memref<125x128xf32, #tpu.memory_space<vmem>>
      %dma_start3A_183 = arith.constant 0 : i32
      %dma_start3A_184 = tpu.memref_slice %arg5[%add3A_177, %dma_start3A_183] : memref<80x125xi32, #tpu.memory_space<vmem>> -> memref<1x125xi32, #tpu.memory_space<vmem>>
      %dma_start3A_185 = tpu.memref_squeeze %dma_start3A_184 : memref<1x125xi32, #tpu.memory_space<vmem>> -> memref<125xi32, #tpu.memory_space<vmem>>
      %dma_start3A_186 = arith.constant 0 : i32
      %dma_start3A_187 = arith.constant 0 : i32
      %dma_start3A_188 = tpu.memref_slice %arg2[%dma_start3A_186, %dma_start3A_187] : memref<10240x128xf32, #tpu.memory_space<hbm>> -> memref<10240x128xf32, #tpu.memory_space<hbm>>
      tpu.enqueue_indirect_dma source(%dma_start3A_188 : memref<10240x128xf32, #tpu.memory_space<hbm>>) target(%dma_start3A_182 : memref<125x128xf32, #tpu.memory_space<vmem>>) offsets(%dma_start3A_185 : memref<125xi32, #tpu.memory_space<vmem>>) semaphore(%arg10 : memref<!tpu.dma_semaphore, #tpu.memory_space<semaphore_mem>>)
      %dma_start3A_189 = arith.constant 0 : i32
      %dma_start3A_190 = arith.constant 0 : i32
      %dma_start3A_191 = arith.constant 0 : i32
      %dma_start3A_192 = tpu.memref_slice %arg7[%dma_start3A_189, %dma_start3A_190, %dma_start3A_191] : memref<2x128x128xf32, #tpu.memory_space<vmem>> -> memref<1x125x128xf32, #tpu.memory_space<vmem>>
      %dma_start3A_193 = tpu.memref_squeeze %dma_start3A_192 : memref<1x125x128xf32, #tpu.memory_space<vmem>> -> memref<125x128xf32, #tpu.memory_space<vmem>>
      %dma_start3A_194 = arith.constant 0 : i32
      %dma_start3A_195 = tpu.memref_slice %arg6[%rem3A_153, %rem3A_155, %dma_start3A_194] : memref<2x8x125xi32, #tpu.memory_space<vmem>> -> memref<1x1x125xi32, #tpu.memory_space<vmem>>
      %dma_start3A_196 = tpu.memref_squeeze %dma_start3A_195 : memref<1x1x125xi32, #tpu.memory_space<vmem>> -> memref<125xi32, #tpu.memory_space<vmem>>
      %dma_start3A_197 = arith.constant 0 : i32
      %dma_start3A_198 = arith.constant 0 : i32
      %dma_start3A_199 = tpu.memref_slice %arg8[%dma_start3A_197, %dma_start3A_198] : memref<10240x128xf32, #tpu.memory_space<vmem_shared>> -> memref<10240x128xf32, #tpu.memory_space<vmem_shared>>
      tpu.enqueue_indirect_dma source(%dma_start3A_193 : memref<125x128xf32, #tpu.memory_space<vmem>>) target(%dma_start3A_199 : memref<10240x128xf32, #tpu.memory_space<vmem_shared>>) offsets(%dma_start3A_196 : memref<125xi32, #tpu.memory_space<vmem>>) semaphore(%arg11 : memref<!tpu.dma_semaphore, #tpu.memory_space<semaphore_mem>>) {add = true}
      %add3A_200 = arith.constant 1 : i32
      %add3A_201 = arith.addi %mul3A_135, %add3A_200 : i32
      %dma_wait3A_202 = arith.constant 1 : i32
      %dma_wait3A_203 = arith.constant 0 : i32
      %dma_wait3A_204 = arith.constant 0 : i32
      %dma_wait3A_205 = tpu.memref_slice %arg7[%dma_wait3A_202, %dma_wait3A_203, %dma_wait3A_204] : memref<2x128x128xf32, #tpu.memory_space<vmem>> -> memref<1x125x128xf32, #tpu.memory_space<vmem>>
      %dma_wait3A_206 = tpu.memref_squeeze %dma_wait3A_205 : memref<1x125x128xf32, #tpu.memory_space<vmem>> -> memref<125x128xf32, #tpu.memory_space<vmem>>
      %dma_wait3A_207 = arith.constant 0 : i32
      %dma_wait3A_208 = tpu.memref_slice %arg5[%add3A_201, %dma_wait3A_207] : memref<80x125xi32, #tpu.memory_space<vmem>> -> memref<1x125xi32, #tpu.memory_space<vmem>>
      %dma_wait3A_209 = tpu.memref_squeeze %dma_wait3A_208 : memref<1x125xi32, #tpu.memory_space<vmem>> -> memref<125xi32, #tpu.memory_space<vmem>>
      %dma_wait3A_210 = arith.constant 0 : i32
      %dma_wait3A_211 = arith.constant 0 : i32
      %dma_wait3A_212 = tpu.memref_slice %arg2[%dma_wait3A_210, %dma_wait3A_211] : memref<10240x128xf32, #tpu.memory_space<hbm>> -> memref<10240x128xf32, #tpu.memory_space<hbm>>
      tpu.wait_indirect_dma semaphore(%arg10 : memref<!tpu.dma_semaphore, #tpu.memory_space<semaphore_mem>>) src(%dma_wait3A_212 : memref<10240x128xf32, #tpu.memory_space<hbm>>) dst(%dma_wait3A_206 : memref<125x128xf32, #tpu.memory_space<vmem>>)
      %dma_wait3A_213 = arith.constant 0 : i32
      %dma_wait3A_214 = arith.constant 0 : i32
      %dma_wait3A_215 = arith.constant 0 : i32
      %dma_wait3A_216 = arith.constant 0 : i32
      %dma_wait3A_217 = arith.constant 0 : i32
      %dma_wait3A_218 = tpu.memref_slice %arg7[%dma_wait3A_213, %dma_wait3A_216, %dma_wait3A_217] : memref<2x128x128xf32, #tpu.memory_space<vmem>> -> memref<1x125x128xf32, #tpu.memory_space<vmem>>
      %dma_wait3A_219 = tpu.memref_squeeze %dma_wait3A_218 : memref<1x125x128xf32, #tpu.memory_space<vmem>> -> memref<125x128xf32, #tpu.memory_space<vmem>>
      %dma_wait3A_220 = arith.constant 0 : i32
      %dma_wait3A_221 = tpu.memref_slice %arg6[%dma_wait3A_214, %dma_wait3A_215, %dma_wait3A_220] : memref<2x8x125xi32, #tpu.memory_space<vmem>> -> memref<1x1x125xi32, #tpu.memory_space<vmem>>
      %dma_wait3A_222 = tpu.memref_squeeze %dma_wait3A_221 : memref<1x1x125xi32, #tpu.memory_space<vmem>> -> memref<125xi32, #tpu.memory_space<vmem>>
      %dma_wait3A_223 = arith.constant 0 : i32
      %dma_wait3A_224 = arith.constant 0 : i32
      %dma_wait3A_225 = tpu.memref_slice %arg8[%dma_wait3A_223, %dma_wait3A_224] : memref<10240x128xf32, #tpu.memory_space<vmem_shared>> -> memref<10240x128xf32, #tpu.memory_space<vmem_shared>>
      tpu.wait_indirect_dma semaphore(%arg11 : memref<!tpu.dma_semaphore, #tpu.memory_space<semaphore_mem>>) src(%dma_wait3A_219 : memref<125x128xf32, #tpu.memory_space<vmem>>) dst(%dma_wait3A_225 : memref<10240x128xf32, #tpu.memory_space<vmem_shared>>)
      %add3A_226 = arith.constant 2 : i32
      %add3A_227 = arith.addi %mul3A_135, %add3A_226 : i32
      %lt3A = arith.constant 80 : i32
      %lt3A_228 = arith.cmpi slt, %add3A_227, %lt3A : i32
      %convert_element_type3A_229 = arith.extui %lt3A_228 : i1 to i32
      %cond3A_230 = arith.constant 0 : i32
      %cond3A_231 = arith.cmpi ne, %convert_element_type3A_229, %cond3A_230 : i32
      scf.if %cond3A_231 {
        %add3A_246 = arith.constant 2 : i32
        %add3A_247 = arith.addi %mul3A_135, %add3A_246 : i32
        %dma_start3A_248 = arith.constant 0 : i32
        %dma_start3A_249 = arith.constant 0 : i32
        %dma_start3A_250 = arith.constant 0 : i32
        %dma_start3A_251 = tpu.memref_slice %arg7[%dma_start3A_248, %dma_start3A_249, %dma_start3A_250] : memref<2x128x128xf32, #tpu.memory_space<vmem>> -> memref<1x125x128xf32, #tpu.memory_space<vmem>>
        %dma_start3A_252 = tpu.memref_squeeze %dma_start3A_251 : memref<1x125x128xf32, #tpu.memory_space<vmem>> -> memref<125x128xf32, #tpu.memory_space<vmem>>
        %dma_start3A_253 = arith.constant 0 : i32
        %dma_start3A_254 = tpu.memref_slice %arg5[%add3A_247, %dma_start3A_253] : memref<80x125xi32, #tpu.memory_space<vmem>> -> memref<1x125xi32, #tpu.memory_space<vmem>>
        %dma_start3A_255 = tpu.memref_squeeze %dma_start3A_254 : memref<1x125xi32, #tpu.memory_space<vmem>> -> memref<125xi32, #tpu.memory_space<vmem>>
        %dma_start3A_256 = arith.constant 0 : i32
        %dma_start3A_257 = arith.constant 0 : i32
        %dma_start3A_258 = tpu.memref_slice %arg2[%dma_start3A_256, %dma_start3A_257] : memref<10240x128xf32, #tpu.memory_space<hbm>> -> memref<10240x128xf32, #tpu.memory_space<hbm>>
        tpu.enqueue_indirect_dma source(%dma_start3A_258 : memref<10240x128xf32, #tpu.memory_space<hbm>>) target(%dma_start3A_252 : memref<125x128xf32, #tpu.memory_space<vmem>>) offsets(%dma_start3A_255 : memref<125xi32, #tpu.memory_space<vmem>>) semaphore(%arg9 : memref<!tpu.dma_semaphore, #tpu.memory_space<semaphore_mem>>)
      } else {
      }
      %add3A_232 = arith.constant 1 : i32
      %add3A_233 = arith.addi %rem3A_155, %add3A_232 : i32
      %dma_start3A_234 = arith.constant 1 : i32
      %dma_start3A_235 = arith.constant 0 : i32
      %dma_start3A_236 = arith.constant 0 : i32
      %dma_start3A_237 = tpu.memref_slice %arg7[%dma_start3A_234, %dma_start3A_235, %dma_start3A_236] : memref<2x128x128xf32, #tpu.memory_space<vmem>> -> memref<1x125x128xf32, #tpu.memory_space<vmem>>
      %dma_start3A_238 = tpu.memref_squeeze %dma_start3A_237 : memref<1x125x128xf32, #tpu.memory_space<vmem>> -> memref<125x128xf32, #tpu.memory_space<vmem>>
      %dma_start3A_239 = arith.constant 0 : i32
      %dma_start3A_240 = tpu.memref_slice %arg6[%rem3A_153, %add3A_233, %dma_start3A_239] : memref<2x8x125xi32, #tpu.memory_space<vmem>> -> memref<1x1x125xi32, #tpu.memory_space<vmem>>
      %dma_start3A_241 = tpu.memref_squeeze %dma_start3A_240 : memref<1x1x125xi32, #tpu.memory_space<vmem>> -> memref<125xi32, #tpu.memory_space<vmem>>
      %dma_start3A_242 = arith.constant 0 : i32
      %dma_start3A_243 = arith.constant 0 : i32
      %dma_start3A_244 = tpu.memref_slice %arg8[%dma_start3A_242, %dma_start3A_243] : memref<10240x128xf32, #tpu.memory_space<vmem_shared>> -> memref<10240x128xf32, #tpu.memory_space<vmem_shared>>
      tpu.enqueue_indirect_dma source(%dma_start3A_238 : memref<125x128xf32, #tpu.memory_space<vmem>>) target(%dma_start3A_244 : memref<10240x128xf32, #tpu.memory_space<vmem_shared>>) offsets(%dma_start3A_241 : memref<125xi32, #tpu.memory_space<vmem>>) semaphore(%arg12 : memref<!tpu.dma_semaphore, #tpu.memory_space<semaphore_mem>>) {add = true}
      %scan3A_245 = arith.constant 0 : i32
      scf.yield %scan3A_245 : i32
    }
    %scan3A_113 = arith.constant 40 : i32
    %dma_wait3A_114 = arith.constant 1 : i32
    %dma_wait3A_115 = arith.constant 0 : i32
    %dma_wait3A_116 = arith.constant 0 : i32
    %dma_wait3A_117 = arith.constant 0 : i32
    %dma_wait3A_118 = arith.constant 0 : i32
    %dma_wait3A_119 = tpu.memref_slice %arg7[%dma_wait3A_114, %dma_wait3A_117, %dma_wait3A_118] : memref<2x128x128xf32, #tpu.memory_space<vmem>> -> memref<1x125x128xf32, #tpu.memory_space<vmem>>
    %dma_wait3A_120 = tpu.memref_squeeze %dma_wait3A_119 : memref<1x125x128xf32, #tpu.memory_space<vmem>> -> memref<125x128xf32, #tpu.memory_space<vmem>>
    %dma_wait3A_121 = arith.constant 0 : i32
    %dma_wait3A_122 = tpu.memref_slice %arg6[%dma_wait3A_115, %dma_wait3A_116, %dma_wait3A_121] : memref<2x8x125xi32, #tpu.memory_space<vmem>> -> memref<1x1x125xi32, #tpu.memory_space<vmem>>
    %dma_wait3A_123 = tpu.memref_squeeze %dma_wait3A_122 : memref<1x1x125xi32, #tpu.memory_space<vmem>> -> memref<125xi32, #tpu.memory_space<vmem>>
    %dma_wait3A_124 = arith.constant 0 : i32
    %dma_wait3A_125 = arith.constant 0 : i32
    %dma_wait3A_126 = tpu.memref_slice %arg8[%dma_wait3A_124, %dma_wait3A_125] : memref<10240x128xf32, #tpu.memory_space<vmem_shared>> -> memref<10240x128xf32, #tpu.memory_space<vmem_shared>>
    tpu.wait_indirect_dma semaphore(%arg12 : memref<!tpu.dma_semaphore, #tpu.memory_space<semaphore_mem>>) src(%dma_wait3A_120 : memref<125x128xf32, #tpu.memory_space<vmem>>) dst(%dma_wait3A_126 : memref<10240x128xf32, #tpu.memory_space<vmem_shared>>)
    %barrier3A_127 = arith.constant 0 : index
    tpu.barrier barrier_id(%barrier3A_127)
    %mul3A_128 = arith.constant 640 : i32
    %mul3A_129 = arith.muli %arg1, %mul3A_128 : i32
    %mul3A_130 = arith.constant 640 : i32
    %mul3A_131 = arith.muli %arg1, %mul3A_130 : i32
    "tpu.region"() ({
      %run_scoped3A_132 = tpu.sem_alloc : memref<!tpu.dma_semaphore, #tpu.memory_space<semaphore_mem>>
      %dma_start3A_133 = arith.constant 0 : i32
      %dma_start3A_134 = tpu.memref_slice %arg4[%arg0, %mul3A_131, %dma_start3A_133] : memref<2x10240x128xf32, #tpu.memory_space<hbm>> -> memref<1x640x128xf32, #tpu.memory_space<hbm>>
      %dma_start3A_135 = tpu.memref_squeeze %dma_start3A_134 : memref<1x640x128xf32, #tpu.memory_space<hbm>> -> memref<640x128xf32, #tpu.memory_space<hbm>>
      %dma_start3A_136 = arith.constant 0 : i32
      %dma_start3A_137 = tpu.memref_slice %arg8[%mul3A_129, %dma_start3A_136] : memref<10240x128xf32, #tpu.memory_space<vmem_shared>> -> memref<640x128xf32, #tpu.memory_space<vmem_shared>>
      tpu.enqueue_dma source(%dma_start3A_137 : memref<640x128xf32, #tpu.memory_space<vmem_shared>>) target(%dma_start3A_135 : memref<640x128xf32, #tpu.memory_space<hbm>>) target_semaphore(%run_scoped3A_132 : memref<!tpu.dma_semaphore, #tpu.memory_space<semaphore_mem>>)
      %dma_wait3A_138 = arith.constant 0 : i32
      %dma_wait3A_139 = tpu.memref_slice %arg4[%arg0, %mul3A_131, %dma_wait3A_138] : memref<2x10240x128xf32, #tpu.memory_space<hbm>> -> memref<1x640x128xf32, #tpu.memory_space<hbm>>
      %dma_wait3A_140 = tpu.memref_squeeze %dma_wait3A_139 : memref<1x640x128xf32, #tpu.memory_space<hbm>> -> memref<640x128xf32, #tpu.memory_space<hbm>>
      %dma_wait3A_141 = arith.constant 0 : i32
      %dma_wait3A_142 = tpu.memref_slice %arg8[%mul3A_129, %dma_wait3A_141] : memref<10240x128xf32, #tpu.memory_space<vmem_shared>> -> memref<640x128xf32, #tpu.memory_space<vmem_shared>>
      tpu.wait_dma2 semaphore(%run_scoped3A_132 : memref<!tpu.dma_semaphore, #tpu.memory_space<semaphore_mem>>) src(%dma_wait3A_142 : memref<640x128xf32, #tpu.memory_space<vmem_shared>>) dst(%dma_wait3A_140 : memref<640x128xf32, #tpu.memory_space<hbm>>)
      tpu.yield
    }) : () -> ()
    return
  }
}

#map = affine_map<(d0, d1) -> (0, 0)>
#map1 = affine_map<(d0, d1) -> (0, 0, 0)>
module attributes {stable_mosaic.version = 14 : i64} {
  func.func @_mp_body(%arg0: i32, %arg1: i32, %arg2: memref<10240x128xf32, #tpu.memory_space<hbm>>, %arg3: memref<2x2560x125xi32, #tpu.memory_space<hbm>>, %arg4: memref<2x10240x128xf32, #tpu.memory_space<hbm>>, %arg5: memref<80x125xi32, #tpu.memory_space<vmem>>, %arg6: memref<2x8x125xi32, #tpu.memory_space<vmem>>, %arg7: memref<2x128x128xf32, #tpu.memory_space<vmem>>, %arg8: memref<10240x128xf32, #tpu.memory_space<vmem_shared>>, %arg9: memref<!tpu.dma_semaphore, #tpu.memory_space<semaphore_mem>>, %arg10: memref<!tpu.dma_semaphore, #tpu.memory_space<semaphore_mem>>, %arg11: memref<!tpu.dma_semaphore, #tpu.memory_space<semaphore_mem>>, %arg12: memref<!tpu.dma_semaphore, #tpu.memory_space<semaphore_mem>>, %arg13: memref<!tpu.dma_semaphore, #tpu.memory_space<semaphore_mem>>) attributes {dimension_semantics = [#tpu.dimension_semantics<core_parallel>, #tpu.dimension_semantics<subcore_parallel>], iteration_bounds = array<i64: 2, 16>, scalar_prefetch = 0 : i64, scratch_operands = 9 : i64, tpu.core_type = #tpu.core_type<sc_vector_subcore>, window_params = [{transform_indices = #map}, {transform_indices = #map1}, {transform_indices = #map1}]} {
    %mul3A = arith.constant 2 : i32
    %mul3A_0 = arith.muli %arg1, %mul3A : i32
    %add3A = arith.addi %mul3A_0, %arg0 : i32
    %mul3A_1 = arith.constant 80 : i32
    %mul3A_2 = arith.muli %add3A, %mul3A_1 : i32
    %dma_start3A = arith.constant 1 : i32
    %dma_start3A_3 = arith.constant 0 : i32
    %dma_start3A_4 = tpu.memref_slice %arg3[%dma_start3A, %mul3A_2, %dma_start3A_3] : memref<2x2560x125xi32, #tpu.memory_space<hbm>> -> memref<1x80x125xi32, #tpu.memory_space<hbm>>
    %dma_start3A_5 = tpu.memref_squeeze %dma_start3A_4 : memref<1x80x125xi32, #tpu.memory_space<hbm>> -> memref<80x125xi32, #tpu.memory_space<hbm>>
    %dma_start3A_6 = arith.constant 0 : i32
    %dma_start3A_7 = tpu.memref_slice %arg3[%dma_start3A, %mul3A_2, %dma_start3A_6] : memref<2x2560x125xi32, #tpu.memory_space<hbm>> -> memref<1x80x125xi32, #tpu.memory_space<hbm>>
    %dma_start3A_8 = tpu.memref_squeeze %dma_start3A_7 : memref<1x80x125xi32, #tpu.memory_space<hbm>> -> memref<80x125xi32, #tpu.memory_space<hbm>>
    tpu.enqueue_dma source(%dma_start3A_8 : memref<80x125xi32, #tpu.memory_space<hbm>>) target(%arg5 : memref<80x125xi32, #tpu.memory_space<vmem>>) target_semaphore(%arg13 : memref<!tpu.dma_semaphore, #tpu.memory_space<semaphore_mem>>)
    %scan3A = arith.constant 0 : i32
    %scan3A_9 = arith.constant 0 : i32
    %scan3A_10 = arith.constant 2048 : i32
    %scan3A_11 = arith.addi %scan3A_9, %scan3A_10 : i32
    %scan3A_12 = arith.constant 8 : i32
    %scan3A_13 = scf.for %scan3A_132 = %scan3A_9 to %scan3A_11 step %scan3A_12 iter_args(%scan3A_133 = %scan3A) -> (i32)  : i32 {
      %jit3A = arith.constant 1024 : i32
      %div3A = arith.divsi %scan3A_132, %jit3A : i32
      %sign3A = arith.constant 0 : i32
      %sign3A_134 = arith.cmpi sgt, %scan3A_132, %sign3A : i32
      %sign3A_135 = arith.extui %sign3A_134 : i1 to i32
      %sign3A_136 = arith.constant 0 : i32
      %sign3A_137 = arith.cmpi slt, %scan3A_132, %sign3A_136 : i32
      %sign3A_138 = arith.extui %sign3A_137 : i1 to i32
      %sign3A_139 = arith.subi %sign3A_135, %sign3A_138 : i32
      %sign3A_140 = arith.constant 0 : i32
      %sign3A_141 = arith.cmpi sgt, %jit3A, %sign3A_140 : i32
      %sign3A_142 = arith.extui %sign3A_141 : i1 to i32
      %sign3A_143 = arith.constant 0 : i32
      %sign3A_144 = arith.cmpi slt, %jit3A, %sign3A_143 : i32
      %sign3A_145 = arith.extui %sign3A_144 : i1 to i32
      %sign3A_146 = arith.subi %sign3A_142, %sign3A_145 : i32
      %ne3A = arith.cmpi ne, %sign3A_139, %sign3A_146 : i32
      %rem3A = arith.remsi %scan3A_132, %jit3A : i32
      %ne3A_147 = arith.constant 0 : i32
      %ne3A_148 = arith.cmpi ne, %rem3A, %ne3A_147 : i32
      %and3A = arith.andi %ne3A, %ne3A_148 : i1
      %sub3A = arith.constant 1 : i32
      %sub3A_149 = arith.subi %div3A, %sub3A : i32
      %select_n3A = arith.select %and3A, %sub3A_149, %div3A : i32
      %rem3A_150 = arith.constant 1024 : i32
      %rem3A_151 = arith.remsi %scan3A_132, %rem3A_150 : i32
      %jit3A_152 = arith.constant 8 : i32
      %div3A_153 = arith.divsi %rem3A_151, %jit3A_152 : i32
      %sign3A_154 = arith.constant 0 : i32
      %sign3A_155 = arith.cmpi sgt, %rem3A_151, %sign3A_154 : i32
      %sign3A_156 = arith.extui %sign3A_155 : i1 to i32
      %sign3A_157 = arith.constant 0 : i32
      %sign3A_158 = arith.cmpi slt, %rem3A_151, %sign3A_157 : i32
      %sign3A_159 = arith.extui %sign3A_158 : i1 to i32
      %sign3A_160 = arith.subi %sign3A_156, %sign3A_159 : i32
      %sign3A_161 = arith.constant 0 : i32
      %sign3A_162 = arith.cmpi sgt, %jit3A_152, %sign3A_161 : i32
      %sign3A_163 = arith.extui %sign3A_162 : i1 to i32
      %sign3A_164 = arith.constant 0 : i32
      %sign3A_165 = arith.cmpi slt, %jit3A_152, %sign3A_164 : i32
      %sign3A_166 = arith.extui %sign3A_165 : i1 to i32
      %sign3A_167 = arith.subi %sign3A_163, %sign3A_166 : i32
      %ne3A_168 = arith.cmpi ne, %sign3A_160, %sign3A_167 : i32
      %rem3A_169 = arith.remsi %rem3A_151, %jit3A_152 : i32
      %ne3A_170 = arith.constant 0 : i32
      %ne3A_171 = arith.cmpi ne, %rem3A_169, %ne3A_170 : i32
      %and3A_172 = arith.andi %ne3A_168, %ne3A_171 : i1
      %sub3A_173 = arith.constant 1 : i32
      %sub3A_174 = arith.subi %div3A_153, %sub3A_173 : i32
      %select_n3A_175 = arith.select %and3A_172, %sub3A_174, %div3A_153 : i32
      %rem3A_176 = arith.constant 8 : i32
      %rem3A_177 = arith.remsi %scan3A_132, %rem3A_176 : i32
      %mul3A_178 = arith.constant 16 : i32
      %mul3A_179 = arith.muli %rem3A_177, %mul3A_178 : i32
      %broadcast_in_dim3A = arith.constant 0.000000e+00 : f32
      %broadcast_in_dim3A_180 = vector.broadcast %broadcast_in_dim3A : f32 to vector<16xf32>
      %swap3A = arith.index_cast %select_n3A : i32 to index
      %swap3A_181 = arith.index_cast %select_n3A_175 : i32 to index
      %swap3A_182 = arith.index_cast %mul3A_179 : i32 to index
      %swap3A_183 = tpu.vector_load %arg7[%swap3A, %swap3A_181, %swap3A_182] {strides = array<i32>} : memref<2x128x128xf32, #tpu.memory_space<vmem>>, vector<1x1x16xf32>,
      %swap3A_184 = vector.shape_cast %swap3A_183 : vector<1x1x16xf32> to vector<16xf32>
      %swap3A_185 = vector.shape_cast %broadcast_in_dim3A_180 : vector<16xf32> to vector<1x1x16xf32>
      tpu.vector_store %arg7[%swap3A, %swap3A_181, %swap3A_182], %swap3A_185 {strides = array<i32>} : memref<2x128x128xf32, #tpu.memory_space<vmem>>, vector<1x1x16xf32>,
      %scan3A_186 = arith.constant 0 : i32
      %scan3A_187 = arith.constant 1 : i32
      %scan3A_188 = arith.addi %scan3A_132, %scan3A_187 : i32
      %jit3A_189 = arith.constant 1024 : i32
      %div3A_190 = arith.divsi %scan3A_188, %jit3A_189 : i32
      %sign3A_191 = arith.constant 0 : i32
      %sign3A_192 = arith.cmpi sgt, %scan3A_188, %sign3A_191 : i32
      %sign3A_193 = arith.extui %sign3A_192 : i1 to i32
      %sign3A_194 = arith.constant 0 : i32
      %sign3A_195 = arith.cmpi slt, %scan3A_188, %sign3A_194 : i32
      %sign3A_196 = arith.extui %sign3A_195 : i1 to i32
      %sign3A_197 = arith.subi %sign3A_193, %sign3A_196 : i32
      %sign3A_198 = arith.constant 0 : i32
      %sign3A_199 = arith.cmpi sgt, %jit3A_189, %sign3A_198 : i32
      %sign3A_200 = arith.extui %sign3A_199 : i1 to i32
      %sign3A_201 = arith.constant 0 : i32
      %sign3A_202 = arith.cmpi slt, %jit3A_189, %sign3A_201 : i32
      %sign3A_203 = arith.extui %sign3A_202 : i1 to i32
      %sign3A_204 = arith.subi %sign3A_200, %sign3A_203 : i32
      %ne3A_205 = arith.cmpi ne, %sign3A_197, %sign3A_204 : i32
      %rem3A_206 = arith.remsi %scan3A_188, %jit3A_189 : i32
      %ne3A_207 = arith.constant 0 : i32
      %ne3A_208 = arith.cmpi ne, %rem3A_206, %ne3A_207 : i32
      %and3A_209 = arith.andi %ne3A_205, %ne3A_208 : i1
      %sub3A_210 = arith.constant 1 : i32
      %sub3A_211 = arith.subi %div3A_190, %sub3A_210 : i32
      %select_n3A_212 = arith.select %and3A_209, %sub3A_211, %div3A_190 : i32
      %rem3A_213 = arith.constant 1024 : i32
      %rem3A_214 = arith.remsi %scan3A_188, %rem3A_213 : i32
      %jit3A_215 = arith.constant 8 : i32
      %div3A_216 = arith.divsi %rem3A_214, %jit3A_215 : i32
      %sign3A_217 = arith.constant 0 : i32
      %sign3A_218 = arith.cmpi sgt, %rem3A_214, %sign3A_217 : i32
      %sign3A_219 = arith.extui %sign3A_218 : i1 to i32
      %sign3A_220 = arith.constant 0 : i32
      %sign3A_221 = arith.cmpi slt, %rem3A_214, %sign3A_220 : i32
      %sign3A_222 = arith.extui %sign3A_221 : i1 to i32
      %sign3A_223 = arith.subi %sign3A_219, %sign3A_222 : i32
      %sign3A_224 = arith.constant 0 : i32
      %sign3A_225 = arith.cmpi sgt, %jit3A_215, %sign3A_224 : i32
      %sign3A_226 = arith.extui %sign3A_225 : i1 to i32
      %sign3A_227 = arith.constant 0 : i32
      %sign3A_228 = arith.cmpi slt, %jit3A_215, %sign3A_227 : i32
      %sign3A_229 = arith.extui %sign3A_228 : i1 to i32
      %sign3A_230 = arith.subi %sign3A_226, %sign3A_229 : i32
      %ne3A_231 = arith.cmpi ne, %sign3A_223, %sign3A_230 : i32
      %rem3A_232 = arith.remsi %rem3A_214, %jit3A_215 : i32
      %ne3A_233 = arith.constant 0 : i32
      %ne3A_234 = arith.cmpi ne, %rem3A_232, %ne3A_233 : i32
      %and3A_235 = arith.andi %ne3A_231, %ne3A_234 : i1
      %sub3A_236 = arith.constant 1 : i32
      %sub3A_237 = arith.subi %div3A_216, %sub3A_236 : i32
      %select_n3A_238 = arith.select %and3A_235, %sub3A_237, %div3A_216 : i32
      %rem3A_239 = arith.constant 8 : i32
      %rem3A_240 = arith.remsi %scan3A_188, %rem3A_239 : i32
      %mul3A_241 = arith.constant 16 : i32
      %mul3A_242 = arith.muli %rem3A_240, %mul3A_241 : i32
      %broadcast_in_dim3A_243 = arith.constant 0.000000e+00 : f32
      %broadcast_in_dim3A_244 = vector.broadcast %broadcast_in_dim3A_243 : f32 to vector<16xf32>
      %swap3A_245 = arith.index_cast %select_n3A_212 : i32 to index
      %swap3A_246 = arith.index_cast %select_n3A_238 : i32 to index
      %swap3A_247 = arith.index_cast %mul3A_242 : i32 to index
      %swap3A_248 = tpu.vector_load %arg7[%swap3A_245, %swap3A_246, %swap3A_247] {strides = array<i32>} : memref<2x128x128xf32, #tpu.memory_space<vmem>>, vector<1x1x16xf32>,
      %swap3A_249 = vector.shape_cast %swap3A_248 : vector<1x1x16xf32> to vector<16xf32>
      %swap3A_250 = vector.shape_cast %broadcast_in_dim3A_244 : vector<16xf32> to vector<1x1x16xf32>
      tpu.vector_store %arg7[%swap3A_245, %swap3A_246, %swap3A_247], %swap3A_250 {strides = array<i32>} : memref<2x128x128xf32, #tpu.memory_space<vmem>>, vector<1x1x16xf32>,
      %scan3A_251 = arith.constant 0 : i32
      %scan3A_252 = arith.constant 2 : i32
      %scan3A_253 = arith.addi %scan3A_132, %scan3A_252 : i32
      %jit3A_254 = arith.constant 1024 : i32
      %div3A_255 = arith.divsi %scan3A_253, %jit3A_254 : i32
      %sign3A_256 = arith.constant 0 : i32
      %sign3A_257 = arith.cmpi sgt, %scan3A_253, %sign3A_256 : i32
      %sign3A_258 = arith.extui %sign3A_257 : i1 to i32
      %sign3A_259 = arith.constant 0 : i32
      %sign3A_260 = arith.cmpi slt, %scan3A_253, %sign3A_259 : i32
      %sign3A_261 = arith.extui %sign3A_260 : i1 to i32
      %sign3A_262 = arith.subi %sign3A_258, %sign3A_261 : i32
      %sign3A_263 = arith.constant 0 : i32
      %sign3A_264 = arith.cmpi sgt, %jit3A_254, %sign3A_263 : i32
      %sign3A_265 = arith.extui %sign3A_264 : i1 to i32
      %sign3A_266 = arith.constant 0 : i32
      %sign3A_267 = arith.cmpi slt, %jit3A_254, %sign3A_266 : i32
      %sign3A_268 = arith.extui %sign3A_267 : i1 to i32
      %sign3A_269 = arith.subi %sign3A_265, %sign3A_268 : i32
      %ne3A_270 = arith.cmpi ne, %sign3A_262, %sign3A_269 : i32
      %rem3A_271 = arith.remsi %scan3A_253, %jit3A_254 : i32
      %ne3A_272 = arith.constant 0 : i32
      %ne3A_273 = arith.cmpi ne, %rem3A_271, %ne3A_272 : i32
      %and3A_274 = arith.andi %ne3A_270, %ne3A_273 : i1
      %sub3A_275 = arith.constant 1 : i32
      %sub3A_276 = arith.subi %div3A_255, %sub3A_275 : i32
      %select_n3A_277 = arith.select %and3A_274, %sub3A_276, %div3A_255 : i32
      %rem3A_278 = arith.constant 1024 : i32
      %rem3A_279 = arith.remsi %scan3A_253, %rem3A_278 : i32
      %jit3A_280 = arith.constant 8 : i32
      %div3A_281 = arith.divsi %rem3A_279, %jit3A_280 : i32
      %sign3A_282 = arith.constant 0 : i32
      %sign3A_283 = arith.cmpi sgt, %rem3A_279, %sign3A_282 : i32
      %sign3A_284 = arith.extui %sign3A_283 : i1 to i32
      %sign3A_285 = arith.constant 0 : i32
      %sign3A_286 = arith.cmpi slt, %rem3A_279, %sign3A_285 : i32
      %sign3A_287 = arith.extui %sign3A_286 : i1 to i32
      %sign3A_288 = arith.subi %sign3A_284, %sign3A_287 : i32
      %sign3A_289 = arith.constant 0 : i32
      %sign3A_290 = arith.cmpi sgt, %jit3A_280, %sign3A_289 : i32
      %sign3A_291 = arith.extui %sign3A_290 : i1 to i32
      %sign3A_292 = arith.constant 0 : i32
      %sign3A_293 = arith.cmpi slt, %jit3A_280, %sign3A_292 : i32
      %sign3A_294 = arith.extui %sign3A_293 : i1 to i32
      %sign3A_295 = arith.subi %sign3A_291, %sign3A_294 : i32
      %ne3A_296 = arith.cmpi ne, %sign3A_288, %sign3A_295 : i32
      %rem3A_297 = arith.remsi %rem3A_279, %jit3A_280 : i32
      %ne3A_298 = arith.constant 0 : i32
      %ne3A_299 = arith.cmpi ne, %rem3A_297, %ne3A_298 : i32
      %and3A_300 = arith.andi %ne3A_296, %ne3A_299 : i1
      %sub3A_301 = arith.constant 1 : i32
      %sub3A_302 = arith.subi %div3A_281, %sub3A_301 : i32
      %select_n3A_303 = arith.select %and3A_300, %sub3A_302, %div3A_281 : i32
      %rem3A_304 = arith.constant 8 : i32
      %rem3A_305 = arith.remsi %scan3A_253, %rem3A_304 : i32
      %mul3A_306 = arith.constant 16 : i32
      %mul3A_307 = arith.muli %rem3A_305, %mul3A_306 : i32
      %broadcast_in_dim3A_308 = arith.constant 0.000000e+00 : f32
      %broadcast_in_dim3A_309 = vector.broadcast %broadcast_in_dim3A_308 : f32 to vector<16xf32>
      %swap3A_310 = arith.index_cast %select_n3A_277 : i32 to index
      %swap3A_311 = arith.index_cast %select_n3A_303 : i32 to index
      %swap3A_312 = arith.index_cast %mul3A_307 : i32 to index
      %swap3A_313 = tpu.vector_load %arg7[%swap3A_310, %swap3A_311, %swap3A_312] {strides = array<i32>} : memref<2x128x128xf32, #tpu.memory_space<vmem>>, vector<1x1x16xf32>,
      %swap3A_314 = vector.shape_cast %swap3A_313 : vector<1x1x16xf32> to vector<16xf32>
      %swap3A_315 = vector.shape_cast %broadcast_in_dim3A_309 : vector<16xf32> to vector<1x1x16xf32>
      tpu.vector_store %arg7[%swap3A_310, %swap3A_311, %swap3A_312], %swap3A_315 {strides = array<i32>} : memref<2x128x128xf32, #tpu.memory_space<vmem>>, vector<1x1x16xf32>,
      %scan3A_316 = arith.constant 0 : i32
      %scan3A_317 = arith.constant 3 : i32
      %scan3A_318 = arith.addi %scan3A_132, %scan3A_317 : i32
      %jit3A_319 = arith.constant 1024 : i32
      %div3A_320 = arith.divsi %scan3A_318, %jit3A_319 : i32
      %sign3A_321 = arith.constant 0 : i32
      %sign3A_322 = arith.cmpi sgt, %scan3A_318, %sign3A_321 : i32
      %sign3A_323 = arith.extui %sign3A_322 : i1 to i32
      %sign3A_324 = arith.constant 0 : i32
      %sign3A_325 = arith.cmpi slt, %scan3A_318, %sign3A_324 : i32
      %sign3A_326 = arith.extui %sign3A_325 : i1 to i32
      %sign3A_327 = arith.subi %sign3A_323, %sign3A_326 : i32
      %sign3A_328 = arith.constant 0 : i32
      %sign3A_329 = arith.cmpi sgt, %jit3A_319, %sign3A_328 : i32
      %sign3A_330 = arith.extui %sign3A_329 : i1 to i32
      %sign3A_331 = arith.constant 0 : i32
      %sign3A_332 = arith.cmpi slt, %jit3A_319, %sign3A_331 : i32
      %sign3A_333 = arith.extui %sign3A_332 : i1 to i32
      %sign3A_334 = arith.subi %sign3A_330, %sign3A_333 : i32
      %ne3A_335 = arith.cmpi ne, %sign3A_327, %sign3A_334 : i32
      %rem3A_336 = arith.remsi %scan3A_318, %jit3A_319 : i32
      %ne3A_337 = arith.constant 0 : i32
      %ne3A_338 = arith.cmpi ne, %rem3A_336, %ne3A_337 : i32
      %and3A_339 = arith.andi %ne3A_335, %ne3A_338 : i1
      %sub3A_340 = arith.constant 1 : i32
      %sub3A_341 = arith.subi %div3A_320, %sub3A_340 : i32
      %select_n3A_342 = arith.select %and3A_339, %sub3A_341, %div3A_320 : i32
      %rem3A_343 = arith.constant 1024 : i32
      %rem3A_344 = arith.remsi %scan3A_318, %rem3A_343 : i32
      %jit3A_345 = arith.constant 8 : i32
      %div3A_346 = arith.divsi %rem3A_344, %jit3A_345 : i32
      %sign3A_347 = arith.constant 0 : i32
      %sign3A_348 = arith.cmpi sgt, %rem3A_344, %sign3A_347 : i32
      %sign3A_349 = arith.extui %sign3A_348 : i1 to i32
      %sign3A_350 = arith.constant 0 : i32
      %sign3A_351 = arith.cmpi slt, %rem3A_344, %sign3A_350 : i32
      %sign3A_352 = arith.extui %sign3A_351 : i1 to i32
      %sign3A_353 = arith.subi %sign3A_349, %sign3A_352 : i32
      %sign3A_354 = arith.constant 0 : i32
      %sign3A_355 = arith.cmpi sgt, %jit3A_345, %sign3A_354 : i32
      %sign3A_356 = arith.extui %sign3A_355 : i1 to i32
      %sign3A_357 = arith.constant 0 : i32
      %sign3A_358 = arith.cmpi slt, %jit3A_345, %sign3A_357 : i32
      %sign3A_359 = arith.extui %sign3A_358 : i1 to i32
      %sign3A_360 = arith.subi %sign3A_356, %sign3A_359 : i32
      %ne3A_361 = arith.cmpi ne, %sign3A_353, %sign3A_360 : i32
      %rem3A_362 = arith.remsi %rem3A_344, %jit3A_345 : i32
      %ne3A_363 = arith.constant 0 : i32
      %ne3A_364 = arith.cmpi ne, %rem3A_362, %ne3A_363 : i32
      %and3A_365 = arith.andi %ne3A_361, %ne3A_364 : i1
      %sub3A_366 = arith.constant 1 : i32
      %sub3A_367 = arith.subi %div3A_346, %sub3A_366 : i32
      %select_n3A_368 = arith.select %and3A_365, %sub3A_367, %div3A_346 : i32
      %rem3A_369 = arith.constant 8 : i32
      %rem3A_370 = arith.remsi %scan3A_318, %rem3A_369 : i32
      %mul3A_371 = arith.constant 16 : i32
      %mul3A_372 = arith.muli %rem3A_370, %mul3A_371 : i32
      %broadcast_in_dim3A_373 = arith.constant 0.000000e+00 : f32
      %broadcast_in_dim3A_374 = vector.broadcast %broadcast_in_dim3A_373 : f32 to vector<16xf32>
      %swap3A_375 = arith.index_cast %select_n3A_342 : i32 to index
      %swap3A_376 = arith.index_cast %select_n3A_368 : i32 to index
      %swap3A_377 = arith.index_cast %mul3A_372 : i32 to index
      %swap3A_378 = tpu.vector_load %arg7[%swap3A_375, %swap3A_376, %swap3A_377] {strides = array<i32>} : memref<2x128x128xf32, #tpu.memory_space<vmem>>, vector<1x1x16xf32>,
      %swap3A_379 = vector.shape_cast %swap3A_378 : vector<1x1x16xf32> to vector<16xf32>
      %swap3A_380 = vector.shape_cast %broadcast_in_dim3A_374 : vector<16xf32> to vector<1x1x16xf32>
      tpu.vector_store %arg7[%swap3A_375, %swap3A_376, %swap3A_377], %swap3A_380 {strides = array<i32>} : memref<2x128x128xf32, #tpu.memory_space<vmem>>, vector<1x1x16xf32>,
      %scan3A_381 = arith.constant 0 : i32
      %scan3A_382 = arith.constant 4 : i32
      %scan3A_383 = arith.addi %scan3A_132, %scan3A_382 : i32
      %jit3A_384 = arith.constant 1024 : i32
      %div3A_385 = arith.divsi %scan3A_383, %jit3A_384 : i32
      %sign3A_386 = arith.constant 0 : i32
      %sign3A_387 = arith.cmpi sgt, %scan3A_383, %sign3A_386 : i32
      %sign3A_388 = arith.extui %sign3A_387 : i1 to i32
      %sign3A_389 = arith.constant 0 : i32
      %sign3A_390 = arith.cmpi slt, %scan3A_383, %sign3A_389 : i32
      %sign3A_391 = arith.extui %sign3A_390 : i1 to i32
      %sign3A_392 = arith.subi %sign3A_388, %sign3A_391 : i32
      %sign3A_393 = arith.constant 0 : i32
      %sign3A_394 = arith.cmpi sgt, %jit3A_384, %sign3A_393 : i32
      %sign3A_395 = arith.extui %sign3A_394 : i1 to i32
      %sign3A_396 = arith.constant 0 : i32
      %sign3A_397 = arith.cmpi slt, %jit3A_384, %sign3A_396 : i32
      %sign3A_398 = arith.extui %sign3A_397 : i1 to i32
      %sign3A_399 = arith.subi %sign3A_395, %sign3A_398 : i32
      %ne3A_400 = arith.cmpi ne, %sign3A_392, %sign3A_399 : i32
      %rem3A_401 = arith.remsi %scan3A_383, %jit3A_384 : i32
      %ne3A_402 = arith.constant 0 : i32
      %ne3A_403 = arith.cmpi ne, %rem3A_401, %ne3A_402 : i32
      %and3A_404 = arith.andi %ne3A_400, %ne3A_403 : i1
      %sub3A_405 = arith.constant 1 : i32
      %sub3A_406 = arith.subi %div3A_385, %sub3A_405 : i32
      %select_n3A_407 = arith.select %and3A_404, %sub3A_406, %div3A_385 : i32
      %rem3A_408 = arith.constant 1024 : i32
      %rem3A_409 = arith.remsi %scan3A_383, %rem3A_408 : i32
      %jit3A_410 = arith.constant 8 : i32
      %div3A_411 = arith.divsi %rem3A_409, %jit3A_410 : i32
      %sign3A_412 = arith.constant 0 : i32
      %sign3A_413 = arith.cmpi sgt, %rem3A_409, %sign3A_412 : i32
      %sign3A_414 = arith.extui %sign3A_413 : i1 to i32
      %sign3A_415 = arith.constant 0 : i32
      %sign3A_416 = arith.cmpi slt, %rem3A_409, %sign3A_415 : i32
      %sign3A_417 = arith.extui %sign3A_416 : i1 to i32
      %sign3A_418 = arith.subi %sign3A_414, %sign3A_417 : i32
      %sign3A_419 = arith.constant 0 : i32
      %sign3A_420 = arith.cmpi sgt, %jit3A_410, %sign3A_419 : i32
      %sign3A_421 = arith.extui %sign3A_420 : i1 to i32
      %sign3A_422 = arith.constant 0 : i32
      %sign3A_423 = arith.cmpi slt, %jit3A_410, %sign3A_422 : i32
      %sign3A_424 = arith.extui %sign3A_423 : i1 to i32
      %sign3A_425 = arith.subi %sign3A_421, %sign3A_424 : i32
      %ne3A_426 = arith.cmpi ne, %sign3A_418, %sign3A_425 : i32
      %rem3A_427 = arith.remsi %rem3A_409, %jit3A_410 : i32
      %ne3A_428 = arith.constant 0 : i32
      %ne3A_429 = arith.cmpi ne, %rem3A_427, %ne3A_428 : i32
      %and3A_430 = arith.andi %ne3A_426, %ne3A_429 : i1
      %sub3A_431 = arith.constant 1 : i32
      %sub3A_432 = arith.subi %div3A_411, %sub3A_431 : i32
      %select_n3A_433 = arith.select %and3A_430, %sub3A_432, %div3A_411 : i32
      %rem3A_434 = arith.constant 8 : i32
      %rem3A_435 = arith.remsi %scan3A_383, %rem3A_434 : i32
      %mul3A_436 = arith.constant 16 : i32
      %mul3A_437 = arith.muli %rem3A_435, %mul3A_436 : i32
      %broadcast_in_dim3A_438 = arith.constant 0.000000e+00 : f32
      %broadcast_in_dim3A_439 = vector.broadcast %broadcast_in_dim3A_438 : f32 to vector<16xf32>
      %swap3A_440 = arith.index_cast %select_n3A_407 : i32 to index
      %swap3A_441 = arith.index_cast %select_n3A_433 : i32 to index
      %swap3A_442 = arith.index_cast %mul3A_437 : i32 to index
      %swap3A_443 = tpu.vector_load %arg7[%swap3A_440, %swap3A_441, %swap3A_442] {strides = array<i32>} : memref<2x128x128xf32, #tpu.memory_space<vmem>>, vector<1x1x16xf32>,
      %swap3A_444 = vector.shape_cast %swap3A_443 : vector<1x1x16xf32> to vector<16xf32>
      %swap3A_445 = vector.shape_cast %broadcast_in_dim3A_439 : vector<16xf32> to vector<1x1x16xf32>
      tpu.vector_store %arg7[%swap3A_440, %swap3A_441, %swap3A_442], %swap3A_445 {strides = array<i32>} : memref<2x128x128xf32, #tpu.memory_space<vmem>>, vector<1x1x16xf32>,
      %scan3A_446 = arith.constant 0 : i32
      %scan3A_447 = arith.constant 5 : i32
      %scan3A_448 = arith.addi %scan3A_132, %scan3A_447 : i32
      %jit3A_449 = arith.constant 1024 : i32
      %div3A_450 = arith.divsi %scan3A_448, %jit3A_449 : i32
      %sign3A_451 = arith.constant 0 : i32
      %sign3A_452 = arith.cmpi sgt, %scan3A_448, %sign3A_451 : i32
      %sign3A_453 = arith.extui %sign3A_452 : i1 to i32
      %sign3A_454 = arith.constant 0 : i32
      %sign3A_455 = arith.cmpi slt, %scan3A_448, %sign3A_454 : i32
      %sign3A_456 = arith.extui %sign3A_455 : i1 to i32
      %sign3A_457 = arith.subi %sign3A_453, %sign3A_456 : i32
      %sign3A_458 = arith.constant 0 : i32
      %sign3A_459 = arith.cmpi sgt, %jit3A_449, %sign3A_458 : i32
      %sign3A_460 = arith.extui %sign3A_459 : i1 to i32
      %sign3A_461 = arith.constant 0 : i32
      %sign3A_462 = arith.cmpi slt, %jit3A_449, %sign3A_461 : i32
      %sign3A_463 = arith.extui %sign3A_462 : i1 to i32
      %sign3A_464 = arith.subi %sign3A_460, %sign3A_463 : i32
      %ne3A_465 = arith.cmpi ne, %sign3A_457, %sign3A_464 : i32
      %rem3A_466 = arith.remsi %scan3A_448, %jit3A_449 : i32
      %ne3A_467 = arith.constant 0 : i32
      %ne3A_468 = arith.cmpi ne, %rem3A_466, %ne3A_467 : i32
      %and3A_469 = arith.andi %ne3A_465, %ne3A_468 : i1
      %sub3A_470 = arith.constant 1 : i32
      %sub3A_471 = arith.subi %div3A_450, %sub3A_470 : i32
      %select_n3A_472 = arith.select %and3A_469, %sub3A_471, %div3A_450 : i32
      %rem3A_473 = arith.constant 1024 : i32
      %rem3A_474 = arith.remsi %scan3A_448, %rem3A_473 : i32
      %jit3A_475 = arith.constant 8 : i32
      %div3A_476 = arith.divsi %rem3A_474, %jit3A_475 : i32
      %sign3A_477 = arith.constant 0 : i32
      %sign3A_478 = arith.cmpi sgt, %rem3A_474, %sign3A_477 : i32
      %sign3A_479 = arith.extui %sign3A_478 : i1 to i32
      %sign3A_480 = arith.constant 0 : i32
      %sign3A_481 = arith.cmpi slt, %rem3A_474, %sign3A_480 : i32
      %sign3A_482 = arith.extui %sign3A_481 : i1 to i32
      %sign3A_483 = arith.subi %sign3A_479, %sign3A_482 : i32
      %sign3A_484 = arith.constant 0 : i32
      %sign3A_485 = arith.cmpi sgt, %jit3A_475, %sign3A_484 : i32
      %sign3A_486 = arith.extui %sign3A_485 : i1 to i32
      %sign3A_487 = arith.constant 0 : i32
      %sign3A_488 = arith.cmpi slt, %jit3A_475, %sign3A_487 : i32
      %sign3A_489 = arith.extui %sign3A_488 : i1 to i32
      %sign3A_490 = arith.subi %sign3A_486, %sign3A_489 : i32
      %ne3A_491 = arith.cmpi ne, %sign3A_483, %sign3A_490 : i32
      %rem3A_492 = arith.remsi %rem3A_474, %jit3A_475 : i32
      %ne3A_493 = arith.constant 0 : i32
      %ne3A_494 = arith.cmpi ne, %rem3A_492, %ne3A_493 : i32
      %and3A_495 = arith.andi %ne3A_491, %ne3A_494 : i1
      %sub3A_496 = arith.constant 1 : i32
      %sub3A_497 = arith.subi %div3A_476, %sub3A_496 : i32
      %select_n3A_498 = arith.select %and3A_495, %sub3A_497, %div3A_476 : i32
      %rem3A_499 = arith.constant 8 : i32
      %rem3A_500 = arith.remsi %scan3A_448, %rem3A_499 : i32
      %mul3A_501 = arith.constant 16 : i32
      %mul3A_502 = arith.muli %rem3A_500, %mul3A_501 : i32
      %broadcast_in_dim3A_503 = arith.constant 0.000000e+00 : f32
      %broadcast_in_dim3A_504 = vector.broadcast %broadcast_in_dim3A_503 : f32 to vector<16xf32>
      %swap3A_505 = arith.index_cast %select_n3A_472 : i32 to index
      %swap3A_506 = arith.index_cast %select_n3A_498 : i32 to index
      %swap3A_507 = arith.index_cast %mul3A_502 : i32 to index
      %swap3A_508 = tpu.vector_load %arg7[%swap3A_505, %swap3A_506, %swap3A_507] {strides = array<i32>} : memref<2x128x128xf32, #tpu.memory_space<vmem>>, vector<1x1x16xf32>,
      %swap3A_509 = vector.shape_cast %swap3A_508 : vector<1x1x16xf32> to vector<16xf32>
      %swap3A_510 = vector.shape_cast %broadcast_in_dim3A_504 : vector<16xf32> to vector<1x1x16xf32>
      tpu.vector_store %arg7[%swap3A_505, %swap3A_506, %swap3A_507], %swap3A_510 {strides = array<i32>} : memref<2x128x128xf32, #tpu.memory_space<vmem>>, vector<1x1x16xf32>,
      %scan3A_511 = arith.constant 0 : i32
      %scan3A_512 = arith.constant 6 : i32
      %scan3A_513 = arith.addi %scan3A_132, %scan3A_512 : i32
      %jit3A_514 = arith.constant 1024 : i32
      %div3A_515 = arith.divsi %scan3A_513, %jit3A_514 : i32
      %sign3A_516 = arith.constant 0 : i32
      %sign3A_517 = arith.cmpi sgt, %scan3A_513, %sign3A_516 : i32
      %sign3A_518 = arith.extui %sign3A_517 : i1 to i32
      %sign3A_519 = arith.constant 0 : i32
      %sign3A_520 = arith.cmpi slt, %scan3A_513, %sign3A_519 : i32
      %sign3A_521 = arith.extui %sign3A_520 : i1 to i32
      %sign3A_522 = arith.subi %sign3A_518, %sign3A_521 : i32
      %sign3A_523 = arith.constant 0 : i32
      %sign3A_524 = arith.cmpi sgt, %jit3A_514, %sign3A_523 : i32
      %sign3A_525 = arith.extui %sign3A_524 : i1 to i32
      %sign3A_526 = arith.constant 0 : i32
      %sign3A_527 = arith.cmpi slt, %jit3A_514, %sign3A_526 : i32
      %sign3A_528 = arith.extui %sign3A_527 : i1 to i32
      %sign3A_529 = arith.subi %sign3A_525, %sign3A_528 : i32
      %ne3A_530 = arith.cmpi ne, %sign3A_522, %sign3A_529 : i32
      %rem3A_531 = arith.remsi %scan3A_513, %jit3A_514 : i32
      %ne3A_532 = arith.constant 0 : i32
      %ne3A_533 = arith.cmpi ne, %rem3A_531, %ne3A_532 : i32
      %and3A_534 = arith.andi %ne3A_530, %ne3A_533 : i1
      %sub3A_535 = arith.constant 1 : i32
      %sub3A_536 = arith.subi %div3A_515, %sub3A_535 : i32
      %select_n3A_537 = arith.select %and3A_534, %sub3A_536, %div3A_515 : i32
      %rem3A_538 = arith.constant 1024 : i32
      %rem3A_539 = arith.remsi %scan3A_513, %rem3A_538 : i32
      %jit3A_540 = arith.constant 8 : i32
      %div3A_541 = arith.divsi %rem3A_539, %jit3A_540 : i32
      %sign3A_542 = arith.constant 0 : i32
      %sign3A_543 = arith.cmpi sgt, %rem3A_539, %sign3A_542 : i32
      %sign3A_544 = arith.extui %sign3A_543 : i1 to i32
      %sign3A_545 = arith.constant 0 : i32
      %sign3A_546 = arith.cmpi slt, %rem3A_539, %sign3A_545 : i32
      %sign3A_547 = arith.extui %sign3A_546 : i1 to i32
      %sign3A_548 = arith.subi %sign3A_544, %sign3A_547 : i32
      %sign3A_549 = arith.constant 0 : i32
      %sign3A_550 = arith.cmpi sgt, %jit3A_540, %sign3A_549 : i32
      %sign3A_551 = arith.extui %sign3A_550 : i1 to i32
      %sign3A_552 = arith.constant 0 : i32
      %sign3A_553 = arith.cmpi slt, %jit3A_540, %sign3A_552 : i32
      %sign3A_554 = arith.extui %sign3A_553 : i1 to i32
      %sign3A_555 = arith.subi %sign3A_551, %sign3A_554 : i32
      %ne3A_556 = arith.cmpi ne, %sign3A_548, %sign3A_555 : i32
      %rem3A_557 = arith.remsi %rem3A_539, %jit3A_540 : i32
      %ne3A_558 = arith.constant 0 : i32
      %ne3A_559 = arith.cmpi ne, %rem3A_557, %ne3A_558 : i32
      %and3A_560 = arith.andi %ne3A_556, %ne3A_559 : i1
      %sub3A_561 = arith.constant 1 : i32
      %sub3A_562 = arith.subi %div3A_541, %sub3A_561 : i32
      %select_n3A_563 = arith.select %and3A_560, %sub3A_562, %div3A_541 : i32
      %rem3A_564 = arith.constant 8 : i32
      %rem3A_565 = arith.remsi %scan3A_513, %rem3A_564 : i32
      %mul3A_566 = arith.constant 16 : i32
      %mul3A_567 = arith.muli %rem3A_565, %mul3A_566 : i32
      %broadcast_in_dim3A_568 = arith.constant 0.000000e+00 : f32
      %broadcast_in_dim3A_569 = vector.broadcast %broadcast_in_dim3A_568 : f32 to vector<16xf32>
      %swap3A_570 = arith.index_cast %select_n3A_537 : i32 to index
      %swap3A_571 = arith.index_cast %select_n3A_563 : i32 to index
      %swap3A_572 = arith.index_cast %mul3A_567 : i32 to index
      %swap3A_573 = tpu.vector_load %arg7[%swap3A_570, %swap3A_571, %swap3A_572] {strides = array<i32>} : memref<2x128x128xf32, #tpu.memory_space<vmem>>, vector<1x1x16xf32>,
      %swap3A_574 = vector.shape_cast %swap3A_573 : vector<1x1x16xf32> to vector<16xf32>
      %swap3A_575 = vector.shape_cast %broadcast_in_dim3A_569 : vector<16xf32> to vector<1x1x16xf32>
      tpu.vector_store %arg7[%swap3A_570, %swap3A_571, %swap3A_572], %swap3A_575 {strides = array<i32>} : memref<2x128x128xf32, #tpu.memory_space<vmem>>, vector<1x1x16xf32>,
      %scan3A_576 = arith.constant 0 : i32
      %scan3A_577 = arith.constant 7 : i32
      %scan3A_578 = arith.addi %scan3A_132, %scan3A_577 : i32
      %jit3A_579 = arith.constant 1024 : i32
      %div3A_580 = arith.divsi %scan3A_578, %jit3A_579 : i32
      %sign3A_581 = arith.constant 0 : i32
      %sign3A_582 = arith.cmpi sgt, %scan3A_578, %sign3A_581 : i32
      %sign3A_583 = arith.extui %sign3A_582 : i1 to i32
      %sign3A_584 = arith.constant 0 : i32
      %sign3A_585 = arith.cmpi slt, %scan3A_578, %sign3A_584 : i32
      %sign3A_586 = arith.extui %sign3A_585 : i1 to i32
      %sign3A_587 = arith.subi %sign3A_583, %sign3A_586 : i32
      %sign3A_588 = arith.constant 0 : i32
      %sign3A_589 = arith.cmpi sgt, %jit3A_579, %sign3A_588 : i32
      %sign3A_590 = arith.extui %sign3A_589 : i1 to i32
      %sign3A_591 = arith.constant 0 : i32
      %sign3A_592 = arith.cmpi slt, %jit3A_579, %sign3A_591 : i32
      %sign3A_593 = arith.extui %sign3A_592 : i1 to i32
      %sign3A_594 = arith.subi %sign3A_590, %sign3A_593 : i32
      %ne3A_595 = arith.cmpi ne, %sign3A_587, %sign3A_594 : i32
      %rem3A_596 = arith.remsi %scan3A_578, %jit3A_579 : i32
      %ne3A_597 = arith.constant 0 : i32
      %ne3A_598 = arith.cmpi ne, %rem3A_596, %ne3A_597 : i32
      %and3A_599 = arith.andi %ne3A_595, %ne3A_598 : i1
      %sub3A_600 = arith.constant 1 : i32
      %sub3A_601 = arith.subi %div3A_580, %sub3A_600 : i32
      %select_n3A_602 = arith.select %and3A_599, %sub3A_601, %div3A_580 : i32
      %rem3A_603 = arith.constant 1024 : i32
      %rem3A_604 = arith.remsi %scan3A_578, %rem3A_603 : i32
      %jit3A_605 = arith.constant 8 : i32
      %div3A_606 = arith.divsi %rem3A_604, %jit3A_605 : i32
      %sign3A_607 = arith.constant 0 : i32
      %sign3A_608 = arith.cmpi sgt, %rem3A_604, %sign3A_607 : i32
      %sign3A_609 = arith.extui %sign3A_608 : i1 to i32
      %sign3A_610 = arith.constant 0 : i32
      %sign3A_611 = arith.cmpi slt, %rem3A_604, %sign3A_610 : i32
      %sign3A_612 = arith.extui %sign3A_611 : i1 to i32
      %sign3A_613 = arith.subi %sign3A_609, %sign3A_612 : i32
      %sign3A_614 = arith.constant 0 : i32
      %sign3A_615 = arith.cmpi sgt, %jit3A_605, %sign3A_614 : i32
      %sign3A_616 = arith.extui %sign3A_615 : i1 to i32
      %sign3A_617 = arith.constant 0 : i32
      %sign3A_618 = arith.cmpi slt, %jit3A_605, %sign3A_617 : i32
      %sign3A_619 = arith.extui %sign3A_618 : i1 to i32
      %sign3A_620 = arith.subi %sign3A_616, %sign3A_619 : i32
      %ne3A_621 = arith.cmpi ne, %sign3A_613, %sign3A_620 : i32
      %rem3A_622 = arith.remsi %rem3A_604, %jit3A_605 : i32
      %ne3A_623 = arith.constant 0 : i32
      %ne3A_624 = arith.cmpi ne, %rem3A_622, %ne3A_623 : i32
      %and3A_625 = arith.andi %ne3A_621, %ne3A_624 : i1
      %sub3A_626 = arith.constant 1 : i32
      %sub3A_627 = arith.subi %div3A_606, %sub3A_626 : i32
      %select_n3A_628 = arith.select %and3A_625, %sub3A_627, %div3A_606 : i32
      %rem3A_629 = arith.constant 8 : i32
      %rem3A_630 = arith.remsi %scan3A_578, %rem3A_629 : i32
      %mul3A_631 = arith.constant 16 : i32
      %mul3A_632 = arith.muli %rem3A_630, %mul3A_631 : i32
      %broadcast_in_dim3A_633 = arith.constant 0.000000e+00 : f32
      %broadcast_in_dim3A_634 = vector.broadcast %broadcast_in_dim3A_633 : f32 to vector<16xf32>
      %swap3A_635 = arith.index_cast %select_n3A_602 : i32 to index
      %swap3A_636 = arith.index_cast %select_n3A_628 : i32 to index
      %swap3A_637 = arith.index_cast %mul3A_632 : i32 to index
      %swap3A_638 = tpu.vector_load %arg7[%swap3A_635, %swap3A_636, %swap3A_637] {strides = array<i32>} : memref<2x128x128xf32, #tpu.memory_space<vmem>>, vector<1x1x16xf32>,
      %swap3A_639 = vector.shape_cast %swap3A_638 : vector<1x1x16xf32> to vector<16xf32>
      %swap3A_640 = vector.shape_cast %broadcast_in_dim3A_634 : vector<16xf32> to vector<1x1x16xf32>
      tpu.vector_store %arg7[%swap3A_635, %swap3A_636, %swap3A_637], %swap3A_640 {strides = array<i32>} : memref<2x128x128xf32, #tpu.memory_space<vmem>>, vector<1x1x16xf32>,
      %scan3A_641 = arith.constant 0 : i32
      scf.yield %scan3A_641 : i32
    }
    %scan3A_14 = arith.constant 2048 : i32
    %mul3A_15 = arith.constant 640 : i32
    %mul3A_16 = arith.muli %arg1, %mul3A_15 : i32
    %add3A_17 = arith.constant 0 : i32
    %add3A_18 = arith.addi %mul3A_16, %add3A_17 : i32
    %run_scoped3A = arith.constant 0 : i32
    "tpu.region"() ({
      %run_scoped3A_132 = tpu.sem_alloc : memref<!tpu.dma_semaphore, #tpu.memory_space<semaphore_mem>>
      %dma_start3A_133 = arith.constant 0 : i32
      %dma_start3A_134 = arith.constant 0 : i32
      %dma_start3A_135 = tpu.memref_slice %arg7[%run_scoped3A, %dma_start3A_133, %dma_start3A_134] : memref<2x128x128xf32, #tpu.memory_space<vmem>> -> memref<1x128x128xf32, #tpu.memory_space<vmem>>
      %dma_start3A_136 = tpu.memref_squeeze %dma_start3A_135 : memref<1x128x128xf32, #tpu.memory_space<vmem>> -> memref<128x128xf32, #tpu.memory_space<vmem>>
      %dma_start3A_137 = arith.constant 0 : i32
      %dma_start3A_138 = tpu.memref_slice %arg8[%add3A_18, %dma_start3A_137] : memref<10240x128xf32, #tpu.memory_space<vmem_shared>> -> memref<128x128xf32, #tpu.memory_space<vmem_shared>>
      %dma_start3A_139 = arith.constant 0 : i32
      %dma_start3A_140 = tpu.memref_slice %arg8[%add3A_18, %dma_start3A_139] : memref<10240x128xf32, #tpu.memory_space<vmem_shared>> -> memref<128x128xf32, #tpu.memory_space<vmem_shared>>
      %dma_start3A_141 = arith.constant 0 : i32
      %dma_start3A_142 = arith.constant 0 : i32
      %dma_start3A_143 = tpu.memref_slice %arg7[%run_scoped3A, %dma_start3A_141, %dma_start3A_142] : memref<2x128x128xf32, #tpu.memory_space<vmem>> -> memref<1x128x128xf32, #tpu.memory_space<vmem>>
      %dma_start3A_144 = tpu.memref_squeeze %dma_start3A_143 : memref<1x128x128xf32, #tpu.memory_space<vmem>> -> memref<128x128xf32, #tpu.memory_space<vmem>>
      tpu.enqueue_dma source(%dma_start3A_144 : memref<128x128xf32, #tpu.memory_space<vmem>>) target(%dma_start3A_140 : memref<128x128xf32, #tpu.memory_space<vmem_shared>>) target_semaphore(%run_scoped3A_132 : memref<!tpu.dma_semaphore, #tpu.memory_space<semaphore_mem>>)
      %dma_wait3A_145 = arith.constant 0 : i32
      %dma_wait3A_146 = arith.constant 0 : i32
      %dma_wait3A_147 = tpu.memref_slice %arg7[%run_scoped3A, %dma_wait3A_145, %dma_wait3A_146] : memref<2x128x128xf32, #tpu.memory_space<vmem>> -> memref<1x128x128xf32, #tpu.memory_space<vmem>>
      %dma_wait3A_148 = tpu.memref_squeeze %dma_wait3A_147 : memref<1x128x128xf32, #tpu.memory_space<vmem>> -> memref<128x128xf32, #tpu.memory_space<vmem>>
      %dma_wait3A_149 = arith.constant 0 : i32
      %dma_wait3A_150 = tpu.memref_slice %arg8[%add3A_18, %dma_wait3A_149] : memref<10240x128xf32, #tpu.memory_space<vmem_shared>> -> memref<128x128xf32, #tpu.memory_space<vmem_shared>>
      %dma_wait3A_151 = arith.constant 0 : i32
      %dma_wait3A_152 = tpu.memref_slice %arg8[%add3A_18, %dma_wait3A_151] : memref<10240x128xf32, #tpu.memory_space<vmem_shared>> -> memref<128x128xf32, #tpu.memory_space<vmem_shared>>
      %dma_wait3A_153 = arith.constant 0 : i32
      %dma_wait3A_154 = arith.constant 0 : i32
      %dma_wait3A_155 = tpu.memref_slice %arg7[%run_scoped3A, %dma_wait3A_153, %dma_wait3A_154] : memref<2x128x128xf32, #tpu.memory_space<vmem>> -> memref<1x128x128xf32, #tpu.memory_space<vmem>>
      %dma_wait3A_156 = tpu.memref_squeeze %dma_wait3A_155 : memref<1x128x128xf32, #tpu.memory_space<vmem>> -> memref<128x128xf32, #tpu.memory_space<vmem>>
      tpu.wait_dma2 semaphore(%run_scoped3A_132 : memref<!tpu.dma_semaphore, #tpu.memory_space<semaphore_mem>>) src(%dma_wait3A_156 : memref<128x128xf32, #tpu.memory_space<vmem>>) dst(%dma_wait3A_152 : memref<128x128xf32, #tpu.memory_space<vmem_shared>>)
      tpu.yield
    }) : () -> ()
    %mul3A_19 = arith.constant 640 : i32
    %mul3A_20 = arith.muli %arg1, %mul3A_19 : i32
    %add3A_21 = arith.constant 128 : i32
    %add3A_22 = arith.addi %mul3A_20, %add3A_21 : i32
    %run_scoped3A_23 = arith.constant 0 : i32
    "tpu.region"() ({
      %run_scoped3A_132 = tpu.sem_alloc : memref<!tpu.dma_semaphore, #tpu.memory_space<semaphore_mem>>
      %dma_start3A_133 = arith.constant 0 : i32
      %dma_start3A_134 = arith.constant 0 : i32
      %dma_start3A_135 = tpu.memref_slice %arg7[%run_scoped3A_23, %dma_start3A_133, %dma_start3A_134] : memref<2x128x128xf32, #tpu.memory_space<vmem>> -> memref<1x128x128xf32, #tpu.memory_space<vmem>>
      %dma_start3A_136 = tpu.memref_squeeze %dma_start3A_135 : memref<1x128x128xf32, #tpu.memory_space<vmem>> -> memref<128x128xf32, #tpu.memory_space<vmem>>
      %dma_start3A_137 = arith.constant 0 : i32
      %dma_start3A_138 = tpu.memref_slice %arg8[%add3A_22, %dma_start3A_137] : memref<10240x128xf32, #tpu.memory_space<vmem_shared>> -> memref<128x128xf32, #tpu.memory_space<vmem_shared>>
      %dma_start3A_139 = arith.constant 0 : i32
      %dma_start3A_140 = tpu.memref_slice %arg8[%add3A_22, %dma_start3A_139] : memref<10240x128xf32, #tpu.memory_space<vmem_shared>> -> memref<128x128xf32, #tpu.memory_space<vmem_shared>>
      %dma_start3A_141 = arith.constant 0 : i32
      %dma_start3A_142 = arith.constant 0 : i32
      %dma_start3A_143 = tpu.memref_slice %arg7[%run_scoped3A_23, %dma_start3A_141, %dma_start3A_142] : memref<2x128x128xf32, #tpu.memory_space<vmem>> -> memref<1x128x128xf32, #tpu.memory_space<vmem>>
      %dma_start3A_144 = tpu.memref_squeeze %dma_start3A_143 : memref<1x128x128xf32, #tpu.memory_space<vmem>> -> memref<128x128xf32, #tpu.memory_space<vmem>>
      tpu.enqueue_dma source(%dma_start3A_144 : memref<128x128xf32, #tpu.memory_space<vmem>>) target(%dma_start3A_140 : memref<128x128xf32, #tpu.memory_space<vmem_shared>>) target_semaphore(%run_scoped3A_132 : memref<!tpu.dma_semaphore, #tpu.memory_space<semaphore_mem>>)
      %dma_wait3A_145 = arith.constant 0 : i32
      %dma_wait3A_146 = arith.constant 0 : i32
      %dma_wait3A_147 = tpu.memref_slice %arg7[%run_scoped3A_23, %dma_wait3A_145, %dma_wait3A_146] : memref<2x128x128xf32, #tpu.memory_space<vmem>> -> memref<1x128x128xf32, #tpu.memory_space<vmem>>
      %dma_wait3A_148 = tpu.memref_squeeze %dma_wait3A_147 : memref<1x128x128xf32, #tpu.memory_space<vmem>> -> memref<128x128xf32, #tpu.memory_space<vmem>>
      %dma_wait3A_149 = arith.constant 0 : i32
      %dma_wait3A_150 = tpu.memref_slice %arg8[%add3A_22, %dma_wait3A_149] : memref<10240x128xf32, #tpu.memory_space<vmem_shared>> -> memref<128x128xf32, #tpu.memory_space<vmem_shared>>
      %dma_wait3A_151 = arith.constant 0 : i32
      %dma_wait3A_152 = tpu.memref_slice %arg8[%add3A_22, %dma_wait3A_151] : memref<10240x128xf32, #tpu.memory_space<vmem_shared>> -> memref<128x128xf32, #tpu.memory_space<vmem_shared>>
      %dma_wait3A_153 = arith.constant 0 : i32
      %dma_wait3A_154 = arith.constant 0 : i32
      %dma_wait3A_155 = tpu.memref_slice %arg7[%run_scoped3A_23, %dma_wait3A_153, %dma_wait3A_154] : memref<2x128x128xf32, #tpu.memory_space<vmem>> -> memref<1x128x128xf32, #tpu.memory_space<vmem>>
      %dma_wait3A_156 = tpu.memref_squeeze %dma_wait3A_155 : memref<1x128x128xf32, #tpu.memory_space<vmem>> -> memref<128x128xf32, #tpu.memory_space<vmem>>
      tpu.wait_dma2 semaphore(%run_scoped3A_132 : memref<!tpu.dma_semaphore, #tpu.memory_space<semaphore_mem>>) src(%dma_wait3A_156 : memref<128x128xf32, #tpu.memory_space<vmem>>) dst(%dma_wait3A_152 : memref<128x128xf32, #tpu.memory_space<vmem_shared>>)
      tpu.yield
    }) : () -> ()
    %mul3A_24 = arith.constant 640 : i32
    %mul3A_25 = arith.muli %arg1, %mul3A_24 : i32
    %add3A_26 = arith.constant 256 : i32
    %add3A_27 = arith.addi %mul3A_25, %add3A_26 : i32
    %run_scoped3A_28 = arith.constant 0 : i32
    "tpu.region"() ({
      %run_scoped3A_132 = tpu.sem_alloc : memref<!tpu.dma_semaphore, #tpu.memory_space<semaphore_mem>>
      %dma_start3A_133 = arith.constant 0 : i32
      %dma_start3A_134 = arith.constant 0 : i32
      %dma_start3A_135 = tpu.memref_slice %arg7[%run_scoped3A_28, %dma_start3A_133, %dma_start3A_134] : memref<2x128x128xf32, #tpu.memory_space<vmem>> -> memref<1x128x128xf32, #tpu.memory_space<vmem>>
      %dma_start3A_136 = tpu.memref_squeeze %dma_start3A_135 : memref<1x128x128xf32, #tpu.memory_space<vmem>> -> memref<128x128xf32, #tpu.memory_space<vmem>>
      %dma_start3A_137 = arith.constant 0 : i32
      %dma_start3A_138 = tpu.memref_slice %arg8[%add3A_27, %dma_start3A_137] : memref<10240x128xf32, #tpu.memory_space<vmem_shared>> -> memref<128x128xf32, #tpu.memory_space<vmem_shared>>
      %dma_start3A_139 = arith.constant 0 : i32
      %dma_start3A_140 = tpu.memref_slice %arg8[%add3A_27, %dma_start3A_139] : memref<10240x128xf32, #tpu.memory_space<vmem_shared>> -> memref<128x128xf32, #tpu.memory_space<vmem_shared>>
      %dma_start3A_141 = arith.constant 0 : i32
      %dma_start3A_142 = arith.constant 0 : i32
      %dma_start3A_143 = tpu.memref_slice %arg7[%run_scoped3A_28, %dma_start3A_141, %dma_start3A_142] : memref<2x128x128xf32, #tpu.memory_space<vmem>> -> memref<1x128x128xf32, #tpu.memory_space<vmem>>
      %dma_start3A_144 = tpu.memref_squeeze %dma_start3A_143 : memref<1x128x128xf32, #tpu.memory_space<vmem>> -> memref<128x128xf32, #tpu.memory_space<vmem>>
      tpu.enqueue_dma source(%dma_start3A_144 : memref<128x128xf32, #tpu.memory_space<vmem>>) target(%dma_start3A_140 : memref<128x128xf32, #tpu.memory_space<vmem_shared>>) target_semaphore(%run_scoped3A_132 : memref<!tpu.dma_semaphore, #tpu.memory_space<semaphore_mem>>)
      %dma_wait3A_145 = arith.constant 0 : i32
      %dma_wait3A_146 = arith.constant 0 : i32
      %dma_wait3A_147 = tpu.memref_slice %arg7[%run_scoped3A_28, %dma_wait3A_145, %dma_wait3A_146] : memref<2x128x128xf32, #tpu.memory_space<vmem>> -> memref<1x128x128xf32, #tpu.memory_space<vmem>>
      %dma_wait3A_148 = tpu.memref_squeeze %dma_wait3A_147 : memref<1x128x128xf32, #tpu.memory_space<vmem>> -> memref<128x128xf32, #tpu.memory_space<vmem>>
      %dma_wait3A_149 = arith.constant 0 : i32
      %dma_wait3A_150 = tpu.memref_slice %arg8[%add3A_27, %dma_wait3A_149] : memref<10240x128xf32, #tpu.memory_space<vmem_shared>> -> memref<128x128xf32, #tpu.memory_space<vmem_shared>>
      %dma_wait3A_151 = arith.constant 0 : i32
      %dma_wait3A_152 = tpu.memref_slice %arg8[%add3A_27, %dma_wait3A_151] : memref<10240x128xf32, #tpu.memory_space<vmem_shared>> -> memref<128x128xf32, #tpu.memory_space<vmem_shared>>
      %dma_wait3A_153 = arith.constant 0 : i32
      %dma_wait3A_154 = arith.constant 0 : i32
      %dma_wait3A_155 = tpu.memref_slice %arg7[%run_scoped3A_28, %dma_wait3A_153, %dma_wait3A_154] : memref<2x128x128xf32, #tpu.memory_space<vmem>> -> memref<1x128x128xf32, #tpu.memory_space<vmem>>
      %dma_wait3A_156 = tpu.memref_squeeze %dma_wait3A_155 : memref<1x128x128xf32, #tpu.memory_space<vmem>> -> memref<128x128xf32, #tpu.memory_space<vmem>>
      tpu.wait_dma2 semaphore(%run_scoped3A_132 : memref<!tpu.dma_semaphore, #tpu.memory_space<semaphore_mem>>) src(%dma_wait3A_156 : memref<128x128xf32, #tpu.memory_space<vmem>>) dst(%dma_wait3A_152 : memref<128x128xf32, #tpu.memory_space<vmem_shared>>)
      tpu.yield
    }) : () -> ()
    %mul3A_29 = arith.constant 640 : i32
    %mul3A_30 = arith.muli %arg1, %mul3A_29 : i32
    %add3A_31 = arith.constant 384 : i32
    %add3A_32 = arith.addi %mul3A_30, %add3A_31 : i32
    %run_scoped3A_33 = arith.constant 0 : i32
    "tpu.region"() ({
      %run_scoped3A_132 = tpu.sem_alloc : memref<!tpu.dma_semaphore, #tpu.memory_space<semaphore_mem>>
      %dma_start3A_133 = arith.constant 0 : i32
      %dma_start3A_134 = arith.constant 0 : i32
      %dma_start3A_135 = tpu.memref_slice %arg7[%run_scoped3A_33, %dma_start3A_133, %dma_start3A_134] : memref<2x128x128xf32, #tpu.memory_space<vmem>> -> memref<1x128x128xf32, #tpu.memory_space<vmem>>
      %dma_start3A_136 = tpu.memref_squeeze %dma_start3A_135 : memref<1x128x128xf32, #tpu.memory_space<vmem>> -> memref<128x128xf32, #tpu.memory_space<vmem>>
      %dma_start3A_137 = arith.constant 0 : i32
      %dma_start3A_138 = tpu.memref_slice %arg8[%add3A_32, %dma_start3A_137] : memref<10240x128xf32, #tpu.memory_space<vmem_shared>> -> memref<128x128xf32, #tpu.memory_space<vmem_shared>>
      %dma_start3A_139 = arith.constant 0 : i32
      %dma_start3A_140 = tpu.memref_slice %arg8[%add3A_32, %dma_start3A_139] : memref<10240x128xf32, #tpu.memory_space<vmem_shared>> -> memref<128x128xf32, #tpu.memory_space<vmem_shared>>
      %dma_start3A_141 = arith.constant 0 : i32
      %dma_start3A_142 = arith.constant 0 : i32
      %dma_start3A_143 = tpu.memref_slice %arg7[%run_scoped3A_33, %dma_start3A_141, %dma_start3A_142] : memref<2x128x128xf32, #tpu.memory_space<vmem>> -> memref<1x128x128xf32, #tpu.memory_space<vmem>>
      %dma_start3A_144 = tpu.memref_squeeze %dma_start3A_143 : memref<1x128x128xf32, #tpu.memory_space<vmem>> -> memref<128x128xf32, #tpu.memory_space<vmem>>
      tpu.enqueue_dma source(%dma_start3A_144 : memref<128x128xf32, #tpu.memory_space<vmem>>) target(%dma_start3A_140 : memref<128x128xf32, #tpu.memory_space<vmem_shared>>) target_semaphore(%run_scoped3A_132 : memref<!tpu.dma_semaphore, #tpu.memory_space<semaphore_mem>>)
      %dma_wait3A_145 = arith.constant 0 : i32
      %dma_wait3A_146 = arith.constant 0 : i32
      %dma_wait3A_147 = tpu.memref_slice %arg7[%run_scoped3A_33, %dma_wait3A_145, %dma_wait3A_146] : memref<2x128x128xf32, #tpu.memory_space<vmem>> -> memref<1x128x128xf32, #tpu.memory_space<vmem>>
      %dma_wait3A_148 = tpu.memref_squeeze %dma_wait3A_147 : memref<1x128x128xf32, #tpu.memory_space<vmem>> -> memref<128x128xf32, #tpu.memory_space<vmem>>
      %dma_wait3A_149 = arith.constant 0 : i32
      %dma_wait3A_150 = tpu.memref_slice %arg8[%add3A_32, %dma_wait3A_149] : memref<10240x128xf32, #tpu.memory_space<vmem_shared>> -> memref<128x128xf32, #tpu.memory_space<vmem_shared>>
      %dma_wait3A_151 = arith.constant 0 : i32
      %dma_wait3A_152 = tpu.memref_slice %arg8[%add3A_32, %dma_wait3A_151] : memref<10240x128xf32, #tpu.memory_space<vmem_shared>> -> memref<128x128xf32, #tpu.memory_space<vmem_shared>>
      %dma_wait3A_153 = arith.constant 0 : i32
      %dma_wait3A_154 = arith.constant 0 : i32
      %dma_wait3A_155 = tpu.memref_slice %arg7[%run_scoped3A_33, %dma_wait3A_153, %dma_wait3A_154] : memref<2x128x128xf32, #tpu.memory_space<vmem>> -> memref<1x128x128xf32, #tpu.memory_space<vmem>>
      %dma_wait3A_156 = tpu.memref_squeeze %dma_wait3A_155 : memref<1x128x128xf32, #tpu.memory_space<vmem>> -> memref<128x128xf32, #tpu.memory_space<vmem>>
      tpu.wait_dma2 semaphore(%run_scoped3A_132 : memref<!tpu.dma_semaphore, #tpu.memory_space<semaphore_mem>>) src(%dma_wait3A_156 : memref<128x128xf32, #tpu.memory_space<vmem>>) dst(%dma_wait3A_152 : memref<128x128xf32, #tpu.memory_space<vmem_shared>>)
      tpu.yield
    }) : () -> ()
    %mul3A_34 = arith.constant 640 : i32
    %mul3A_35 = arith.muli %arg1, %mul3A_34 : i32
    %add3A_36 = arith.constant 512 : i32
    %add3A_37 = arith.addi %mul3A_35, %add3A_36 : i32
    %run_scoped3A_38 = arith.constant 0 : i32
    "tpu.region"() ({
      %run_scoped3A_132 = tpu.sem_alloc : memref<!tpu.dma_semaphore, #tpu.memory_space<semaphore_mem>>
      %dma_start3A_133 = arith.constant 0 : i32
      %dma_start3A_134 = arith.constant 0 : i32
      %dma_start3A_135 = tpu.memref_slice %arg7[%run_scoped3A_38, %dma_start3A_133, %dma_start3A_134] : memref<2x128x128xf32, #tpu.memory_space<vmem>> -> memref<1x128x128xf32, #tpu.memory_space<vmem>>
      %dma_start3A_136 = tpu.memref_squeeze %dma_start3A_135 : memref<1x128x128xf32, #tpu.memory_space<vmem>> -> memref<128x128xf32, #tpu.memory_space<vmem>>
      %dma_start3A_137 = arith.constant 0 : i32
      %dma_start3A_138 = tpu.memref_slice %arg8[%add3A_37, %dma_start3A_137] : memref<10240x128xf32, #tpu.memory_space<vmem_shared>> -> memref<128x128xf32, #tpu.memory_space<vmem_shared>>
      %dma_start3A_139 = arith.constant 0 : i32
      %dma_start3A_140 = tpu.memref_slice %arg8[%add3A_37, %dma_start3A_139] : memref<10240x128xf32, #tpu.memory_space<vmem_shared>> -> memref<128x128xf32, #tpu.memory_space<vmem_shared>>
      %dma_start3A_141 = arith.constant 0 : i32
      %dma_start3A_142 = arith.constant 0 : i32
      %dma_start3A_143 = tpu.memref_slice %arg7[%run_scoped3A_38, %dma_start3A_141, %dma_start3A_142] : memref<2x128x128xf32, #tpu.memory_space<vmem>> -> memref<1x128x128xf32, #tpu.memory_space<vmem>>
      %dma_start3A_144 = tpu.memref_squeeze %dma_start3A_143 : memref<1x128x128xf32, #tpu.memory_space<vmem>> -> memref<128x128xf32, #tpu.memory_space<vmem>>
      tpu.enqueue_dma source(%dma_start3A_144 : memref<128x128xf32, #tpu.memory_space<vmem>>) target(%dma_start3A_140 : memref<128x128xf32, #tpu.memory_space<vmem_shared>>) target_semaphore(%run_scoped3A_132 : memref<!tpu.dma_semaphore, #tpu.memory_space<semaphore_mem>>)
      %dma_wait3A_145 = arith.constant 0 : i32
      %dma_wait3A_146 = arith.constant 0 : i32
      %dma_wait3A_147 = tpu.memref_slice %arg7[%run_scoped3A_38, %dma_wait3A_145, %dma_wait3A_146] : memref<2x128x128xf32, #tpu.memory_space<vmem>> -> memref<1x128x128xf32, #tpu.memory_space<vmem>>
      %dma_wait3A_148 = tpu.memref_squeeze %dma_wait3A_147 : memref<1x128x128xf32, #tpu.memory_space<vmem>> -> memref<128x128xf32, #tpu.memory_space<vmem>>
      %dma_wait3A_149 = arith.constant 0 : i32
      %dma_wait3A_150 = tpu.memref_slice %arg8[%add3A_37, %dma_wait3A_149] : memref<10240x128xf32, #tpu.memory_space<vmem_shared>> -> memref<128x128xf32, #tpu.memory_space<vmem_shared>>
      %dma_wait3A_151 = arith.constant 0 : i32
      %dma_wait3A_152 = tpu.memref_slice %arg8[%add3A_37, %dma_wait3A_151] : memref<10240x128xf32, #tpu.memory_space<vmem_shared>> -> memref<128x128xf32, #tpu.memory_space<vmem_shared>>
      %dma_wait3A_153 = arith.constant 0 : i32
      %dma_wait3A_154 = arith.constant 0 : i32
      %dma_wait3A_155 = tpu.memref_slice %arg7[%run_scoped3A_38, %dma_wait3A_153, %dma_wait3A_154] : memref<2x128x128xf32, #tpu.memory_space<vmem>> -> memref<1x128x128xf32, #tpu.memory_space<vmem>>
      %dma_wait3A_156 = tpu.memref_squeeze %dma_wait3A_155 : memref<1x128x128xf32, #tpu.memory_space<vmem>> -> memref<128x128xf32, #tpu.memory_space<vmem>>
      tpu.wait_dma2 semaphore(%run_scoped3A_132 : memref<!tpu.dma_semaphore, #tpu.memory_space<semaphore_mem>>) src(%dma_wait3A_156 : memref<128x128xf32, #tpu.memory_space<vmem>>) dst(%dma_wait3A_152 : memref<128x128xf32, #tpu.memory_space<vmem_shared>>)
      tpu.yield
    }) : () -> ()
    %dma_wait3A = arith.constant 1 : i32
    %dma_wait3A_39 = arith.constant 0 : i32
    %dma_wait3A_40 = tpu.memref_slice %arg3[%dma_wait3A, %mul3A_2, %dma_wait3A_39] : memref<2x2560x125xi32, #tpu.memory_space<hbm>> -> memref<1x80x125xi32, #tpu.memory_space<hbm>>
    %dma_wait3A_41 = tpu.memref_squeeze %dma_wait3A_40 : memref<1x80x125xi32, #tpu.memory_space<hbm>> -> memref<80x125xi32, #tpu.memory_space<hbm>>
    %dma_wait3A_42 = arith.constant 0 : i32
    %dma_wait3A_43 = tpu.memref_slice %arg3[%dma_wait3A, %mul3A_2, %dma_wait3A_42] : memref<2x2560x125xi32, #tpu.memory_space<hbm>> -> memref<1x80x125xi32, #tpu.memory_space<hbm>>
    %dma_wait3A_44 = tpu.memref_squeeze %dma_wait3A_43 : memref<1x80x125xi32, #tpu.memory_space<hbm>> -> memref<80x125xi32, #tpu.memory_space<hbm>>
    tpu.wait_dma2 semaphore(%arg13 : memref<!tpu.dma_semaphore, #tpu.memory_space<semaphore_mem>>) src(%dma_wait3A_44 : memref<80x125xi32, #tpu.memory_space<hbm>>) dst(%arg5 : memref<80x125xi32, #tpu.memory_space<vmem>>)
    %dma_start3A_45 = arith.constant 0 : i32
    %dma_start3A_46 = arith.constant 0 : i32
    %dma_start3A_47 = arith.constant 0 : i32
    %dma_start3A_48 = arith.constant 0 : i32
    %dma_start3A_49 = tpu.memref_slice %arg6[%dma_start3A_46, %dma_start3A_47, %dma_start3A_48] : memref<2x8x125xi32, #tpu.memory_space<vmem>> -> memref<1x8x125xi32, #tpu.memory_space<vmem>>
    %dma_start3A_50 = tpu.memref_squeeze %dma_start3A_49 : memref<1x8x125xi32, #tpu.memory_space<vmem>> -> memref<8x125xi32, #tpu.memory_space<vmem>>
    %dma_start3A_51 = arith.constant 0 : i32
    %dma_start3A_52 = tpu.memref_slice %arg3[%dma_start3A_45, %mul3A_2, %dma_start3A_51] : memref<2x2560x125xi32, #tpu.memory_space<hbm>> -> memref<1x8x125xi32, #tpu.memory_space<hbm>>
    %dma_start3A_53 = tpu.memref_squeeze %dma_start3A_52 : memref<1x8x125xi32, #tpu.memory_space<hbm>> -> memref<8x125xi32, #tpu.memory_space<hbm>>
    %dma_start3A_54 = arith.constant 0 : i32
    %dma_start3A_55 = arith.constant 0 : i32
    %dma_start3A_56 = tpu.memref_slice %arg6[%dma_start3A_46, %dma_start3A_54, %dma_start3A_55] : memref<2x8x125xi32, #tpu.memory_space<vmem>> -> memref<1x8x125xi32, #tpu.memory_space<vmem>>
    %dma_start3A_57 = tpu.memref_squeeze %dma_start3A_56 : memref<1x8x125xi32, #tpu.memory_space<vmem>> -> memref<8x125xi32, #tpu.memory_space<vmem>>
    %dma_start3A_58 = arith.constant 0 : i32
    %dma_start3A_59 = tpu.memref_slice %arg3[%dma_start3A_45, %mul3A_2, %dma_start3A_58] : memref<2x2560x125xi32, #tpu.memory_space<hbm>> -> memref<1x8x125xi32, #tpu.memory_space<hbm>>
    %dma_start3A_60 = tpu.memref_squeeze %dma_start3A_59 : memref<1x8x125xi32, #tpu.memory_space<hbm>> -> memref<8x125xi32, #tpu.memory_space<hbm>>
    tpu.enqueue_dma source(%dma_start3A_60 : memref<8x125xi32, #tpu.memory_space<hbm>>) target(%dma_start3A_57 : memref<8x125xi32, #tpu.memory_space<vmem>>) target_semaphore(%arg13 : memref<!tpu.dma_semaphore, #tpu.memory_space<semaphore_mem>>)
    %dma_wait3A_61 = arith.constant 0 : i32
    %dma_wait3A_62 = arith.constant 0 : i32
    %dma_wait3A_63 = arith.constant 0 : i32
    %dma_wait3A_64 = arith.constant 0 : i32
    %dma_wait3A_65 = tpu.memref_slice %arg6[%dma_wait3A_62, %dma_wait3A_63, %dma_wait3A_64] : memref<2x8x125xi32, #tpu.memory_space<vmem>> -> memref<1x8x125xi32, #tpu.memory_space<vmem>>
    %dma_wait3A_66 = tpu.memref_squeeze %dma_wait3A_65 : memref<1x8x125xi32, #tpu.memory_space<vmem>> -> memref<8x125xi32, #tpu.memory_space<vmem>>
    %dma_wait3A_67 = arith.constant 0 : i32
    %dma_wait3A_68 = tpu.memref_slice %arg3[%dma_wait3A_61, %mul3A_2, %dma_wait3A_67] : memref<2x2560x125xi32, #tpu.memory_space<hbm>> -> memref<1x8x125xi32, #tpu.memory_space<hbm>>
    %dma_wait3A_69 = tpu.memref_squeeze %dma_wait3A_68 : memref<1x8x125xi32, #tpu.memory_space<hbm>> -> memref<8x125xi32, #tpu.memory_space<hbm>>
    %dma_wait3A_70 = arith.constant 0 : i32
    %dma_wait3A_71 = arith.constant 0 : i32
    %dma_wait3A_72 = tpu.memref_slice %arg6[%dma_wait3A_62, %dma_wait3A_70, %dma_wait3A_71] : memref<2x8x125xi32, #tpu.memory_space<vmem>> -> memref<1x8x125xi32, #tpu.memory_space<vmem>>
    %dma_wait3A_73 = tpu.memref_squeeze %dma_wait3A_72 : memref<1x8x125xi32, #tpu.memory_space<vmem>> -> memref<8x125xi32, #tpu.memory_space<vmem>>
    %dma_wait3A_74 = arith.constant 0 : i32
    %dma_wait3A_75 = tpu.memref_slice %arg3[%dma_wait3A_61, %mul3A_2, %dma_wait3A_74] : memref<2x2560x125xi32, #tpu.memory_space<hbm>> -> memref<1x8x125xi32, #tpu.memory_space<hbm>>
    %dma_wait3A_76 = tpu.memref_squeeze %dma_wait3A_75 : memref<1x8x125xi32, #tpu.memory_space<hbm>> -> memref<8x125xi32, #tpu.memory_space<hbm>>
    tpu.wait_dma2 semaphore(%arg13 : memref<!tpu.dma_semaphore, #tpu.memory_space<semaphore_mem>>) src(%dma_wait3A_76 : memref<8x125xi32, #tpu.memory_space<hbm>>) dst(%dma_wait3A_73 : memref<8x125xi32, #tpu.memory_space<vmem>>)
    %add3A_77 = arith.constant 8 : i32
    %add3A_78 = arith.addi %mul3A_2, %add3A_77 : i32
    %dma_start3A_79 = arith.constant 0 : i32
    %dma_start3A_80 = arith.constant 1 : i32
    %dma_start3A_81 = arith.constant 0 : i32
    %dma_start3A_82 = arith.constant 0 : i32
    %dma_start3A_83 = tpu.memref_slice %arg6[%dma_start3A_80, %dma_start3A_81, %dma_start3A_82] : memref<2x8x125xi32, #tpu.memory_space<vmem>> -> memref<1x8x125xi32, #tpu.memory_space<vmem>>
    %dma_start3A_84 = tpu.memref_squeeze %dma_start3A_83 : memref<1x8x125xi32, #tpu.memory_space<vmem>> -> memref<8x125xi32, #tpu.memory_space<vmem>>
    %dma_start3A_85 = arith.constant 0 : i32
    %dma_start3A_86 = tpu.memref_slice %arg3[%dma_start3A_79, %add3A_78, %dma_start3A_85] : memref<2x2560x125xi32, #tpu.memory_space<hbm>> -> memref<1x8x125xi32, #tpu.memory_space<hbm>>
    %dma_start3A_87 = tpu.memref_squeeze %dma_start3A_86 : memref<1x8x125xi32, #tpu.memory_space<hbm>> -> memref<8x125xi32, #tpu.memory_space<hbm>>
    %dma_start3A_88 = arith.constant 0 : i32
    %dma_start3A_89 = arith.constant 0 : i32
    %dma_start3A_90 = tpu.memref_slice %arg6[%dma_start3A_80, %dma_start3A_88, %dma_start3A_89] : memref<2x8x125xi32, #tpu.memory_space<vmem>> -> memref<1x8x125xi32, #tpu.memory_space<vmem>>
    %dma_start3A_91 = tpu.memref_squeeze %dma_start3A_90 : memref<1x8x125xi32, #tpu.memory_space<vmem>> -> memref<8x125xi32, #tpu.memory_space<vmem>>
    %dma_start3A_92 = arith.constant 0 : i32
    %dma_start3A_93 = tpu.memref_slice %arg3[%dma_start3A_79, %add3A_78, %dma_start3A_92] : memref<2x2560x125xi32, #tpu.memory_space<hbm>> -> memref<1x8x125xi32, #tpu.memory_space<hbm>>
    %dma_start3A_94 = tpu.memref_squeeze %dma_start3A_93 : memref<1x8x125xi32, #tpu.memory_space<hbm>> -> memref<8x125xi32, #tpu.memory_space<hbm>>
    tpu.enqueue_dma source(%dma_start3A_94 : memref<8x125xi32, #tpu.memory_space<hbm>>) target(%dma_start3A_91 : memref<8x125xi32, #tpu.memory_space<vmem>>) target_semaphore(%arg13 : memref<!tpu.dma_semaphore, #tpu.memory_space<semaphore_mem>>)
    %barrier3A = arith.constant 0 : index
    tpu.barrier barrier_id(%barrier3A)
    %dma_start3A_95 = arith.constant 0 : i32
    %dma_start3A_96 = arith.constant 0 : i32
    %dma_start3A_97 = arith.constant 0 : i32
    %dma_start3A_98 = arith.constant 0 : i32
    %dma_start3A_99 = tpu.memref_slice %arg7[%dma_start3A_96, %dma_start3A_97, %dma_start3A_98] : memref<2x128x128xf32, #tpu.memory_space<vmem>> -> memref<1x125x128xf32, #tpu.memory_space<vmem>>
    %dma_start3A_100 = tpu.memref_squeeze %dma_start3A_99 : memref<1x125x128xf32, #tpu.memory_space<vmem>> -> memref<125x128xf32, #tpu.memory_space<vmem>>
    %dma_start3A_101 = arith.constant 0 : i32
    %dma_start3A_102 = tpu.memref_slice %arg5[%dma_start3A_95, %dma_start3A_101] : memref<80x125xi32, #tpu.memory_space<vmem>> -> memref<1x125xi32, #tpu.memory_space<vmem>>
    %dma_start3A_103 = tpu.memref_squeeze %dma_start3A_102 : memref<1x125xi32, #tpu.memory_space<vmem>> -> memref<125xi32, #tpu.memory_space<vmem>>
    %dma_start3A_104 = arith.constant 0 : i32
    %dma_start3A_105 = arith.constant 0 : i32
    %dma_start3A_106 = tpu.memref_slice %arg2[%dma_start3A_104, %dma_start3A_105] : memref<10240x128xf32, #tpu.memory_space<hbm>> -> memref<10240x128xf32, #tpu.memory_space<hbm>>
    tpu.enqueue_indirect_dma source(%dma_start3A_106 : memref<10240x128xf32, #tpu.memory_space<hbm>>) target(%dma_start3A_100 : memref<125x128xf32, #tpu.memory_space<vmem>>) offsets(%dma_start3A_103 : memref<125xi32, #tpu.memory_space<vmem>>) semaphore(%arg9 : memref<!tpu.dma_semaphore, #tpu.memory_space<semaphore_mem>>)
    %scan3A_107 = arith.constant 0 : i32
    %scan3A_108 = arith.constant 0 : i32
    %scan3A_109 = arith.constant 40 : i32
    %scan3A_110 = arith.addi %scan3A_108, %scan3A_109 : i32
    %scan3A_111 = arith.constant 1 : i32
    %scan3A_112 = scf.for %scan3A_132 = %scan3A_108 to %scan3A_110 step %scan3A_111 iter_args(%scan3A_133 = %scan3A_107) -> (i32)  : i32 {
      %mul3A_134 = arith.constant 2 : i32
      %mul3A_135 = arith.muli %mul3A_134, %scan3A_132 : i32
      %jit3A = arith.constant 8 : i32
      %div3A = arith.divsi %mul3A_135, %jit3A : i32
      %sign3A = arith.constant 0 : i32
      %sign3A_136 = arith.cmpi sgt, %mul3A_135, %sign3A : i32
      %sign3A_137 = arith.extui %sign3A_136 : i1 to i32
      %sign3A_138 = arith.constant 0 : i32
      %sign3A_139 = arith.cmpi slt, %mul3A_135, %sign3A_138 : i32
      %sign3A_140 = arith.extui %sign3A_139 : i1 to i32
      %sign3A_141 = arith.subi %sign3A_137, %sign3A_140 : i32
      %sign3A_142 = arith.constant 0 : i32
      %sign3A_143 = arith.cmpi sgt, %jit3A, %sign3A_142 : i32
      %sign3A_144 = arith.extui %sign3A_143 : i1 to i32
      %sign3A_145 = arith.constant 0 : i32
      %sign3A_146 = arith.cmpi slt, %jit3A, %sign3A_145 : i32
      %sign3A_147 = arith.extui %sign3A_146 : i1 to i32
      %sign3A_148 = arith.subi %sign3A_144, %sign3A_147 : i32
      %ne3A = arith.cmpi ne, %sign3A_141, %sign3A_148 : i32
      %rem3A = arith.remsi %mul3A_135, %jit3A : i32
      %ne3A_149 = arith.constant 0 : i32
      %ne3A_150 = arith.cmpi ne, %rem3A, %ne3A_149 : i32
      %and3A = arith.andi %ne3A, %ne3A_150 : i1
      %sub3A = arith.constant 1 : i32
      %sub3A_151 = arith.subi %div3A, %sub3A : i32
      %select_n3A = arith.select %and3A, %sub3A_151, %div3A : i32
      %rem3A_152 = arith.constant 2 : i32
      %rem3A_153 = arith.remsi %select_n3A, %rem3A_152 : i32
      %rem3A_154 = arith.constant 8 : i32
      %rem3A_155 = arith.remsi %mul3A_135, %rem3A_154 : i32
      %dma_wait3A_156 = arith.constant 0 : i32
      %dma_wait3A_157 = arith.constant 0 : i32
      %dma_wait3A_158 = arith.constant 0 : i32
      %dma_wait3A_159 = tpu.memref_slice %arg7[%dma_wait3A_156, %dma_wait3A_157, %dma_wait3A_158] : memref<2x128x128xf32, #tpu.memory_space<vmem>> -> memref<1x125x128xf32, #tpu.memory_space<vmem>>
      %dma_wait3A_160 = tpu.memref_squeeze %dma_wait3A_159 : memref<1x125x128xf32, #tpu.memory_space<vmem>> -> memref<125x128xf32, #tpu.memory_space<vmem>>
      %dma_wait3A_161 = arith.constant 0 : i32
      %dma_wait3A_162 = tpu.memref_slice %arg5[%mul3A_135, %dma_wait3A_161] : memref<80x125xi32, #tpu.memory_space<vmem>> -> memref<1x125xi32, #tpu.memory_space<vmem>>
      %dma_wait3A_163 = tpu.memref_squeeze %dma_wait3A_162 : memref<1x125xi32, #tpu.memory_space<vmem>> -> memref<125xi32, #tpu.memory_space<vmem>>
      %dma_wait3A_164 = arith.constant 0 : i32
      %dma_wait3A_165 = arith.constant 0 : i32
      %dma_wait3A_166 = tpu.memref_slice %arg2[%dma_wait3A_164, %dma_wait3A_165] : memref<10240x128xf32, #tpu.memory_space<hbm>> -> memref<10240x128xf32, #tpu.memory_space<hbm>>
      tpu.wait_indirect_dma semaphore(%arg9 : memref<!tpu.dma_semaphore, #tpu.memory_space<semaphore_mem>>) src(%dma_wait3A_166 : memref<10240x128xf32, #tpu.memory_space<hbm>>) dst(%dma_wait3A_160 : memref<125x128xf32, #tpu.memory_space<vmem>>)
      %gt3A = arith.constant 0 : i32
      %gt3A_167 = arith.cmpi sgt, %scan3A_132, %gt3A : i32
      %convert_element_type3A = arith.extui %gt3A_167 : i1 to i32
      %cond3A = arith.constant 0 : i32
      %cond3A_168 = arith.cmpi ne, %convert_element_type3A, %cond3A : i32
      scf.if %cond3A_168 {
        %dma_wait3A_246 = arith.constant 1 : i32
        %dma_wait3A_247 = arith.constant 0 : i32
        %dma_wait3A_248 = arith.constant 0 : i32
        %dma_wait3A_249 = arith.constant 0 : i32
        %dma_wait3A_250 = arith.constant 0 : i32
        %dma_wait3A_251 = tpu.memref_slice %arg7[%dma_wait3A_246, %dma_wait3A_249, %dma_wait3A_250] : memref<2x128x128xf32, #tpu.memory_space<vmem>> -> memref<1x125x128xf32, #tpu.memory_space<vmem>>
        %dma_wait3A_252 = tpu.memref_squeeze %dma_wait3A_251 : memref<1x125x128xf32, #tpu.memory_space<vmem>> -> memref<125x128xf32, #tpu.memory_space<vmem>>
        %dma_wait3A_253 = arith.constant 0 : i32
        %dma_wait3A_254 = tpu.memref_slice %arg6[%dma_wait3A_247, %dma_wait3A_248, %dma_wait3A_253] : memref<2x8x125xi32, #tpu.memory_space<vmem>> -> memref<1x1x125xi32, #tpu.memory_space<vmem>>
        %dma_wait3A_255 = tpu.memref_squeeze %dma_wait3A_254 : memref<1x1x125xi32, #tpu.memory_space<vmem>> -> memref<125xi32, #tpu.memory_space<vmem>>
        %dma_wait3A_256 = arith.constant 0 : i32
        %dma_wait3A_257 = arith.constant 0 : i32
        %dma_wait3A_258 = tpu.memref_slice %arg8[%dma_wait3A_256, %dma_wait3A_257] : memref<10240x128xf32, #tpu.memory_space<vmem_shared>> -> memref<10240x128xf32, #tpu.memory_space<vmem_shared>>
        tpu.wait_indirect_dma semaphore(%arg12 : memref<!tpu.dma_semaphore, #tpu.memory_space<semaphore_mem>>) src(%dma_wait3A_252 : memref<125x128xf32, #tpu.memory_space<vmem>>) dst(%dma_wait3A_258 : memref<10240x128xf32, #tpu.memory_space<vmem_shared>>)
      } else {
      }
      %eq3A = arith.constant 0 : i32
      %eq3A_169 = arith.cmpi eq, %rem3A_155, %eq3A : i32
      %gt3A_170 = arith.constant 0 : i32
      %gt3A_171 = arith.cmpi sgt, %select_n3A, %gt3A_170 : i32
      %and3A_172 = arith.andi %eq3A_169, %gt3A_171 : i1
      %convert_element_type3A_173 = arith.extui %and3A_172 : i1 to i32
      %cond3A_174 = arith.constant 0 : i32
      %cond3A_175 = arith.cmpi ne, %convert_element_type3A_173, %cond3A_174 : i32
      scf.if %cond3A_175 {
        %mul3A_246 = arith.constant 8 : i32
        %mul3A_247 = arith.muli %select_n3A, %mul3A_246 : i32
        %add3A_248 = arith.addi %mul3A_2, %mul3A_247 : i32
        %dma_wait3A_249 = arith.constant 0 : i32
        %dma_wait3A_250 = arith.constant 0 : i32
        %dma_wait3A_251 = arith.constant 0 : i32
        %dma_wait3A_252 = tpu.memref_slice %arg6[%rem3A_153, %dma_wait3A_250, %dma_wait3A_251] : memref<2x8x125xi32, #tpu.memory_space<vmem>> -> memref<1x8x125xi32, #tpu.memory_space<vmem>>
        %dma_wait3A_253 = tpu.memref_squeeze %dma_wait3A_252 : memref<1x8x125xi32, #tpu.memory_space<vmem>> -> memref<8x125xi32, #tpu.memory_space<vmem>>
        %dma_wait3A_254 = arith.constant 0 : i32
        %dma_wait3A_255 = tpu.memref_slice %arg3[%dma_wait3A_249, %add3A_248, %dma_wait3A_254] : memref<2x2560x125xi32, #tpu.memory_space<hbm>> -> memref<1x8x125xi32, #tpu.memory_space<hbm>>
        %dma_wait3A_256 = tpu.memref_squeeze %dma_wait3A_255 : memref<1x8x125xi32, #tpu.memory_space<hbm>> -> memref<8x125xi32, #tpu.memory_space<hbm>>
        %dma_wait3A_257 = arith.constant 0 : i32
        %dma_wait3A_258 = arith.constant 0 : i32
        %dma_wait3A_259 = tpu.memref_slice %arg6[%rem3A_153, %dma_wait3A_257, %dma_wait3A_258] : memref<2x8x125xi32, #tpu.memory_space<vmem>> -> memref<1x8x125xi32, #tpu.memory_space<vmem>>
        %dma_wait3A_260 = tpu.memref_squeeze %dma_wait3A_259 : memref<1x8x125xi32, #tpu.memory_space<vmem>> -> memref<8x125xi32, #tpu.memory_space<vmem>>
        %dma_wait3A_261 = arith.constant 0 : i32
        %dma_wait3A_262 = tpu.memref_slice %arg3[%dma_wait3A_249, %add3A_248, %dma_wait3A_261] : memref<2x2560x125xi32, #tpu.memory_space<hbm>> -> memref<1x8x125xi32, #tpu.memory_space<hbm>>
        %dma_wait3A_263 = tpu.memref_squeeze %dma_wait3A_262 : memref<1x8x125xi32, #tpu.memory_space<hbm>> -> memref<8x125xi32, #tpu.memory_space<hbm>>
        tpu.wait_dma2 semaphore(%arg13 : memref<!tpu.dma_semaphore, #tpu.memory_space<semaphore_mem>>) src(%dma_wait3A_263 : memref<8x125xi32, #tpu.memory_space<hbm>>) dst(%dma_wait3A_260 : memref<8x125xi32, #tpu.memory_space<vmem>>)
        %add3A_264 = arith.constant 1 : i32
        %add3A_265 = arith.addi %select_n3A, %add3A_264 : i32
        %lt3A_266 = arith.constant 10 : i32
        %lt3A_267 = arith.cmpi slt, %add3A_265, %lt3A_266 : i32
        %convert_element_type3A_268 = arith.extui %lt3A_267 : i1 to i32
        %cond3A_269 = arith.constant 0 : i32
        %cond3A_270 = arith.cmpi ne, %convert_element_type3A_268, %cond3A_269 : i32
        scf.if %cond3A_270 {
          %add3A_271 = arith.constant 1 : i32
          %add3A_272 = arith.addi %select_n3A, %add3A_271 : i32
          %mul3A_273 = arith.constant 8 : i32
          %mul3A_274 = arith.muli %add3A_272, %mul3A_273 : i32
          %add3A_275 = arith.addi %mul3A_2, %mul3A_274 : i32
          %sub3A_276 = arith.constant 1 : i32
          %sub3A_277 = arith.subi %sub3A_276, %rem3A_153 : i32
          %dma_start3A_278 = arith.constant 0 : i32
          %dma_start3A_279 = arith.constant 0 : i32
          %dma_start3A_280 = arith.constant 0 : i32
          %dma_start3A_281 = tpu.memref_slice %arg6[%sub3A_277, %dma_start3A_279, %dma_start3A_280] : memref<2x8x125xi32, #tpu.memory_space<vmem>> -> memref<1x8x125xi32, #tpu.memory_space<vmem>>
          %dma_start3A_282 = tpu.memref_squeeze %dma_start3A_281 : memref<1x8x125xi32, #tpu.memory_space<vmem>> -> memref<8x125xi32, #tpu.memory_space<vmem>>
          %dma_start3A_283 = arith.constant 0 : i32
          %dma_start3A_284 = tpu.memref_slice %arg3[%dma_start3A_278, %add3A_275, %dma_start3A_283] : memref<2x2560x125xi32, #tpu.memory_space<hbm>> -> memref<1x8x125xi32, #tpu.memory_space<hbm>>
          %dma_start3A_285 = tpu.memref_squeeze %dma_start3A_284 : memref<1x8x125xi32, #tpu.memory_space<hbm>> -> memref<8x125xi32, #tpu.memory_space<hbm>>
          %dma_start3A_286 = arith.constant 0 : i32
          %dma_start3A_287 = arith.constant 0 : i32
          %dma_start3A_288 = tpu.memref_slice %arg6[%sub3A_277, %dma_start3A_286, %dma_start3A_287] : memref<2x8x125xi32, #tpu.memory_space<vmem>> -> memref<1x8x125xi32, #tpu.memory_space<vmem>>
          %dma_start3A_289 = tpu.memref_squeeze %dma_start3A_288 : memref<1x8x125xi32, #tpu.memory_space<vmem>> -> memref<8x125xi32, #tpu.memory_space<vmem>>
          %dma_start3A_290 = arith.constant 0 : i32
          %dma_start3A_291 = tpu.memref_slice %arg3[%dma_start3A_278, %add3A_275, %dma_start3A_290] : memref<2x2560x125xi32, #tpu.memory_space<hbm>> -> memref<1x8x125xi32, #tpu.memory_space<hbm>>
          %dma_start3A_292 = tpu.memref_squeeze %dma_start3A_291 : memref<1x8x125xi32, #tpu.memory_space<hbm>> -> memref<8x125xi32, #tpu.memory_space<hbm>>
          tpu.enqueue_dma source(%dma_start3A_292 : memref<8x125xi32, #tpu.memory_space<hbm>>) target(%dma_start3A_289 : memref<8x125xi32, #tpu.memory_space<vmem>>) target_semaphore(%arg13 : memref<!tpu.dma_semaphore, #tpu.memory_space<semaphore_mem>>)
        } else {
        }
      } else {
      }
      %add3A_176 = arith.constant 1 : i32
      %add3A_177 = arith.addi %mul3A_135, %add3A_176 : i32
      %dma_start3A_178 = arith.constant 1 : i32
      %dma_start3A_179 = arith.constant 0 : i32
      %dma_start3A_180 = arith.constant 0 : i32
      %dma_start3A_181 = tpu.memref_slice %arg7[%dma_start3A_178, %dma_start3A_179, %dma_start3A_180] : memref<2x128x128xf32, #tpu.memory_space<vmem>> -> memref<1x125x128xf32, #tpu.memory_space<vmem>>
      %dma_start3A_182 = tpu.memref_squeeze %dma_start3A_181 : memref<1x125x128xf32, #tpu.memory_space<vmem>> -> memref<125x128xf32, #tpu.memory_space<vmem>>
      %dma_start3A_183 = arith.constant 0 : i32
      %dma_start3A_184 = tpu.memref_slice %arg5[%add3A_177, %dma_start3A_183] : memref<80x125xi32, #tpu.memory_space<vmem>> -> memref<1x125xi32, #tpu.memory_space<vmem>>
      %dma_start3A_185 = tpu.memref_squeeze %dma_start3A_184 : memref<1x125xi32, #tpu.memory_space<vmem>> -> memref<125xi32, #tpu.memory_space<vmem>>
      %dma_start3A_186 = arith.constant 0 : i32
      %dma_start3A_187 = arith.constant 0 : i32
      %dma_start3A_188 = tpu.memref_slice %arg2[%dma_start3A_186, %dma_start3A_187] : memref<10240x128xf32, #tpu.memory_space<hbm>> -> memref<10240x128xf32, #tpu.memory_space<hbm>>
      tpu.enqueue_indirect_dma source(%dma_start3A_188 : memref<10240x128xf32, #tpu.memory_space<hbm>>) target(%dma_start3A_182 : memref<125x128xf32, #tpu.memory_space<vmem>>) offsets(%dma_start3A_185 : memref<125xi32, #tpu.memory_space<vmem>>) semaphore(%arg10 : memref<!tpu.dma_semaphore, #tpu.memory_space<semaphore_mem>>)
      %dma_start3A_189 = arith.constant 0 : i32
      %dma_start3A_190 = arith.constant 0 : i32
      %dma_start3A_191 = arith.constant 0 : i32
      %dma_start3A_192 = tpu.memref_slice %arg7[%dma_start3A_189, %dma_start3A_190, %dma_start3A_191] : memref<2x128x128xf32, #tpu.memory_space<vmem>> -> memref<1x125x128xf32, #tpu.memory_space<vmem>>
      %dma_start3A_193 = tpu.memref_squeeze %dma_start3A_192 : memref<1x125x128xf32, #tpu.memory_space<vmem>> -> memref<125x128xf32, #tpu.memory_space<vmem>>
      %dma_start3A_194 = arith.constant 0 : i32
      %dma_start3A_195 = tpu.memref_slice %arg6[%rem3A_153, %rem3A_155, %dma_start3A_194] : memref<2x8x125xi32, #tpu.memory_space<vmem>> -> memref<1x1x125xi32, #tpu.memory_space<vmem>>
      %dma_start3A_196 = tpu.memref_squeeze %dma_start3A_195 : memref<1x1x125xi32, #tpu.memory_space<vmem>> -> memref<125xi32, #tpu.memory_space<vmem>>
      %dma_start3A_197 = arith.constant 0 : i32
      %dma_start3A_198 = arith.constant 0 : i32
      %dma_start3A_199 = tpu.memref_slice %arg8[%dma_start3A_197, %dma_start3A_198] : memref<10240x128xf32, #tpu.memory_space<vmem_shared>> -> memref<10240x128xf32, #tpu.memory_space<vmem_shared>>
      tpu.enqueue_indirect_dma source(%dma_start3A_193 : memref<125x128xf32, #tpu.memory_space<vmem>>) target(%dma_start3A_199 : memref<10240x128xf32, #tpu.memory_space<vmem_shared>>) offsets(%dma_start3A_196 : memref<125xi32, #tpu.memory_space<vmem>>) semaphore(%arg11 : memref<!tpu.dma_semaphore, #tpu.memory_space<semaphore_mem>>) {add = true}
      %add3A_200 = arith.constant 1 : i32
      %add3A_201 = arith.addi %mul3A_135, %add3A_200 : i32
      %dma_wait3A_202 = arith.constant 1 : i32
      %dma_wait3A_203 = arith.constant 0 : i32
      %dma_wait3A_204 = arith.constant 0 : i32
      %dma_wait3A_205 = tpu.memref_slice %arg7[%dma_wait3A_202, %dma_wait3A_203, %dma_wait3A_204] : memref<2x128x128xf32, #tpu.memory_space<vmem>> -> memref<1x125x128xf32, #tpu.memory_space<vmem>>
      %dma_wait3A_206 = tpu.memref_squeeze %dma_wait3A_205 : memref<1x125x128xf32, #tpu.memory_space<vmem>> -> memref<125x128xf32, #tpu.memory_space<vmem>>
      %dma_wait3A_207 = arith.constant 0 : i32
      %dma_wait3A_208 = tpu.memref_slice %arg5[%add3A_201, %dma_wait3A_207] : memref<80x125xi32, #tpu.memory_space<vmem>> -> memref<1x125xi32, #tpu.memory_space<vmem>>
      %dma_wait3A_209 = tpu.memref_squeeze %dma_wait3A_208 : memref<1x125xi32, #tpu.memory_space<vmem>> -> memref<125xi32, #tpu.memory_space<vmem>>
      %dma_wait3A_210 = arith.constant 0 : i32
      %dma_wait3A_211 = arith.constant 0 : i32
      %dma_wait3A_212 = tpu.memref_slice %arg2[%dma_wait3A_210, %dma_wait3A_211] : memref<10240x128xf32, #tpu.memory_space<hbm>> -> memref<10240x128xf32, #tpu.memory_space<hbm>>
      tpu.wait_indirect_dma semaphore(%arg10 : memref<!tpu.dma_semaphore, #tpu.memory_space<semaphore_mem>>) src(%dma_wait3A_212 : memref<10240x128xf32, #tpu.memory_space<hbm>>) dst(%dma_wait3A_206 : memref<125x128xf32, #tpu.memory_space<vmem>>)
      %dma_wait3A_213 = arith.constant 0 : i32
      %dma_wait3A_214 = arith.constant 0 : i32
      %dma_wait3A_215 = arith.constant 0 : i32
      %dma_wait3A_216 = arith.constant 0 : i32
      %dma_wait3A_217 = arith.constant 0 : i32
      %dma_wait3A_218 = tpu.memref_slice %arg7[%dma_wait3A_213, %dma_wait3A_216, %dma_wait3A_217] : memref<2x128x128xf32, #tpu.memory_space<vmem>> -> memref<1x125x128xf32, #tpu.memory_space<vmem>>
      %dma_wait3A_219 = tpu.memref_squeeze %dma_wait3A_218 : memref<1x125x128xf32, #tpu.memory_space<vmem>> -> memref<125x128xf32, #tpu.memory_space<vmem>>
      %dma_wait3A_220 = arith.constant 0 : i32
      %dma_wait3A_221 = tpu.memref_slice %arg6[%dma_wait3A_214, %dma_wait3A_215, %dma_wait3A_220] : memref<2x8x125xi32, #tpu.memory_space<vmem>> -> memref<1x1x125xi32, #tpu.memory_space<vmem>>
      %dma_wait3A_222 = tpu.memref_squeeze %dma_wait3A_221 : memref<1x1x125xi32, #tpu.memory_space<vmem>> -> memref<125xi32, #tpu.memory_space<vmem>>
      %dma_wait3A_223 = arith.constant 0 : i32
      %dma_wait3A_224 = arith.constant 0 : i32
      %dma_wait3A_225 = tpu.memref_slice %arg8[%dma_wait3A_223, %dma_wait3A_224] : memref<10240x128xf32, #tpu.memory_space<vmem_shared>> -> memref<10240x128xf32, #tpu.memory_space<vmem_shared>>
      tpu.wait_indirect_dma semaphore(%arg11 : memref<!tpu.dma_semaphore, #tpu.memory_space<semaphore_mem>>) src(%dma_wait3A_219 : memref<125x128xf32, #tpu.memory_space<vmem>>) dst(%dma_wait3A_225 : memref<10240x128xf32, #tpu.memory_space<vmem_shared>>)
      %add3A_226 = arith.constant 2 : i32
      %add3A_227 = arith.addi %mul3A_135, %add3A_226 : i32
      %lt3A = arith.constant 80 : i32
      %lt3A_228 = arith.cmpi slt, %add3A_227, %lt3A : i32
      %convert_element_type3A_229 = arith.extui %lt3A_228 : i1 to i32
      %cond3A_230 = arith.constant 0 : i32
      %cond3A_231 = arith.cmpi ne, %convert_element_type3A_229, %cond3A_230 : i32
      scf.if %cond3A_231 {
        %add3A_246 = arith.constant 2 : i32
        %add3A_247 = arith.addi %mul3A_135, %add3A_246 : i32
        %dma_start3A_248 = arith.constant 0 : i32
        %dma_start3A_249 = arith.constant 0 : i32
        %dma_start3A_250 = arith.constant 0 : i32
        %dma_start3A_251 = tpu.memref_slice %arg7[%dma_start3A_248, %dma_start3A_249, %dma_start3A_250] : memref<2x128x128xf32, #tpu.memory_space<vmem>> -> memref<1x125x128xf32, #tpu.memory_space<vmem>>
        %dma_start3A_252 = tpu.memref_squeeze %dma_start3A_251 : memref<1x125x128xf32, #tpu.memory_space<vmem>> -> memref<125x128xf32, #tpu.memory_space<vmem>>
        %dma_start3A_253 = arith.constant 0 : i32
        %dma_start3A_254 = tpu.memref_slice %arg5[%add3A_247, %dma_start3A_253] : memref<80x125xi32, #tpu.memory_space<vmem>> -> memref<1x125xi32, #tpu.memory_space<vmem>>
        %dma_start3A_255 = tpu.memref_squeeze %dma_start3A_254 : memref<1x125xi32, #tpu.memory_space<vmem>> -> memref<125xi32, #tpu.memory_space<vmem>>
        %dma_start3A_256 = arith.constant 0 : i32
        %dma_start3A_257 = arith.constant 0 : i32
        %dma_start3A_258 = tpu.memref_slice %arg2[%dma_start3A_256, %dma_start3A_257] : memref<10240x128xf32, #tpu.memory_space<hbm>> -> memref<10240x128xf32, #tpu.memory_space<hbm>>
        tpu.enqueue_indirect_dma source(%dma_start3A_258 : memref<10240x128xf32, #tpu.memory_space<hbm>>) target(%dma_start3A_252 : memref<125x128xf32, #tpu.memory_space<vmem>>) offsets(%dma_start3A_255 : memref<125xi32, #tpu.memory_space<vmem>>) semaphore(%arg9 : memref<!tpu.dma_semaphore, #tpu.memory_space<semaphore_mem>>)
      } else {
      }
      %add3A_232 = arith.constant 1 : i32
      %add3A_233 = arith.addi %rem3A_155, %add3A_232 : i32
      %dma_start3A_234 = arith.constant 1 : i32
      %dma_start3A_235 = arith.constant 0 : i32
      %dma_start3A_236 = arith.constant 0 : i32
      %dma_start3A_237 = tpu.memref_slice %arg7[%dma_start3A_234, %dma_start3A_235, %dma_start3A_236] : memref<2x128x128xf32, #tpu.memory_space<vmem>> -> memref<1x125x128xf32, #tpu.memory_space<vmem>>
      %dma_start3A_238 = tpu.memref_squeeze %dma_start3A_237 : memref<1x125x128xf32, #tpu.memory_space<vmem>> -> memref<125x128xf32, #tpu.memory_space<vmem>>
      %dma_start3A_239 = arith.constant 0 : i32
      %dma_start3A_240 = tpu.memref_slice %arg6[%rem3A_153, %add3A_233, %dma_start3A_239] : memref<2x8x125xi32, #tpu.memory_space<vmem>> -> memref<1x1x125xi32, #tpu.memory_space<vmem>>
      %dma_start3A_241 = tpu.memref_squeeze %dma_start3A_240 : memref<1x1x125xi32, #tpu.memory_space<vmem>> -> memref<125xi32, #tpu.memory_space<vmem>>
      %dma_start3A_242 = arith.constant 0 : i32
      %dma_start3A_243 = arith.constant 0 : i32
      %dma_start3A_244 = tpu.memref_slice %arg8[%dma_start3A_242, %dma_start3A_243] : memref<10240x128xf32, #tpu.memory_space<vmem_shared>> -> memref<10240x128xf32, #tpu.memory_space<vmem_shared>>
      tpu.enqueue_indirect_dma source(%dma_start3A_238 : memref<125x128xf32, #tpu.memory_space<vmem>>) target(%dma_start3A_244 : memref<10240x128xf32, #tpu.memory_space<vmem_shared>>) offsets(%dma_start3A_241 : memref<125xi32, #tpu.memory_space<vmem>>) semaphore(%arg12 : memref<!tpu.dma_semaphore, #tpu.memory_space<semaphore_mem>>) {add = true}
      %scan3A_245 = arith.constant 0 : i32
      scf.yield %scan3A_245 : i32
    }
    %scan3A_113 = arith.constant 40 : i32
    %dma_wait3A_114 = arith.constant 1 : i32
    %dma_wait3A_115 = arith.constant 0 : i32
    %dma_wait3A_116 = arith.constant 0 : i32
    %dma_wait3A_117 = arith.constant 0 : i32
    %dma_wait3A_118 = arith.constant 0 : i32
    %dma_wait3A_119 = tpu.memref_slice %arg7[%dma_wait3A_114, %dma_wait3A_117, %dma_wait3A_118] : memref<2x128x128xf32, #tpu.memory_space<vmem>> -> memref<1x125x128xf32, #tpu.memory_space<vmem>>
    %dma_wait3A_120 = tpu.memref_squeeze %dma_wait3A_119 : memref<1x125x128xf32, #tpu.memory_space<vmem>> -> memref<125x128xf32, #tpu.memory_space<vmem>>
    %dma_wait3A_121 = arith.constant 0 : i32
    %dma_wait3A_122 = tpu.memref_slice %arg6[%dma_wait3A_115, %dma_wait3A_116, %dma_wait3A_121] : memref<2x8x125xi32, #tpu.memory_space<vmem>> -> memref<1x1x125xi32, #tpu.memory_space<vmem>>
    %dma_wait3A_123 = tpu.memref_squeeze %dma_wait3A_122 : memref<1x1x125xi32, #tpu.memory_space<vmem>> -> memref<125xi32, #tpu.memory_space<vmem>>
    %dma_wait3A_124 = arith.constant 0 : i32
    %dma_wait3A_125 = arith.constant 0 : i32
    %dma_wait3A_126 = tpu.memref_slice %arg8[%dma_wait3A_124, %dma_wait3A_125] : memref<10240x128xf32, #tpu.memory_space<vmem_shared>> -> memref<10240x128xf32, #tpu.memory_space<vmem_shared>>
    tpu.wait_indirect_dma semaphore(%arg12 : memref<!tpu.dma_semaphore, #tpu.memory_space<semaphore_mem>>) src(%dma_wait3A_120 : memref<125x128xf32, #tpu.memory_space<vmem>>) dst(%dma_wait3A_126 : memref<10240x128xf32, #tpu.memory_space<vmem_shared>>)
    %barrier3A_127 = arith.constant 0 : index
    tpu.barrier barrier_id(%barrier3A_127)
    %mul3A_128 = arith.constant 640 : i32
    %mul3A_129 = arith.muli %arg1, %mul3A_128 : i32
    %mul3A_130 = arith.constant 640 : i32
    %mul3A_131 = arith.muli %arg1, %mul3A_130 : i32
    "tpu.region"() ({
      %run_scoped3A_132 = tpu.sem_alloc : memref<!tpu.dma_semaphore, #tpu.memory_space<semaphore_mem>>
      %dma_start3A_133 = arith.constant 0 : i32
      %dma_start3A_134 = tpu.memref_slice %arg4[%arg0, %mul3A_131, %dma_start3A_133] : memref<2x10240x128xf32, #tpu.memory_space<hbm>> -> memref<1x640x128xf32, #tpu.memory_space<hbm>>
      %dma_start3A_135 = tpu.memref_squeeze %dma_start3A_134 : memref<1x640x128xf32, #tpu.memory_space<hbm>> -> memref<640x128xf32, #tpu.memory_space<hbm>>
      %dma_start3A_136 = arith.constant 0 : i32
      %dma_start3A_137 = tpu.memref_slice %arg8[%mul3A_129, %dma_start3A_136] : memref<10240x128xf32, #tpu.memory_space<vmem_shared>> -> memref<640x128xf32, #tpu.memory_space<vmem_shared>>
      tpu.enqueue_dma source(%dma_start3A_137 : memref<640x128xf32, #tpu.memory_space<vmem_shared>>) target(%dma_start3A_135 : memref<640x128xf32, #tpu.memory_space<hbm>>) target_semaphore(%run_scoped3A_132 : memref<!tpu.dma_semaphore, #tpu.memory_space<semaphore_mem>>)
      %dma_wait3A_138 = arith.constant 0 : i32
      %dma_wait3A_139 = tpu.memref_slice %arg4[%arg0, %mul3A_131, %dma_wait3A_138] : memref<2x10240x128xf32, #tpu.memory_space<hbm>> -> memref<1x640x128xf32, #tpu.memory_space<hbm>>
      %dma_wait3A_140 = tpu.memref_squeeze %dma_wait3A_139 : memref<1x640x128xf32, #tpu.memory_space<hbm>> -> memref<640x128xf32, #tpu.memory_space<hbm>>
      %dma_wait3A_141 = arith.constant 0 : i32
      %dma_wait3A_142 = tpu.memref_slice %arg8[%mul3A_129, %dma_wait3A_141] : memref<10240x128xf32, #tpu.memory_space<vmem_shared>> -> memref<640x128xf32, #tpu.memory_space<vmem_shared>>
      tpu.wait_dma2 semaphore(%run_scoped3A_132 : memref<!tpu.dma_semaphore, #tpu.memory_space<semaphore_mem>>) src(%dma_wait3A_142 : memref<640x128xf32, #tpu.memory_space<vmem_shared>>) dst(%dma_wait3A_140 : memref<640x128xf32, #tpu.memory_space<hbm>>)
      tpu.yield
    }) : () -> ()
    return
  }
}

#map = affine_map<(d0, d1) -> (0, 0, 0)>
module attributes {stable_mosaic.version = 14 : i64} {
  func.func @_deg_body(%arg0: i32, %arg1: i32, %arg2: memref<2x2560x125xi32, #tpu.memory_space<hbm>>, %arg3: memref<2x10240x128xf32, #tpu.memory_space<hbm>>, %arg4: memref<80x125xi32, #tpu.memory_space<vmem>>, %arg5: memref<128x128xf32, #tpu.memory_space<vmem>>, %arg6: memref<10240x128xf32, #tpu.memory_space<vmem_shared>>, %arg7: memref<!tpu.dma_semaphore, #tpu.memory_space<semaphore_mem>>, %arg8: memref<!tpu.dma_semaphore, #tpu.memory_space<semaphore_mem>>) attributes {dimension_semantics = [#tpu.dimension_semantics<core_parallel>, #tpu.dimension_semantics<subcore_parallel>], iteration_bounds = array<i64: 2, 16>, scalar_prefetch = 0 : i64, scratch_operands = 5 : i64, tpu.core_type = #tpu.core_type<sc_vector_subcore>, window_params = [{transform_indices = #map}, {transform_indices = #map}]} {
    %mul3A = arith.constant 2 : i32
    %mul3A_0 = arith.muli %arg1, %mul3A : i32
    %add3A = arith.addi %mul3A_0, %arg0 : i32
    %mul3A_1 = arith.constant 80 : i32
    %mul3A_2 = arith.muli %add3A, %mul3A_1 : i32
    %dma_start3A = arith.constant 1 : i32
    %dma_start3A_3 = arith.constant 0 : i32
    %dma_start3A_4 = tpu.memref_slice %arg2[%dma_start3A, %mul3A_2, %dma_start3A_3] : memref<2x2560x125xi32, #tpu.memory_space<hbm>> -> memref<1x80x125xi32, #tpu.memory_space<hbm>>
    %dma_start3A_5 = tpu.memref_squeeze %dma_start3A_4 : memref<1x80x125xi32, #tpu.memory_space<hbm>> -> memref<80x125xi32, #tpu.memory_space<hbm>>
    %dma_start3A_6 = arith.constant 0 : i32
    %dma_start3A_7 = tpu.memref_slice %arg2[%dma_start3A, %mul3A_2, %dma_start3A_6] : memref<2x2560x125xi32, #tpu.memory_space<hbm>> -> memref<1x80x125xi32, #tpu.memory_space<hbm>>
    %dma_start3A_8 = tpu.memref_squeeze %dma_start3A_7 : memref<1x80x125xi32, #tpu.memory_space<hbm>> -> memref<80x125xi32, #tpu.memory_space<hbm>>
    tpu.enqueue_dma source(%dma_start3A_8 : memref<80x125xi32, #tpu.memory_space<hbm>>) target(%arg4 : memref<80x125xi32, #tpu.memory_space<vmem>>) target_semaphore(%arg8 : memref<!tpu.dma_semaphore, #tpu.memory_space<semaphore_mem>>)
    %scan3A = arith.constant 0 : i32
    %scan3A_9 = arith.constant 0 : i32
    %scan3A_10 = arith.constant 1024 : i32
    %scan3A_11 = arith.addi %scan3A_9, %scan3A_10 : i32
    %scan3A_12 = arith.constant 8 : i32
    %scan3A_13 = scf.for %scan3A_90 = %scan3A_9 to %scan3A_11 step %scan3A_12 iter_args(%scan3A_91 = %scan3A) -> (i32)  : i32 {
      %jit3A = arith.constant 8 : i32
      %div3A = arith.divsi %scan3A_90, %jit3A : i32
      %sign3A = arith.constant 0 : i32
      %sign3A_92 = arith.cmpi sgt, %scan3A_90, %sign3A : i32
      %sign3A_93 = arith.extui %sign3A_92 : i1 to i32
      %sign3A_94 = arith.constant 0 : i32
      %sign3A_95 = arith.cmpi slt, %scan3A_90, %sign3A_94 : i32
      %sign3A_96 = arith.extui %sign3A_95 : i1 to i32
      %sign3A_97 = arith.subi %sign3A_93, %sign3A_96 : i32
      %sign3A_98 = arith.constant 0 : i32
      %sign3A_99 = arith.cmpi sgt, %jit3A, %sign3A_98 : i32
      %sign3A_100 = arith.extui %sign3A_99 : i1 to i32
      %sign3A_101 = arith.constant 0 : i32
      %sign3A_102 = arith.cmpi slt, %jit3A, %sign3A_101 : i32
      %sign3A_103 = arith.extui %sign3A_102 : i1 to i32
      %sign3A_104 = arith.subi %sign3A_100, %sign3A_103 : i32
      %ne3A = arith.cmpi ne, %sign3A_97, %sign3A_104 : i32
      %rem3A = arith.remsi %scan3A_90, %jit3A : i32
      %ne3A_105 = arith.constant 0 : i32
      %ne3A_106 = arith.cmpi ne, %rem3A, %ne3A_105 : i32
      %and3A = arith.andi %ne3A, %ne3A_106 : i1
      %sub3A = arith.constant 1 : i32
      %sub3A_107 = arith.subi %div3A, %sub3A : i32
      %select_n3A = arith.select %and3A, %sub3A_107, %div3A : i32
      %rem3A_108 = arith.constant 8 : i32
      %rem3A_109 = arith.remsi %scan3A_90, %rem3A_108 : i32
      %mul3A_110 = arith.constant 16 : i32
      %mul3A_111 = arith.muli %rem3A_109, %mul3A_110 : i32
      %broadcast_in_dim3A = arith.constant 0.000000e+00 : f32
      %broadcast_in_dim3A_112 = vector.broadcast %broadcast_in_dim3A : f32 to vector<16xf32>
      %swap3A = arith.index_cast %select_n3A : i32 to index
      %swap3A_113 = arith.index_cast %mul3A_111 : i32 to index
      %swap3A_114 = tpu.vector_load %arg5[%swap3A, %swap3A_113] {strides = array<i32>} : memref<128x128xf32, #tpu.memory_space<vmem>>, vector<1x16xf32>,
      %swap3A_115 = vector.shape_cast %swap3A_114 : vector<1x16xf32> to vector<16xf32>
      %swap3A_116 = vector.shape_cast %broadcast_in_dim3A_112 : vector<16xf32> to vector<1x16xf32>
      tpu.vector_store %arg5[%swap3A, %swap3A_113], %swap3A_116 {strides = array<i32>} : memref<128x128xf32, #tpu.memory_space<vmem>>, vector<1x16xf32>,
      %scan3A_117 = arith.constant 0 : i32
      %scan3A_118 = arith.constant 1 : i32
      %scan3A_119 = arith.addi %scan3A_90, %scan3A_118 : i32
      %jit3A_120 = arith.constant 8 : i32
      %div3A_121 = arith.divsi %scan3A_119, %jit3A_120 : i32
      %sign3A_122 = arith.constant 0 : i32
      %sign3A_123 = arith.cmpi sgt, %scan3A_119, %sign3A_122 : i32
      %sign3A_124 = arith.extui %sign3A_123 : i1 to i32
      %sign3A_125 = arith.constant 0 : i32
      %sign3A_126 = arith.cmpi slt, %scan3A_119, %sign3A_125 : i32
      %sign3A_127 = arith.extui %sign3A_126 : i1 to i32
      %sign3A_128 = arith.subi %sign3A_124, %sign3A_127 : i32
      %sign3A_129 = arith.constant 0 : i32
      %sign3A_130 = arith.cmpi sgt, %jit3A_120, %sign3A_129 : i32
      %sign3A_131 = arith.extui %sign3A_130 : i1 to i32
      %sign3A_132 = arith.constant 0 : i32
      %sign3A_133 = arith.cmpi slt, %jit3A_120, %sign3A_132 : i32
      %sign3A_134 = arith.extui %sign3A_133 : i1 to i32
      %sign3A_135 = arith.subi %sign3A_131, %sign3A_134 : i32
      %ne3A_136 = arith.cmpi ne, %sign3A_128, %sign3A_135 : i32
      %rem3A_137 = arith.remsi %scan3A_119, %jit3A_120 : i32
      %ne3A_138 = arith.constant 0 : i32
      %ne3A_139 = arith.cmpi ne, %rem3A_137, %ne3A_138 : i32
      %and3A_140 = arith.andi %ne3A_136, %ne3A_139 : i1
      %sub3A_141 = arith.constant 1 : i32
      %sub3A_142 = arith.subi %div3A_121, %sub3A_141 : i32
      %select_n3A_143 = arith.select %and3A_140, %sub3A_142, %div3A_121 : i32
      %rem3A_144 = arith.constant 8 : i32
      %rem3A_145 = arith.remsi %scan3A_119, %rem3A_144 : i32
      %mul3A_146 = arith.constant 16 : i32
      %mul3A_147 = arith.muli %rem3A_145, %mul3A_146 : i32
      %broadcast_in_dim3A_148 = arith.constant 0.000000e+00 : f32
      %broadcast_in_dim3A_149 = vector.broadcast %broadcast_in_dim3A_148 : f32 to vector<16xf32>
      %swap3A_150 = arith.index_cast %select_n3A_143 : i32 to index
      %swap3A_151 = arith.index_cast %mul3A_147 : i32 to index
      %swap3A_152 = tpu.vector_load %arg5[%swap3A_150, %swap3A_151] {strides = array<i32>} : memref<128x128xf32, #tpu.memory_space<vmem>>, vector<1x16xf32>,
      %swap3A_153 = vector.shape_cast %swap3A_152 : vector<1x16xf32> to vector<16xf32>
      %swap3A_154 = vector.shape_cast %broadcast_in_dim3A_149 : vector<16xf32> to vector<1x16xf32>
      tpu.vector_store %arg5[%swap3A_150, %swap3A_151], %swap3A_154 {strides = array<i32>} : memref<128x128xf32, #tpu.memory_space<vmem>>, vector<1x16xf32>,
      %scan3A_155 = arith.constant 0 : i32
      %scan3A_156 = arith.constant 2 : i32
      %scan3A_157 = arith.addi %scan3A_90, %scan3A_156 : i32
      %jit3A_158 = arith.constant 8 : i32
      %div3A_159 = arith.divsi %scan3A_157, %jit3A_158 : i32
      %sign3A_160 = arith.constant 0 : i32
      %sign3A_161 = arith.cmpi sgt, %scan3A_157, %sign3A_160 : i32
      %sign3A_162 = arith.extui %sign3A_161 : i1 to i32
      %sign3A_163 = arith.constant 0 : i32
      %sign3A_164 = arith.cmpi slt, %scan3A_157, %sign3A_163 : i32
      %sign3A_165 = arith.extui %sign3A_164 : i1 to i32
      %sign3A_166 = arith.subi %sign3A_162, %sign3A_165 : i32
      %sign3A_167 = arith.constant 0 : i32
      %sign3A_168 = arith.cmpi sgt, %jit3A_158, %sign3A_167 : i32
      %sign3A_169 = arith.extui %sign3A_168 : i1 to i32
      %sign3A_170 = arith.constant 0 : i32
      %sign3A_171 = arith.cmpi slt, %jit3A_158, %sign3A_170 : i32
      %sign3A_172 = arith.extui %sign3A_171 : i1 to i32
      %sign3A_173 = arith.subi %sign3A_169, %sign3A_172 : i32
      %ne3A_174 = arith.cmpi ne, %sign3A_166, %sign3A_173 : i32
      %rem3A_175 = arith.remsi %scan3A_157, %jit3A_158 : i32
      %ne3A_176 = arith.constant 0 : i32
      %ne3A_177 = arith.cmpi ne, %rem3A_175, %ne3A_176 : i32
      %and3A_178 = arith.andi %ne3A_174, %ne3A_177 : i1
      %sub3A_179 = arith.constant 1 : i32
      %sub3A_180 = arith.subi %div3A_159, %sub3A_179 : i32
      %select_n3A_181 = arith.select %and3A_178, %sub3A_180, %div3A_159 : i32
      %rem3A_182 = arith.constant 8 : i32
      %rem3A_183 = arith.remsi %scan3A_157, %rem3A_182 : i32
      %mul3A_184 = arith.constant 16 : i32
      %mul3A_185 = arith.muli %rem3A_183, %mul3A_184 : i32
      %broadcast_in_dim3A_186 = arith.constant 0.000000e+00 : f32
      %broadcast_in_dim3A_187 = vector.broadcast %broadcast_in_dim3A_186 : f32 to vector<16xf32>
      %swap3A_188 = arith.index_cast %select_n3A_181 : i32 to index
      %swap3A_189 = arith.index_cast %mul3A_185 : i32 to index
      %swap3A_190 = tpu.vector_load %arg5[%swap3A_188, %swap3A_189] {strides = array<i32>} : memref<128x128xf32, #tpu.memory_space<vmem>>, vector<1x16xf32>,
      %swap3A_191 = vector.shape_cast %swap3A_190 : vector<1x16xf32> to vector<16xf32>
      %swap3A_192 = vector.shape_cast %broadcast_in_dim3A_187 : vector<16xf32> to vector<1x16xf32>
      tpu.vector_store %arg5[%swap3A_188, %swap3A_189], %swap3A_192 {strides = array<i32>} : memref<128x128xf32, #tpu.memory_space<vmem>>, vector<1x16xf32>,
      %scan3A_193 = arith.constant 0 : i32
      %scan3A_194 = arith.constant 3 : i32
      %scan3A_195 = arith.addi %scan3A_90, %scan3A_194 : i32
      %jit3A_196 = arith.constant 8 : i32
      %div3A_197 = arith.divsi %scan3A_195, %jit3A_196 : i32
      %sign3A_198 = arith.constant 0 : i32
      %sign3A_199 = arith.cmpi sgt, %scan3A_195, %sign3A_198 : i32
      %sign3A_200 = arith.extui %sign3A_199 : i1 to i32
      %sign3A_201 = arith.constant 0 : i32
      %sign3A_202 = arith.cmpi slt, %scan3A_195, %sign3A_201 : i32
      %sign3A_203 = arith.extui %sign3A_202 : i1 to i32
      %sign3A_204 = arith.subi %sign3A_200, %sign3A_203 : i32
      %sign3A_205 = arith.constant 0 : i32
      %sign3A_206 = arith.cmpi sgt, %jit3A_196, %sign3A_205 : i32
      %sign3A_207 = arith.extui %sign3A_206 : i1 to i32
      %sign3A_208 = arith.constant 0 : i32
      %sign3A_209 = arith.cmpi slt, %jit3A_196, %sign3A_208 : i32
      %sign3A_210 = arith.extui %sign3A_209 : i1 to i32
      %sign3A_211 = arith.subi %sign3A_207, %sign3A_210 : i32
      %ne3A_212 = arith.cmpi ne, %sign3A_204, %sign3A_211 : i32
      %rem3A_213 = arith.remsi %scan3A_195, %jit3A_196 : i32
      %ne3A_214 = arith.constant 0 : i32
      %ne3A_215 = arith.cmpi ne, %rem3A_213, %ne3A_214 : i32
      %and3A_216 = arith.andi %ne3A_212, %ne3A_215 : i1
      %sub3A_217 = arith.constant 1 : i32
      %sub3A_218 = arith.subi %div3A_197, %sub3A_217 : i32
      %select_n3A_219 = arith.select %and3A_216, %sub3A_218, %div3A_197 : i32
      %rem3A_220 = arith.constant 8 : i32
      %rem3A_221 = arith.remsi %scan3A_195, %rem3A_220 : i32
      %mul3A_222 = arith.constant 16 : i32
      %mul3A_223 = arith.muli %rem3A_221, %mul3A_222 : i32
      %broadcast_in_dim3A_224 = arith.constant 0.000000e+00 : f32
      %broadcast_in_dim3A_225 = vector.broadcast %broadcast_in_dim3A_224 : f32 to vector<16xf32>
      %swap3A_226 = arith.index_cast %select_n3A_219 : i32 to index
      %swap3A_227 = arith.index_cast %mul3A_223 : i32 to index
      %swap3A_228 = tpu.vector_load %arg5[%swap3A_226, %swap3A_227] {strides = array<i32>} : memref<128x128xf32, #tpu.memory_space<vmem>>, vector<1x16xf32>,
      %swap3A_229 = vector.shape_cast %swap3A_228 : vector<1x16xf32> to vector<16xf32>
      %swap3A_230 = vector.shape_cast %broadcast_in_dim3A_225 : vector<16xf32> to vector<1x16xf32>
      tpu.vector_store %arg5[%swap3A_226, %swap3A_227], %swap3A_230 {strides = array<i32>} : memref<128x128xf32, #tpu.memory_space<vmem>>, vector<1x16xf32>,
      %scan3A_231 = arith.constant 0 : i32
      %scan3A_232 = arith.constant 4 : i32
      %scan3A_233 = arith.addi %scan3A_90, %scan3A_232 : i32
      %jit3A_234 = arith.constant 8 : i32
      %div3A_235 = arith.divsi %scan3A_233, %jit3A_234 : i32
      %sign3A_236 = arith.constant 0 : i32
      %sign3A_237 = arith.cmpi sgt, %scan3A_233, %sign3A_236 : i32
      %sign3A_238 = arith.extui %sign3A_237 : i1 to i32
      %sign3A_239 = arith.constant 0 : i32
      %sign3A_240 = arith.cmpi slt, %scan3A_233, %sign3A_239 : i32
      %sign3A_241 = arith.extui %sign3A_240 : i1 to i32
      %sign3A_242 = arith.subi %sign3A_238, %sign3A_241 : i32
      %sign3A_243 = arith.constant 0 : i32
      %sign3A_244 = arith.cmpi sgt, %jit3A_234, %sign3A_243 : i32
      %sign3A_245 = arith.extui %sign3A_244 : i1 to i32
      %sign3A_246 = arith.constant 0 : i32
      %sign3A_247 = arith.cmpi slt, %jit3A_234, %sign3A_246 : i32
      %sign3A_248 = arith.extui %sign3A_247 : i1 to i32
      %sign3A_249 = arith.subi %sign3A_245, %sign3A_248 : i32
      %ne3A_250 = arith.cmpi ne, %sign3A_242, %sign3A_249 : i32
      %rem3A_251 = arith.remsi %scan3A_233, %jit3A_234 : i32
      %ne3A_252 = arith.constant 0 : i32
      %ne3A_253 = arith.cmpi ne, %rem3A_251, %ne3A_252 : i32
      %and3A_254 = arith.andi %ne3A_250, %ne3A_253 : i1
      %sub3A_255 = arith.constant 1 : i32
      %sub3A_256 = arith.subi %div3A_235, %sub3A_255 : i32
      %select_n3A_257 = arith.select %and3A_254, %sub3A_256, %div3A_235 : i32
      %rem3A_258 = arith.constant 8 : i32
      %rem3A_259 = arith.remsi %scan3A_233, %rem3A_258 : i32
      %mul3A_260 = arith.constant 16 : i32
      %mul3A_261 = arith.muli %rem3A_259, %mul3A_260 : i32
      %broadcast_in_dim3A_262 = arith.constant 0.000000e+00 : f32
      %broadcast_in_dim3A_263 = vector.broadcast %broadcast_in_dim3A_262 : f32 to vector<16xf32>
      %swap3A_264 = arith.index_cast %select_n3A_257 : i32 to index
      %swap3A_265 = arith.index_cast %mul3A_261 : i32 to index
      %swap3A_266 = tpu.vector_load %arg5[%swap3A_264, %swap3A_265] {strides = array<i32>} : memref<128x128xf32, #tpu.memory_space<vmem>>, vector<1x16xf32>,
      %swap3A_267 = vector.shape_cast %swap3A_266 : vector<1x16xf32> to vector<16xf32>
      %swap3A_268 = vector.shape_cast %broadcast_in_dim3A_263 : vector<16xf32> to vector<1x16xf32>
      tpu.vector_store %arg5[%swap3A_264, %swap3A_265], %swap3A_268 {strides = array<i32>} : memref<128x128xf32, #tpu.memory_space<vmem>>, vector<1x16xf32>,
      %scan3A_269 = arith.constant 0 : i32
      %scan3A_270 = arith.constant 5 : i32
      %scan3A_271 = arith.addi %scan3A_90, %scan3A_270 : i32
      %jit3A_272 = arith.constant 8 : i32
      %div3A_273 = arith.divsi %scan3A_271, %jit3A_272 : i32
      %sign3A_274 = arith.constant 0 : i32
      %sign3A_275 = arith.cmpi sgt, %scan3A_271, %sign3A_274 : i32
      %sign3A_276 = arith.extui %sign3A_275 : i1 to i32
      %sign3A_277 = arith.constant 0 : i32
      %sign3A_278 = arith.cmpi slt, %scan3A_271, %sign3A_277 : i32
      %sign3A_279 = arith.extui %sign3A_278 : i1 to i32
      %sign3A_280 = arith.subi %sign3A_276, %sign3A_279 : i32
      %sign3A_281 = arith.constant 0 : i32
      %sign3A_282 = arith.cmpi sgt, %jit3A_272, %sign3A_281 : i32
      %sign3A_283 = arith.extui %sign3A_282 : i1 to i32
      %sign3A_284 = arith.constant 0 : i32
      %sign3A_285 = arith.cmpi slt, %jit3A_272, %sign3A_284 : i32
      %sign3A_286 = arith.extui %sign3A_285 : i1 to i32
      %sign3A_287 = arith.subi %sign3A_283, %sign3A_286 : i32
      %ne3A_288 = arith.cmpi ne, %sign3A_280, %sign3A_287 : i32
      %rem3A_289 = arith.remsi %scan3A_271, %jit3A_272 : i32
      %ne3A_290 = arith.constant 0 : i32
      %ne3A_291 = arith.cmpi ne, %rem3A_289, %ne3A_290 : i32
      %and3A_292 = arith.andi %ne3A_288, %ne3A_291 : i1
      %sub3A_293 = arith.constant 1 : i32
      %sub3A_294 = arith.subi %div3A_273, %sub3A_293 : i32
      %select_n3A_295 = arith.select %and3A_292, %sub3A_294, %div3A_273 : i32
      %rem3A_296 = arith.constant 8 : i32
      %rem3A_297 = arith.remsi %scan3A_271, %rem3A_296 : i32
      %mul3A_298 = arith.constant 16 : i32
      %mul3A_299 = arith.muli %rem3A_297, %mul3A_298 : i32
      %broadcast_in_dim3A_300 = arith.constant 0.000000e+00 : f32
      %broadcast_in_dim3A_301 = vector.broadcast %broadcast_in_dim3A_300 : f32 to vector<16xf32>
      %swap3A_302 = arith.index_cast %select_n3A_295 : i32 to index
      %swap3A_303 = arith.index_cast %mul3A_299 : i32 to index
      %swap3A_304 = tpu.vector_load %arg5[%swap3A_302, %swap3A_303] {strides = array<i32>} : memref<128x128xf32, #tpu.memory_space<vmem>>, vector<1x16xf32>,
      %swap3A_305 = vector.shape_cast %swap3A_304 : vector<1x16xf32> to vector<16xf32>
      %swap3A_306 = vector.shape_cast %broadcast_in_dim3A_301 : vector<16xf32> to vector<1x16xf32>
      tpu.vector_store %arg5[%swap3A_302, %swap3A_303], %swap3A_306 {strides = array<i32>} : memref<128x128xf32, #tpu.memory_space<vmem>>, vector<1x16xf32>,
      %scan3A_307 = arith.constant 0 : i32
      %scan3A_308 = arith.constant 6 : i32
      %scan3A_309 = arith.addi %scan3A_90, %scan3A_308 : i32
      %jit3A_310 = arith.constant 8 : i32
      %div3A_311 = arith.divsi %scan3A_309, %jit3A_310 : i32
      %sign3A_312 = arith.constant 0 : i32
      %sign3A_313 = arith.cmpi sgt, %scan3A_309, %sign3A_312 : i32
      %sign3A_314 = arith.extui %sign3A_313 : i1 to i32
      %sign3A_315 = arith.constant 0 : i32
      %sign3A_316 = arith.cmpi slt, %scan3A_309, %sign3A_315 : i32
      %sign3A_317 = arith.extui %sign3A_316 : i1 to i32
      %sign3A_318 = arith.subi %sign3A_314, %sign3A_317 : i32
      %sign3A_319 = arith.constant 0 : i32
      %sign3A_320 = arith.cmpi sgt, %jit3A_310, %sign3A_319 : i32
      %sign3A_321 = arith.extui %sign3A_320 : i1 to i32
      %sign3A_322 = arith.constant 0 : i32
      %sign3A_323 = arith.cmpi slt, %jit3A_310, %sign3A_322 : i32
      %sign3A_324 = arith.extui %sign3A_323 : i1 to i32
      %sign3A_325 = arith.subi %sign3A_321, %sign3A_324 : i32
      %ne3A_326 = arith.cmpi ne, %sign3A_318, %sign3A_325 : i32
      %rem3A_327 = arith.remsi %scan3A_309, %jit3A_310 : i32
      %ne3A_328 = arith.constant 0 : i32
      %ne3A_329 = arith.cmpi ne, %rem3A_327, %ne3A_328 : i32
      %and3A_330 = arith.andi %ne3A_326, %ne3A_329 : i1
      %sub3A_331 = arith.constant 1 : i32
      %sub3A_332 = arith.subi %div3A_311, %sub3A_331 : i32
      %select_n3A_333 = arith.select %and3A_330, %sub3A_332, %div3A_311 : i32
      %rem3A_334 = arith.constant 8 : i32
      %rem3A_335 = arith.remsi %scan3A_309, %rem3A_334 : i32
      %mul3A_336 = arith.constant 16 : i32
      %mul3A_337 = arith.muli %rem3A_335, %mul3A_336 : i32
      %broadcast_in_dim3A_338 = arith.constant 0.000000e+00 : f32
      %broadcast_in_dim3A_339 = vector.broadcast %broadcast_in_dim3A_338 : f32 to vector<16xf32>
      %swap3A_340 = arith.index_cast %select_n3A_333 : i32 to index
      %swap3A_341 = arith.index_cast %mul3A_337 : i32 to index
      %swap3A_342 = tpu.vector_load %arg5[%swap3A_340, %swap3A_341] {strides = array<i32>} : memref<128x128xf32, #tpu.memory_space<vmem>>, vector<1x16xf32>,
      %swap3A_343 = vector.shape_cast %swap3A_342 : vector<1x16xf32> to vector<16xf32>
      %swap3A_344 = vector.shape_cast %broadcast_in_dim3A_339 : vector<16xf32> to vector<1x16xf32>
      tpu.vector_store %arg5[%swap3A_340, %swap3A_341], %swap3A_344 {strides = array<i32>} : memref<128x128xf32, #tpu.memory_space<vmem>>, vector<1x16xf32>,
      %scan3A_345 = arith.constant 0 : i32
      %scan3A_346 = arith.constant 7 : i32
      %scan3A_347 = arith.addi %scan3A_90, %scan3A_346 : i32
      %jit3A_348 = arith.constant 8 : i32
      %div3A_349 = arith.divsi %scan3A_347, %jit3A_348 : i32
      %sign3A_350 = arith.constant 0 : i32
      %sign3A_351 = arith.cmpi sgt, %scan3A_347, %sign3A_350 : i32
      %sign3A_352 = arith.extui %sign3A_351 : i1 to i32
      %sign3A_353 = arith.constant 0 : i32
      %sign3A_354 = arith.cmpi slt, %scan3A_347, %sign3A_353 : i32
      %sign3A_355 = arith.extui %sign3A_354 : i1 to i32
      %sign3A_356 = arith.subi %sign3A_352, %sign3A_355 : i32
      %sign3A_357 = arith.constant 0 : i32
      %sign3A_358 = arith.cmpi sgt, %jit3A_348, %sign3A_357 : i32
      %sign3A_359 = arith.extui %sign3A_358 : i1 to i32
      %sign3A_360 = arith.constant 0 : i32
      %sign3A_361 = arith.cmpi slt, %jit3A_348, %sign3A_360 : i32
      %sign3A_362 = arith.extui %sign3A_361 : i1 to i32
      %sign3A_363 = arith.subi %sign3A_359, %sign3A_362 : i32
      %ne3A_364 = arith.cmpi ne, %sign3A_356, %sign3A_363 : i32
      %rem3A_365 = arith.remsi %scan3A_347, %jit3A_348 : i32
      %ne3A_366 = arith.constant 0 : i32
      %ne3A_367 = arith.cmpi ne, %rem3A_365, %ne3A_366 : i32
      %and3A_368 = arith.andi %ne3A_364, %ne3A_367 : i1
      %sub3A_369 = arith.constant 1 : i32
      %sub3A_370 = arith.subi %div3A_349, %sub3A_369 : i32
      %select_n3A_371 = arith.select %and3A_368, %sub3A_370, %div3A_349 : i32
      %rem3A_372 = arith.constant 8 : i32
      %rem3A_373 = arith.remsi %scan3A_347, %rem3A_372 : i32
      %mul3A_374 = arith.constant 16 : i32
      %mul3A_375 = arith.muli %rem3A_373, %mul3A_374 : i32
      %broadcast_in_dim3A_376 = arith.constant 0.000000e+00 : f32
      %broadcast_in_dim3A_377 = vector.broadcast %broadcast_in_dim3A_376 : f32 to vector<16xf32>
      %swap3A_378 = arith.index_cast %select_n3A_371 : i32 to index
      %swap3A_379 = arith.index_cast %mul3A_375 : i32 to index
      %swap3A_380 = tpu.vector_load %arg5[%swap3A_378, %swap3A_379] {strides = array<i32>} : memref<128x128xf32, #tpu.memory_space<vmem>>, vector<1x16xf32>,
      %swap3A_381 = vector.shape_cast %swap3A_380 : vector<1x16xf32> to vector<16xf32>
      %swap3A_382 = vector.shape_cast %broadcast_in_dim3A_377 : vector<16xf32> to vector<1x16xf32>
      tpu.vector_store %arg5[%swap3A_378, %swap3A_379], %swap3A_382 {strides = array<i32>} : memref<128x128xf32, #tpu.memory_space<vmem>>, vector<1x16xf32>,
      %scan3A_383 = arith.constant 0 : i32
      scf.yield %scan3A_383 : i32
    }
    %scan3A_14 = arith.constant 1024 : i32
    %mul3A_15 = arith.constant 640 : i32
    %mul3A_16 = arith.muli %arg1, %mul3A_15 : i32
    %add3A_17 = arith.constant 0 : i32
    %add3A_18 = arith.addi %mul3A_16, %add3A_17 : i32
    "tpu.region"() ({
      %run_scoped3A = tpu.sem_alloc : memref<!tpu.dma_semaphore, #tpu.memory_space<semaphore_mem>>
      %dma_start3A_90 = arith.constant 0 : i32
      %dma_start3A_91 = tpu.memref_slice %arg6[%add3A_18, %dma_start3A_90] : memref<10240x128xf32, #tpu.memory_space<vmem_shared>> -> memref<128x128xf32, #tpu.memory_space<vmem_shared>>
      %dma_start3A_92 = arith.constant 0 : i32
      %dma_start3A_93 = tpu.memref_slice %arg6[%add3A_18, %dma_start3A_92] : memref<10240x128xf32, #tpu.memory_space<vmem_shared>> -> memref<128x128xf32, #tpu.memory_space<vmem_shared>>
      tpu.enqueue_dma source(%arg5 : memref<128x128xf32, #tpu.memory_space<vmem>>) target(%dma_start3A_93 : memref<128x128xf32, #tpu.memory_space<vmem_shared>>) target_semaphore(%run_scoped3A : memref<!tpu.dma_semaphore, #tpu.memory_space<semaphore_mem>>)
      %dma_wait3A_94 = arith.constant 0 : i32
      %dma_wait3A_95 = tpu.memref_slice %arg6[%add3A_18, %dma_wait3A_94] : memref<10240x128xf32, #tpu.memory_space<vmem_shared>> -> memref<128x128xf32, #tpu.memory_space<vmem_shared>>
      %dma_wait3A_96 = arith.constant 0 : i32
      %dma_wait3A_97 = tpu.memref_slice %arg6[%add3A_18, %dma_wait3A_96] : memref<10240x128xf32, #tpu.memory_space<vmem_shared>> -> memref<128x128xf32, #tpu.memory_space<vmem_shared>>
      tpu.wait_dma2 semaphore(%run_scoped3A : memref<!tpu.dma_semaphore, #tpu.memory_space<semaphore_mem>>) src(%arg5 : memref<128x128xf32, #tpu.memory_space<vmem>>) dst(%dma_wait3A_97 : memref<128x128xf32, #tpu.memory_space<vmem_shared>>)
      tpu.yield
    }) : () -> ()
    %mul3A_19 = arith.constant 640 : i32
    %mul3A_20 = arith.muli %arg1, %mul3A_19 : i32
    %add3A_21 = arith.constant 128 : i32
    %add3A_22 = arith.addi %mul3A_20, %add3A_21 : i32
    "tpu.region"() ({
      %run_scoped3A = tpu.sem_alloc : memref<!tpu.dma_semaphore, #tpu.memory_space<semaphore_mem>>
      %dma_start3A_90 = arith.constant 0 : i32
      %dma_start3A_91 = tpu.memref_slice %arg6[%add3A_22, %dma_start3A_90] : memref<10240x128xf32, #tpu.memory_space<vmem_shared>> -> memref<128x128xf32, #tpu.memory_space<vmem_shared>>
      %dma_start3A_92 = arith.constant 0 : i32
      %dma_start3A_93 = tpu.memref_slice %arg6[%add3A_22, %dma_start3A_92] : memref<10240x128xf32, #tpu.memory_space<vmem_shared>> -> memref<128x128xf32, #tpu.memory_space<vmem_shared>>
      tpu.enqueue_dma source(%arg5 : memref<128x128xf32, #tpu.memory_space<vmem>>) target(%dma_start3A_93 : memref<128x128xf32, #tpu.memory_space<vmem_shared>>) target_semaphore(%run_scoped3A : memref<!tpu.dma_semaphore, #tpu.memory_space<semaphore_mem>>)
      %dma_wait3A_94 = arith.constant 0 : i32
      %dma_wait3A_95 = tpu.memref_slice %arg6[%add3A_22, %dma_wait3A_94] : memref<10240x128xf32, #tpu.memory_space<vmem_shared>> -> memref<128x128xf32, #tpu.memory_space<vmem_shared>>
      %dma_wait3A_96 = arith.constant 0 : i32
      %dma_wait3A_97 = tpu.memref_slice %arg6[%add3A_22, %dma_wait3A_96] : memref<10240x128xf32, #tpu.memory_space<vmem_shared>> -> memref<128x128xf32, #tpu.memory_space<vmem_shared>>
      tpu.wait_dma2 semaphore(%run_scoped3A : memref<!tpu.dma_semaphore, #tpu.memory_space<semaphore_mem>>) src(%arg5 : memref<128x128xf32, #tpu.memory_space<vmem>>) dst(%dma_wait3A_97 : memref<128x128xf32, #tpu.memory_space<vmem_shared>>)
      tpu.yield
    }) : () -> ()
    %mul3A_23 = arith.constant 640 : i32
    %mul3A_24 = arith.muli %arg1, %mul3A_23 : i32
    %add3A_25 = arith.constant 256 : i32
    %add3A_26 = arith.addi %mul3A_24, %add3A_25 : i32
    "tpu.region"() ({
      %run_scoped3A = tpu.sem_alloc : memref<!tpu.dma_semaphore, #tpu.memory_space<semaphore_mem>>
      %dma_start3A_90 = arith.constant 0 : i32
      %dma_start3A_91 = tpu.memref_slice %arg6[%add3A_26, %dma_start3A_90] : memref<10240x128xf32, #tpu.memory_space<vmem_shared>> -> memref<128x128xf32, #tpu.memory_space<vmem_shared>>
      %dma_start3A_92 = arith.constant 0 : i32
      %dma_start3A_93 = tpu.memref_slice %arg6[%add3A_26, %dma_start3A_92] : memref<10240x128xf32, #tpu.memory_space<vmem_shared>> -> memref<128x128xf32, #tpu.memory_space<vmem_shared>>
      tpu.enqueue_dma source(%arg5 : memref<128x128xf32, #tpu.memory_space<vmem>>) target(%dma_start3A_93 : memref<128x128xf32, #tpu.memory_space<vmem_shared>>) target_semaphore(%run_scoped3A : memref<!tpu.dma_semaphore, #tpu.memory_space<semaphore_mem>>)
      %dma_wait3A_94 = arith.constant 0 : i32
      %dma_wait3A_95 = tpu.memref_slice %arg6[%add3A_26, %dma_wait3A_94] : memref<10240x128xf32, #tpu.memory_space<vmem_shared>> -> memref<128x128xf32, #tpu.memory_space<vmem_shared>>
      %dma_wait3A_96 = arith.constant 0 : i32
      %dma_wait3A_97 = tpu.memref_slice %arg6[%add3A_26, %dma_wait3A_96] : memref<10240x128xf32, #tpu.memory_space<vmem_shared>> -> memref<128x128xf32, #tpu.memory_space<vmem_shared>>
      tpu.wait_dma2 semaphore(%run_scoped3A : memref<!tpu.dma_semaphore, #tpu.memory_space<semaphore_mem>>) src(%arg5 : memref<128x128xf32, #tpu.memory_space<vmem>>) dst(%dma_wait3A_97 : memref<128x128xf32, #tpu.memory_space<vmem_shared>>)
      tpu.yield
    }) : () -> ()
    %mul3A_27 = arith.constant 640 : i32
    %mul3A_28 = arith.muli %arg1, %mul3A_27 : i32
    %add3A_29 = arith.constant 384 : i32
    %add3A_30 = arith.addi %mul3A_28, %add3A_29 : i32
    "tpu.region"() ({
      %run_scoped3A = tpu.sem_alloc : memref<!tpu.dma_semaphore, #tpu.memory_space<semaphore_mem>>
      %dma_start3A_90 = arith.constant 0 : i32
      %dma_start3A_91 = tpu.memref_slice %arg6[%add3A_30, %dma_start3A_90] : memref<10240x128xf32, #tpu.memory_space<vmem_shared>> -> memref<128x128xf32, #tpu.memory_space<vmem_shared>>
      %dma_start3A_92 = arith.constant 0 : i32
      %dma_start3A_93 = tpu.memref_slice %arg6[%add3A_30, %dma_start3A_92] : memref<10240x128xf32, #tpu.memory_space<vmem_shared>> -> memref<128x128xf32, #tpu.memory_space<vmem_shared>>
      tpu.enqueue_dma source(%arg5 : memref<128x128xf32, #tpu.memory_space<vmem>>) target(%dma_start3A_93 : memref<128x128xf32, #tpu.memory_space<vmem_shared>>) target_semaphore(%run_scoped3A : memref<!tpu.dma_semaphore, #tpu.memory_space<semaphore_mem>>)
      %dma_wait3A_94 = arith.constant 0 : i32
      %dma_wait3A_95 = tpu.memref_slice %arg6[%add3A_30, %dma_wait3A_94] : memref<10240x128xf32, #tpu.memory_space<vmem_shared>> -> memref<128x128xf32, #tpu.memory_space<vmem_shared>>
      %dma_wait3A_96 = arith.constant 0 : i32
      %dma_wait3A_97 = tpu.memref_slice %arg6[%add3A_30, %dma_wait3A_96] : memref<10240x128xf32, #tpu.memory_space<vmem_shared>> -> memref<128x128xf32, #tpu.memory_space<vmem_shared>>
      tpu.wait_dma2 semaphore(%run_scoped3A : memref<!tpu.dma_semaphore, #tpu.memory_space<semaphore_mem>>) src(%arg5 : memref<128x128xf32, #tpu.memory_space<vmem>>) dst(%dma_wait3A_97 : memref<128x128xf32, #tpu.memory_space<vmem_shared>>)
      tpu.yield
    }) : () -> ()
    %mul3A_31 = arith.constant 640 : i32
    %mul3A_32 = arith.muli %arg1, %mul3A_31 : i32
    %add3A_33 = arith.constant 512 : i32
    %add3A_34 = arith.addi %mul3A_32, %add3A_33 : i32
    "tpu.region"() ({
      %run_scoped3A = tpu.sem_alloc : memref<!tpu.dma_semaphore, #tpu.memory_space<semaphore_mem>>
      %dma_start3A_90 = arith.constant 0 : i32
      %dma_start3A_91 = tpu.memref_slice %arg6[%add3A_34, %dma_start3A_90] : memref<10240x128xf32, #tpu.memory_space<vmem_shared>> -> memref<128x128xf32, #tpu.memory_space<vmem_shared>>
      %dma_start3A_92 = arith.constant 0 : i32
      %dma_start3A_93 = tpu.memref_slice %arg6[%add3A_34, %dma_start3A_92] : memref<10240x128xf32, #tpu.memory_space<vmem_shared>> -> memref<128x128xf32, #tpu.memory_space<vmem_shared>>
      tpu.enqueue_dma source(%arg5 : memref<128x128xf32, #tpu.memory_space<vmem>>) target(%dma_start3A_93 : memref<128x128xf32, #tpu.memory_space<vmem_shared>>) target_semaphore(%run_scoped3A : memref<!tpu.dma_semaphore, #tpu.memory_space<semaphore_mem>>)
      %dma_wait3A_94 = arith.constant 0 : i32
      %dma_wait3A_95 = tpu.memref_slice %arg6[%add3A_34, %dma_wait3A_94] : memref<10240x128xf32, #tpu.memory_space<vmem_shared>> -> memref<128x128xf32, #tpu.memory_space<vmem_shared>>
      %dma_wait3A_96 = arith.constant 0 : i32
      %dma_wait3A_97 = tpu.memref_slice %arg6[%add3A_34, %dma_wait3A_96] : memref<10240x128xf32, #tpu.memory_space<vmem_shared>> -> memref<128x128xf32, #tpu.memory_space<vmem_shared>>
      tpu.wait_dma2 semaphore(%run_scoped3A : memref<!tpu.dma_semaphore, #tpu.memory_space<semaphore_mem>>) src(%arg5 : memref<128x128xf32, #tpu.memory_space<vmem>>) dst(%dma_wait3A_97 : memref<128x128xf32, #tpu.memory_space<vmem_shared>>)
      tpu.yield
    }) : () -> ()
    %scan3A_35 = arith.constant 0 : i32
    %scan3A_36 = arith.constant 0 : i32
    %scan3A_37 = arith.constant 1024 : i32
    %scan3A_38 = arith.addi %scan3A_36, %scan3A_37 : i32
    %scan3A_39 = arith.constant 8 : i32
    %scan3A_40 = scf.for %scan3A_90 = %scan3A_36 to %scan3A_38 step %scan3A_39 iter_args(%scan3A_91 = %scan3A_35) -> (i32)  : i32 {
      %jit3A = arith.constant 8 : i32
      %div3A = arith.divsi %scan3A_90, %jit3A : i32
      %sign3A = arith.constant 0 : i32
      %sign3A_92 = arith.cmpi sgt, %scan3A_90, %sign3A : i32
      %sign3A_93 = arith.extui %sign3A_92 : i1 to i32
      %sign3A_94 = arith.constant 0 : i32
      %sign3A_95 = arith.cmpi slt, %scan3A_90, %sign3A_94 : i32
      %sign3A_96 = arith.extui %sign3A_95 : i1 to i32
      %sign3A_97 = arith.subi %sign3A_93, %sign3A_96 : i32
      %sign3A_98 = arith.constant 0 : i32
      %sign3A_99 = arith.cmpi sgt, %jit3A, %sign3A_98 : i32
      %sign3A_100 = arith.extui %sign3A_99 : i1 to i32
      %sign3A_101 = arith.constant 0 : i32
      %sign3A_102 = arith.cmpi slt, %jit3A, %sign3A_101 : i32
      %sign3A_103 = arith.extui %sign3A_102 : i1 to i32
      %sign3A_104 = arith.subi %sign3A_100, %sign3A_103 : i32
      %ne3A = arith.cmpi ne, %sign3A_97, %sign3A_104 : i32
      %rem3A = arith.remsi %scan3A_90, %jit3A : i32
      %ne3A_105 = arith.constant 0 : i32
      %ne3A_106 = arith.cmpi ne, %rem3A, %ne3A_105 : i32
      %and3A = arith.andi %ne3A, %ne3A_106 : i1
      %sub3A = arith.constant 1 : i32
      %sub3A_107 = arith.subi %div3A, %sub3A : i32
      %select_n3A = arith.select %and3A, %sub3A_107, %div3A : i32
      %rem3A_108 = arith.constant 8 : i32
      %rem3A_109 = arith.remsi %scan3A_90, %rem3A_108 : i32
      %mul3A_110 = arith.constant 16 : i32
      %mul3A_111 = arith.muli %rem3A_109, %mul3A_110 : i32
      %broadcast_in_dim3A = arith.constant 1.000000e+00 : f32
      %broadcast_in_dim3A_112 = vector.broadcast %broadcast_in_dim3A : f32 to vector<16xf32>
      %swap3A = arith.index_cast %select_n3A : i32 to index
      %swap3A_113 = arith.index_cast %mul3A_111 : i32 to index
      %swap3A_114 = tpu.vector_load %arg5[%swap3A, %swap3A_113] {strides = array<i32>} : memref<128x128xf32, #tpu.memory_space<vmem>>, vector<1x16xf32>,
      %swap3A_115 = vector.shape_cast %swap3A_114 : vector<1x16xf32> to vector<16xf32>
      %swap3A_116 = vector.shape_cast %broadcast_in_dim3A_112 : vector<16xf32> to vector<1x16xf32>
      tpu.vector_store %arg5[%swap3A, %swap3A_113], %swap3A_116 {strides = array<i32>} : memref<128x128xf32, #tpu.memory_space<vmem>>, vector<1x16xf32>,
      %scan3A_117 = arith.constant 0 : i32
      %scan3A_118 = arith.constant 1 : i32
      %scan3A_119 = arith.addi %scan3A_90, %scan3A_118 : i32
      %jit3A_120 = arith.constant 8 : i32
      %div3A_121 = arith.divsi %scan3A_119, %jit3A_120 : i32
      %sign3A_122 = arith.constant 0 : i32
      %sign3A_123 = arith.cmpi sgt, %scan3A_119, %sign3A_122 : i32
      %sign3A_124 = arith.extui %sign3A_123 : i1 to i32
      %sign3A_125 = arith.constant 0 : i32
      %sign3A_126 = arith.cmpi slt, %scan3A_119, %sign3A_125 : i32
      %sign3A_127 = arith.extui %sign3A_126 : i1 to i32
      %sign3A_128 = arith.subi %sign3A_124, %sign3A_127 : i32
      %sign3A_129 = arith.constant 0 : i32
      %sign3A_130 = arith.cmpi sgt, %jit3A_120, %sign3A_129 : i32
      %sign3A_131 = arith.extui %sign3A_130 : i1 to i32
      %sign3A_132 = arith.constant 0 : i32
      %sign3A_133 = arith.cmpi slt, %jit3A_120, %sign3A_132 : i32
      %sign3A_134 = arith.extui %sign3A_133 : i1 to i32
      %sign3A_135 = arith.subi %sign3A_131, %sign3A_134 : i32
      %ne3A_136 = arith.cmpi ne, %sign3A_128, %sign3A_135 : i32
      %rem3A_137 = arith.remsi %scan3A_119, %jit3A_120 : i32
      %ne3A_138 = arith.constant 0 : i32
      %ne3A_139 = arith.cmpi ne, %rem3A_137, %ne3A_138 : i32
      %and3A_140 = arith.andi %ne3A_136, %ne3A_139 : i1
      %sub3A_141 = arith.constant 1 : i32
      %sub3A_142 = arith.subi %div3A_121, %sub3A_141 : i32
      %select_n3A_143 = arith.select %and3A_140, %sub3A_142, %div3A_121 : i32
      %rem3A_144 = arith.constant 8 : i32
      %rem3A_145 = arith.remsi %scan3A_119, %rem3A_144 : i32
      %mul3A_146 = arith.constant 16 : i32
      %mul3A_147 = arith.muli %rem3A_145, %mul3A_146 : i32
      %broadcast_in_dim3A_148 = arith.constant 1.000000e+00 : f32
      %broadcast_in_dim3A_149 = vector.broadcast %broadcast_in_dim3A_148 : f32 to vector<16xf32>
      %swap3A_150 = arith.index_cast %select_n3A_143 : i32 to index
      %swap3A_151 = arith.index_cast %mul3A_147 : i32 to index
      %swap3A_152 = tpu.vector_load %arg5[%swap3A_150, %swap3A_151] {strides = array<i32>} : memref<128x128xf32, #tpu.memory_space<vmem>>, vector<1x16xf32>,
      %swap3A_153 = vector.shape_cast %swap3A_152 : vector<1x16xf32> to vector<16xf32>
      %swap3A_154 = vector.shape_cast %broadcast_in_dim3A_149 : vector<16xf32> to vector<1x16xf32>
      tpu.vector_store %arg5[%swap3A_150, %swap3A_151], %swap3A_154 {strides = array<i32>} : memref<128x128xf32, #tpu.memory_space<vmem>>, vector<1x16xf32>,
      %scan3A_155 = arith.constant 0 : i32
      %scan3A_156 = arith.constant 2 : i32
      %scan3A_157 = arith.addi %scan3A_90, %scan3A_156 : i32
      %jit3A_158 = arith.constant 8 : i32
      %div3A_159 = arith.divsi %scan3A_157, %jit3A_158 : i32
      %sign3A_160 = arith.constant 0 : i32
      %sign3A_161 = arith.cmpi sgt, %scan3A_157, %sign3A_160 : i32
      %sign3A_162 = arith.extui %sign3A_161 : i1 to i32
      %sign3A_163 = arith.constant 0 : i32
      %sign3A_164 = arith.cmpi slt, %scan3A_157, %sign3A_163 : i32
      %sign3A_165 = arith.extui %sign3A_164 : i1 to i32
      %sign3A_166 = arith.subi %sign3A_162, %sign3A_165 : i32
      %sign3A_167 = arith.constant 0 : i32
      %sign3A_168 = arith.cmpi sgt, %jit3A_158, %sign3A_167 : i32
      %sign3A_169 = arith.extui %sign3A_168 : i1 to i32
      %sign3A_170 = arith.constant 0 : i32
      %sign3A_171 = arith.cmpi slt, %jit3A_158, %sign3A_170 : i32
      %sign3A_172 = arith.extui %sign3A_171 : i1 to i32
      %sign3A_173 = arith.subi %sign3A_169, %sign3A_172 : i32
      %ne3A_174 = arith.cmpi ne, %sign3A_166, %sign3A_173 : i32
      %rem3A_175 = arith.remsi %scan3A_157, %jit3A_158 : i32
      %ne3A_176 = arith.constant 0 : i32
      %ne3A_177 = arith.cmpi ne, %rem3A_175, %ne3A_176 : i32
      %and3A_178 = arith.andi %ne3A_174, %ne3A_177 : i1
      %sub3A_179 = arith.constant 1 : i32
      %sub3A_180 = arith.subi %div3A_159, %sub3A_179 : i32
      %select_n3A_181 = arith.select %and3A_178, %sub3A_180, %div3A_159 : i32
      %rem3A_182 = arith.constant 8 : i32
      %rem3A_183 = arith.remsi %scan3A_157, %rem3A_182 : i32
      %mul3A_184 = arith.constant 16 : i32
      %mul3A_185 = arith.muli %rem3A_183, %mul3A_184 : i32
      %broadcast_in_dim3A_186 = arith.constant 1.000000e+00 : f32
      %broadcast_in_dim3A_187 = vector.broadcast %broadcast_in_dim3A_186 : f32 to vector<16xf32>
      %swap3A_188 = arith.index_cast %select_n3A_181 : i32 to index
      %swap3A_189 = arith.index_cast %mul3A_185 : i32 to index
      %swap3A_190 = tpu.vector_load %arg5[%swap3A_188, %swap3A_189] {strides = array<i32>} : memref<128x128xf32, #tpu.memory_space<vmem>>, vector<1x16xf32>,
      %swap3A_191 = vector.shape_cast %swap3A_190 : vector<1x16xf32> to vector<16xf32>
      %swap3A_192 = vector.shape_cast %broadcast_in_dim3A_187 : vector<16xf32> to vector<1x16xf32>
      tpu.vector_store %arg5[%swap3A_188, %swap3A_189], %swap3A_192 {strides = array<i32>} : memref<128x128xf32, #tpu.memory_space<vmem>>, vector<1x16xf32>,
      %scan3A_193 = arith.constant 0 : i32
      %scan3A_194 = arith.constant 3 : i32
      %scan3A_195 = arith.addi %scan3A_90, %scan3A_194 : i32
      %jit3A_196 = arith.constant 8 : i32
      %div3A_197 = arith.divsi %scan3A_195, %jit3A_196 : i32
      %sign3A_198 = arith.constant 0 : i32
      %sign3A_199 = arith.cmpi sgt, %scan3A_195, %sign3A_198 : i32
      %sign3A_200 = arith.extui %sign3A_199 : i1 to i32
      %sign3A_201 = arith.constant 0 : i32
      %sign3A_202 = arith.cmpi slt, %scan3A_195, %sign3A_201 : i32
      %sign3A_203 = arith.extui %sign3A_202 : i1 to i32
      %sign3A_204 = arith.subi %sign3A_200, %sign3A_203 : i32
      %sign3A_205 = arith.constant 0 : i32
      %sign3A_206 = arith.cmpi sgt, %jit3A_196, %sign3A_205 : i32
      %sign3A_207 = arith.extui %sign3A_206 : i1 to i32
      %sign3A_208 = arith.constant 0 : i32
      %sign3A_209 = arith.cmpi slt, %jit3A_196, %sign3A_208 : i32
      %sign3A_210 = arith.extui %sign3A_209 : i1 to i32
      %sign3A_211 = arith.subi %sign3A_207, %sign3A_210 : i32
      %ne3A_212 = arith.cmpi ne, %sign3A_204, %sign3A_211 : i32
      %rem3A_213 = arith.remsi %scan3A_195, %jit3A_196 : i32
      %ne3A_214 = arith.constant 0 : i32
      %ne3A_215 = arith.cmpi ne, %rem3A_213, %ne3A_214 : i32
      %and3A_216 = arith.andi %ne3A_212, %ne3A_215 : i1
      %sub3A_217 = arith.constant 1 : i32
      %sub3A_218 = arith.subi %div3A_197, %sub3A_217 : i32
      %select_n3A_219 = arith.select %and3A_216, %sub3A_218, %div3A_197 : i32
      %rem3A_220 = arith.constant 8 : i32
      %rem3A_221 = arith.remsi %scan3A_195, %rem3A_220 : i32
      %mul3A_222 = arith.constant 16 : i32
      %mul3A_223 = arith.muli %rem3A_221, %mul3A_222 : i32
      %broadcast_in_dim3A_224 = arith.constant 1.000000e+00 : f32
      %broadcast_in_dim3A_225 = vector.broadcast %broadcast_in_dim3A_224 : f32 to vector<16xf32>
      %swap3A_226 = arith.index_cast %select_n3A_219 : i32 to index
      %swap3A_227 = arith.index_cast %mul3A_223 : i32 to index
      %swap3A_228 = tpu.vector_load %arg5[%swap3A_226, %swap3A_227] {strides = array<i32>} : memref<128x128xf32, #tpu.memory_space<vmem>>, vector<1x16xf32>,
      %swap3A_229 = vector.shape_cast %swap3A_228 : vector<1x16xf32> to vector<16xf32>
      %swap3A_230 = vector.shape_cast %broadcast_in_dim3A_225 : vector<16xf32> to vector<1x16xf32>
      tpu.vector_store %arg5[%swap3A_226, %swap3A_227], %swap3A_230 {strides = array<i32>} : memref<128x128xf32, #tpu.memory_space<vmem>>, vector<1x16xf32>,
      %scan3A_231 = arith.constant 0 : i32
      %scan3A_232 = arith.constant 4 : i32
      %scan3A_233 = arith.addi %scan3A_90, %scan3A_232 : i32
      %jit3A_234 = arith.constant 8 : i32
      %div3A_235 = arith.divsi %scan3A_233, %jit3A_234 : i32
      %sign3A_236 = arith.constant 0 : i32
      %sign3A_237 = arith.cmpi sgt, %scan3A_233, %sign3A_236 : i32
      %sign3A_238 = arith.extui %sign3A_237 : i1 to i32
      %sign3A_239 = arith.constant 0 : i32
      %sign3A_240 = arith.cmpi slt, %scan3A_233, %sign3A_239 : i32
      %sign3A_241 = arith.extui %sign3A_240 : i1 to i32
      %sign3A_242 = arith.subi %sign3A_238, %sign3A_241 : i32
      %sign3A_243 = arith.constant 0 : i32
      %sign3A_244 = arith.cmpi sgt, %jit3A_234, %sign3A_243 : i32
      %sign3A_245 = arith.extui %sign3A_244 : i1 to i32
      %sign3A_246 = arith.constant 0 : i32
      %sign3A_247 = arith.cmpi slt, %jit3A_234, %sign3A_246 : i32
      %sign3A_248 = arith.extui %sign3A_247 : i1 to i32
      %sign3A_249 = arith.subi %sign3A_245, %sign3A_248 : i32
      %ne3A_250 = arith.cmpi ne, %sign3A_242, %sign3A_249 : i32
      %rem3A_251 = arith.remsi %scan3A_233, %jit3A_234 : i32
      %ne3A_252 = arith.constant 0 : i32
      %ne3A_253 = arith.cmpi ne, %rem3A_251, %ne3A_252 : i32
      %and3A_254 = arith.andi %ne3A_250, %ne3A_253 : i1
      %sub3A_255 = arith.constant 1 : i32
      %sub3A_256 = arith.subi %div3A_235, %sub3A_255 : i32
      %select_n3A_257 = arith.select %and3A_254, %sub3A_256, %div3A_235 : i32
      %rem3A_258 = arith.constant 8 : i32
      %rem3A_259 = arith.remsi %scan3A_233, %rem3A_258 : i32
      %mul3A_260 = arith.constant 16 : i32
      %mul3A_261 = arith.muli %rem3A_259, %mul3A_260 : i32
      %broadcast_in_dim3A_262 = arith.constant 1.000000e+00 : f32
      %broadcast_in_dim3A_263 = vector.broadcast %broadcast_in_dim3A_262 : f32 to vector<16xf32>
      %swap3A_264 = arith.index_cast %select_n3A_257 : i32 to index
      %swap3A_265 = arith.index_cast %mul3A_261 : i32 to index
      %swap3A_266 = tpu.vector_load %arg5[%swap3A_264, %swap3A_265] {strides = array<i32>} : memref<128x128xf32, #tpu.memory_space<vmem>>, vector<1x16xf32>,
      %swap3A_267 = vector.shape_cast %swap3A_266 : vector<1x16xf32> to vector<16xf32>
      %swap3A_268 = vector.shape_cast %broadcast_in_dim3A_263 : vector<16xf32> to vector<1x16xf32>
      tpu.vector_store %arg5[%swap3A_264, %swap3A_265], %swap3A_268 {strides = array<i32>} : memref<128x128xf32, #tpu.memory_space<vmem>>, vector<1x16xf32>,
      %scan3A_269 = arith.constant 0 : i32
      %scan3A_270 = arith.constant 5 : i32
      %scan3A_271 = arith.addi %scan3A_90, %scan3A_270 : i32
      %jit3A_272 = arith.constant 8 : i32
      %div3A_273 = arith.divsi %scan3A_271, %jit3A_272 : i32
      %sign3A_274 = arith.constant 0 : i32
      %sign3A_275 = arith.cmpi sgt, %scan3A_271, %sign3A_274 : i32
      %sign3A_276 = arith.extui %sign3A_275 : i1 to i32
      %sign3A_277 = arith.constant 0 : i32
      %sign3A_278 = arith.cmpi slt, %scan3A_271, %sign3A_277 : i32
      %sign3A_279 = arith.extui %sign3A_278 : i1 to i32
      %sign3A_280 = arith.subi %sign3A_276, %sign3A_279 : i32
      %sign3A_281 = arith.constant 0 : i32
      %sign3A_282 = arith.cmpi sgt, %jit3A_272, %sign3A_281 : i32
      %sign3A_283 = arith.extui %sign3A_282 : i1 to i32
      %sign3A_284 = arith.constant 0 : i32
      %sign3A_285 = arith.cmpi slt, %jit3A_272, %sign3A_284 : i32
      %sign3A_286 = arith.extui %sign3A_285 : i1 to i32
      %sign3A_287 = arith.subi %sign3A_283, %sign3A_286 : i32
      %ne3A_288 = arith.cmpi ne, %sign3A_280, %sign3A_287 : i32
      %rem3A_289 = arith.remsi %scan3A_271, %jit3A_272 : i32
      %ne3A_290 = arith.constant 0 : i32
      %ne3A_291 = arith.cmpi ne, %rem3A_289, %ne3A_290 : i32
      %and3A_292 = arith.andi %ne3A_288, %ne3A_291 : i1
      %sub3A_293 = arith.constant 1 : i32
      %sub3A_294 = arith.subi %div3A_273, %sub3A_293 : i32
      %select_n3A_295 = arith.select %and3A_292, %sub3A_294, %div3A_273 : i32
      %rem3A_296 = arith.constant 8 : i32
      %rem3A_297 = arith.remsi %scan3A_271, %rem3A_296 : i32
      %mul3A_298 = arith.constant 16 : i32
      %mul3A_299 = arith.muli %rem3A_297, %mul3A_298 : i32
      %broadcast_in_dim3A_300 = arith.constant 1.000000e+00 : f32
      %broadcast_in_dim3A_301 = vector.broadcast %broadcast_in_dim3A_300 : f32 to vector<16xf32>
      %swap3A_302 = arith.index_cast %select_n3A_295 : i32 to index
      %swap3A_303 = arith.index_cast %mul3A_299 : i32 to index
      %swap3A_304 = tpu.vector_load %arg5[%swap3A_302, %swap3A_303] {strides = array<i32>} : memref<128x128xf32, #tpu.memory_space<vmem>>, vector<1x16xf32>,
      %swap3A_305 = vector.shape_cast %swap3A_304 : vector<1x16xf32> to vector<16xf32>
      %swap3A_306 = vector.shape_cast %broadcast_in_dim3A_301 : vector<16xf32> to vector<1x16xf32>
      tpu.vector_store %arg5[%swap3A_302, %swap3A_303], %swap3A_306 {strides = array<i32>} : memref<128x128xf32, #tpu.memory_space<vmem>>, vector<1x16xf32>,
      %scan3A_307 = arith.constant 0 : i32
      %scan3A_308 = arith.constant 6 : i32
      %scan3A_309 = arith.addi %scan3A_90, %scan3A_308 : i32
      %jit3A_310 = arith.constant 8 : i32
      %div3A_311 = arith.divsi %scan3A_309, %jit3A_310 : i32
      %sign3A_312 = arith.constant 0 : i32
      %sign3A_313 = arith.cmpi sgt, %scan3A_309, %sign3A_312 : i32
      %sign3A_314 = arith.extui %sign3A_313 : i1 to i32
      %sign3A_315 = arith.constant 0 : i32
      %sign3A_316 = arith.cmpi slt, %scan3A_309, %sign3A_315 : i32
      %sign3A_317 = arith.extui %sign3A_316 : i1 to i32
      %sign3A_318 = arith.subi %sign3A_314, %sign3A_317 : i32
      %sign3A_319 = arith.constant 0 : i32
      %sign3A_320 = arith.cmpi sgt, %jit3A_310, %sign3A_319 : i32
      %sign3A_321 = arith.extui %sign3A_320 : i1 to i32
      %sign3A_322 = arith.constant 0 : i32
      %sign3A_323 = arith.cmpi slt, %jit3A_310, %sign3A_322 : i32
      %sign3A_324 = arith.extui %sign3A_323 : i1 to i32
      %sign3A_325 = arith.subi %sign3A_321, %sign3A_324 : i32
      %ne3A_326 = arith.cmpi ne, %sign3A_318, %sign3A_325 : i32
      %rem3A_327 = arith.remsi %scan3A_309, %jit3A_310 : i32
      %ne3A_328 = arith.constant 0 : i32
      %ne3A_329 = arith.cmpi ne, %rem3A_327, %ne3A_328 : i32
      %and3A_330 = arith.andi %ne3A_326, %ne3A_329 : i1
      %sub3A_331 = arith.constant 1 : i32
      %sub3A_332 = arith.subi %div3A_311, %sub3A_331 : i32
      %select_n3A_333 = arith.select %and3A_330, %sub3A_332, %div3A_311 : i32
      %rem3A_334 = arith.constant 8 : i32
      %rem3A_335 = arith.remsi %scan3A_309, %rem3A_334 : i32
      %mul3A_336 = arith.constant 16 : i32
      %mul3A_337 = arith.muli %rem3A_335, %mul3A_336 : i32
      %broadcast_in_dim3A_338 = arith.constant 1.000000e+00 : f32
      %broadcast_in_dim3A_339 = vector.broadcast %broadcast_in_dim3A_338 : f32 to vector<16xf32>
      %swap3A_340 = arith.index_cast %select_n3A_333 : i32 to index
      %swap3A_341 = arith.index_cast %mul3A_337 : i32 to index
      %swap3A_342 = tpu.vector_load %arg5[%swap3A_340, %swap3A_341] {strides = array<i32>} : memref<128x128xf32, #tpu.memory_space<vmem>>, vector<1x16xf32>,
      %swap3A_343 = vector.shape_cast %swap3A_342 : vector<1x16xf32> to vector<16xf32>
      %swap3A_344 = vector.shape_cast %broadcast_in_dim3A_339 : vector<16xf32> to vector<1x16xf32>
      tpu.vector_store %arg5[%swap3A_340, %swap3A_341], %swap3A_344 {strides = array<i32>} : memref<128x128xf32, #tpu.memory_space<vmem>>, vector<1x16xf32>,
      %scan3A_345 = arith.constant 0 : i32
      %scan3A_346 = arith.constant 7 : i32
      %scan3A_347 = arith.addi %scan3A_90, %scan3A_346 : i32
      %jit3A_348 = arith.constant 8 : i32
      %div3A_349 = arith.divsi %scan3A_347, %jit3A_348 : i32
      %sign3A_350 = arith.constant 0 : i32
      %sign3A_351 = arith.cmpi sgt, %scan3A_347, %sign3A_350 : i32
      %sign3A_352 = arith.extui %sign3A_351 : i1 to i32
      %sign3A_353 = arith.constant 0 : i32
      %sign3A_354 = arith.cmpi slt, %scan3A_347, %sign3A_353 : i32
      %sign3A_355 = arith.extui %sign3A_354 : i1 to i32
      %sign3A_356 = arith.subi %sign3A_352, %sign3A_355 : i32
      %sign3A_357 = arith.constant 0 : i32
      %sign3A_358 = arith.cmpi sgt, %jit3A_348, %sign3A_357 : i32
      %sign3A_359 = arith.extui %sign3A_358 : i1 to i32
      %sign3A_360 = arith.constant 0 : i32
      %sign3A_361 = arith.cmpi slt, %jit3A_348, %sign3A_360 : i32
      %sign3A_362 = arith.extui %sign3A_361 : i1 to i32
      %sign3A_363 = arith.subi %sign3A_359, %sign3A_362 : i32
      %ne3A_364 = arith.cmpi ne, %sign3A_356, %sign3A_363 : i32
      %rem3A_365 = arith.remsi %scan3A_347, %jit3A_348 : i32
      %ne3A_366 = arith.constant 0 : i32
      %ne3A_367 = arith.cmpi ne, %rem3A_365, %ne3A_366 : i32
      %and3A_368 = arith.andi %ne3A_364, %ne3A_367 : i1
      %sub3A_369 = arith.constant 1 : i32
      %sub3A_370 = arith.subi %div3A_349, %sub3A_369 : i32
      %select_n3A_371 = arith.select %and3A_368, %sub3A_370, %div3A_349 : i32
      %rem3A_372 = arith.constant 8 : i32
      %rem3A_373 = arith.remsi %scan3A_347, %rem3A_372 : i32
      %mul3A_374 = arith.constant 16 : i32
      %mul3A_375 = arith.muli %rem3A_373, %mul3A_374 : i32
      %broadcast_in_dim3A_376 = arith.constant 1.000000e+00 : f32
      %broadcast_in_dim3A_377 = vector.broadcast %broadcast_in_dim3A_376 : f32 to vector<16xf32>
      %swap3A_378 = arith.index_cast %select_n3A_371 : i32 to index
      %swap3A_379 = arith.index_cast %mul3A_375 : i32 to index
      %swap3A_380 = tpu.vector_load %arg5[%swap3A_378, %swap3A_379] {strides = array<i32>} : memref<128x128xf32, #tpu.memory_space<vmem>>, vector<1x16xf32>,
      %swap3A_381 = vector.shape_cast %swap3A_380 : vector<1x16xf32> to vector<16xf32>
      %swap3A_382 = vector.shape_cast %broadcast_in_dim3A_377 : vector<16xf32> to vector<1x16xf32>
      tpu.vector_store %arg5[%swap3A_378, %swap3A_379], %swap3A_382 {strides = array<i32>} : memref<128x128xf32, #tpu.memory_space<vmem>>, vector<1x16xf32>,
      %scan3A_383 = arith.constant 0 : i32
      scf.yield %scan3A_383 : i32
    }
    %scan3A_41 = arith.constant 1024 : i32
    %dma_wait3A = arith.constant 1 : i32
    %dma_wait3A_42 = arith.constant 0 : i32
    %dma_wait3A_43 = tpu.memref_slice %arg2[%dma_wait3A, %mul3A_2, %dma_wait3A_42] : memref<2x2560x125xi32, #tpu.memory_space<hbm>> -> memref<1x80x125xi32, #tpu.memory_space<hbm>>
    %dma_wait3A_44 = tpu.memref_squeeze %dma_wait3A_43 : memref<1x80x125xi32, #tpu.memory_space<hbm>> -> memref<80x125xi32, #tpu.memory_space<hbm>>
    %dma_wait3A_45 = arith.constant 0 : i32
    %dma_wait3A_46 = tpu.memref_slice %arg2[%dma_wait3A, %mul3A_2, %dma_wait3A_45] : memref<2x2560x125xi32, #tpu.memory_space<hbm>> -> memref<1x80x125xi32, #tpu.memory_space<hbm>>
    %dma_wait3A_47 = tpu.memref_squeeze %dma_wait3A_46 : memref<1x80x125xi32, #tpu.memory_space<hbm>> -> memref<80x125xi32, #tpu.memory_space<hbm>>
    tpu.wait_dma2 semaphore(%arg8 : memref<!tpu.dma_semaphore, #tpu.memory_space<semaphore_mem>>) src(%dma_wait3A_47 : memref<80x125xi32, #tpu.memory_space<hbm>>) dst(%arg4 : memref<80x125xi32, #tpu.memory_space<vmem>>)
    %barrier3A = arith.constant 0 : index
    tpu.barrier barrier_id(%barrier3A)
    %scan3A_48 = arith.constant 0 : i32
    %scan3A_49 = arith.constant 0 : i32
    %scan3A_50 = arith.constant 80 : i32
    %scan3A_51 = arith.addi %scan3A_49, %scan3A_50 : i32
    %scan3A_52 = arith.constant 1 : i32
    %scan3A_53 = scf.for %scan3A_90 = %scan3A_49 to %scan3A_51 step %scan3A_52 iter_args(%scan3A_91 = %scan3A_48) -> (i32)  : i32 {
      %dma_start3A_92 = arith.constant 0 : i32
      %dma_start3A_93 = arith.constant 0 : i32
      %dma_start3A_94 = tpu.memref_slice %arg5[%dma_start3A_92, %dma_start3A_93] : memref<128x128xf32, #tpu.memory_space<vmem>> -> memref<125x128xf32, #tpu.memory_space<vmem>>
      %dma_start3A_95 = arith.constant 0 : i32
      %dma_start3A_96 = tpu.memref_slice %arg4[%scan3A_90, %dma_start3A_95] : memref<80x125xi32, #tpu.memory_space<vmem>> -> memref<1x125xi32, #tpu.memory_space<vmem>>
      %dma_start3A_97 = tpu.memref_squeeze %dma_start3A_96 : memref<1x125xi32, #tpu.memory_space<vmem>> -> memref<125xi32, #tpu.memory_space<vmem>>
      %dma_start3A_98 = arith.constant 0 : i32
      %dma_start3A_99 = arith.constant 0 : i32
      %dma_start3A_100 = tpu.memref_slice %arg6[%dma_start3A_98, %dma_start3A_99] : memref<10240x128xf32, #tpu.memory_space<vmem_shared>> -> memref<10240x128xf32, #tpu.memory_space<vmem_shared>>
      tpu.enqueue_indirect_dma source(%dma_start3A_94 : memref<125x128xf32, #tpu.memory_space<vmem>>) target(%dma_start3A_100 : memref<10240x128xf32, #tpu.memory_space<vmem_shared>>) offsets(%dma_start3A_97 : memref<125xi32, #tpu.memory_space<vmem>>) semaphore(%arg7 : memref<!tpu.dma_semaphore, #tpu.memory_space<semaphore_mem>>) {add = true}
      %ge3A = arith.constant 3 : i32
      %ge3A_101 = arith.cmpi sge, %scan3A_90, %ge3A : i32
      %convert_element_type3A = arith.extui %ge3A_101 : i1 to i32
      %cond3A = arith.constant 0 : i32
      %cond3A_102 = arith.cmpi ne, %convert_element_type3A, %cond3A : i32
      scf.if %cond3A_102 {
        %dma_wait3A_104 = arith.constant 0 : i32
        %dma_wait3A_105 = arith.constant 0 : i32
        %dma_wait3A_106 = arith.constant 0 : i32
        %dma_wait3A_107 = tpu.memref_slice %arg5[%dma_wait3A_105, %dma_wait3A_106] : memref<128x128xf32, #tpu.memory_space<vmem>> -> memref<125x128xf32, #tpu.memory_space<vmem>>
        %dma_wait3A_108 = arith.constant 0 : i32
        %dma_wait3A_109 = tpu.memref_slice %arg4[%dma_wait3A_104, %dma_wait3A_108] : memref<80x125xi32, #tpu.memory_space<vmem>> -> memref<1x125xi32, #tpu.memory_space<vmem>>
        %dma_wait3A_110 = tpu.memref_squeeze %dma_wait3A_109 : memref<1x125xi32, #tpu.memory_space<vmem>> -> memref<125xi32, #tpu.memory_space<vmem>>
        %dma_wait3A_111 = arith.constant 0 : i32
        %dma_wait3A_112 = arith.constant 0 : i32
        %dma_wait3A_113 = tpu.memref_slice %arg6[%dma_wait3A_111, %dma_wait3A_112] : memref<10240x128xf32, #tpu.memory_space<vmem_shared>> -> memref<10240x128xf32, #tpu.memory_space<vmem_shared>>
        tpu.wait_indirect_dma semaphore(%arg7 : memref<!tpu.dma_semaphore, #tpu.memory_space<semaphore_mem>>) src(%dma_wait3A_107 : memref<125x128xf32, #tpu.memory_space<vmem>>) dst(%dma_wait3A_113 : memref<10240x128xf32, #tpu.memory_space<vmem_shared>>)
      } else {
      }
      %scan3A_103 = arith.constant 0 : i32
      scf.yield %scan3A_103 : i32
    }
    %scan3A_54 = arith.constant 80 : i32
    %dma_wait3A_55 = arith.constant 0 : i32
    %dma_wait3A_56 = arith.constant 0 : i32
    %dma_wait3A_57 = arith.constant 0 : i32
    %dma_wait3A_58 = tpu.memref_slice %arg5[%dma_wait3A_56, %dma_wait3A_57] : memref<128x128xf32, #tpu.memory_space<vmem>> -> memref<125x128xf32, #tpu.memory_space<vmem>>
    %dma_wait3A_59 = arith.constant 0 : i32
    %dma_wait3A_60 = tpu.memref_slice %arg4[%dma_wait3A_55, %dma_wait3A_59] : memref<80x125xi32, #tpu.memory_space<vmem>> -> memref<1x125xi32, #tpu.memory_space<vmem>>
    %dma_wait3A_61 = tpu.memref_squeeze %dma_wait3A_60 : memref<1x125xi32, #tpu.memory_space<vmem>> -> memref<125xi32, #tpu.memory_space<vmem>>
    %dma_wait3A_62 = arith.constant 0 : i32
    %dma_wait3A_63 = arith.constant 0 : i32
    %dma_wait3A_64 = tpu.memref_slice %arg6[%dma_wait3A_62, %dma_wait3A_63] : memref<10240x128xf32, #tpu.memory_space<vmem_shared>> -> memref<10240x128xf32, #tpu.memory_space<vmem_shared>>
    tpu.wait_indirect_dma semaphore(%arg7 : memref<!tpu.dma_semaphore, #tpu.memory_space<semaphore_mem>>) src(%dma_wait3A_58 : memref<125x128xf32, #tpu.memory_space<vmem>>) dst(%dma_wait3A_64 : memref<10240x128xf32, #tpu.memory_space<vmem_shared>>)
    %dma_wait3A_65 = arith.constant 0 : i32
    %dma_wait3A_66 = arith.constant 0 : i32
    %dma_wait3A_67 = arith.constant 0 : i32
    %dma_wait3A_68 = tpu.memref_slice %arg5[%dma_wait3A_66, %dma_wait3A_67] : memref<128x128xf32, #tpu.memory_space<vmem>> -> memref<125x128xf32, #tpu.memory_space<vmem>>
    %dma_wait3A_69 = arith.constant 0 : i32
    %dma_wait3A_70 = tpu.memref_slice %arg4[%dma_wait3A_65, %dma_wait3A_69] : memref<80x125xi32, #tpu.memory_space<vmem>> -> memref<1x125xi32, #tpu.memory_space<vmem>>
    %dma_wait3A_71 = tpu.memref_squeeze %dma_wait3A_70 : memref<1x125xi32, #tpu.memory_space<vmem>> -> memref<125xi32, #tpu.memory_space<vmem>>
    %dma_wait3A_72 = arith.constant 0 : i32
    %dma_wait3A_73 = arith.constant 0 : i32
    %dma_wait3A_74 = tpu.memref_slice %arg6[%dma_wait3A_72, %dma_wait3A_73] : memref<10240x128xf32, #tpu.memory_space<vmem_shared>> -> memref<10240x128xf32, #tpu.memory_space<vmem_shared>>
    tpu.wait_indirect_dma semaphore(%arg7 : memref<!tpu.dma_semaphore, #tpu.memory_space<semaphore_mem>>) src(%dma_wait3A_68 : memref<125x128xf32, #tpu.memory_space<vmem>>) dst(%dma_wait3A_74 : memref<10240x128xf32, #tpu.memory_space<vmem_shared>>)
    %dma_wait3A_75 = arith.constant 0 : i32
    %dma_wait3A_76 = arith.constant 0 : i32
    %dma_wait3A_77 = arith.constant 0 : i32
    %dma_wait3A_78 = tpu.memref_slice %arg5[%dma_wait3A_76, %dma_wait3A_77] : memref<128x128xf32, #tpu.memory_space<vmem>> -> memref<125x128xf32, #tpu.memory_space<vmem>>
    %dma_wait3A_79 = arith.constant 0 : i32
    %dma_wait3A_80 = tpu.memref_slice %arg4[%dma_wait3A_75, %dma_wait3A_79] : memref<80x125xi32, #tpu.memory_space<vmem>> -> memref<1x125xi32, #tpu.memory_space<vmem>>
    %dma_wait3A_81 = tpu.memref_squeeze %dma_wait3A_80 : memref<1x125xi32, #tpu.memory_space<vmem>> -> memref<125xi32, #tpu.memory_space<vmem>>
    %dma_wait3A_82 = arith.constant 0 : i32
    %dma_wait3A_83 = arith.constant 0 : i32
    %dma_wait3A_84 = tpu.memref_slice %arg6[%dma_wait3A_82, %dma_wait3A_83] : memref<10240x128xf32, #tpu.memory_space<vmem_shared>> -> memref<10240x128xf32, #tpu.memory_space<vmem_shared>>
    tpu.wait_indirect_dma semaphore(%arg7 : memref<!tpu.dma_semaphore, #tpu.memory_space<semaphore_mem>>) src(%dma_wait3A_78 : memref<125x128xf32, #tpu.memory_space<vmem>>) dst(%dma_wait3A_84 : memref<10240x128xf32, #tpu.memory_space<vmem_shared>>)
    %barrier3A_85 = arith.constant 0 : index
    tpu.barrier barrier_id(%barrier3A_85)
    %mul3A_86 = arith.constant 640 : i32
    %mul3A_87 = arith.muli %arg1, %mul3A_86 : i32
    %mul3A_88 = arith.constant 640 : i32
    %mul3A_89 = arith.muli %arg1, %mul3A_88 : i32
    "tpu.region"() ({
      %run_scoped3A = tpu.sem_alloc : memref<!tpu.dma_semaphore, #tpu.memory_space<semaphore_mem>>
      %dma_start3A_90 = arith.constant 0 : i32
      %dma_start3A_91 = tpu.memref_slice %arg3[%arg0, %mul3A_89, %dma_start3A_90] : memref<2x10240x128xf32, #tpu.memory_space<hbm>> -> memref<1x640x128xf32, #tpu.memory_space<hbm>>
      %dma_start3A_92 = tpu.memref_squeeze %dma_start3A_91 : memref<1x640x128xf32, #tpu.memory_space<hbm>> -> memref<640x128xf32, #tpu.memory_space<hbm>>
      %dma_start3A_93 = arith.constant 0 : i32
      %dma_start3A_94 = tpu.memref_slice %arg6[%mul3A_87, %dma_start3A_93] : memref<10240x128xf32, #tpu.memory_space<vmem_shared>> -> memref<640x128xf32, #tpu.memory_space<vmem_shared>>
      tpu.enqueue_dma source(%dma_start3A_94 : memref<640x128xf32, #tpu.memory_space<vmem_shared>>) target(%dma_start3A_92 : memref<640x128xf32, #tpu.memory_space<hbm>>) target_semaphore(%run_scoped3A : memref<!tpu.dma_semaphore, #tpu.memory_space<semaphore_mem>>)
      %dma_wait3A_95 = arith.constant 0 : i32
      %dma_wait3A_96 = tpu.memref_slice %arg3[%arg0, %mul3A_89, %dma_wait3A_95] : memref<2x10240x128xf32, #tpu.memory_space<hbm>> -> memref<1x640x128xf32, #tpu.memory_space<hbm>>
      %dma_wait3A_97 = tpu.memref_squeeze %dma_wait3A_96 : memref<1x640x128xf32, #tpu.memory_space<hbm>> -> memref<640x128xf32, #tpu.memory_space<hbm>>
      %dma_wait3A_98 = arith.constant 0 : i32
      %dma_wait3A_99 = tpu.memref_slice %arg6[%mul3A_87, %dma_wait3A_98] : memref<10240x128xf32, #tpu.memory_space<vmem_shared>> -> memref<640x128xf32, #tpu.memory_space<vmem_shared>>
      tpu.wait_dma2 semaphore(%run_scoped3A : memref<!tpu.dma_semaphore, #tpu.memory_space<semaphore_mem>>) src(%dma_wait3A_99 : memref<640x128xf32, #tpu.memory_space<vmem_shared>>) dst(%dma_wait3A_97 : memref<640x128xf32, #tpu.memory_space<hbm>>)
      tpu.yield
    }) : () -> ()
    return
  }
}

#map = affine_map<(d0, d1) -> (0, 0)>
#map1 = affine_map<(d0, d1) -> (0, 0, 0)>
module attributes {stable_mosaic.version = 14 : i64} {
  func.func @_mp_body(%arg0: i32, %arg1: i32, %arg2: memref<10240x128xf32, #tpu.memory_space<hbm>>, %arg3: memref<2x2560x125xi32, #tpu.memory_space<hbm>>, %arg4: memref<2x10240x128xf32, #tpu.memory_space<hbm>>, %arg5: memref<80x125xi32, #tpu.memory_space<vmem>>, %arg6: memref<2x8x125xi32, #tpu.memory_space<vmem>>, %arg7: memref<2x128x128xf32, #tpu.memory_space<vmem>>, %arg8: memref<10240x128xf32, #tpu.memory_space<vmem_shared>>, %arg9: memref<!tpu.dma_semaphore, #tpu.memory_space<semaphore_mem>>, %arg10: memref<!tpu.dma_semaphore, #tpu.memory_space<semaphore_mem>>, %arg11: memref<!tpu.dma_semaphore, #tpu.memory_space<semaphore_mem>>, %arg12: memref<!tpu.dma_semaphore, #tpu.memory_space<semaphore_mem>>, %arg13: memref<!tpu.dma_semaphore, #tpu.memory_space<semaphore_mem>>) attributes {dimension_semantics = [#tpu.dimension_semantics<core_parallel>, #tpu.dimension_semantics<subcore_parallel>], iteration_bounds = array<i64: 2, 16>, scalar_prefetch = 0 : i64, scratch_operands = 9 : i64, tpu.core_type = #tpu.core_type<sc_vector_subcore>, window_params = [{transform_indices = #map}, {transform_indices = #map1}, {transform_indices = #map1}]} {
    %mul3A = arith.constant 2 : i32
    %mul3A_0 = arith.muli %arg1, %mul3A : i32
    %add3A = arith.addi %mul3A_0, %arg0 : i32
    %mul3A_1 = arith.constant 80 : i32
    %mul3A_2 = arith.muli %add3A, %mul3A_1 : i32
    %dma_start3A = arith.constant 1 : i32
    %dma_start3A_3 = arith.constant 0 : i32
    %dma_start3A_4 = tpu.memref_slice %arg3[%dma_start3A, %mul3A_2, %dma_start3A_3] : memref<2x2560x125xi32, #tpu.memory_space<hbm>> -> memref<1x80x125xi32, #tpu.memory_space<hbm>>
    %dma_start3A_5 = tpu.memref_squeeze %dma_start3A_4 : memref<1x80x125xi32, #tpu.memory_space<hbm>> -> memref<80x125xi32, #tpu.memory_space<hbm>>
    %dma_start3A_6 = arith.constant 0 : i32
    %dma_start3A_7 = tpu.memref_slice %arg3[%dma_start3A, %mul3A_2, %dma_start3A_6] : memref<2x2560x125xi32, #tpu.memory_space<hbm>> -> memref<1x80x125xi32, #tpu.memory_space<hbm>>
    %dma_start3A_8 = tpu.memref_squeeze %dma_start3A_7 : memref<1x80x125xi32, #tpu.memory_space<hbm>> -> memref<80x125xi32, #tpu.memory_space<hbm>>
    tpu.enqueue_dma source(%dma_start3A_8 : memref<80x125xi32, #tpu.memory_space<hbm>>) target(%arg5 : memref<80x125xi32, #tpu.memory_space<vmem>>) target_semaphore(%arg13 : memref<!tpu.dma_semaphore, #tpu.memory_space<semaphore_mem>>)
    %scan3A = arith.constant 0 : i32
    %scan3A_9 = arith.constant 0 : i32
    %scan3A_10 = arith.constant 2048 : i32
    %scan3A_11 = arith.addi %scan3A_9, %scan3A_10 : i32
    %scan3A_12 = arith.constant 8 : i32
    %scan3A_13 = scf.for %scan3A_132 = %scan3A_9 to %scan3A_11 step %scan3A_12 iter_args(%scan3A_133 = %scan3A) -> (i32)  : i32 {
      %jit3A = arith.constant 1024 : i32
      %div3A = arith.divsi %scan3A_132, %jit3A : i32
      %sign3A = arith.constant 0 : i32
      %sign3A_134 = arith.cmpi sgt, %scan3A_132, %sign3A : i32
      %sign3A_135 = arith.extui %sign3A_134 : i1 to i32
      %sign3A_136 = arith.constant 0 : i32
      %sign3A_137 = arith.cmpi slt, %scan3A_132, %sign3A_136 : i32
      %sign3A_138 = arith.extui %sign3A_137 : i1 to i32
      %sign3A_139 = arith.subi %sign3A_135, %sign3A_138 : i32
      %sign3A_140 = arith.constant 0 : i32
      %sign3A_141 = arith.cmpi sgt, %jit3A, %sign3A_140 : i32
      %sign3A_142 = arith.extui %sign3A_141 : i1 to i32
      %sign3A_143 = arith.constant 0 : i32
      %sign3A_144 = arith.cmpi slt, %jit3A, %sign3A_143 : i32
      %sign3A_145 = arith.extui %sign3A_144 : i1 to i32
      %sign3A_146 = arith.subi %sign3A_142, %sign3A_145 : i32
      %ne3A = arith.cmpi ne, %sign3A_139, %sign3A_146 : i32
      %rem3A = arith.remsi %scan3A_132, %jit3A : i32
      %ne3A_147 = arith.constant 0 : i32
      %ne3A_148 = arith.cmpi ne, %rem3A, %ne3A_147 : i32
      %and3A = arith.andi %ne3A, %ne3A_148 : i1
      %sub3A = arith.constant 1 : i32
      %sub3A_149 = arith.subi %div3A, %sub3A : i32
      %select_n3A = arith.select %and3A, %sub3A_149, %div3A : i32
      %rem3A_150 = arith.constant 1024 : i32
      %rem3A_151 = arith.remsi %scan3A_132, %rem3A_150 : i32
      %jit3A_152 = arith.constant 8 : i32
      %div3A_153 = arith.divsi %rem3A_151, %jit3A_152 : i32
      %sign3A_154 = arith.constant 0 : i32
      %sign3A_155 = arith.cmpi sgt, %rem3A_151, %sign3A_154 : i32
      %sign3A_156 = arith.extui %sign3A_155 : i1 to i32
      %sign3A_157 = arith.constant 0 : i32
      %sign3A_158 = arith.cmpi slt, %rem3A_151, %sign3A_157 : i32
      %sign3A_159 = arith.extui %sign3A_158 : i1 to i32
      %sign3A_160 = arith.subi %sign3A_156, %sign3A_159 : i32
      %sign3A_161 = arith.constant 0 : i32
      %sign3A_162 = arith.cmpi sgt, %jit3A_152, %sign3A_161 : i32
      %sign3A_163 = arith.extui %sign3A_162 : i1 to i32
      %sign3A_164 = arith.constant 0 : i32
      %sign3A_165 = arith.cmpi slt, %jit3A_152, %sign3A_164 : i32
      %sign3A_166 = arith.extui %sign3A_165 : i1 to i32
      %sign3A_167 = arith.subi %sign3A_163, %sign3A_166 : i32
      %ne3A_168 = arith.cmpi ne, %sign3A_160, %sign3A_167 : i32
      %rem3A_169 = arith.remsi %rem3A_151, %jit3A_152 : i32
      %ne3A_170 = arith.constant 0 : i32
      %ne3A_171 = arith.cmpi ne, %rem3A_169, %ne3A_170 : i32
      %and3A_172 = arith.andi %ne3A_168, %ne3A_171 : i1
      %sub3A_173 = arith.constant 1 : i32
      %sub3A_174 = arith.subi %div3A_153, %sub3A_173 : i32
      %select_n3A_175 = arith.select %and3A_172, %sub3A_174, %div3A_153 : i32
      %rem3A_176 = arith.constant 8 : i32
      %rem3A_177 = arith.remsi %scan3A_132, %rem3A_176 : i32
      %mul3A_178 = arith.constant 16 : i32
      %mul3A_179 = arith.muli %rem3A_177, %mul3A_178 : i32
      %broadcast_in_dim3A = arith.constant 0.000000e+00 : f32
      %broadcast_in_dim3A_180 = vector.broadcast %broadcast_in_dim3A : f32 to vector<16xf32>
      %swap3A = arith.index_cast %select_n3A : i32 to index
      %swap3A_181 = arith.index_cast %select_n3A_175 : i32 to index
      %swap3A_182 = arith.index_cast %mul3A_179 : i32 to index
      %swap3A_183 = tpu.vector_load %arg7[%swap3A, %swap3A_181, %swap3A_182] {strides = array<i32>} : memref<2x128x128xf32, #tpu.memory_space<vmem>>, vector<1x1x16xf32>,
      %swap3A_184 = vector.shape_cast %swap3A_183 : vector<1x1x16xf32> to vector<16xf32>
      %swap3A_185 = vector.shape_cast %broadcast_in_dim3A_180 : vector<16xf32> to vector<1x1x16xf32>
      tpu.vector_store %arg7[%swap3A, %swap3A_181, %swap3A_182], %swap3A_185 {strides = array<i32>} : memref<2x128x128xf32, #tpu.memory_space<vmem>>, vector<1x1x16xf32>,
      %scan3A_186 = arith.constant 0 : i32
      %scan3A_187 = arith.constant 1 : i32
      %scan3A_188 = arith.addi %scan3A_132, %scan3A_187 : i32
      %jit3A_189 = arith.constant 1024 : i32
      %div3A_190 = arith.divsi %scan3A_188, %jit3A_189 : i32
      %sign3A_191 = arith.constant 0 : i32
      %sign3A_192 = arith.cmpi sgt, %scan3A_188, %sign3A_191 : i32
      %sign3A_193 = arith.extui %sign3A_192 : i1 to i32
      %sign3A_194 = arith.constant 0 : i32
      %sign3A_195 = arith.cmpi slt, %scan3A_188, %sign3A_194 : i32
      %sign3A_196 = arith.extui %sign3A_195 : i1 to i32
      %sign3A_197 = arith.subi %sign3A_193, %sign3A_196 : i32
      %sign3A_198 = arith.constant 0 : i32
      %sign3A_199 = arith.cmpi sgt, %jit3A_189, %sign3A_198 : i32
      %sign3A_200 = arith.extui %sign3A_199 : i1 to i32
      %sign3A_201 = arith.constant 0 : i32
      %sign3A_202 = arith.cmpi slt, %jit3A_189, %sign3A_201 : i32
      %sign3A_203 = arith.extui %sign3A_202 : i1 to i32
      %sign3A_204 = arith.subi %sign3A_200, %sign3A_203 : i32
      %ne3A_205 = arith.cmpi ne, %sign3A_197, %sign3A_204 : i32
      %rem3A_206 = arith.remsi %scan3A_188, %jit3A_189 : i32
      %ne3A_207 = arith.constant 0 : i32
      %ne3A_208 = arith.cmpi ne, %rem3A_206, %ne3A_207 : i32
      %and3A_209 = arith.andi %ne3A_205, %ne3A_208 : i1
      %sub3A_210 = arith.constant 1 : i32
      %sub3A_211 = arith.subi %div3A_190, %sub3A_210 : i32
      %select_n3A_212 = arith.select %and3A_209, %sub3A_211, %div3A_190 : i32
      %rem3A_213 = arith.constant 1024 : i32
      %rem3A_214 = arith.remsi %scan3A_188, %rem3A_213 : i32
      %jit3A_215 = arith.constant 8 : i32
      %div3A_216 = arith.divsi %rem3A_214, %jit3A_215 : i32
      %sign3A_217 = arith.constant 0 : i32
      %sign3A_218 = arith.cmpi sgt, %rem3A_214, %sign3A_217 : i32
      %sign3A_219 = arith.extui %sign3A_218 : i1 to i32
      %sign3A_220 = arith.constant 0 : i32
      %sign3A_221 = arith.cmpi slt, %rem3A_214, %sign3A_220 : i32
      %sign3A_222 = arith.extui %sign3A_221 : i1 to i32
      %sign3A_223 = arith.subi %sign3A_219, %sign3A_222 : i32
      %sign3A_224 = arith.constant 0 : i32
      %sign3A_225 = arith.cmpi sgt, %jit3A_215, %sign3A_224 : i32
      %sign3A_226 = arith.extui %sign3A_225 : i1 to i32
      %sign3A_227 = arith.constant 0 : i32
      %sign3A_228 = arith.cmpi slt, %jit3A_215, %sign3A_227 : i32
      %sign3A_229 = arith.extui %sign3A_228 : i1 to i32
      %sign3A_230 = arith.subi %sign3A_226, %sign3A_229 : i32
      %ne3A_231 = arith.cmpi ne, %sign3A_223, %sign3A_230 : i32
      %rem3A_232 = arith.remsi %rem3A_214, %jit3A_215 : i32
      %ne3A_233 = arith.constant 0 : i32
      %ne3A_234 = arith.cmpi ne, %rem3A_232, %ne3A_233 : i32
      %and3A_235 = arith.andi %ne3A_231, %ne3A_234 : i1
      %sub3A_236 = arith.constant 1 : i32
      %sub3A_237 = arith.subi %div3A_216, %sub3A_236 : i32
      %select_n3A_238 = arith.select %and3A_235, %sub3A_237, %div3A_216 : i32
      %rem3A_239 = arith.constant 8 : i32
      %rem3A_240 = arith.remsi %scan3A_188, %rem3A_239 : i32
      %mul3A_241 = arith.constant 16 : i32
      %mul3A_242 = arith.muli %rem3A_240, %mul3A_241 : i32
      %broadcast_in_dim3A_243 = arith.constant 0.000000e+00 : f32
      %broadcast_in_dim3A_244 = vector.broadcast %broadcast_in_dim3A_243 : f32 to vector<16xf32>
      %swap3A_245 = arith.index_cast %select_n3A_212 : i32 to index
      %swap3A_246 = arith.index_cast %select_n3A_238 : i32 to index
      %swap3A_247 = arith.index_cast %mul3A_242 : i32 to index
      %swap3A_248 = tpu.vector_load %arg7[%swap3A_245, %swap3A_246, %swap3A_247] {strides = array<i32>} : memref<2x128x128xf32, #tpu.memory_space<vmem>>, vector<1x1x16xf32>,
      %swap3A_249 = vector.shape_cast %swap3A_248 : vector<1x1x16xf32> to vector<16xf32>
      %swap3A_250 = vector.shape_cast %broadcast_in_dim3A_244 : vector<16xf32> to vector<1x1x16xf32>
      tpu.vector_store %arg7[%swap3A_245, %swap3A_246, %swap3A_247], %swap3A_250 {strides = array<i32>} : memref<2x128x128xf32, #tpu.memory_space<vmem>>, vector<1x1x16xf32>,
      %scan3A_251 = arith.constant 0 : i32
      %scan3A_252 = arith.constant 2 : i32
      %scan3A_253 = arith.addi %scan3A_132, %scan3A_252 : i32
      %jit3A_254 = arith.constant 1024 : i32
      %div3A_255 = arith.divsi %scan3A_253, %jit3A_254 : i32
      %sign3A_256 = arith.constant 0 : i32
      %sign3A_257 = arith.cmpi sgt, %scan3A_253, %sign3A_256 : i32
      %sign3A_258 = arith.extui %sign3A_257 : i1 to i32
      %sign3A_259 = arith.constant 0 : i32
      %sign3A_260 = arith.cmpi slt, %scan3A_253, %sign3A_259 : i32
      %sign3A_261 = arith.extui %sign3A_260 : i1 to i32
      %sign3A_262 = arith.subi %sign3A_258, %sign3A_261 : i32
      %sign3A_263 = arith.constant 0 : i32
      %sign3A_264 = arith.cmpi sgt, %jit3A_254, %sign3A_263 : i32
      %sign3A_265 = arith.extui %sign3A_264 : i1 to i32
      %sign3A_266 = arith.constant 0 : i32
      %sign3A_267 = arith.cmpi slt, %jit3A_254, %sign3A_266 : i32
      %sign3A_268 = arith.extui %sign3A_267 : i1 to i32
      %sign3A_269 = arith.subi %sign3A_265, %sign3A_268 : i32
      %ne3A_270 = arith.cmpi ne, %sign3A_262, %sign3A_269 : i32
      %rem3A_271 = arith.remsi %scan3A_253, %jit3A_254 : i32
      %ne3A_272 = arith.constant 0 : i32
      %ne3A_273 = arith.cmpi ne, %rem3A_271, %ne3A_272 : i32
      %and3A_274 = arith.andi %ne3A_270, %ne3A_273 : i1
      %sub3A_275 = arith.constant 1 : i32
      %sub3A_276 = arith.subi %div3A_255, %sub3A_275 : i32
      %select_n3A_277 = arith.select %and3A_274, %sub3A_276, %div3A_255 : i32
      %rem3A_278 = arith.constant 1024 : i32
      %rem3A_279 = arith.remsi %scan3A_253, %rem3A_278 : i32
      %jit3A_280 = arith.constant 8 : i32
      %div3A_281 = arith.divsi %rem3A_279, %jit3A_280 : i32
      %sign3A_282 = arith.constant 0 : i32
      %sign3A_283 = arith.cmpi sgt, %rem3A_279, %sign3A_282 : i32
      %sign3A_284 = arith.extui %sign3A_283 : i1 to i32
      %sign3A_285 = arith.constant 0 : i32
      %sign3A_286 = arith.cmpi slt, %rem3A_279, %sign3A_285 : i32
      %sign3A_287 = arith.extui %sign3A_286 : i1 to i32
      %sign3A_288 = arith.subi %sign3A_284, %sign3A_287 : i32
      %sign3A_289 = arith.constant 0 : i32
      %sign3A_290 = arith.cmpi sgt, %jit3A_280, %sign3A_289 : i32
      %sign3A_291 = arith.extui %sign3A_290 : i1 to i32
      %sign3A_292 = arith.constant 0 : i32
      %sign3A_293 = arith.cmpi slt, %jit3A_280, %sign3A_292 : i32
      %sign3A_294 = arith.extui %sign3A_293 : i1 to i32
      %sign3A_295 = arith.subi %sign3A_291, %sign3A_294 : i32
      %ne3A_296 = arith.cmpi ne, %sign3A_288, %sign3A_295 : i32
      %rem3A_297 = arith.remsi %rem3A_279, %jit3A_280 : i32
      %ne3A_298 = arith.constant 0 : i32
      %ne3A_299 = arith.cmpi ne, %rem3A_297, %ne3A_298 : i32
      %and3A_300 = arith.andi %ne3A_296, %ne3A_299 : i1
      %sub3A_301 = arith.constant 1 : i32
      %sub3A_302 = arith.subi %div3A_281, %sub3A_301 : i32
      %select_n3A_303 = arith.select %and3A_300, %sub3A_302, %div3A_281 : i32
      %rem3A_304 = arith.constant 8 : i32
      %rem3A_305 = arith.remsi %scan3A_253, %rem3A_304 : i32
      %mul3A_306 = arith.constant 16 : i32
      %mul3A_307 = arith.muli %rem3A_305, %mul3A_306 : i32
      %broadcast_in_dim3A_308 = arith.constant 0.000000e+00 : f32
      %broadcast_in_dim3A_309 = vector.broadcast %broadcast_in_dim3A_308 : f32 to vector<16xf32>
      %swap3A_310 = arith.index_cast %select_n3A_277 : i32 to index
      %swap3A_311 = arith.index_cast %select_n3A_303 : i32 to index
      %swap3A_312 = arith.index_cast %mul3A_307 : i32 to index
      %swap3A_313 = tpu.vector_load %arg7[%swap3A_310, %swap3A_311, %swap3A_312] {strides = array<i32>} : memref<2x128x128xf32, #tpu.memory_space<vmem>>, vector<1x1x16xf32>,
      %swap3A_314 = vector.shape_cast %swap3A_313 : vector<1x1x16xf32> to vector<16xf32>
      %swap3A_315 = vector.shape_cast %broadcast_in_dim3A_309 : vector<16xf32> to vector<1x1x16xf32>
      tpu.vector_store %arg7[%swap3A_310, %swap3A_311, %swap3A_312], %swap3A_315 {strides = array<i32>} : memref<2x128x128xf32, #tpu.memory_space<vmem>>, vector<1x1x16xf32>,
      %scan3A_316 = arith.constant 0 : i32
      %scan3A_317 = arith.constant 3 : i32
      %scan3A_318 = arith.addi %scan3A_132, %scan3A_317 : i32
      %jit3A_319 = arith.constant 1024 : i32
      %div3A_320 = arith.divsi %scan3A_318, %jit3A_319 : i32
      %sign3A_321 = arith.constant 0 : i32
      %sign3A_322 = arith.cmpi sgt, %scan3A_318, %sign3A_321 : i32
      %sign3A_323 = arith.extui %sign3A_322 : i1 to i32
      %sign3A_324 = arith.constant 0 : i32
      %sign3A_325 = arith.cmpi slt, %scan3A_318, %sign3A_324 : i32
      %sign3A_326 = arith.extui %sign3A_325 : i1 to i32
      %sign3A_327 = arith.subi %sign3A_323, %sign3A_326 : i32
      %sign3A_328 = arith.constant 0 : i32
      %sign3A_329 = arith.cmpi sgt, %jit3A_319, %sign3A_328 : i32
      %sign3A_330 = arith.extui %sign3A_329 : i1 to i32
      %sign3A_331 = arith.constant 0 : i32
      %sign3A_332 = arith.cmpi slt, %jit3A_319, %sign3A_331 : i32
      %sign3A_333 = arith.extui %sign3A_332 : i1 to i32
      %sign3A_334 = arith.subi %sign3A_330, %sign3A_333 : i32
      %ne3A_335 = arith.cmpi ne, %sign3A_327, %sign3A_334 : i32
      %rem3A_336 = arith.remsi %scan3A_318, %jit3A_319 : i32
      %ne3A_337 = arith.constant 0 : i32
      %ne3A_338 = arith.cmpi ne, %rem3A_336, %ne3A_337 : i32
      %and3A_339 = arith.andi %ne3A_335, %ne3A_338 : i1
      %sub3A_340 = arith.constant 1 : i32
      %sub3A_341 = arith.subi %div3A_320, %sub3A_340 : i32
      %select_n3A_342 = arith.select %and3A_339, %sub3A_341, %div3A_320 : i32
      %rem3A_343 = arith.constant 1024 : i32
      %rem3A_344 = arith.remsi %scan3A_318, %rem3A_343 : i32
      %jit3A_345 = arith.constant 8 : i32
      %div3A_346 = arith.divsi %rem3A_344, %jit3A_345 : i32
      %sign3A_347 = arith.constant 0 : i32
      %sign3A_348 = arith.cmpi sgt, %rem3A_344, %sign3A_347 : i32
      %sign3A_349 = arith.extui %sign3A_348 : i1 to i32
      %sign3A_350 = arith.constant 0 : i32
      %sign3A_351 = arith.cmpi slt, %rem3A_344, %sign3A_350 : i32
      %sign3A_352 = arith.extui %sign3A_351 : i1 to i32
      %sign3A_353 = arith.subi %sign3A_349, %sign3A_352 : i32
      %sign3A_354 = arith.constant 0 : i32
      %sign3A_355 = arith.cmpi sgt, %jit3A_345, %sign3A_354 : i32
      %sign3A_356 = arith.extui %sign3A_355 : i1 to i32
      %sign3A_357 = arith.constant 0 : i32
      %sign3A_358 = arith.cmpi slt, %jit3A_345, %sign3A_357 : i32
      %sign3A_359 = arith.extui %sign3A_358 : i1 to i32
      %sign3A_360 = arith.subi %sign3A_356, %sign3A_359 : i32
      %ne3A_361 = arith.cmpi ne, %sign3A_353, %sign3A_360 : i32
      %rem3A_362 = arith.remsi %rem3A_344, %jit3A_345 : i32
      %ne3A_363 = arith.constant 0 : i32
      %ne3A_364 = arith.cmpi ne, %rem3A_362, %ne3A_363 : i32
      %and3A_365 = arith.andi %ne3A_361, %ne3A_364 : i1
      %sub3A_366 = arith.constant 1 : i32
      %sub3A_367 = arith.subi %div3A_346, %sub3A_366 : i32
      %select_n3A_368 = arith.select %and3A_365, %sub3A_367, %div3A_346 : i32
      %rem3A_369 = arith.constant 8 : i32
      %rem3A_370 = arith.remsi %scan3A_318, %rem3A_369 : i32
      %mul3A_371 = arith.constant 16 : i32
      %mul3A_372 = arith.muli %rem3A_370, %mul3A_371 : i32
      %broadcast_in_dim3A_373 = arith.constant 0.000000e+00 : f32
      %broadcast_in_dim3A_374 = vector.broadcast %broadcast_in_dim3A_373 : f32 to vector<16xf32>
      %swap3A_375 = arith.index_cast %select_n3A_342 : i32 to index
      %swap3A_376 = arith.index_cast %select_n3A_368 : i32 to index
      %swap3A_377 = arith.index_cast %mul3A_372 : i32 to index
      %swap3A_378 = tpu.vector_load %arg7[%swap3A_375, %swap3A_376, %swap3A_377] {strides = array<i32>} : memref<2x128x128xf32, #tpu.memory_space<vmem>>, vector<1x1x16xf32>,
      %swap3A_379 = vector.shape_cast %swap3A_378 : vector<1x1x16xf32> to vector<16xf32>
      %swap3A_380 = vector.shape_cast %broadcast_in_dim3A_374 : vector<16xf32> to vector<1x1x16xf32>
      tpu.vector_store %arg7[%swap3A_375, %swap3A_376, %swap3A_377], %swap3A_380 {strides = array<i32>} : memref<2x128x128xf32, #tpu.memory_space<vmem>>, vector<1x1x16xf32>,
      %scan3A_381 = arith.constant 0 : i32
      %scan3A_382 = arith.constant 4 : i32
      %scan3A_383 = arith.addi %scan3A_132, %scan3A_382 : i32
      %jit3A_384 = arith.constant 1024 : i32
      %div3A_385 = arith.divsi %scan3A_383, %jit3A_384 : i32
      %sign3A_386 = arith.constant 0 : i32
      %sign3A_387 = arith.cmpi sgt, %scan3A_383, %sign3A_386 : i32
      %sign3A_388 = arith.extui %sign3A_387 : i1 to i32
      %sign3A_389 = arith.constant 0 : i32
      %sign3A_390 = arith.cmpi slt, %scan3A_383, %sign3A_389 : i32
      %sign3A_391 = arith.extui %sign3A_390 : i1 to i32
      %sign3A_392 = arith.subi %sign3A_388, %sign3A_391 : i32
      %sign3A_393 = arith.constant 0 : i32
      %sign3A_394 = arith.cmpi sgt, %jit3A_384, %sign3A_393 : i32
      %sign3A_395 = arith.extui %sign3A_394 : i1 to i32
      %sign3A_396 = arith.constant 0 : i32
      %sign3A_397 = arith.cmpi slt, %jit3A_384, %sign3A_396 : i32
      %sign3A_398 = arith.extui %sign3A_397 : i1 to i32
      %sign3A_399 = arith.subi %sign3A_395, %sign3A_398 : i32
      %ne3A_400 = arith.cmpi ne, %sign3A_392, %sign3A_399 : i32
      %rem3A_401 = arith.remsi %scan3A_383, %jit3A_384 : i32
      %ne3A_402 = arith.constant 0 : i32
      %ne3A_403 = arith.cmpi ne, %rem3A_401, %ne3A_402 : i32
      %and3A_404 = arith.andi %ne3A_400, %ne3A_403 : i1
      %sub3A_405 = arith.constant 1 : i32
      %sub3A_406 = arith.subi %div3A_385, %sub3A_405 : i32
      %select_n3A_407 = arith.select %and3A_404, %sub3A_406, %div3A_385 : i32
      %rem3A_408 = arith.constant 1024 : i32
      %rem3A_409 = arith.remsi %scan3A_383, %rem3A_408 : i32
      %jit3A_410 = arith.constant 8 : i32
      %div3A_411 = arith.divsi %rem3A_409, %jit3A_410 : i32
      %sign3A_412 = arith.constant 0 : i32
      %sign3A_413 = arith.cmpi sgt, %rem3A_409, %sign3A_412 : i32
      %sign3A_414 = arith.extui %sign3A_413 : i1 to i32
      %sign3A_415 = arith.constant 0 : i32
      %sign3A_416 = arith.cmpi slt, %rem3A_409, %sign3A_415 : i32
      %sign3A_417 = arith.extui %sign3A_416 : i1 to i32
      %sign3A_418 = arith.subi %sign3A_414, %sign3A_417 : i32
      %sign3A_419 = arith.constant 0 : i32
      %sign3A_420 = arith.cmpi sgt, %jit3A_410, %sign3A_419 : i32
      %sign3A_421 = arith.extui %sign3A_420 : i1 to i32
      %sign3A_422 = arith.constant 0 : i32
      %sign3A_423 = arith.cmpi slt, %jit3A_410, %sign3A_422 : i32
      %sign3A_424 = arith.extui %sign3A_423 : i1 to i32
      %sign3A_425 = arith.subi %sign3A_421, %sign3A_424 : i32
      %ne3A_426 = arith.cmpi ne, %sign3A_418, %sign3A_425 : i32
      %rem3A_427 = arith.remsi %rem3A_409, %jit3A_410 : i32
      %ne3A_428 = arith.constant 0 : i32
      %ne3A_429 = arith.cmpi ne, %rem3A_427, %ne3A_428 : i32
      %and3A_430 = arith.andi %ne3A_426, %ne3A_429 : i1
      %sub3A_431 = arith.constant 1 : i32
      %sub3A_432 = arith.subi %div3A_411, %sub3A_431 : i32
      %select_n3A_433 = arith.select %and3A_430, %sub3A_432, %div3A_411 : i32
      %rem3A_434 = arith.constant 8 : i32
      %rem3A_435 = arith.remsi %scan3A_383, %rem3A_434 : i32
      %mul3A_436 = arith.constant 16 : i32
      %mul3A_437 = arith.muli %rem3A_435, %mul3A_436 : i32
      %broadcast_in_dim3A_438 = arith.constant 0.000000e+00 : f32
      %broadcast_in_dim3A_439 = vector.broadcast %broadcast_in_dim3A_438 : f32 to vector<16xf32>
      %swap3A_440 = arith.index_cast %select_n3A_407 : i32 to index
      %swap3A_441 = arith.index_cast %select_n3A_433 : i32 to index
      %swap3A_442 = arith.index_cast %mul3A_437 : i32 to index
      %swap3A_443 = tpu.vector_load %arg7[%swap3A_440, %swap3A_441, %swap3A_442] {strides = array<i32>} : memref<2x128x128xf32, #tpu.memory_space<vmem>>, vector<1x1x16xf32>,
      %swap3A_444 = vector.shape_cast %swap3A_443 : vector<1x1x16xf32> to vector<16xf32>
      %swap3A_445 = vector.shape_cast %broadcast_in_dim3A_439 : vector<16xf32> to vector<1x1x16xf32>
      tpu.vector_store %arg7[%swap3A_440, %swap3A_441, %swap3A_442], %swap3A_445 {strides = array<i32>} : memref<2x128x128xf32, #tpu.memory_space<vmem>>, vector<1x1x16xf32>,
      %scan3A_446 = arith.constant 0 : i32
      %scan3A_447 = arith.constant 5 : i32
      %scan3A_448 = arith.addi %scan3A_132, %scan3A_447 : i32
      %jit3A_449 = arith.constant 1024 : i32
      %div3A_450 = arith.divsi %scan3A_448, %jit3A_449 : i32
      %sign3A_451 = arith.constant 0 : i32
      %sign3A_452 = arith.cmpi sgt, %scan3A_448, %sign3A_451 : i32
      %sign3A_453 = arith.extui %sign3A_452 : i1 to i32
      %sign3A_454 = arith.constant 0 : i32
      %sign3A_455 = arith.cmpi slt, %scan3A_448, %sign3A_454 : i32
      %sign3A_456 = arith.extui %sign3A_455 : i1 to i32
      %sign3A_457 = arith.subi %sign3A_453, %sign3A_456 : i32
      %sign3A_458 = arith.constant 0 : i32
      %sign3A_459 = arith.cmpi sgt, %jit3A_449, %sign3A_458 : i32
      %sign3A_460 = arith.extui %sign3A_459 : i1 to i32
      %sign3A_461 = arith.constant 0 : i32
      %sign3A_462 = arith.cmpi slt, %jit3A_449, %sign3A_461 : i32
      %sign3A_463 = arith.extui %sign3A_462 : i1 to i32
      %sign3A_464 = arith.subi %sign3A_460, %sign3A_463 : i32
      %ne3A_465 = arith.cmpi ne, %sign3A_457, %sign3A_464 : i32
      %rem3A_466 = arith.remsi %scan3A_448, %jit3A_449 : i32
      %ne3A_467 = arith.constant 0 : i32
      %ne3A_468 = arith.cmpi ne, %rem3A_466, %ne3A_467 : i32
      %and3A_469 = arith.andi %ne3A_465, %ne3A_468 : i1
      %sub3A_470 = arith.constant 1 : i32
      %sub3A_471 = arith.subi %div3A_450, %sub3A_470 : i32
      %select_n3A_472 = arith.select %and3A_469, %sub3A_471, %div3A_450 : i32
      %rem3A_473 = arith.constant 1024 : i32
      %rem3A_474 = arith.remsi %scan3A_448, %rem3A_473 : i32
      %jit3A_475 = arith.constant 8 : i32
      %div3A_476 = arith.divsi %rem3A_474, %jit3A_475 : i32
      %sign3A_477 = arith.constant 0 : i32
      %sign3A_478 = arith.cmpi sgt, %rem3A_474, %sign3A_477 : i32
      %sign3A_479 = arith.extui %sign3A_478 : i1 to i32
      %sign3A_480 = arith.constant 0 : i32
      %sign3A_481 = arith.cmpi slt, %rem3A_474, %sign3A_480 : i32
      %sign3A_482 = arith.extui %sign3A_481 : i1 to i32
      %sign3A_483 = arith.subi %sign3A_479, %sign3A_482 : i32
      %sign3A_484 = arith.constant 0 : i32
      %sign3A_485 = arith.cmpi sgt, %jit3A_475, %sign3A_484 : i32
      %sign3A_486 = arith.extui %sign3A_485 : i1 to i32
      %sign3A_487 = arith.constant 0 : i32
      %sign3A_488 = arith.cmpi slt, %jit3A_475, %sign3A_487 : i32
      %sign3A_489 = arith.extui %sign3A_488 : i1 to i32
      %sign3A_490 = arith.subi %sign3A_486, %sign3A_489 : i32
      %ne3A_491 = arith.cmpi ne, %sign3A_483, %sign3A_490 : i32
      %rem3A_492 = arith.remsi %rem3A_474, %jit3A_475 : i32
      %ne3A_493 = arith.constant 0 : i32
      %ne3A_494 = arith.cmpi ne, %rem3A_492, %ne3A_493 : i32
      %and3A_495 = arith.andi %ne3A_491, %ne3A_494 : i1
      %sub3A_496 = arith.constant 1 : i32
      %sub3A_497 = arith.subi %div3A_476, %sub3A_496 : i32
      %select_n3A_498 = arith.select %and3A_495, %sub3A_497, %div3A_476 : i32
      %rem3A_499 = arith.constant 8 : i32
      %rem3A_500 = arith.remsi %scan3A_448, %rem3A_499 : i32
      %mul3A_501 = arith.constant 16 : i32
      %mul3A_502 = arith.muli %rem3A_500, %mul3A_501 : i32
      %broadcast_in_dim3A_503 = arith.constant 0.000000e+00 : f32
      %broadcast_in_dim3A_504 = vector.broadcast %broadcast_in_dim3A_503 : f32 to vector<16xf32>
      %swap3A_505 = arith.index_cast %select_n3A_472 : i32 to index
      %swap3A_506 = arith.index_cast %select_n3A_498 : i32 to index
      %swap3A_507 = arith.index_cast %mul3A_502 : i32 to index
      %swap3A_508 = tpu.vector_load %arg7[%swap3A_505, %swap3A_506, %swap3A_507] {strides = array<i32>} : memref<2x128x128xf32, #tpu.memory_space<vmem>>, vector<1x1x16xf32>,
      %swap3A_509 = vector.shape_cast %swap3A_508 : vector<1x1x16xf32> to vector<16xf32>
      %swap3A_510 = vector.shape_cast %broadcast_in_dim3A_504 : vector<16xf32> to vector<1x1x16xf32>
      tpu.vector_store %arg7[%swap3A_505, %swap3A_506, %swap3A_507], %swap3A_510 {strides = array<i32>} : memref<2x128x128xf32, #tpu.memory_space<vmem>>, vector<1x1x16xf32>,
      %scan3A_511 = arith.constant 0 : i32
      %scan3A_512 = arith.constant 6 : i32
      %scan3A_513 = arith.addi %scan3A_132, %scan3A_512 : i32
      %jit3A_514 = arith.constant 1024 : i32
      %div3A_515 = arith.divsi %scan3A_513, %jit3A_514 : i32
      %sign3A_516 = arith.constant 0 : i32
      %sign3A_517 = arith.cmpi sgt, %scan3A_513, %sign3A_516 : i32
      %sign3A_518 = arith.extui %sign3A_517 : i1 to i32
      %sign3A_519 = arith.constant 0 : i32
      %sign3A_520 = arith.cmpi slt, %scan3A_513, %sign3A_519 : i32
      %sign3A_521 = arith.extui %sign3A_520 : i1 to i32
      %sign3A_522 = arith.subi %sign3A_518, %sign3A_521 : i32
      %sign3A_523 = arith.constant 0 : i32
      %sign3A_524 = arith.cmpi sgt, %jit3A_514, %sign3A_523 : i32
      %sign3A_525 = arith.extui %sign3A_524 : i1 to i32
      %sign3A_526 = arith.constant 0 : i32
      %sign3A_527 = arith.cmpi slt, %jit3A_514, %sign3A_526 : i32
      %sign3A_528 = arith.extui %sign3A_527 : i1 to i32
      %sign3A_529 = arith.subi %sign3A_525, %sign3A_528 : i32
      %ne3A_530 = arith.cmpi ne, %sign3A_522, %sign3A_529 : i32
      %rem3A_531 = arith.remsi %scan3A_513, %jit3A_514 : i32
      %ne3A_532 = arith.constant 0 : i32
      %ne3A_533 = arith.cmpi ne, %rem3A_531, %ne3A_532 : i32
      %and3A_534 = arith.andi %ne3A_530, %ne3A_533 : i1
      %sub3A_535 = arith.constant 1 : i32
      %sub3A_536 = arith.subi %div3A_515, %sub3A_535 : i32
      %select_n3A_537 = arith.select %and3A_534, %sub3A_536, %div3A_515 : i32
      %rem3A_538 = arith.constant 1024 : i32
      %rem3A_539 = arith.remsi %scan3A_513, %rem3A_538 : i32
      %jit3A_540 = arith.constant 8 : i32
      %div3A_541 = arith.divsi %rem3A_539, %jit3A_540 : i32
      %sign3A_542 = arith.constant 0 : i32
      %sign3A_543 = arith.cmpi sgt, %rem3A_539, %sign3A_542 : i32
      %sign3A_544 = arith.extui %sign3A_543 : i1 to i32
      %sign3A_545 = arith.constant 0 : i32
      %sign3A_546 = arith.cmpi slt, %rem3A_539, %sign3A_545 : i32
      %sign3A_547 = arith.extui %sign3A_546 : i1 to i32
      %sign3A_548 = arith.subi %sign3A_544, %sign3A_547 : i32
      %sign3A_549 = arith.constant 0 : i32
      %sign3A_550 = arith.cmpi sgt, %jit3A_540, %sign3A_549 : i32
      %sign3A_551 = arith.extui %sign3A_550 : i1 to i32
      %sign3A_552 = arith.constant 0 : i32
      %sign3A_553 = arith.cmpi slt, %jit3A_540, %sign3A_552 : i32
      %sign3A_554 = arith.extui %sign3A_553 : i1 to i32
      %sign3A_555 = arith.subi %sign3A_551, %sign3A_554 : i32
      %ne3A_556 = arith.cmpi ne, %sign3A_548, %sign3A_555 : i32
      %rem3A_557 = arith.remsi %rem3A_539, %jit3A_540 : i32
      %ne3A_558 = arith.constant 0 : i32
      %ne3A_559 = arith.cmpi ne, %rem3A_557, %ne3A_558 : i32
      %and3A_560 = arith.andi %ne3A_556, %ne3A_559 : i1
      %sub3A_561 = arith.constant 1 : i32
      %sub3A_562 = arith.subi %div3A_541, %sub3A_561 : i32
      %select_n3A_563 = arith.select %and3A_560, %sub3A_562, %div3A_541 : i32
      %rem3A_564 = arith.constant 8 : i32
      %rem3A_565 = arith.remsi %scan3A_513, %rem3A_564 : i32
      %mul3A_566 = arith.constant 16 : i32
      %mul3A_567 = arith.muli %rem3A_565, %mul3A_566 : i32
      %broadcast_in_dim3A_568 = arith.constant 0.000000e+00 : f32
      %broadcast_in_dim3A_569 = vector.broadcast %broadcast_in_dim3A_568 : f32 to vector<16xf32>
      %swap3A_570 = arith.index_cast %select_n3A_537 : i32 to index
      %swap3A_571 = arith.index_cast %select_n3A_563 : i32 to index
      %swap3A_572 = arith.index_cast %mul3A_567 : i32 to index
      %swap3A_573 = tpu.vector_load %arg7[%swap3A_570, %swap3A_571, %swap3A_572] {strides = array<i32>} : memref<2x128x128xf32, #tpu.memory_space<vmem>>, vector<1x1x16xf32>,
      %swap3A_574 = vector.shape_cast %swap3A_573 : vector<1x1x16xf32> to vector<16xf32>
      %swap3A_575 = vector.shape_cast %broadcast_in_dim3A_569 : vector<16xf32> to vector<1x1x16xf32>
      tpu.vector_store %arg7[%swap3A_570, %swap3A_571, %swap3A_572], %swap3A_575 {strides = array<i32>} : memref<2x128x128xf32, #tpu.memory_space<vmem>>, vector<1x1x16xf32>,
      %scan3A_576 = arith.constant 0 : i32
      %scan3A_577 = arith.constant 7 : i32
      %scan3A_578 = arith.addi %scan3A_132, %scan3A_577 : i32
      %jit3A_579 = arith.constant 1024 : i32
      %div3A_580 = arith.divsi %scan3A_578, %jit3A_579 : i32
      %sign3A_581 = arith.constant 0 : i32
      %sign3A_582 = arith.cmpi sgt, %scan3A_578, %sign3A_581 : i32
      %sign3A_583 = arith.extui %sign3A_582 : i1 to i32
      %sign3A_584 = arith.constant 0 : i32
      %sign3A_585 = arith.cmpi slt, %scan3A_578, %sign3A_584 : i32
      %sign3A_586 = arith.extui %sign3A_585 : i1 to i32
      %sign3A_587 = arith.subi %sign3A_583, %sign3A_586 : i32
      %sign3A_588 = arith.constant 0 : i32
      %sign3A_589 = arith.cmpi sgt, %jit3A_579, %sign3A_588 : i32
      %sign3A_590 = arith.extui %sign3A_589 : i1 to i32
      %sign3A_591 = arith.constant 0 : i32
      %sign3A_592 = arith.cmpi slt, %jit3A_579, %sign3A_591 : i32
      %sign3A_593 = arith.extui %sign3A_592 : i1 to i32
      %sign3A_594 = arith.subi %sign3A_590, %sign3A_593 : i32
      %ne3A_595 = arith.cmpi ne, %sign3A_587, %sign3A_594 : i32
      %rem3A_596 = arith.remsi %scan3A_578, %jit3A_579 : i32
      %ne3A_597 = arith.constant 0 : i32
      %ne3A_598 = arith.cmpi ne, %rem3A_596, %ne3A_597 : i32
      %and3A_599 = arith.andi %ne3A_595, %ne3A_598 : i1
      %sub3A_600 = arith.constant 1 : i32
      %sub3A_601 = arith.subi %div3A_580, %sub3A_600 : i32
      %select_n3A_602 = arith.select %and3A_599, %sub3A_601, %div3A_580 : i32
      %rem3A_603 = arith.constant 1024 : i32
      %rem3A_604 = arith.remsi %scan3A_578, %rem3A_603 : i32
      %jit3A_605 = arith.constant 8 : i32
      %div3A_606 = arith.divsi %rem3A_604, %jit3A_605 : i32
      %sign3A_607 = arith.constant 0 : i32
      %sign3A_608 = arith.cmpi sgt, %rem3A_604, %sign3A_607 : i32
      %sign3A_609 = arith.extui %sign3A_608 : i1 to i32
      %sign3A_610 = arith.constant 0 : i32
      %sign3A_611 = arith.cmpi slt, %rem3A_604, %sign3A_610 : i32
      %sign3A_612 = arith.extui %sign3A_611 : i1 to i32
      %sign3A_613 = arith.subi %sign3A_609, %sign3A_612 : i32
      %sign3A_614 = arith.constant 0 : i32
      %sign3A_615 = arith.cmpi sgt, %jit3A_605, %sign3A_614 : i32
      %sign3A_616 = arith.extui %sign3A_615 : i1 to i32
      %sign3A_617 = arith.constant 0 : i32
      %sign3A_618 = arith.cmpi slt, %jit3A_605, %sign3A_617 : i32
      %sign3A_619 = arith.extui %sign3A_618 : i1 to i32
      %sign3A_620 = arith.subi %sign3A_616, %sign3A_619 : i32
      %ne3A_621 = arith.cmpi ne, %sign3A_613, %sign3A_620 : i32
      %rem3A_622 = arith.remsi %rem3A_604, %jit3A_605 : i32
      %ne3A_623 = arith.constant 0 : i32
      %ne3A_624 = arith.cmpi ne, %rem3A_622, %ne3A_623 : i32
      %and3A_625 = arith.andi %ne3A_621, %ne3A_624 : i1
      %sub3A_626 = arith.constant 1 : i32
      %sub3A_627 = arith.subi %div3A_606, %sub3A_626 : i32
      %select_n3A_628 = arith.select %and3A_625, %sub3A_627, %div3A_606 : i32
      %rem3A_629 = arith.constant 8 : i32
      %rem3A_630 = arith.remsi %scan3A_578, %rem3A_629 : i32
      %mul3A_631 = arith.constant 16 : i32
      %mul3A_632 = arith.muli %rem3A_630, %mul3A_631 : i32
      %broadcast_in_dim3A_633 = arith.constant 0.000000e+00 : f32
      %broadcast_in_dim3A_634 = vector.broadcast %broadcast_in_dim3A_633 : f32 to vector<16xf32>
      %swap3A_635 = arith.index_cast %select_n3A_602 : i32 to index
      %swap3A_636 = arith.index_cast %select_n3A_628 : i32 to index
      %swap3A_637 = arith.index_cast %mul3A_632 : i32 to index
      %swap3A_638 = tpu.vector_load %arg7[%swap3A_635, %swap3A_636, %swap3A_637] {strides = array<i32>} : memref<2x128x128xf32, #tpu.memory_space<vmem>>, vector<1x1x16xf32>,
      %swap3A_639 = vector.shape_cast %swap3A_638 : vector<1x1x16xf32> to vector<16xf32>
      %swap3A_640 = vector.shape_cast %broadcast_in_dim3A_634 : vector<16xf32> to vector<1x1x16xf32>
      tpu.vector_store %arg7[%swap3A_635, %swap3A_636, %swap3A_637], %swap3A_640 {strides = array<i32>} : memref<2x128x128xf32, #tpu.memory_space<vmem>>, vector<1x1x16xf32>,
      %scan3A_641 = arith.constant 0 : i32
      scf.yield %scan3A_641 : i32
    }
    %scan3A_14 = arith.constant 2048 : i32
    %mul3A_15 = arith.constant 640 : i32
    %mul3A_16 = arith.muli %arg1, %mul3A_15 : i32
    %add3A_17 = arith.constant 0 : i32
    %add3A_18 = arith.addi %mul3A_16, %add3A_17 : i32
    %run_scoped3A = arith.constant 0 : i32
    "tpu.region"() ({
      %run_scoped3A_132 = tpu.sem_alloc : memref<!tpu.dma_semaphore, #tpu.memory_space<semaphore_mem>>
      %dma_start3A_133 = arith.constant 0 : i32
      %dma_start3A_134 = arith.constant 0 : i32
      %dma_start3A_135 = tpu.memref_slice %arg7[%run_scoped3A, %dma_start3A_133, %dma_start3A_134] : memref<2x128x128xf32, #tpu.memory_space<vmem>> -> memref<1x128x128xf32, #tpu.memory_space<vmem>>
      %dma_start3A_136 = tpu.memref_squeeze %dma_start3A_135 : memref<1x128x128xf32, #tpu.memory_space<vmem>> -> memref<128x128xf32, #tpu.memory_space<vmem>>
      %dma_start3A_137 = arith.constant 0 : i32
      %dma_start3A_138 = tpu.memref_slice %arg8[%add3A_18, %dma_start3A_137] : memref<10240x128xf32, #tpu.memory_space<vmem_shared>> -> memref<128x128xf32, #tpu.memory_space<vmem_shared>>
      %dma_start3A_139 = arith.constant 0 : i32
      %dma_start3A_140 = tpu.memref_slice %arg8[%add3A_18, %dma_start3A_139] : memref<10240x128xf32, #tpu.memory_space<vmem_shared>> -> memref<128x128xf32, #tpu.memory_space<vmem_shared>>
      %dma_start3A_141 = arith.constant 0 : i32
      %dma_start3A_142 = arith.constant 0 : i32
      %dma_start3A_143 = tpu.memref_slice %arg7[%run_scoped3A, %dma_start3A_141, %dma_start3A_142] : memref<2x128x128xf32, #tpu.memory_space<vmem>> -> memref<1x128x128xf32, #tpu.memory_space<vmem>>
      %dma_start3A_144 = tpu.memref_squeeze %dma_start3A_143 : memref<1x128x128xf32, #tpu.memory_space<vmem>> -> memref<128x128xf32, #tpu.memory_space<vmem>>
      tpu.enqueue_dma source(%dma_start3A_144 : memref<128x128xf32, #tpu.memory_space<vmem>>) target(%dma_start3A_140 : memref<128x128xf32, #tpu.memory_space<vmem_shared>>) target_semaphore(%run_scoped3A_132 : memref<!tpu.dma_semaphore, #tpu.memory_space<semaphore_mem>>)
      %dma_wait3A_145 = arith.constant 0 : i32
      %dma_wait3A_146 = arith.constant 0 : i32
      %dma_wait3A_147 = tpu.memref_slice %arg7[%run_scoped3A, %dma_wait3A_145, %dma_wait3A_146] : memref<2x128x128xf32, #tpu.memory_space<vmem>> -> memref<1x128x128xf32, #tpu.memory_space<vmem>>
      %dma_wait3A_148 = tpu.memref_squeeze %dma_wait3A_147 : memref<1x128x128xf32, #tpu.memory_space<vmem>> -> memref<128x128xf32, #tpu.memory_space<vmem>>
      %dma_wait3A_149 = arith.constant 0 : i32
      %dma_wait3A_150 = tpu.memref_slice %arg8[%add3A_18, %dma_wait3A_149] : memref<10240x128xf32, #tpu.memory_space<vmem_shared>> -> memref<128x128xf32, #tpu.memory_space<vmem_shared>>
      %dma_wait3A_151 = arith.constant 0 : i32
      %dma_wait3A_152 = tpu.memref_slice %arg8[%add3A_18, %dma_wait3A_151] : memref<10240x128xf32, #tpu.memory_space<vmem_shared>> -> memref<128x128xf32, #tpu.memory_space<vmem_shared>>
      %dma_wait3A_153 = arith.constant 0 : i32
      %dma_wait3A_154 = arith.constant 0 : i32
      %dma_wait3A_155 = tpu.memref_slice %arg7[%run_scoped3A, %dma_wait3A_153, %dma_wait3A_154] : memref<2x128x128xf32, #tpu.memory_space<vmem>> -> memref<1x128x128xf32, #tpu.memory_space<vmem>>
      %dma_wait3A_156 = tpu.memref_squeeze %dma_wait3A_155 : memref<1x128x128xf32, #tpu.memory_space<vmem>> -> memref<128x128xf32, #tpu.memory_space<vmem>>
      tpu.wait_dma2 semaphore(%run_scoped3A_132 : memref<!tpu.dma_semaphore, #tpu.memory_space<semaphore_mem>>) src(%dma_wait3A_156 : memref<128x128xf32, #tpu.memory_space<vmem>>) dst(%dma_wait3A_152 : memref<128x128xf32, #tpu.memory_space<vmem_shared>>)
      tpu.yield
    }) : () -> ()
    %mul3A_19 = arith.constant 640 : i32
    %mul3A_20 = arith.muli %arg1, %mul3A_19 : i32
    %add3A_21 = arith.constant 128 : i32
    %add3A_22 = arith.addi %mul3A_20, %add3A_21 : i32
    %run_scoped3A_23 = arith.constant 0 : i32
    "tpu.region"() ({
      %run_scoped3A_132 = tpu.sem_alloc : memref<!tpu.dma_semaphore, #tpu.memory_space<semaphore_mem>>
      %dma_start3A_133 = arith.constant 0 : i32
      %dma_start3A_134 = arith.constant 0 : i32
      %dma_start3A_135 = tpu.memref_slice %arg7[%run_scoped3A_23, %dma_start3A_133, %dma_start3A_134] : memref<2x128x128xf32, #tpu.memory_space<vmem>> -> memref<1x128x128xf32, #tpu.memory_space<vmem>>
      %dma_start3A_136 = tpu.memref_squeeze %dma_start3A_135 : memref<1x128x128xf32, #tpu.memory_space<vmem>> -> memref<128x128xf32, #tpu.memory_space<vmem>>
      %dma_start3A_137 = arith.constant 0 : i32
      %dma_start3A_138 = tpu.memref_slice %arg8[%add3A_22, %dma_start3A_137] : memref<10240x128xf32, #tpu.memory_space<vmem_shared>> -> memref<128x128xf32, #tpu.memory_space<vmem_shared>>
      %dma_start3A_139 = arith.constant 0 : i32
      %dma_start3A_140 = tpu.memref_slice %arg8[%add3A_22, %dma_start3A_139] : memref<10240x128xf32, #tpu.memory_space<vmem_shared>> -> memref<128x128xf32, #tpu.memory_space<vmem_shared>>
      %dma_start3A_141 = arith.constant 0 : i32
      %dma_start3A_142 = arith.constant 0 : i32
      %dma_start3A_143 = tpu.memref_slice %arg7[%run_scoped3A_23, %dma_start3A_141, %dma_start3A_142] : memref<2x128x128xf32, #tpu.memory_space<vmem>> -> memref<1x128x128xf32, #tpu.memory_space<vmem>>
      %dma_start3A_144 = tpu.memref_squeeze %dma_start3A_143 : memref<1x128x128xf32, #tpu.memory_space<vmem>> -> memref<128x128xf32, #tpu.memory_space<vmem>>
      tpu.enqueue_dma source(%dma_start3A_144 : memref<128x128xf32, #tpu.memory_space<vmem>>) target(%dma_start3A_140 : memref<128x128xf32, #tpu.memory_space<vmem_shared>>) target_semaphore(%run_scoped3A_132 : memref<!tpu.dma_semaphore, #tpu.memory_space<semaphore_mem>>)
      %dma_wait3A_145 = arith.constant 0 : i32
      %dma_wait3A_146 = arith.constant 0 : i32
      %dma_wait3A_147 = tpu.memref_slice %arg7[%run_scoped3A_23, %dma_wait3A_145, %dma_wait3A_146] : memref<2x128x128xf32, #tpu.memory_space<vmem>> -> memref<1x128x128xf32, #tpu.memory_space<vmem>>
      %dma_wait3A_148 = tpu.memref_squeeze %dma_wait3A_147 : memref<1x128x128xf32, #tpu.memory_space<vmem>> -> memref<128x128xf32, #tpu.memory_space<vmem>>
      %dma_wait3A_149 = arith.constant 0 : i32
      %dma_wait3A_150 = tpu.memref_slice %arg8[%add3A_22, %dma_wait3A_149] : memref<10240x128xf32, #tpu.memory_space<vmem_shared>> -> memref<128x128xf32, #tpu.memory_space<vmem_shared>>
      %dma_wait3A_151 = arith.constant 0 : i32
      %dma_wait3A_152 = tpu.memref_slice %arg8[%add3A_22, %dma_wait3A_151] : memref<10240x128xf32, #tpu.memory_space<vmem_shared>> -> memref<128x128xf32, #tpu.memory_space<vmem_shared>>
      %dma_wait3A_153 = arith.constant 0 : i32
      %dma_wait3A_154 = arith.constant 0 : i32
      %dma_wait3A_155 = tpu.memref_slice %arg7[%run_scoped3A_23, %dma_wait3A_153, %dma_wait3A_154] : memref<2x128x128xf32, #tpu.memory_space<vmem>> -> memref<1x128x128xf32, #tpu.memory_space<vmem>>
      %dma_wait3A_156 = tpu.memref_squeeze %dma_wait3A_155 : memref<1x128x128xf32, #tpu.memory_space<vmem>> -> memref<128x128xf32, #tpu.memory_space<vmem>>
      tpu.wait_dma2 semaphore(%run_scoped3A_132 : memref<!tpu.dma_semaphore, #tpu.memory_space<semaphore_mem>>) src(%dma_wait3A_156 : memref<128x128xf32, #tpu.memory_space<vmem>>) dst(%dma_wait3A_152 : memref<128x128xf32, #tpu.memory_space<vmem_shared>>)
      tpu.yield
    }) : () -> ()
    %mul3A_24 = arith.constant 640 : i32
    %mul3A_25 = arith.muli %arg1, %mul3A_24 : i32
    %add3A_26 = arith.constant 256 : i32
    %add3A_27 = arith.addi %mul3A_25, %add3A_26 : i32
    %run_scoped3A_28 = arith.constant 0 : i32
    "tpu.region"() ({
      %run_scoped3A_132 = tpu.sem_alloc : memref<!tpu.dma_semaphore, #tpu.memory_space<semaphore_mem>>
      %dma_start3A_133 = arith.constant 0 : i32
      %dma_start3A_134 = arith.constant 0 : i32
      %dma_start3A_135 = tpu.memref_slice %arg7[%run_scoped3A_28, %dma_start3A_133, %dma_start3A_134] : memref<2x128x128xf32, #tpu.memory_space<vmem>> -> memref<1x128x128xf32, #tpu.memory_space<vmem>>
      %dma_start3A_136 = tpu.memref_squeeze %dma_start3A_135 : memref<1x128x128xf32, #tpu.memory_space<vmem>> -> memref<128x128xf32, #tpu.memory_space<vmem>>
      %dma_start3A_137 = arith.constant 0 : i32
      %dma_start3A_138 = tpu.memref_slice %arg8[%add3A_27, %dma_start3A_137] : memref<10240x128xf32, #tpu.memory_space<vmem_shared>> -> memref<128x128xf32, #tpu.memory_space<vmem_shared>>
      %dma_start3A_139 = arith.constant 0 : i32
      %dma_start3A_140 = tpu.memref_slice %arg8[%add3A_27, %dma_start3A_139] : memref<10240x128xf32, #tpu.memory_space<vmem_shared>> -> memref<128x128xf32, #tpu.memory_space<vmem_shared>>
      %dma_start3A_141 = arith.constant 0 : i32
      %dma_start3A_142 = arith.constant 0 : i32
      %dma_start3A_143 = tpu.memref_slice %arg7[%run_scoped3A_28, %dma_start3A_141, %dma_start3A_142] : memref<2x128x128xf32, #tpu.memory_space<vmem>> -> memref<1x128x128xf32, #tpu.memory_space<vmem>>
      %dma_start3A_144 = tpu.memref_squeeze %dma_start3A_143 : memref<1x128x128xf32, #tpu.memory_space<vmem>> -> memref<128x128xf32, #tpu.memory_space<vmem>>
      tpu.enqueue_dma source(%dma_start3A_144 : memref<128x128xf32, #tpu.memory_space<vmem>>) target(%dma_start3A_140 : memref<128x128xf32, #tpu.memory_space<vmem_shared>>) target_semaphore(%run_scoped3A_132 : memref<!tpu.dma_semaphore, #tpu.memory_space<semaphore_mem>>)
      %dma_wait3A_145 = arith.constant 0 : i32
      %dma_wait3A_146 = arith.constant 0 : i32
      %dma_wait3A_147 = tpu.memref_slice %arg7[%run_scoped3A_28, %dma_wait3A_145, %dma_wait3A_146] : memref<2x128x128xf32, #tpu.memory_space<vmem>> -> memref<1x128x128xf32, #tpu.memory_space<vmem>>
      %dma_wait3A_148 = tpu.memref_squeeze %dma_wait3A_147 : memref<1x128x128xf32, #tpu.memory_space<vmem>> -> memref<128x128xf32, #tpu.memory_space<vmem>>
      %dma_wait3A_149 = arith.constant 0 : i32
      %dma_wait3A_150 = tpu.memref_slice %arg8[%add3A_27, %dma_wait3A_149] : memref<10240x128xf32, #tpu.memory_space<vmem_shared>> -> memref<128x128xf32, #tpu.memory_space<vmem_shared>>
      %dma_wait3A_151 = arith.constant 0 : i32
      %dma_wait3A_152 = tpu.memref_slice %arg8[%add3A_27, %dma_wait3A_151] : memref<10240x128xf32, #tpu.memory_space<vmem_shared>> -> memref<128x128xf32, #tpu.memory_space<vmem_shared>>
      %dma_wait3A_153 = arith.constant 0 : i32
      %dma_wait3A_154 = arith.constant 0 : i32
      %dma_wait3A_155 = tpu.memref_slice %arg7[%run_scoped3A_28, %dma_wait3A_153, %dma_wait3A_154] : memref<2x128x128xf32, #tpu.memory_space<vmem>> -> memref<1x128x128xf32, #tpu.memory_space<vmem>>
      %dma_wait3A_156 = tpu.memref_squeeze %dma_wait3A_155 : memref<1x128x128xf32, #tpu.memory_space<vmem>> -> memref<128x128xf32, #tpu.memory_space<vmem>>
      tpu.wait_dma2 semaphore(%run_scoped3A_132 : memref<!tpu.dma_semaphore, #tpu.memory_space<semaphore_mem>>) src(%dma_wait3A_156 : memref<128x128xf32, #tpu.memory_space<vmem>>) dst(%dma_wait3A_152 : memref<128x128xf32, #tpu.memory_space<vmem_shared>>)
      tpu.yield
    }) : () -> ()
    %mul3A_29 = arith.constant 640 : i32
    %mul3A_30 = arith.muli %arg1, %mul3A_29 : i32
    %add3A_31 = arith.constant 384 : i32
    %add3A_32 = arith.addi %mul3A_30, %add3A_31 : i32
    %run_scoped3A_33 = arith.constant 0 : i32
    "tpu.region"() ({
      %run_scoped3A_132 = tpu.sem_alloc : memref<!tpu.dma_semaphore, #tpu.memory_space<semaphore_mem>>
      %dma_start3A_133 = arith.constant 0 : i32
      %dma_start3A_134 = arith.constant 0 : i32
      %dma_start3A_135 = tpu.memref_slice %arg7[%run_scoped3A_33, %dma_start3A_133, %dma_start3A_134] : memref<2x128x128xf32, #tpu.memory_space<vmem>> -> memref<1x128x128xf32, #tpu.memory_space<vmem>>
      %dma_start3A_136 = tpu.memref_squeeze %dma_start3A_135 : memref<1x128x128xf32, #tpu.memory_space<vmem>> -> memref<128x128xf32, #tpu.memory_space<vmem>>
      %dma_start3A_137 = arith.constant 0 : i32
      %dma_start3A_138 = tpu.memref_slice %arg8[%add3A_32, %dma_start3A_137] : memref<10240x128xf32, #tpu.memory_space<vmem_shared>> -> memref<128x128xf32, #tpu.memory_space<vmem_shared>>
      %dma_start3A_139 = arith.constant 0 : i32
      %dma_start3A_140 = tpu.memref_slice %arg8[%add3A_32, %dma_start3A_139] : memref<10240x128xf32, #tpu.memory_space<vmem_shared>> -> memref<128x128xf32, #tpu.memory_space<vmem_shared>>
      %dma_start3A_141 = arith.constant 0 : i32
      %dma_start3A_142 = arith.constant 0 : i32
      %dma_start3A_143 = tpu.memref_slice %arg7[%run_scoped3A_33, %dma_start3A_141, %dma_start3A_142] : memref<2x128x128xf32, #tpu.memory_space<vmem>> -> memref<1x128x128xf32, #tpu.memory_space<vmem>>
      %dma_start3A_144 = tpu.memref_squeeze %dma_start3A_143 : memref<1x128x128xf32, #tpu.memory_space<vmem>> -> memref<128x128xf32, #tpu.memory_space<vmem>>
      tpu.enqueue_dma source(%dma_start3A_144 : memref<128x128xf32, #tpu.memory_space<vmem>>) target(%dma_start3A_140 : memref<128x128xf32, #tpu.memory_space<vmem_shared>>) target_semaphore(%run_scoped3A_132 : memref<!tpu.dma_semaphore, #tpu.memory_space<semaphore_mem>>)
      %dma_wait3A_145 = arith.constant 0 : i32
      %dma_wait3A_146 = arith.constant 0 : i32
      %dma_wait3A_147 = tpu.memref_slice %arg7[%run_scoped3A_33, %dma_wait3A_145, %dma_wait3A_146] : memref<2x128x128xf32, #tpu.memory_space<vmem>> -> memref<1x128x128xf32, #tpu.memory_space<vmem>>
      %dma_wait3A_148 = tpu.memref_squeeze %dma_wait3A_147 : memref<1x128x128xf32, #tpu.memory_space<vmem>> -> memref<128x128xf32, #tpu.memory_space<vmem>>
      %dma_wait3A_149 = arith.constant 0 : i32
      %dma_wait3A_150 = tpu.memref_slice %arg8[%add3A_32, %dma_wait3A_149] : memref<10240x128xf32, #tpu.memory_space<vmem_shared>> -> memref<128x128xf32, #tpu.memory_space<vmem_shared>>
      %dma_wait3A_151 = arith.constant 0 : i32
      %dma_wait3A_152 = tpu.memref_slice %arg8[%add3A_32, %dma_wait3A_151] : memref<10240x128xf32, #tpu.memory_space<vmem_shared>> -> memref<128x128xf32, #tpu.memory_space<vmem_shared>>
      %dma_wait3A_153 = arith.constant 0 : i32
      %dma_wait3A_154 = arith.constant 0 : i32
      %dma_wait3A_155 = tpu.memref_slice %arg7[%run_scoped3A_33, %dma_wait3A_153, %dma_wait3A_154] : memref<2x128x128xf32, #tpu.memory_space<vmem>> -> memref<1x128x128xf32, #tpu.memory_space<vmem>>
      %dma_wait3A_156 = tpu.memref_squeeze %dma_wait3A_155 : memref<1x128x128xf32, #tpu.memory_space<vmem>> -> memref<128x128xf32, #tpu.memory_space<vmem>>
      tpu.wait_dma2 semaphore(%run_scoped3A_132 : memref<!tpu.dma_semaphore, #tpu.memory_space<semaphore_mem>>) src(%dma_wait3A_156 : memref<128x128xf32, #tpu.memory_space<vmem>>) dst(%dma_wait3A_152 : memref<128x128xf32, #tpu.memory_space<vmem_shared>>)
      tpu.yield
    }) : () -> ()
    %mul3A_34 = arith.constant 640 : i32
    %mul3A_35 = arith.muli %arg1, %mul3A_34 : i32
    %add3A_36 = arith.constant 512 : i32
    %add3A_37 = arith.addi %mul3A_35, %add3A_36 : i32
    %run_scoped3A_38 = arith.constant 0 : i32
    "tpu.region"() ({
      %run_scoped3A_132 = tpu.sem_alloc : memref<!tpu.dma_semaphore, #tpu.memory_space<semaphore_mem>>
      %dma_start3A_133 = arith.constant 0 : i32
      %dma_start3A_134 = arith.constant 0 : i32
      %dma_start3A_135 = tpu.memref_slice %arg7[%run_scoped3A_38, %dma_start3A_133, %dma_start3A_134] : memref<2x128x128xf32, #tpu.memory_space<vmem>> -> memref<1x128x128xf32, #tpu.memory_space<vmem>>
      %dma_start3A_136 = tpu.memref_squeeze %dma_start3A_135 : memref<1x128x128xf32, #tpu.memory_space<vmem>> -> memref<128x128xf32, #tpu.memory_space<vmem>>
      %dma_start3A_137 = arith.constant 0 : i32
      %dma_start3A_138 = tpu.memref_slice %arg8[%add3A_37, %dma_start3A_137] : memref<10240x128xf32, #tpu.memory_space<vmem_shared>> -> memref<128x128xf32, #tpu.memory_space<vmem_shared>>
      %dma_start3A_139 = arith.constant 0 : i32
      %dma_start3A_140 = tpu.memref_slice %arg8[%add3A_37, %dma_start3A_139] : memref<10240x128xf32, #tpu.memory_space<vmem_shared>> -> memref<128x128xf32, #tpu.memory_space<vmem_shared>>
      %dma_start3A_141 = arith.constant 0 : i32
      %dma_start3A_142 = arith.constant 0 : i32
      %dma_start3A_143 = tpu.memref_slice %arg7[%run_scoped3A_38, %dma_start3A_141, %dma_start3A_142] : memref<2x128x128xf32, #tpu.memory_space<vmem>> -> memref<1x128x128xf32, #tpu.memory_space<vmem>>
      %dma_start3A_144 = tpu.memref_squeeze %dma_start3A_143 : memref<1x128x128xf32, #tpu.memory_space<vmem>> -> memref<128x128xf32, #tpu.memory_space<vmem>>
      tpu.enqueue_dma source(%dma_start3A_144 : memref<128x128xf32, #tpu.memory_space<vmem>>) target(%dma_start3A_140 : memref<128x128xf32, #tpu.memory_space<vmem_shared>>) target_semaphore(%run_scoped3A_132 : memref<!tpu.dma_semaphore, #tpu.memory_space<semaphore_mem>>)
      %dma_wait3A_145 = arith.constant 0 : i32
      %dma_wait3A_146 = arith.constant 0 : i32
      %dma_wait3A_147 = tpu.memref_slice %arg7[%run_scoped3A_38, %dma_wait3A_145, %dma_wait3A_146] : memref<2x128x128xf32, #tpu.memory_space<vmem>> -> memref<1x128x128xf32, #tpu.memory_space<vmem>>
      %dma_wait3A_148 = tpu.memref_squeeze %dma_wait3A_147 : memref<1x128x128xf32, #tpu.memory_space<vmem>> -> memref<128x128xf32, #tpu.memory_space<vmem>>
      %dma_wait3A_149 = arith.constant 0 : i32
      %dma_wait3A_150 = tpu.memref_slice %arg8[%add3A_37, %dma_wait3A_149] : memref<10240x128xf32, #tpu.memory_space<vmem_shared>> -> memref<128x128xf32, #tpu.memory_space<vmem_shared>>
      %dma_wait3A_151 = arith.constant 0 : i32
      %dma_wait3A_152 = tpu.memref_slice %arg8[%add3A_37, %dma_wait3A_151] : memref<10240x128xf32, #tpu.memory_space<vmem_shared>> -> memref<128x128xf32, #tpu.memory_space<vmem_shared>>
      %dma_wait3A_153 = arith.constant 0 : i32
      %dma_wait3A_154 = arith.constant 0 : i32
      %dma_wait3A_155 = tpu.memref_slice %arg7[%run_scoped3A_38, %dma_wait3A_153, %dma_wait3A_154] : memref<2x128x128xf32, #tpu.memory_space<vmem>> -> memref<1x128x128xf32, #tpu.memory_space<vmem>>
      %dma_wait3A_156 = tpu.memref_squeeze %dma_wait3A_155 : memref<1x128x128xf32, #tpu.memory_space<vmem>> -> memref<128x128xf32, #tpu.memory_space<vmem>>
      tpu.wait_dma2 semaphore(%run_scoped3A_132 : memref<!tpu.dma_semaphore, #tpu.memory_space<semaphore_mem>>) src(%dma_wait3A_156 : memref<128x128xf32, #tpu.memory_space<vmem>>) dst(%dma_wait3A_152 : memref<128x128xf32, #tpu.memory_space<vmem_shared>>)
      tpu.yield
    }) : () -> ()
    %dma_wait3A = arith.constant 1 : i32
    %dma_wait3A_39 = arith.constant 0 : i32
    %dma_wait3A_40 = tpu.memref_slice %arg3[%dma_wait3A, %mul3A_2, %dma_wait3A_39] : memref<2x2560x125xi32, #tpu.memory_space<hbm>> -> memref<1x80x125xi32, #tpu.memory_space<hbm>>
    %dma_wait3A_41 = tpu.memref_squeeze %dma_wait3A_40 : memref<1x80x125xi32, #tpu.memory_space<hbm>> -> memref<80x125xi32, #tpu.memory_space<hbm>>
    %dma_wait3A_42 = arith.constant 0 : i32
    %dma_wait3A_43 = tpu.memref_slice %arg3[%dma_wait3A, %mul3A_2, %dma_wait3A_42] : memref<2x2560x125xi32, #tpu.memory_space<hbm>> -> memref<1x80x125xi32, #tpu.memory_space<hbm>>
    %dma_wait3A_44 = tpu.memref_squeeze %dma_wait3A_43 : memref<1x80x125xi32, #tpu.memory_space<hbm>> -> memref<80x125xi32, #tpu.memory_space<hbm>>
    tpu.wait_dma2 semaphore(%arg13 : memref<!tpu.dma_semaphore, #tpu.memory_space<semaphore_mem>>) src(%dma_wait3A_44 : memref<80x125xi32, #tpu.memory_space<hbm>>) dst(%arg5 : memref<80x125xi32, #tpu.memory_space<vmem>>)
    %dma_start3A_45 = arith.constant 0 : i32
    %dma_start3A_46 = arith.constant 0 : i32
    %dma_start3A_47 = arith.constant 0 : i32
    %dma_start3A_48 = arith.constant 0 : i32
    %dma_start3A_49 = tpu.memref_slice %arg6[%dma_start3A_46, %dma_start3A_47, %dma_start3A_48] : memref<2x8x125xi32, #tpu.memory_space<vmem>> -> memref<1x8x125xi32, #tpu.memory_space<vmem>>
    %dma_start3A_50 = tpu.memref_squeeze %dma_start3A_49 : memref<1x8x125xi32, #tpu.memory_space<vmem>> -> memref<8x125xi32, #tpu.memory_space<vmem>>
    %dma_start3A_51 = arith.constant 0 : i32
    %dma_start3A_52 = tpu.memref_slice %arg3[%dma_start3A_45, %mul3A_2, %dma_start3A_51] : memref<2x2560x125xi32, #tpu.memory_space<hbm>> -> memref<1x8x125xi32, #tpu.memory_space<hbm>>
    %dma_start3A_53 = tpu.memref_squeeze %dma_start3A_52 : memref<1x8x125xi32, #tpu.memory_space<hbm>> -> memref<8x125xi32, #tpu.memory_space<hbm>>
    %dma_start3A_54 = arith.constant 0 : i32
    %dma_start3A_55 = arith.constant 0 : i32
    %dma_start3A_56 = tpu.memref_slice %arg6[%dma_start3A_46, %dma_start3A_54, %dma_start3A_55] : memref<2x8x125xi32, #tpu.memory_space<vmem>> -> memref<1x8x125xi32, #tpu.memory_space<vmem>>
    %dma_start3A_57 = tpu.memref_squeeze %dma_start3A_56 : memref<1x8x125xi32, #tpu.memory_space<vmem>> -> memref<8x125xi32, #tpu.memory_space<vmem>>
    %dma_start3A_58 = arith.constant 0 : i32
    %dma_start3A_59 = tpu.memref_slice %arg3[%dma_start3A_45, %mul3A_2, %dma_start3A_58] : memref<2x2560x125xi32, #tpu.memory_space<hbm>> -> memref<1x8x125xi32, #tpu.memory_space<hbm>>
    %dma_start3A_60 = tpu.memref_squeeze %dma_start3A_59 : memref<1x8x125xi32, #tpu.memory_space<hbm>> -> memref<8x125xi32, #tpu.memory_space<hbm>>
    tpu.enqueue_dma source(%dma_start3A_60 : memref<8x125xi32, #tpu.memory_space<hbm>>) target(%dma_start3A_57 : memref<8x125xi32, #tpu.memory_space<vmem>>) target_semaphore(%arg13 : memref<!tpu.dma_semaphore, #tpu.memory_space<semaphore_mem>>)
    %dma_wait3A_61 = arith.constant 0 : i32
    %dma_wait3A_62 = arith.constant 0 : i32
    %dma_wait3A_63 = arith.constant 0 : i32
    %dma_wait3A_64 = arith.constant 0 : i32
    %dma_wait3A_65 = tpu.memref_slice %arg6[%dma_wait3A_62, %dma_wait3A_63, %dma_wait3A_64] : memref<2x8x125xi32, #tpu.memory_space<vmem>> -> memref<1x8x125xi32, #tpu.memory_space<vmem>>
    %dma_wait3A_66 = tpu.memref_squeeze %dma_wait3A_65 : memref<1x8x125xi32, #tpu.memory_space<vmem>> -> memref<8x125xi32, #tpu.memory_space<vmem>>
    %dma_wait3A_67 = arith.constant 0 : i32
    %dma_wait3A_68 = tpu.memref_slice %arg3[%dma_wait3A_61, %mul3A_2, %dma_wait3A_67] : memref<2x2560x125xi32, #tpu.memory_space<hbm>> -> memref<1x8x125xi32, #tpu.memory_space<hbm>>
    %dma_wait3A_69 = tpu.memref_squeeze %dma_wait3A_68 : memref<1x8x125xi32, #tpu.memory_space<hbm>> -> memref<8x125xi32, #tpu.memory_space<hbm>>
    %dma_wait3A_70 = arith.constant 0 : i32
    %dma_wait3A_71 = arith.constant 0 : i32
    %dma_wait3A_72 = tpu.memref_slice %arg6[%dma_wait3A_62, %dma_wait3A_70, %dma_wait3A_71] : memref<2x8x125xi32, #tpu.memory_space<vmem>> -> memref<1x8x125xi32, #tpu.memory_space<vmem>>
    %dma_wait3A_73 = tpu.memref_squeeze %dma_wait3A_72 : memref<1x8x125xi32, #tpu.memory_space<vmem>> -> memref<8x125xi32, #tpu.memory_space<vmem>>
    %dma_wait3A_74 = arith.constant 0 : i32
    %dma_wait3A_75 = tpu.memref_slice %arg3[%dma_wait3A_61, %mul3A_2, %dma_wait3A_74] : memref<2x2560x125xi32, #tpu.memory_space<hbm>> -> memref<1x8x125xi32, #tpu.memory_space<hbm>>
    %dma_wait3A_76 = tpu.memref_squeeze %dma_wait3A_75 : memref<1x8x125xi32, #tpu.memory_space<hbm>> -> memref<8x125xi32, #tpu.memory_space<hbm>>
    tpu.wait_dma2 semaphore(%arg13 : memref<!tpu.dma_semaphore, #tpu.memory_space<semaphore_mem>>) src(%dma_wait3A_76 : memref<8x125xi32, #tpu.memory_space<hbm>>) dst(%dma_wait3A_73 : memref<8x125xi32, #tpu.memory_space<vmem>>)
    %add3A_77 = arith.constant 8 : i32
    %add3A_78 = arith.addi %mul3A_2, %add3A_77 : i32
    %dma_start3A_79 = arith.constant 0 : i32
    %dma_start3A_80 = arith.constant 1 : i32
    %dma_start3A_81 = arith.constant 0 : i32
    %dma_start3A_82 = arith.constant 0 : i32
    %dma_start3A_83 = tpu.memref_slice %arg6[%dma_start3A_80, %dma_start3A_81, %dma_start3A_82] : memref<2x8x125xi32, #tpu.memory_space<vmem>> -> memref<1x8x125xi32, #tpu.memory_space<vmem>>
    %dma_start3A_84 = tpu.memref_squeeze %dma_start3A_83 : memref<1x8x125xi32, #tpu.memory_space<vmem>> -> memref<8x125xi32, #tpu.memory_space<vmem>>
    %dma_start3A_85 = arith.constant 0 : i32
    %dma_start3A_86 = tpu.memref_slice %arg3[%dma_start3A_79, %add3A_78, %dma_start3A_85] : memref<2x2560x125xi32, #tpu.memory_space<hbm>> -> memref<1x8x125xi32, #tpu.memory_space<hbm>>
    %dma_start3A_87 = tpu.memref_squeeze %dma_start3A_86 : memref<1x8x125xi32, #tpu.memory_space<hbm>> -> memref<8x125xi32, #tpu.memory_space<hbm>>
    %dma_start3A_88 = arith.constant 0 : i32
    %dma_start3A_89 = arith.constant 0 : i32
    %dma_start3A_90 = tpu.memref_slice %arg6[%dma_start3A_80, %dma_start3A_88, %dma_start3A_89] : memref<2x8x125xi32, #tpu.memory_space<vmem>> -> memref<1x8x125xi32, #tpu.memory_space<vmem>>
    %dma_start3A_91 = tpu.memref_squeeze %dma_start3A_90 : memref<1x8x125xi32, #tpu.memory_space<vmem>> -> memref<8x125xi32, #tpu.memory_space<vmem>>
    %dma_start3A_92 = arith.constant 0 : i32
    %dma_start3A_93 = tpu.memref_slice %arg3[%dma_start3A_79, %add3A_78, %dma_start3A_92] : memref<2x2560x125xi32, #tpu.memory_space<hbm>> -> memref<1x8x125xi32, #tpu.memory_space<hbm>>
    %dma_start3A_94 = tpu.memref_squeeze %dma_start3A_93 : memref<1x8x125xi32, #tpu.memory_space<hbm>> -> memref<8x125xi32, #tpu.memory_space<hbm>>
    tpu.enqueue_dma source(%dma_start3A_94 : memref<8x125xi32, #tpu.memory_space<hbm>>) target(%dma_start3A_91 : memref<8x125xi32, #tpu.memory_space<vmem>>) target_semaphore(%arg13 : memref<!tpu.dma_semaphore, #tpu.memory_space<semaphore_mem>>)
    %barrier3A = arith.constant 0 : index
    tpu.barrier barrier_id(%barrier3A)
    %dma_start3A_95 = arith.constant 0 : i32
    %dma_start3A_96 = arith.constant 0 : i32
    %dma_start3A_97 = arith.constant 0 : i32
    %dma_start3A_98 = arith.constant 0 : i32
    %dma_start3A_99 = tpu.memref_slice %arg7[%dma_start3A_96, %dma_start3A_97, %dma_start3A_98] : memref<2x128x128xf32, #tpu.memory_space<vmem>> -> memref<1x125x128xf32, #tpu.memory_space<vmem>>
    %dma_start3A_100 = tpu.memref_squeeze %dma_start3A_99 : memref<1x125x128xf32, #tpu.memory_space<vmem>> -> memref<125x128xf32, #tpu.memory_space<vmem>>
    %dma_start3A_101 = arith.constant 0 : i32
    %dma_start3A_102 = tpu.memref_slice %arg5[%dma_start3A_95, %dma_start3A_101] : memref<80x125xi32, #tpu.memory_space<vmem>> -> memref<1x125xi32, #tpu.memory_space<vmem>>
    %dma_start3A_103 = tpu.memref_squeeze %dma_start3A_102 : memref<1x125xi32, #tpu.memory_space<vmem>> -> memref<125xi32, #tpu.memory_space<vmem>>
    %dma_start3A_104 = arith.constant 0 : i32
    %dma_start3A_105 = arith.constant 0 : i32
    %dma_start3A_106 = tpu.memref_slice %arg2[%dma_start3A_104, %dma_start3A_105] : memref<10240x128xf32, #tpu.memory_space<hbm>> -> memref<10240x128xf32, #tpu.memory_space<hbm>>
    tpu.enqueue_indirect_dma source(%dma_start3A_106 : memref<10240x128xf32, #tpu.memory_space<hbm>>) target(%dma_start3A_100 : memref<125x128xf32, #tpu.memory_space<vmem>>) offsets(%dma_start3A_103 : memref<125xi32, #tpu.memory_space<vmem>>) semaphore(%arg9 : memref<!tpu.dma_semaphore, #tpu.memory_space<semaphore_mem>>)
    %scan3A_107 = arith.constant 0 : i32
    %scan3A_108 = arith.constant 0 : i32
    %scan3A_109 = arith.constant 40 : i32
    %scan3A_110 = arith.addi %scan3A_108, %scan3A_109 : i32
    %scan3A_111 = arith.constant 1 : i32
    %scan3A_112 = scf.for %scan3A_132 = %scan3A_108 to %scan3A_110 step %scan3A_111 iter_args(%scan3A_133 = %scan3A_107) -> (i32)  : i32 {
      %mul3A_134 = arith.constant 2 : i32
      %mul3A_135 = arith.muli %mul3A_134, %scan3A_132 : i32
      %jit3A = arith.constant 8 : i32
      %div3A = arith.divsi %mul3A_135, %jit3A : i32
      %sign3A = arith.constant 0 : i32
      %sign3A_136 = arith.cmpi sgt, %mul3A_135, %sign3A : i32
      %sign3A_137 = arith.extui %sign3A_136 : i1 to i32
      %sign3A_138 = arith.constant 0 : i32
      %sign3A_139 = arith.cmpi slt, %mul3A_135, %sign3A_138 : i32
      %sign3A_140 = arith.extui %sign3A_139 : i1 to i32
      %sign3A_141 = arith.subi %sign3A_137, %sign3A_140 : i32
      %sign3A_142 = arith.constant 0 : i32
      %sign3A_143 = arith.cmpi sgt, %jit3A, %sign3A_142 : i32
      %sign3A_144 = arith.extui %sign3A_143 : i1 to i32
      %sign3A_145 = arith.constant 0 : i32
      %sign3A_146 = arith.cmpi slt, %jit3A, %sign3A_145 : i32
      %sign3A_147 = arith.extui %sign3A_146 : i1 to i32
      %sign3A_148 = arith.subi %sign3A_144, %sign3A_147 : i32
      %ne3A = arith.cmpi ne, %sign3A_141, %sign3A_148 : i32
      %rem3A = arith.remsi %mul3A_135, %jit3A : i32
      %ne3A_149 = arith.constant 0 : i32
      %ne3A_150 = arith.cmpi ne, %rem3A, %ne3A_149 : i32
      %and3A = arith.andi %ne3A, %ne3A_150 : i1
      %sub3A = arith.constant 1 : i32
      %sub3A_151 = arith.subi %div3A, %sub3A : i32
      %select_n3A = arith.select %and3A, %sub3A_151, %div3A : i32
      %rem3A_152 = arith.constant 2 : i32
      %rem3A_153 = arith.remsi %select_n3A, %rem3A_152 : i32
      %rem3A_154 = arith.constant 8 : i32
      %rem3A_155 = arith.remsi %mul3A_135, %rem3A_154 : i32
      %dma_wait3A_156 = arith.constant 0 : i32
      %dma_wait3A_157 = arith.constant 0 : i32
      %dma_wait3A_158 = arith.constant 0 : i32
      %dma_wait3A_159 = tpu.memref_slice %arg7[%dma_wait3A_156, %dma_wait3A_157, %dma_wait3A_158] : memref<2x128x128xf32, #tpu.memory_space<vmem>> -> memref<1x125x128xf32, #tpu.memory_space<vmem>>
      %dma_wait3A_160 = tpu.memref_squeeze %dma_wait3A_159 : memref<1x125x128xf32, #tpu.memory_space<vmem>> -> memref<125x128xf32, #tpu.memory_space<vmem>>
      %dma_wait3A_161 = arith.constant 0 : i32
      %dma_wait3A_162 = tpu.memref_slice %arg5[%mul3A_135, %dma_wait3A_161] : memref<80x125xi32, #tpu.memory_space<vmem>> -> memref<1x125xi32, #tpu.memory_space<vmem>>
      %dma_wait3A_163 = tpu.memref_squeeze %dma_wait3A_162 : memref<1x125xi32, #tpu.memory_space<vmem>> -> memref<125xi32, #tpu.memory_space<vmem>>
      %dma_wait3A_164 = arith.constant 0 : i32
      %dma_wait3A_165 = arith.constant 0 : i32
      %dma_wait3A_166 = tpu.memref_slice %arg2[%dma_wait3A_164, %dma_wait3A_165] : memref<10240x128xf32, #tpu.memory_space<hbm>> -> memref<10240x128xf32, #tpu.memory_space<hbm>>
      tpu.wait_indirect_dma semaphore(%arg9 : memref<!tpu.dma_semaphore, #tpu.memory_space<semaphore_mem>>) src(%dma_wait3A_166 : memref<10240x128xf32, #tpu.memory_space<hbm>>) dst(%dma_wait3A_160 : memref<125x128xf32, #tpu.memory_space<vmem>>)
      %gt3A = arith.constant 0 : i32
      %gt3A_167 = arith.cmpi sgt, %scan3A_132, %gt3A : i32
      %convert_element_type3A = arith.extui %gt3A_167 : i1 to i32
      %cond3A = arith.constant 0 : i32
      %cond3A_168 = arith.cmpi ne, %convert_element_type3A, %cond3A : i32
      scf.if %cond3A_168 {
        %dma_wait3A_246 = arith.constant 1 : i32
        %dma_wait3A_247 = arith.constant 0 : i32
        %dma_wait3A_248 = arith.constant 0 : i32
        %dma_wait3A_249 = arith.constant 0 : i32
        %dma_wait3A_250 = arith.constant 0 : i32
        %dma_wait3A_251 = tpu.memref_slice %arg7[%dma_wait3A_246, %dma_wait3A_249, %dma_wait3A_250] : memref<2x128x128xf32, #tpu.memory_space<vmem>> -> memref<1x125x128xf32, #tpu.memory_space<vmem>>
        %dma_wait3A_252 = tpu.memref_squeeze %dma_wait3A_251 : memref<1x125x128xf32, #tpu.memory_space<vmem>> -> memref<125x128xf32, #tpu.memory_space<vmem>>
        %dma_wait3A_253 = arith.constant 0 : i32
        %dma_wait3A_254 = tpu.memref_slice %arg6[%dma_wait3A_247, %dma_wait3A_248, %dma_wait3A_253] : memref<2x8x125xi32, #tpu.memory_space<vmem>> -> memref<1x1x125xi32, #tpu.memory_space<vmem>>
        %dma_wait3A_255 = tpu.memref_squeeze %dma_wait3A_254 : memref<1x1x125xi32, #tpu.memory_space<vmem>> -> memref<125xi32, #tpu.memory_space<vmem>>
        %dma_wait3A_256 = arith.constant 0 : i32
        %dma_wait3A_257 = arith.constant 0 : i32
        %dma_wait3A_258 = tpu.memref_slice %arg8[%dma_wait3A_256, %dma_wait3A_257] : memref<10240x128xf32, #tpu.memory_space<vmem_shared>> -> memref<10240x128xf32, #tpu.memory_space<vmem_shared>>
        tpu.wait_indirect_dma semaphore(%arg12 : memref<!tpu.dma_semaphore, #tpu.memory_space<semaphore_mem>>) src(%dma_wait3A_252 : memref<125x128xf32, #tpu.memory_space<vmem>>) dst(%dma_wait3A_258 : memref<10240x128xf32, #tpu.memory_space<vmem_shared>>)
      } else {
      }
      %eq3A = arith.constant 0 : i32
      %eq3A_169 = arith.cmpi eq, %rem3A_155, %eq3A : i32
      %gt3A_170 = arith.constant 0 : i32
      %gt3A_171 = arith.cmpi sgt, %select_n3A, %gt3A_170 : i32
      %and3A_172 = arith.andi %eq3A_169, %gt3A_171 : i1
      %convert_element_type3A_173 = arith.extui %and3A_172 : i1 to i32
      %cond3A_174 = arith.constant 0 : i32
      %cond3A_175 = arith.cmpi ne, %convert_element_type3A_173, %cond3A_174 : i32
      scf.if %cond3A_175 {
        %mul3A_246 = arith.constant 8 : i32
        %mul3A_247 = arith.muli %select_n3A, %mul3A_246 : i32
        %add3A_248 = arith.addi %mul3A_2, %mul3A_247 : i32
        %dma_wait3A_249 = arith.constant 0 : i32
        %dma_wait3A_250 = arith.constant 0 : i32
        %dma_wait3A_251 = arith.constant 0 : i32
        %dma_wait3A_252 = tpu.memref_slice %arg6[%rem3A_153, %dma_wait3A_250, %dma_wait3A_251] : memref<2x8x125xi32, #tpu.memory_space<vmem>> -> memref<1x8x125xi32, #tpu.memory_space<vmem>>
        %dma_wait3A_253 = tpu.memref_squeeze %dma_wait3A_252 : memref<1x8x125xi32, #tpu.memory_space<vmem>> -> memref<8x125xi32, #tpu.memory_space<vmem>>
        %dma_wait3A_254 = arith.constant 0 : i32
        %dma_wait3A_255 = tpu.memref_slice %arg3[%dma_wait3A_249, %add3A_248, %dma_wait3A_254] : memref<2x2560x125xi32, #tpu.memory_space<hbm>> -> memref<1x8x125xi32, #tpu.memory_space<hbm>>
        %dma_wait3A_256 = tpu.memref_squeeze %dma_wait3A_255 : memref<1x8x125xi32, #tpu.memory_space<hbm>> -> memref<8x125xi32, #tpu.memory_space<hbm>>
        %dma_wait3A_257 = arith.constant 0 : i32
        %dma_wait3A_258 = arith.constant 0 : i32
        %dma_wait3A_259 = tpu.memref_slice %arg6[%rem3A_153, %dma_wait3A_257, %dma_wait3A_258] : memref<2x8x125xi32, #tpu.memory_space<vmem>> -> memref<1x8x125xi32, #tpu.memory_space<vmem>>
        %dma_wait3A_260 = tpu.memref_squeeze %dma_wait3A_259 : memref<1x8x125xi32, #tpu.memory_space<vmem>> -> memref<8x125xi32, #tpu.memory_space<vmem>>
        %dma_wait3A_261 = arith.constant 0 : i32
        %dma_wait3A_262 = tpu.memref_slice %arg3[%dma_wait3A_249, %add3A_248, %dma_wait3A_261] : memref<2x2560x125xi32, #tpu.memory_space<hbm>> -> memref<1x8x125xi32, #tpu.memory_space<hbm>>
        %dma_wait3A_263 = tpu.memref_squeeze %dma_wait3A_262 : memref<1x8x125xi32, #tpu.memory_space<hbm>> -> memref<8x125xi32, #tpu.memory_space<hbm>>
        tpu.wait_dma2 semaphore(%arg13 : memref<!tpu.dma_semaphore, #tpu.memory_space<semaphore_mem>>) src(%dma_wait3A_263 : memref<8x125xi32, #tpu.memory_space<hbm>>) dst(%dma_wait3A_260 : memref<8x125xi32, #tpu.memory_space<vmem>>)
        %add3A_264 = arith.constant 1 : i32
        %add3A_265 = arith.addi %select_n3A, %add3A_264 : i32
        %lt3A_266 = arith.constant 10 : i32
        %lt3A_267 = arith.cmpi slt, %add3A_265, %lt3A_266 : i32
        %convert_element_type3A_268 = arith.extui %lt3A_267 : i1 to i32
        %cond3A_269 = arith.constant 0 : i32
        %cond3A_270 = arith.cmpi ne, %convert_element_type3A_268, %cond3A_269 : i32
        scf.if %cond3A_270 {
          %add3A_271 = arith.constant 1 : i32
          %add3A_272 = arith.addi %select_n3A, %add3A_271 : i32
          %mul3A_273 = arith.constant 8 : i32
          %mul3A_274 = arith.muli %add3A_272, %mul3A_273 : i32
          %add3A_275 = arith.addi %mul3A_2, %mul3A_274 : i32
          %sub3A_276 = arith.constant 1 : i32
          %sub3A_277 = arith.subi %sub3A_276, %rem3A_153 : i32
          %dma_start3A_278 = arith.constant 0 : i32
          %dma_start3A_279 = arith.constant 0 : i32
          %dma_start3A_280 = arith.constant 0 : i32
          %dma_start3A_281 = tpu.memref_slice %arg6[%sub3A_277, %dma_start3A_279, %dma_start3A_280] : memref<2x8x125xi32, #tpu.memory_space<vmem>> -> memref<1x8x125xi32, #tpu.memory_space<vmem>>
          %dma_start3A_282 = tpu.memref_squeeze %dma_start3A_281 : memref<1x8x125xi32, #tpu.memory_space<vmem>> -> memref<8x125xi32, #tpu.memory_space<vmem>>
          %dma_start3A_283 = arith.constant 0 : i32
          %dma_start3A_284 = tpu.memref_slice %arg3[%dma_start3A_278, %add3A_275, %dma_start3A_283] : memref<2x2560x125xi32, #tpu.memory_space<hbm>> -> memref<1x8x125xi32, #tpu.memory_space<hbm>>
          %dma_start3A_285 = tpu.memref_squeeze %dma_start3A_284 : memref<1x8x125xi32, #tpu.memory_space<hbm>> -> memref<8x125xi32, #tpu.memory_space<hbm>>
          %dma_start3A_286 = arith.constant 0 : i32
          %dma_start3A_287 = arith.constant 0 : i32
          %dma_start3A_288 = tpu.memref_slice %arg6[%sub3A_277, %dma_start3A_286, %dma_start3A_287] : memref<2x8x125xi32, #tpu.memory_space<vmem>> -> memref<1x8x125xi32, #tpu.memory_space<vmem>>
          %dma_start3A_289 = tpu.memref_squeeze %dma_start3A_288 : memref<1x8x125xi32, #tpu.memory_space<vmem>> -> memref<8x125xi32, #tpu.memory_space<vmem>>
          %dma_start3A_290 = arith.constant 0 : i32
          %dma_start3A_291 = tpu.memref_slice %arg3[%dma_start3A_278, %add3A_275, %dma_start3A_290] : memref<2x2560x125xi32, #tpu.memory_space<hbm>> -> memref<1x8x125xi32, #tpu.memory_space<hbm>>
          %dma_start3A_292 = tpu.memref_squeeze %dma_start3A_291 : memref<1x8x125xi32, #tpu.memory_space<hbm>> -> memref<8x125xi32, #tpu.memory_space<hbm>>
          tpu.enqueue_dma source(%dma_start3A_292 : memref<8x125xi32, #tpu.memory_space<hbm>>) target(%dma_start3A_289 : memref<8x125xi32, #tpu.memory_space<vmem>>) target_semaphore(%arg13 : memref<!tpu.dma_semaphore, #tpu.memory_space<semaphore_mem>>)
        } else {
        }
      } else {
      }
      %add3A_176 = arith.constant 1 : i32
      %add3A_177 = arith.addi %mul3A_135, %add3A_176 : i32
      %dma_start3A_178 = arith.constant 1 : i32
      %dma_start3A_179 = arith.constant 0 : i32
      %dma_start3A_180 = arith.constant 0 : i32
      %dma_start3A_181 = tpu.memref_slice %arg7[%dma_start3A_178, %dma_start3A_179, %dma_start3A_180] : memref<2x128x128xf32, #tpu.memory_space<vmem>> -> memref<1x125x128xf32, #tpu.memory_space<vmem>>
      %dma_start3A_182 = tpu.memref_squeeze %dma_start3A_181 : memref<1x125x128xf32, #tpu.memory_space<vmem>> -> memref<125x128xf32, #tpu.memory_space<vmem>>
      %dma_start3A_183 = arith.constant 0 : i32
      %dma_start3A_184 = tpu.memref_slice %arg5[%add3A_177, %dma_start3A_183] : memref<80x125xi32, #tpu.memory_space<vmem>> -> memref<1x125xi32, #tpu.memory_space<vmem>>
      %dma_start3A_185 = tpu.memref_squeeze %dma_start3A_184 : memref<1x125xi32, #tpu.memory_space<vmem>> -> memref<125xi32, #tpu.memory_space<vmem>>
      %dma_start3A_186 = arith.constant 0 : i32
      %dma_start3A_187 = arith.constant 0 : i32
      %dma_start3A_188 = tpu.memref_slice %arg2[%dma_start3A_186, %dma_start3A_187] : memref<10240x128xf32, #tpu.memory_space<hbm>> -> memref<10240x128xf32, #tpu.memory_space<hbm>>
      tpu.enqueue_indirect_dma source(%dma_start3A_188 : memref<10240x128xf32, #tpu.memory_space<hbm>>) target(%dma_start3A_182 : memref<125x128xf32, #tpu.memory_space<vmem>>) offsets(%dma_start3A_185 : memref<125xi32, #tpu.memory_space<vmem>>) semaphore(%arg10 : memref<!tpu.dma_semaphore, #tpu.memory_space<semaphore_mem>>)
      %dma_start3A_189 = arith.constant 0 : i32
      %dma_start3A_190 = arith.constant 0 : i32
      %dma_start3A_191 = arith.constant 0 : i32
      %dma_start3A_192 = tpu.memref_slice %arg7[%dma_start3A_189, %dma_start3A_190, %dma_start3A_191] : memref<2x128x128xf32, #tpu.memory_space<vmem>> -> memref<1x125x128xf32, #tpu.memory_space<vmem>>
      %dma_start3A_193 = tpu.memref_squeeze %dma_start3A_192 : memref<1x125x128xf32, #tpu.memory_space<vmem>> -> memref<125x128xf32, #tpu.memory_space<vmem>>
      %dma_start3A_194 = arith.constant 0 : i32
      %dma_start3A_195 = tpu.memref_slice %arg6[%rem3A_153, %rem3A_155, %dma_start3A_194] : memref<2x8x125xi32, #tpu.memory_space<vmem>> -> memref<1x1x125xi32, #tpu.memory_space<vmem>>
      %dma_start3A_196 = tpu.memref_squeeze %dma_start3A_195 : memref<1x1x125xi32, #tpu.memory_space<vmem>> -> memref<125xi32, #tpu.memory_space<vmem>>
      %dma_start3A_197 = arith.constant 0 : i32
      %dma_start3A_198 = arith.constant 0 : i32
      %dma_start3A_199 = tpu.memref_slice %arg8[%dma_start3A_197, %dma_start3A_198] : memref<10240x128xf32, #tpu.memory_space<vmem_shared>> -> memref<10240x128xf32, #tpu.memory_space<vmem_shared>>
      tpu.enqueue_indirect_dma source(%dma_start3A_193 : memref<125x128xf32, #tpu.memory_space<vmem>>) target(%dma_start3A_199 : memref<10240x128xf32, #tpu.memory_space<vmem_shared>>) offsets(%dma_start3A_196 : memref<125xi32, #tpu.memory_space<vmem>>) semaphore(%arg11 : memref<!tpu.dma_semaphore, #tpu.memory_space<semaphore_mem>>) {add = true}
      %add3A_200 = arith.constant 1 : i32
      %add3A_201 = arith.addi %mul3A_135, %add3A_200 : i32
      %dma_wait3A_202 = arith.constant 1 : i32
      %dma_wait3A_203 = arith.constant 0 : i32
      %dma_wait3A_204 = arith.constant 0 : i32
      %dma_wait3A_205 = tpu.memref_slice %arg7[%dma_wait3A_202, %dma_wait3A_203, %dma_wait3A_204] : memref<2x128x128xf32, #tpu.memory_space<vmem>> -> memref<1x125x128xf32, #tpu.memory_space<vmem>>
      %dma_wait3A_206 = tpu.memref_squeeze %dma_wait3A_205 : memref<1x125x128xf32, #tpu.memory_space<vmem>> -> memref<125x128xf32, #tpu.memory_space<vmem>>
      %dma_wait3A_207 = arith.constant 0 : i32
      %dma_wait3A_208 = tpu.memref_slice %arg5[%add3A_201, %dma_wait3A_207] : memref<80x125xi32, #tpu.memory_space<vmem>> -> memref<1x125xi32, #tpu.memory_space<vmem>>
      %dma_wait3A_209 = tpu.memref_squeeze %dma_wait3A_208 : memref<1x125xi32, #tpu.memory_space<vmem>> -> memref<125xi32, #tpu.memory_space<vmem>>
      %dma_wait3A_210 = arith.constant 0 : i32
      %dma_wait3A_211 = arith.constant 0 : i32
      %dma_wait3A_212 = tpu.memref_slice %arg2[%dma_wait3A_210, %dma_wait3A_211] : memref<10240x128xf32, #tpu.memory_space<hbm>> -> memref<10240x128xf32, #tpu.memory_space<hbm>>
      tpu.wait_indirect_dma semaphore(%arg10 : memref<!tpu.dma_semaphore, #tpu.memory_space<semaphore_mem>>) src(%dma_wait3A_212 : memref<10240x128xf32, #tpu.memory_space<hbm>>) dst(%dma_wait3A_206 : memref<125x128xf32, #tpu.memory_space<vmem>>)
      %dma_wait3A_213 = arith.constant 0 : i32
      %dma_wait3A_214 = arith.constant 0 : i32
      %dma_wait3A_215 = arith.constant 0 : i32
      %dma_wait3A_216 = arith.constant 0 : i32
      %dma_wait3A_217 = arith.constant 0 : i32
      %dma_wait3A_218 = tpu.memref_slice %arg7[%dma_wait3A_213, %dma_wait3A_216, %dma_wait3A_217] : memref<2x128x128xf32, #tpu.memory_space<vmem>> -> memref<1x125x128xf32, #tpu.memory_space<vmem>>
      %dma_wait3A_219 = tpu.memref_squeeze %dma_wait3A_218 : memref<1x125x128xf32, #tpu.memory_space<vmem>> -> memref<125x128xf32, #tpu.memory_space<vmem>>
      %dma_wait3A_220 = arith.constant 0 : i32
      %dma_wait3A_221 = tpu.memref_slice %arg6[%dma_wait3A_214, %dma_wait3A_215, %dma_wait3A_220] : memref<2x8x125xi32, #tpu.memory_space<vmem>> -> memref<1x1x125xi32, #tpu.memory_space<vmem>>
      %dma_wait3A_222 = tpu.memref_squeeze %dma_wait3A_221 : memref<1x1x125xi32, #tpu.memory_space<vmem>> -> memref<125xi32, #tpu.memory_space<vmem>>
      %dma_wait3A_223 = arith.constant 0 : i32
      %dma_wait3A_224 = arith.constant 0 : i32
      %dma_wait3A_225 = tpu.memref_slice %arg8[%dma_wait3A_223, %dma_wait3A_224] : memref<10240x128xf32, #tpu.memory_space<vmem_shared>> -> memref<10240x128xf32, #tpu.memory_space<vmem_shared>>
      tpu.wait_indirect_dma semaphore(%arg11 : memref<!tpu.dma_semaphore, #tpu.memory_space<semaphore_mem>>) src(%dma_wait3A_219 : memref<125x128xf32, #tpu.memory_space<vmem>>) dst(%dma_wait3A_225 : memref<10240x128xf32, #tpu.memory_space<vmem_shared>>)
      %add3A_226 = arith.constant 2 : i32
      %add3A_227 = arith.addi %mul3A_135, %add3A_226 : i32
      %lt3A = arith.constant 80 : i32
      %lt3A_228 = arith.cmpi slt, %add3A_227, %lt3A : i32
      %convert_element_type3A_229 = arith.extui %lt3A_228 : i1 to i32
      %cond3A_230 = arith.constant 0 : i32
      %cond3A_231 = arith.cmpi ne, %convert_element_type3A_229, %cond3A_230 : i32
      scf.if %cond3A_231 {
        %add3A_246 = arith.constant 2 : i32
        %add3A_247 = arith.addi %mul3A_135, %add3A_246 : i32
        %dma_start3A_248 = arith.constant 0 : i32
        %dma_start3A_249 = arith.constant 0 : i32
        %dma_start3A_250 = arith.constant 0 : i32
        %dma_start3A_251 = tpu.memref_slice %arg7[%dma_start3A_248, %dma_start3A_249, %dma_start3A_250] : memref<2x128x128xf32, #tpu.memory_space<vmem>> -> memref<1x125x128xf32, #tpu.memory_space<vmem>>
        %dma_start3A_252 = tpu.memref_squeeze %dma_start3A_251 : memref<1x125x128xf32, #tpu.memory_space<vmem>> -> memref<125x128xf32, #tpu.memory_space<vmem>>
        %dma_start3A_253 = arith.constant 0 : i32
        %dma_start3A_254 = tpu.memref_slice %arg5[%add3A_247, %dma_start3A_253] : memref<80x125xi32, #tpu.memory_space<vmem>> -> memref<1x125xi32, #tpu.memory_space<vmem>>
        %dma_start3A_255 = tpu.memref_squeeze %dma_start3A_254 : memref<1x125xi32, #tpu.memory_space<vmem>> -> memref<125xi32, #tpu.memory_space<vmem>>
        %dma_start3A_256 = arith.constant 0 : i32
        %dma_start3A_257 = arith.constant 0 : i32
        %dma_start3A_258 = tpu.memref_slice %arg2[%dma_start3A_256, %dma_start3A_257] : memref<10240x128xf32, #tpu.memory_space<hbm>> -> memref<10240x128xf32, #tpu.memory_space<hbm>>
        tpu.enqueue_indirect_dma source(%dma_start3A_258 : memref<10240x128xf32, #tpu.memory_space<hbm>>) target(%dma_start3A_252 : memref<125x128xf32, #tpu.memory_space<vmem>>) offsets(%dma_start3A_255 : memref<125xi32, #tpu.memory_space<vmem>>) semaphore(%arg9 : memref<!tpu.dma_semaphore, #tpu.memory_space<semaphore_mem>>)
      } else {
      }
      %add3A_232 = arith.constant 1 : i32
      %add3A_233 = arith.addi %rem3A_155, %add3A_232 : i32
      %dma_start3A_234 = arith.constant 1 : i32
      %dma_start3A_235 = arith.constant 0 : i32
      %dma_start3A_236 = arith.constant 0 : i32
      %dma_start3A_237 = tpu.memref_slice %arg7[%dma_start3A_234, %dma_start3A_235, %dma_start3A_236] : memref<2x128x128xf32, #tpu.memory_space<vmem>> -> memref<1x125x128xf32, #tpu.memory_space<vmem>>
      %dma_start3A_238 = tpu.memref_squeeze %dma_start3A_237 : memref<1x125x128xf32, #tpu.memory_space<vmem>> -> memref<125x128xf32, #tpu.memory_space<vmem>>
      %dma_start3A_239 = arith.constant 0 : i32
      %dma_start3A_240 = tpu.memref_slice %arg6[%rem3A_153, %add3A_233, %dma_start3A_239] : memref<2x8x125xi32, #tpu.memory_space<vmem>> -> memref<1x1x125xi32, #tpu.memory_space<vmem>>
      %dma_start3A_241 = tpu.memref_squeeze %dma_start3A_240 : memref<1x1x125xi32, #tpu.memory_space<vmem>> -> memref<125xi32, #tpu.memory_space<vmem>>
      %dma_start3A_242 = arith.constant 0 : i32
      %dma_start3A_243 = arith.constant 0 : i32
      %dma_start3A_244 = tpu.memref_slice %arg8[%dma_start3A_242, %dma_start3A_243] : memref<10240x128xf32, #tpu.memory_space<vmem_shared>> -> memref<10240x128xf32, #tpu.memory_space<vmem_shared>>
      tpu.enqueue_indirect_dma source(%dma_start3A_238 : memref<125x128xf32, #tpu.memory_space<vmem>>) target(%dma_start3A_244 : memref<10240x128xf32, #tpu.memory_space<vmem_shared>>) offsets(%dma_start3A_241 : memref<125xi32, #tpu.memory_space<vmem>>) semaphore(%arg12 : memref<!tpu.dma_semaphore, #tpu.memory_space<semaphore_mem>>) {add = true}
      %scan3A_245 = arith.constant 0 : i32
      scf.yield %scan3A_245 : i32
    }
    %scan3A_113 = arith.constant 40 : i32
    %dma_wait3A_114 = arith.constant 1 : i32
    %dma_wait3A_115 = arith.constant 0 : i32
    %dma_wait3A_116 = arith.constant 0 : i32
    %dma_wait3A_117 = arith.constant 0 : i32
    %dma_wait3A_118 = arith.constant 0 : i32
    %dma_wait3A_119 = tpu.memref_slice %arg7[%dma_wait3A_114, %dma_wait3A_117, %dma_wait3A_118] : memref<2x128x128xf32, #tpu.memory_space<vmem>> -> memref<1x125x128xf32, #tpu.memory_space<vmem>>
    %dma_wait3A_120 = tpu.memref_squeeze %dma_wait3A_119 : memref<1x125x128xf32, #tpu.memory_space<vmem>> -> memref<125x128xf32, #tpu.memory_space<vmem>>
    %dma_wait3A_121 = arith.constant 0 : i32
    %dma_wait3A_122 = tpu.memref_slice %arg6[%dma_wait3A_115, %dma_wait3A_116, %dma_wait3A_121] : memref<2x8x125xi32, #tpu.memory_space<vmem>> -> memref<1x1x125xi32, #tpu.memory_space<vmem>>
    %dma_wait3A_123 = tpu.memref_squeeze %dma_wait3A_122 : memref<1x1x125xi32, #tpu.memory_space<vmem>> -> memref<125xi32, #tpu.memory_space<vmem>>
    %dma_wait3A_124 = arith.constant 0 : i32
    %dma_wait3A_125 = arith.constant 0 : i32
    %dma_wait3A_126 = tpu.memref_slice %arg8[%dma_wait3A_124, %dma_wait3A_125] : memref<10240x128xf32, #tpu.memory_space<vmem_shared>> -> memref<10240x128xf32, #tpu.memory_space<vmem_shared>>
    tpu.wait_indirect_dma semaphore(%arg12 : memref<!tpu.dma_semaphore, #tpu.memory_space<semaphore_mem>>) src(%dma_wait3A_120 : memref<125x128xf32, #tpu.memory_space<vmem>>) dst(%dma_wait3A_126 : memref<10240x128xf32, #tpu.memory_space<vmem_shared>>)
    %barrier3A_127 = arith.constant 0 : index
    tpu.barrier barrier_id(%barrier3A_127)
    %mul3A_128 = arith.constant 640 : i32
    %mul3A_129 = arith.muli %arg1, %mul3A_128 : i32
    %mul3A_130 = arith.constant 640 : i32
    %mul3A_131 = arith.muli %arg1, %mul3A_130 : i32
    "tpu.region"() ({
      %run_scoped3A_132 = tpu.sem_alloc : memref<!tpu.dma_semaphore, #tpu.memory_space<semaphore_mem>>
      %dma_start3A_133 = arith.constant 0 : i32
      %dma_start3A_134 = tpu.memref_slice %arg4[%arg0, %mul3A_131, %dma_start3A_133] : memref<2x10240x128xf32, #tpu.memory_space<hbm>> -> memref<1x640x128xf32, #tpu.memory_space<hbm>>
      %dma_start3A_135 = tpu.memref_squeeze %dma_start3A_134 : memref<1x640x128xf32, #tpu.memory_space<hbm>> -> memref<640x128xf32, #tpu.memory_space<hbm>>
      %dma_start3A_136 = arith.constant 0 : i32
      %dma_start3A_137 = tpu.memref_slice %arg8[%mul3A_129, %dma_start3A_136] : memref<10240x128xf32, #tpu.memory_space<vmem_shared>> -> memref<640x128xf32, #tpu.memory_space<vmem_shared>>
      tpu.enqueue_dma source(%dma_start3A_137 : memref<640x128xf32, #tpu.memory_space<vmem_shared>>) target(%dma_start3A_135 : memref<640x128xf32, #tpu.memory_space<hbm>>) target_semaphore(%run_scoped3A_132 : memref<!tpu.dma_semaphore, #tpu.memory_space<semaphore_mem>>)
      %dma_wait3A_138 = arith.constant 0 : i32
      %dma_wait3A_139 = tpu.memref_slice %arg4[%arg0, %mul3A_131, %dma_wait3A_138] : memref<2x10240x128xf32, #tpu.memory_space<hbm>> -> memref<1x640x128xf32, #tpu.memory_space<hbm>>
      %dma_wait3A_140 = tpu.memref_squeeze %dma_wait3A_139 : memref<1x640x128xf32, #tpu.memory_space<hbm>> -> memref<640x128xf32, #tpu.memory_space<hbm>>
      %dma_wait3A_141 = arith.constant 0 : i32
      %dma_wait3A_142 = tpu.memref_slice %arg8[%mul3A_129, %dma_wait3A_141] : memref<10240x128xf32, #tpu.memory_space<vmem_shared>> -> memref<640x128xf32, #tpu.memory_space<vmem_shared>>
      tpu.wait_dma2 semaphore(%run_scoped3A_132 : memref<!tpu.dma_semaphore, #tpu.memory_space<semaphore_mem>>) src(%dma_wait3A_142 : memref<640x128xf32, #tpu.memory_space<vmem_shared>>) dst(%dma_wait3A_140 : memref<640x128xf32, #tpu.memory_space<hbm>>)
      tpu.yield
    }) : () -> ()
    return
  }
}

module attributes {stable_mosaic.version = 14 : i64} {
  func.func @_scale_tc(%arg0: i32, %arg1: memref<1280x128xf32, #tpu.memory_space<vmem>>, %arg2: memref<2x1280x128xf32, #tpu.memory_space<vmem>>, %arg3: memref<1280x128xf32, #tpu.memory_space<vmem>>, %arg4: memref<1280x1xf32, #tpu.memory_space<vmem>>) attributes {dimension_semantics = [#tpu.dimension_semantics<arbitrary>], iteration_bounds = array<i64: 8>, scalar_prefetch = 0 : i64, scratch_operands = 0 : i64, tpu.core_type = #tpu.core_type<tc>, window_params = [{transform_indices = @transform_0, window_bounds = array<i64: 1280, 128>}, {transform_indices = @transform_1, window_bounds = array<i64: 2, 1280, 128>}, {transform_indices = @transform_2, window_bounds = array<i64: 1280, 128>}, {transform_indices = @transform_3, window_bounds = array<i64: 1280, 1>}]} {
    %get3A = arith.constant 0 : index
    %get3A_0 = arith.constant 0 : index
    %get3A_1 = arith.constant 0 : index
    %get3A_2 = vector.load %arg2[%get3A, %get3A_0, %get3A_1] : memref<2x1280x128xf32, #tpu.memory_space<vmem>>, vector<1x1280x1xf32>
    %get3A_3 = vector.shape_cast %get3A_2 : vector<1x1280x1xf32> to vector<1280x1xf32>
    %get3A_4 = arith.constant 1 : index
    %get3A_5 = arith.constant 0 : index
    %get3A_6 = arith.constant 0 : index
    %get3A_7 = vector.load %arg2[%get3A_4, %get3A_5, %get3A_6] : memref<2x1280x128xf32, #tpu.memory_space<vmem>>, vector<1x1280x1xf32>
    %get3A_8 = vector.shape_cast %get3A_7 : vector<1x1280x1xf32> to vector<1280x1xf32>
    %add3A = arith.addf %get3A_3, %get3A_8 : vector<1280x1xf32>
    %add3A_9 = arith.constant 2.41421366 : f32
    %add3A_10 = vector.broadcast %add3A_9 : f32 to vector<1280x1xf32>
    %add3A_11 = arith.addf %add3A_10, %add3A : vector<1280x1xf32>
    %mul3A = arith.constant 11.3137083 : f32
    %mul3A_12 = vector.broadcast %mul3A : f32 to vector<1280x1xf32>
    %mul3A_13 = arith.mulf %mul3A_12, %add3A_11 : vector<1280x1xf32>
    %div3A = arith.constant 1.000000e+00 : f32
    %div3A_14 = vector.broadcast %div3A : f32 to vector<1280x1xf32>
    %div3A_15 = arith.divf %div3A_14, %mul3A_13 : vector<1280x1xf32>
    %get3A_16 = arith.constant 0 : index
    %get3A_17 = arith.constant 0 : index
    %get3A_18 = vector.load %arg1[%get3A_16, %get3A_17] : memref<1280x128xf32, #tpu.memory_space<vmem>>, vector<1280x128xf32>
    %broadcast_in_dim3A = vector.shape_cast %div3A_15 : vector<1280x1xf32> to vector<1280x1xf32>
    %broadcast_in_dim3A_19 = vector.broadcast %broadcast_in_dim3A : vector<1280x1xf32> to vector<1280x128xf32>
    %mul3A_20 = arith.mulf %get3A_18, %broadcast_in_dim3A_19 : vector<1280x128xf32>
    %swap3A = arith.constant 0 : index
    %swap3A_21 = arith.constant 0 : index
    %swap3A_22 = vector.load %arg3[%swap3A, %swap3A_21] : memref<1280x128xf32, #tpu.memory_space<vmem>>, vector<1280x128xf32>
    tpu.vector_store %arg3[%swap3A, %swap3A_21], %mul3A_20 {strides = array<i32>} : memref<1280x128xf32, #tpu.memory_space<vmem>>, vector<1280x128xf32>,
    %swap3A_23 = arith.constant 0 : index
    %swap3A_24 = arith.constant 0 : index
    %swap3A_25 = vector.load %arg4[%swap3A_23, %swap3A_24] : memref<1280x1xf32, #tpu.memory_space<vmem>>, vector<1280x1xf32>
    tpu.vector_store %arg4[%swap3A_23, %swap3A_24], %div3A_15 {strides = array<i32>} : memref<1280x1xf32, #tpu.memory_space<vmem>>, vector<1280x1xf32>,
    return
  }
  func.func @transform_0(%arg0: i32) -> (i32, i32) {
    %c0_i32 = arith.constant 0 : i32
    %c0_i32_0 = arith.constant 0 : i32
    return %arg0, %c0_i32 : i32, i32
  }
  func.func @transform_1(%arg0: i32) -> (i32, i32, i32) {
    %c0_i32 = arith.constant 0 : i32
    %c0_i32_0 = arith.constant 0 : i32
    %c0_i32_1 = arith.constant 0 : i32
    return %c0_i32, %arg0, %c0_i32_0 : i32, i32, i32
  }
  func.func @transform_2(%arg0: i32) -> (i32, i32) {
    %c0_i32 = arith.constant 0 : i32
    %c0_i32_0 = arith.constant 0 : i32
    return %arg0, %c0_i32 : i32, i32
  }
  func.func @transform_3(%arg0: i32) -> (i32, i32) {
    %c0_i32 = arith.constant 0 : i32
    %c0_i32_0 = arith.constant 0 : i32
    return %arg0, %c0_i32 : i32, i32
  }
}

module attributes {stable_mosaic.version = 14 : i64} {
  func.func @_u_tc(%arg0: i32, %arg1: memref<1280x128xf32, #tpu.memory_space<vmem>>, %arg2: memref<128x128xf32, #tpu.memory_space<vmem>>, %arg3: memref<1x128xf32, #tpu.memory_space<vmem>>, %arg4: memref<1280x128xf32, #tpu.memory_space<vmem>>) attributes {dimension_semantics = [#tpu.dimension_semantics<arbitrary>], iteration_bounds = array<i64: 8>, scalar_prefetch = 0 : i64, scratch_operands = 0 : i64, tpu.core_type = #tpu.core_type<tc>, window_params = [{transform_indices = @transform_0, window_bounds = array<i64: 1280, 128>}, {pipeline_mode = #tpu.pipeline_mode<synchronous>, transform_indices = @transform_1, window_bounds = array<i64: 128, 128>}, {pipeline_mode = #tpu.pipeline_mode<synchronous>, transform_indices = @transform_2, window_bounds = array<i64: 1, 128>}, {transform_indices = @transform_3, window_bounds = array<i64: 1280, 128>}]} {
    %get3A = arith.constant 0 : index
    %get3A_0 = arith.constant 0 : index
    %get3A_1 = vector.load %arg1[%get3A, %get3A_0] : memref<1280x128xf32, #tpu.memory_space<vmem>>, vector<1280x128xf32>
    %get3A_2 = arith.constant 0 : index
    %get3A_3 = arith.constant 0 : index
    %get3A_4 = vector.load %arg2[%get3A_2, %get3A_3] : memref<128x128xf32, #tpu.memory_space<vmem>>, vector<128x128xf32>
    %dot_general3A = arith.constant dense<0.000000e+00> : vector<1280x128xf32>
    %dot_general3A_5 = tpu.matmul %get3A_1, %get3A_4, %dot_general3A {dimension_numbers = #tpu.dot_dimension_numbers<[1], [1], [0], [0], [0, 0, 1, 0], [], []>, transpose_lhs_hint = false} : vector<1280x128xf32>, vector<128x128xf32>, vector<1280x128xf32> -> vector<1280x128xf32>
    %get3A_6 = arith.constant 0 : index
    %get3A_7 = arith.constant 0 : index
    %get3A_8 = vector.load %arg3[%get3A_6, %get3A_7] : memref<1x128xf32, #tpu.memory_space<vmem>>, vector<1x128xf32>
    %add3A = vector.broadcast %get3A_8 : vector<1x128xf32> to vector<1280x128xf32>
    %add3A_9 = arith.addf %dot_general3A_5, %add3A : vector<1280x128xf32>
    %max3A = arith.constant 0.000000e+00 : f32
    %max3A_10 = vector.broadcast %max3A : f32 to vector<1280x128xf32>
    %max3A_11 = arith.maximumf %add3A_9, %max3A_10 : vector<1280x128xf32>
    %swap3A = arith.constant 0 : index
    %swap3A_12 = arith.constant 0 : index
    %swap3A_13 = vector.load %arg4[%swap3A, %swap3A_12] : memref<1280x128xf32, #tpu.memory_space<vmem>>, vector<1280x128xf32>
    tpu.vector_store %arg4[%swap3A, %swap3A_12], %max3A_11 {strides = array<i32>} : memref<1280x128xf32, #tpu.memory_space<vmem>>, vector<1280x128xf32>,
    return
  }
  func.func @transform_0(%arg0: i32) -> (i32, i32) {
    %c0_i32 = arith.constant 0 : i32
    %c0_i32_0 = arith.constant 0 : i32
    return %arg0, %c0_i32 : i32, i32
  }
  func.func @transform_1(%arg0: i32) -> (i32, i32) {
    %c0_i32 = arith.constant 0 : i32
    %c0_i32_0 = arith.constant 0 : i32
    %c0_i32_1 = arith.constant 0 : i32
    return %c0_i32, %c0_i32_0 : i32, i32
  }
  func.func @transform_2(%arg0: i32) -> (i32, i32) {
    %c0_i32 = arith.constant 0 : i32
    %c0_i32_0 = arith.constant 0 : i32
    %c0_i32_1 = arith.constant 0 : i32
    return %c0_i32, %c0_i32_0 : i32, i32
  }
  func.func @transform_3(%arg0: i32) -> (i32, i32) {
    %c0_i32 = arith.constant 0 : i32
    %c0_i32_0 = arith.constant 0 : i32
    return %arg0, %c0_i32 : i32, i32
  }
}

module attributes {stable_mosaic.version = 14 : i64} {
  func.func @_combine_tc(%arg0: i32, %arg1: memref<1280x128xf32, #tpu.memory_space<vmem>>, %arg2: memref<2x1280x128xf32, #tpu.memory_space<vmem>>, %arg3: memref<128x128xf32, #tpu.memory_space<vmem>>, %arg4: memref<1x128xf32, #tpu.memory_space<vmem>>, %arg5: memref<1280x1xf32, #tpu.memory_space<vmem>>, %arg6: memref<1280x128xf32, #tpu.memory_space<vmem>>) attributes {dimension_semantics = [#tpu.dimension_semantics<arbitrary>], iteration_bounds = array<i64: 8>, scalar_prefetch = 0 : i64, scratch_operands = 0 : i64, tpu.core_type = #tpu.core_type<tc>, window_params = [{transform_indices = @transform_0, window_bounds = array<i64: 1280, 128>}, {transform_indices = @transform_1, window_bounds = array<i64: 2, 1280, 128>}, {pipeline_mode = #tpu.pipeline_mode<synchronous>, transform_indices = @transform_2, window_bounds = array<i64: 128, 128>}, {pipeline_mode = #tpu.pipeline_mode<synchronous>, transform_indices = @transform_3, window_bounds = array<i64: 1, 128>}, {transform_indices = @transform_4, window_bounds = array<i64: 1280, 1>}, {transform_indices = @transform_5, window_bounds = array<i64: 1280, 128>}]} {
    %get3A = arith.constant 0 : index
    %get3A_0 = arith.constant 0 : index
    %get3A_1 = vector.load %arg1[%get3A, %get3A_0] : memref<1280x128xf32, #tpu.memory_space<vmem>>, vector<1280x128xf32>
    %mul3A = arith.constant 2.41421366 : f32
    %mul3A_2 = vector.broadcast %mul3A : f32 to vector<1280x128xf32>
    %mul3A_3 = arith.mulf %mul3A_2, %get3A_1 : vector<1280x128xf32>
    %get3A_4 = arith.constant 0 : index
    %get3A_5 = arith.constant 0 : index
    %get3A_6 = arith.constant 0 : index
    %get3A_7 = vector.load %arg2[%get3A_4, %get3A_5, %get3A_6] : memref<2x1280x128xf32, #tpu.memory_space<vmem>>, vector<1x1280x128xf32>
    %get3A_8 = vector.shape_cast %get3A_7 : vector<1x1280x128xf32> to vector<1280x128xf32>
    %add3A = arith.addf %mul3A_3, %get3A_8 : vector<1280x128xf32>
    %get3A_9 = arith.constant 1 : index
    %get3A_10 = arith.constant 0 : index
    %get3A_11 = arith.constant 0 : index
    %get3A_12 = vector.load %arg2[%get3A_9, %get3A_10, %get3A_11] : memref<2x1280x128xf32, #tpu.memory_space<vmem>>, vector<1x1280x128xf32>
    %get3A_13 = vector.shape_cast %get3A_12 : vector<1x1280x128xf32> to vector<1280x128xf32>
    %add3A_14 = arith.addf %add3A, %get3A_13 : vector<1280x128xf32>
    %get3A_15 = arith.constant 0 : index
    %get3A_16 = arith.constant 0 : index
    %get3A_17 = vector.load %arg3[%get3A_15, %get3A_16] : memref<128x128xf32, #tpu.memory_space<vmem>>, vector<128x128xf32>
    %dot_general3A = arith.constant dense<0.000000e+00> : vector<1280x128xf32>
    %dot_general3A_18 = tpu.matmul %add3A_14, %get3A_17, %dot_general3A {dimension_numbers = #tpu.dot_dimension_numbers<[1], [1], [0], [0], [0, 0, 1, 0], [], []>, transpose_lhs_hint = false} : vector<1280x128xf32>, vector<128x128xf32>, vector<1280x128xf32> -> vector<1280x128xf32>
    %get3A_19 = arith.constant 0 : index
    %get3A_20 = arith.constant 0 : index
    %get3A_21 = vector.load %arg4[%get3A_19, %get3A_20] : memref<1x128xf32, #tpu.memory_space<vmem>>, vector<1x128xf32>
    %add3A_22 = vector.broadcast %get3A_21 : vector<1x128xf32> to vector<1280x128xf32>
    %add3A_23 = arith.addf %dot_general3A_18, %add3A_22 : vector<1280x128xf32>
    %max3A = arith.constant 0.000000e+00 : f32
    %max3A_24 = vector.broadcast %max3A : f32 to vector<1280x128xf32>
    %max3A_25 = arith.maximumf %add3A_23, %max3A_24 : vector<1280x128xf32>
    %get3A_26 = arith.constant 0 : index
    %get3A_27 = arith.constant 0 : index
    %get3A_28 = vector.load %arg5[%get3A_26, %get3A_27] : memref<1280x1xf32, #tpu.memory_space<vmem>>, vector<1280x1xf32>
    %broadcast_in_dim3A = vector.shape_cast %get3A_28 : vector<1280x1xf32> to vector<1280x1xf32>
    %broadcast_in_dim3A_29 = vector.broadcast %broadcast_in_dim3A : vector<1280x1xf32> to vector<1280x128xf32>
    %mul3A_30 = arith.mulf %max3A_25, %broadcast_in_dim3A_29 : vector<1280x128xf32>
    %swap3A = arith.constant 0 : index
    %swap3A_31 = arith.constant 0 : index
    %swap3A_32 = vector.load %arg6[%swap3A, %swap3A_31] : memref<1280x128xf32, #tpu.memory_space<vmem>>, vector<1280x128xf32>
    tpu.vector_store %arg6[%swap3A, %swap3A_31], %mul3A_30 {strides = array<i32>} : memref<1280x128xf32, #tpu.memory_space<vmem>>, vector<1280x128xf32>,
    return
  }
  func.func @transform_0(%arg0: i32) -> (i32, i32) {
    %c0_i32 = arith.constant 0 : i32
    %c0_i32_0 = arith.constant 0 : i32
    return %arg0, %c0_i32 : i32, i32
  }
  func.func @transform_1(%arg0: i32) -> (i32, i32, i32) {
    %c0_i32 = arith.constant 0 : i32
    %c0_i32_0 = arith.constant 0 : i32
    %c0_i32_1 = arith.constant 0 : i32
    return %c0_i32, %arg0, %c0_i32_0 : i32, i32, i32
  }
  func.func @transform_2(%arg0: i32) -> (i32, i32) {
    %c0_i32 = arith.constant 0 : i32
    %c0_i32_0 = arith.constant 0 : i32
    %c0_i32_1 = arith.constant 0 : i32
    return %c0_i32, %c0_i32_0 : i32, i32
  }
  func.func @transform_3(%arg0: i32) -> (i32, i32) {
    %c0_i32 = arith.constant 0 : i32
    %c0_i32_0 = arith.constant 0 : i32
    %c0_i32_1 = arith.constant 0 : i32
    return %c0_i32, %c0_i32_0 : i32, i32
  }
  func.func @transform_4(%arg0: i32) -> (i32, i32) {
    %c0_i32 = arith.constant 0 : i32
    %c0_i32_0 = arith.constant 0 : i32
    return %arg0, %c0_i32 : i32, i32
  }
  func.func @transform_5(%arg0: i32) -> (i32, i32) {
    %c0_i32 = arith.constant 0 : i32
    %c0_i32_0 = arith.constant 0 : i32
    return %arg0, %c0_i32 : i32, i32
  }
}

module attributes {stable_mosaic.version = 14 : i64} {
  func.func @_tail_tc(%arg0: i32, %arg1: memref<1280x128xf32, #tpu.memory_space<vmem>>, %arg2: memref<2x1280x128xf32, #tpu.memory_space<vmem>>, %arg3: memref<128x128xf32, #tpu.memory_space<vmem>>, %arg4: memref<1x128xf32, #tpu.memory_space<vmem>>, %arg5: memref<128x128xf32, #tpu.memory_space<vmem>>, %arg6: memref<1x128xf32, #tpu.memory_space<vmem>>, %arg7: memref<128x128xf32, #tpu.memory_space<vmem>>, %arg8: memref<1x128xf32, #tpu.memory_space<vmem>>, %arg9: memref<128x128xf32, #tpu.memory_space<vmem>>, %arg10: memref<1x128xf32, #tpu.memory_space<vmem>>, %arg11: memref<128x128xf32, #tpu.memory_space<vmem>>, %arg12: memref<1x128xf32, #tpu.memory_space<vmem>>, %arg13: memref<1280x128xf32, #tpu.memory_space<vmem>>) attributes {dimension_semantics = [#tpu.dimension_semantics<arbitrary>], iteration_bounds = array<i64: 8>, scalar_prefetch = 0 : i64, scratch_operands = 0 : i64, tpu.core_type = #tpu.core_type<tc>, window_params = [{transform_indices = @transform_0, window_bounds = array<i64: 1280, 128>}, {transform_indices = @transform_1, window_bounds = array<i64: 2, 1280, 128>}, {pipeline_mode = #tpu.pipeline_mode<synchronous>, transform_indices = @transform_2, window_bounds = array<i64: 128, 128>}, {pipeline_mode = #tpu.pipeline_mode<synchronous>, transform_indices = @transform_3, window_bounds = array<i64: 1, 128>}, {pipeline_mode = #tpu.pipeline_mode<synchronous>, transform_indices = @transform_4, window_bounds = array<i64: 128, 128>}, {pipeline_mode = #tpu.pipeline_mode<synchronous>, transform_indices = @transform_5, window_bounds = array<i64: 1, 128>}, {pipeline_mode = #tpu.pipeline_mode<synchronous>, transform_indices = @transform_6, window_bounds = array<i64: 128, 128>}, {pipeline_mode = #tpu.pipeline_mode<synchronous>, transform_indices = @transform_7, window_bounds = array<i64: 1, 128>}, {pipeline_mode = #tpu.pipeline_mode<synchronous>, transform_indices = @transform_8, window_bounds = array<i64: 128, 128>}, {pipeline_mode = #tpu.pipeline_mode<synchronous>, transform_indices = @transform_9, window_bounds = array<i64: 1, 128>}, {pipeline_mode = #tpu.pipeline_mode<synchronous>, transform_indices = @transform_10, window_bounds = array<i64: 128, 128>}, {pipeline_mode = #tpu.pipeline_mode<synchronous>, transform_indices = @transform_11, window_bounds = array<i64: 1, 128>}, {transform_indices = @transform_12, window_bounds = array<i64: 1280, 128>}]} {
    %get3A = arith.constant 0 : index
    %get3A_0 = arith.constant 0 : index
    %get3A_1 = vector.load %arg1[%get3A, %get3A_0] : memref<1280x128xf32, #tpu.memory_space<vmem>>, vector<1280x128xf32>
    %mul3A = arith.constant 2.41421366 : f32
    %mul3A_2 = vector.broadcast %mul3A : f32 to vector<1280x128xf32>
    %mul3A_3 = arith.mulf %mul3A_2, %get3A_1 : vector<1280x128xf32>
    %get3A_4 = arith.constant 0 : index
    %get3A_5 = arith.constant 0 : index
    %get3A_6 = arith.constant 0 : index
    %get3A_7 = vector.load %arg2[%get3A_4, %get3A_5, %get3A_6] : memref<2x1280x128xf32, #tpu.memory_space<vmem>>, vector<1x1280x128xf32>
    %get3A_8 = vector.shape_cast %get3A_7 : vector<1x1280x128xf32> to vector<1280x128xf32>
    %add3A = arith.addf %mul3A_3, %get3A_8 : vector<1280x128xf32>
    %get3A_9 = arith.constant 1 : index
    %get3A_10 = arith.constant 0 : index
    %get3A_11 = arith.constant 0 : index
    %get3A_12 = vector.load %arg2[%get3A_9, %get3A_10, %get3A_11] : memref<2x1280x128xf32, #tpu.memory_space<vmem>>, vector<1x1280x128xf32>
    %get3A_13 = vector.shape_cast %get3A_12 : vector<1x1280x128xf32> to vector<1280x128xf32>
    %add3A_14 = arith.addf %add3A, %get3A_13 : vector<1280x128xf32>
    %max3A = arith.constant 0.000000e+00 : f32
    %max3A_15 = vector.broadcast %max3A : f32 to vector<1280x128xf32>
    %max3A_16 = arith.maximumf %add3A_14, %max3A_15 : vector<1280x128xf32>
    %get3A_17 = arith.constant 0 : index
    %get3A_18 = arith.constant 0 : index
    %get3A_19 = vector.load %arg3[%get3A_17, %get3A_18] : memref<128x128xf32, #tpu.memory_space<vmem>>, vector<128x128xf32>
    %dot_general3A = arith.constant dense<0.000000e+00> : vector<1280x128xf32>
    %dot_general3A_20 = tpu.matmul %max3A_16, %get3A_19, %dot_general3A {dimension_numbers = #tpu.dot_dimension_numbers<[1], [1], [0], [0], [0, 0, 1, 0], [], []>, transpose_lhs_hint = false} : vector<1280x128xf32>, vector<128x128xf32>, vector<1280x128xf32> -> vector<1280x128xf32>
    %get3A_21 = arith.constant 0 : index
    %get3A_22 = arith.constant 0 : index
    %get3A_23 = vector.load %arg4[%get3A_21, %get3A_22] : memref<1x128xf32, #tpu.memory_space<vmem>>, vector<1x128xf32>
    %add3A_24 = vector.broadcast %get3A_23 : vector<1x128xf32> to vector<1280x128xf32>
    %add3A_25 = arith.addf %dot_general3A_20, %add3A_24 : vector<1280x128xf32>
    %get3A_26 = arith.constant 0 : index
    %get3A_27 = arith.constant 0 : index
    %get3A_28 = vector.load %arg7[%get3A_26, %get3A_27] : memref<128x128xf32, #tpu.memory_space<vmem>>, vector<128x128xf32>
    %dot_general3A_29 = arith.constant dense<0.000000e+00> : vector<1280x128xf32>
    %dot_general3A_30 = tpu.matmul %add3A_14, %get3A_28, %dot_general3A_29 {dimension_numbers = #tpu.dot_dimension_numbers<[1], [1], [0], [0], [0, 0, 1, 0], [], []>, transpose_lhs_hint = false} : vector<1280x128xf32>, vector<128x128xf32>, vector<1280x128xf32> -> vector<1280x128xf32>
    %add3A_31 = arith.addf %add3A_25, %dot_general3A_30 : vector<1280x128xf32>
    %get3A_32 = arith.constant 0 : index
    %get3A_33 = arith.constant 0 : index
    %get3A_34 = vector.load %arg8[%get3A_32, %get3A_33] : memref<1x128xf32, #tpu.memory_space<vmem>>, vector<1x128xf32>
    %add3A_35 = vector.broadcast %get3A_34 : vector<1x128xf32> to vector<1280x128xf32>
    %add3A_36 = arith.addf %add3A_31, %add3A_35 : vector<1280x128xf32>
    %max3A_37 = arith.constant 0.000000e+00 : f32
    %max3A_38 = vector.broadcast %max3A_37 : f32 to vector<1280x128xf32>
    %max3A_39 = arith.maximumf %add3A_36, %max3A_38 : vector<1280x128xf32>
    %get3A_40 = arith.constant 0 : index
    %get3A_41 = arith.constant 0 : index
    %get3A_42 = vector.load %arg5[%get3A_40, %get3A_41] : memref<128x128xf32, #tpu.memory_space<vmem>>, vector<128x128xf32>
    %dot_general3A_43 = arith.constant dense<0.000000e+00> : vector<1280x128xf32>
    %dot_general3A_44 = tpu.matmul %max3A_39, %get3A_42, %dot_general3A_43 {dimension_numbers = #tpu.dot_dimension_numbers<[1], [1], [0], [0], [0, 0, 1, 0], [], []>, transpose_lhs_hint = false} : vector<1280x128xf32>, vector<128x128xf32>, vector<1280x128xf32> -> vector<1280x128xf32>
    %get3A_45 = arith.constant 0 : index
    %get3A_46 = arith.constant 0 : index
    %get3A_47 = vector.load %arg6[%get3A_45, %get3A_46] : memref<1x128xf32, #tpu.memory_space<vmem>>, vector<1x128xf32>
    %add3A_48 = vector.broadcast %get3A_47 : vector<1x128xf32> to vector<1280x128xf32>
    %add3A_49 = arith.addf %dot_general3A_44, %add3A_48 : vector<1280x128xf32>
    %get3A_50 = arith.constant 0 : index
    %get3A_51 = arith.constant 0 : index
    %get3A_52 = vector.load %arg9[%get3A_50, %get3A_51] : memref<128x128xf32, #tpu.memory_space<vmem>>, vector<128x128xf32>
    %dot_general3A_53 = arith.constant dense<0.000000e+00> : vector<1280x128xf32>
    %dot_general3A_54 = tpu.matmul %add3A_14, %get3A_52, %dot_general3A_53 {dimension_numbers = #tpu.dot_dimension_numbers<[1], [1], [0], [0], [0, 0, 1, 0], [], []>, transpose_lhs_hint = false} : vector<1280x128xf32>, vector<128x128xf32>, vector<1280x128xf32> -> vector<1280x128xf32>
    %add3A_55 = arith.addf %add3A_49, %dot_general3A_54 : vector<1280x128xf32>
    %get3A_56 = arith.constant 0 : index
    %get3A_57 = arith.constant 0 : index
    %get3A_58 = vector.load %arg10[%get3A_56, %get3A_57] : memref<1x128xf32, #tpu.memory_space<vmem>>, vector<1x128xf32>
    %add3A_59 = vector.broadcast %get3A_58 : vector<1x128xf32> to vector<1280x128xf32>
    %add3A_60 = arith.addf %add3A_55, %add3A_59 : vector<1280x128xf32>
    %get3A_61 = arith.constant 0 : index
    %get3A_62 = arith.constant 0 : index
    %get3A_63 = vector.load %arg11[%get3A_61, %get3A_62] : memref<128x128xf32, #tpu.memory_space<vmem>>, vector<128x128xf32>
    %dot_general3A_64 = arith.constant dense<0.000000e+00> : vector<1280x128xf32>
    %dot_general3A_65 = tpu.matmul %add3A_60, %get3A_63, %dot_general3A_64 {dimension_numbers = #tpu.dot_dimension_numbers<[1], [1], [0], [0], [0, 0, 1, 0], [], []>, transpose_lhs_hint = false} : vector<1280x128xf32>, vector<128x128xf32>, vector<1280x128xf32> -> vector<1280x128xf32>
    %get3A_66 = arith.constant 0 : index
    %get3A_67 = arith.constant 0 : index
    %get3A_68 = vector.load %arg12[%get3A_66, %get3A_67] : memref<1x128xf32, #tpu.memory_space<vmem>>, vector<1x128xf32>
    %add3A_69 = vector.broadcast %get3A_68 : vector<1x128xf32> to vector<1280x128xf32>
    %add3A_70 = arith.addf %dot_general3A_65, %add3A_69 : vector<1280x128xf32>
    %swap3A = arith.constant 0 : index
    %swap3A_71 = arith.constant 0 : index
    %swap3A_72 = vector.load %arg13[%swap3A, %swap3A_71] : memref<1280x128xf32, #tpu.memory_space<vmem>>, vector<1280x128xf32>
    tpu.vector_store %arg13[%swap3A, %swap3A_71], %add3A_70 {strides = array<i32>} : memref<1280x128xf32, #tpu.memory_space<vmem>>, vector<1280x128xf32>,
    return
  }
  func.func @transform_0(%arg0: i32) -> (i32, i32) {
    %c0_i32 = arith.constant 0 : i32
    %c0_i32_0 = arith.constant 0 : i32
    return %arg0, %c0_i32 : i32, i32
  }
  func.func @transform_1(%arg0: i32) -> (i32, i32, i32) {
    %c0_i32 = arith.constant 0 : i32
    %c0_i32_0 = arith.constant 0 : i32
    %c0_i32_1 = arith.constant 0 : i32
    return %c0_i32, %arg0, %c0_i32_0 : i32, i32, i32
  }
  func.func @transform_2(%arg0: i32) -> (i32, i32) {
    %c0_i32 = arith.constant 0 : i32
    %c0_i32_0 = arith.constant 0 : i32
    %c0_i32_1 = arith.constant 0 : i32
    return %c0_i32, %c0_i32_0 : i32, i32
  }
  func.func @transform_3(%arg0: i32) -> (i32, i32) {
    %c0_i32 = arith.constant 0 : i32
    %c0_i32_0 = arith.constant 0 : i32
    %c0_i32_1 = arith.constant 0 : i32
    return %c0_i32, %c0_i32_0 : i32, i32
  }
  func.func @transform_4(%arg0: i32) -> (i32, i32) {
    %c0_i32 = arith.constant 0 : i32
    %c0_i32_0 = arith.constant 0 : i32
    %c0_i32_1 = arith.constant 0 : i32
    return %c0_i32, %c0_i32_0 : i32, i32
  }
  func.func @transform_5(%arg0: i32) -> (i32, i32) {
    %c0_i32 = arith.constant 0 : i32
    %c0_i32_0 = arith.constant 0 : i32
    %c0_i32_1 = arith.constant 0 : i32
    return %c0_i32, %c0_i32_0 : i32, i32
  }
  func.func @transform_6(%arg0: i32) -> (i32, i32) {
    %c0_i32 = arith.constant 0 : i32
    %c0_i32_0 = arith.constant 0 : i32
    %c0_i32_1 = arith.constant 0 : i32
    return %c0_i32, %c0_i32_0 : i32, i32
  }
  func.func @transform_7(%arg0: i32) -> (i32, i32) {
    %c0_i32 = arith.constant 0 : i32
    %c0_i32_0 = arith.constant 0 : i32
    %c0_i32_1 = arith.constant 0 : i32
    return %c0_i32, %c0_i32_0 : i32, i32
  }
  func.func @transform_8(%arg0: i32) -> (i32, i32) {
    %c0_i32 = arith.constant 0 : i32
    %c0_i32_0 = arith.constant 0 : i32
    %c0_i32_1 = arith.constant 0 : i32
    return %c0_i32, %c0_i32_0 : i32, i32
  }
  func.func @transform_9(%arg0: i32) -> (i32, i32) {
    %c0_i32 = arith.constant 0 : i32
    %c0_i32_0 = arith.constant 0 : i32
    %c0_i32_1 = arith.constant 0 : i32
    return %c0_i32, %c0_i32_0 : i32, i32
  }
  func.func @transform_10(%arg0: i32) -> (i32, i32) {
    %c0_i32 = arith.constant 0 : i32
    %c0_i32_0 = arith.constant 0 : i32
    %c0_i32_1 = arith.constant 0 : i32
    return %c0_i32, %c0_i32_0 : i32, i32
  }
  func.func @transform_11(%arg0: i32) -> (i32, i32) {
    %c0_i32 = arith.constant 0 : i32
    %c0_i32_0 = arith.constant 0 : i32
    %c0_i32_1 = arith.constant 0 : i32
    return %c0_i32, %c0_i32_0 : i32, i32
  }
  func.func @transform_12(%arg0: i32) -> (i32, i32) {
    %c0_i32 = arith.constant 0 : i32
    %c0_i32_0 = arith.constant 0 : i32
    return %arg0, %c0_i32 : i32, i32
  }
}

</mosaic_0001>

<sc_bundles>
// kernel: kernel.11.cloned.1.call-start
scs
__scs_entry_jumppad:
0x0: {  	(pc) =	sbr.rel $0x88, $3  }
0x1: {  	(tag) =	ssettag $0x0;
	lr =	simm.s32 $0x1  }
0x2: {  	[smem:$0x3F8F] =	sst lr;
	_ =	strace $0xD0000000  }
0x3: {  	_ = 	snop  }
0x4: {  	_ = 	snop  }
0x5: {  	_ = 	snop  }
0x6: {  	_ = 	snop  }
0x7: {  	_ = 	snop  }
__scs_overlays_trampoline_lowered:
0x8: {  	[smem:$0x3F9E] =	sst s0  }
0x9: {  	[smem:$0x3F9F] =	sst s1  }
0xa: {  	[smem:$0x3FA0] =	sst s2  }
0xb: {  	[smem:$0x3FA1] =	sst s3  }
0xc: {  	[smem:$0x3FA2] =	sst s4  }
0xd: {  	[smem:$0x3FA3] =	sst s5  }
0xe: {  	[smem:$0x3FA4] =	sst s6  }
0xf: {  	[smem:$0x3FA5] =	sst s7  }
0x10: {  	[smem:$0x3FA6] =	sst s8  }
0x11: {  	[smem:$0x3FA7] =	sst s9;
	s0 =	simm.s32 @!p0 $0x0  }
0x12: {  	s1 =	sld [smem:$0x3F8D];
	s0 =	simm.s32 @p0 $0x1  }
0x13: {  	[smem:$0x3FA8] =	sst s0;
	s0 =	simm.s32 @!p1 $0x0  }
0x14: {  	s2 =	sld [smem:$0x3F8C];
	s0 =	simm.s32 @p1 $0x1  }
0x15: {  	[smem:$0x3FA9] =	sst s0;
	s0 =	simm.s32 @!p2 $0x0  }
0x16: {  	s3 =	sld [smem:$0x3FDB];
	s0 =	simm.s32 @p2 $0x1  }
0x17: {  	s4 =	simm.s32 $0x1BF5;
	[smem:$0x3FAB] =	sst s0  }
0x18: {  	s0 =	sld [smem:$0x3F8E];
	_ =	swait.ge [sflag:s4], $0x0  }
0x19: {  	s7 =	sld [smem:$0x3F8F]  }
0x1a: {  	s8 =	sadd.s32 $0xFFFFE003, lr  }
0x1b: {  	s9 =	sadd.s32 $0xFFFFFEF7, lr;
	s5 =	simm.s32 $0xFFFFFFFF;
	p2 =	slt.u32 s8, $0xFFFFF086  }
0x1c: {  	p1 =	slt.u32 s9, $0xF7A;
	s5 =	simm.s32 @!p2 $0x0  }
0x1d: {  	s5 =	simm.s32 @p1 $0x1;
	p0 =	seq.s32 s7, s2  }
0x1e: {  	s7 =	smul.u32 @!p0 $0xF7A, s2;
	p2 =	seq.s32 @!p0 s5, $0x0  }
0x1f: {  	s9 =	smul.u32 $0xF7A, s1;
	s8 =	simm.s32 @!p0 $0x1BF5;
	p2 =	por !p2, p0  }
0x20: {  	[sflag:s8] =	ssyncset.s32 @!p0 $0xFFFFF086;
	s6 =	sadd.s32 @!p0 s3, s7;
	s7 =	simm.s32 @!p0 $0x108  }
0x21: {  	s3 =	sadd.s32 s3, s9;
	s6 =	sadd.s32 @!p0 $0x88, s6;
	s7 =	simm.s32 @p2 $0x1082  }
0x22: {  	[simem:s7], [sflag:s8] =	dma.local @!p0 [hbm:s6], $0xF7A  }
0x23: {  	s9 =	sor.u32 $0xD0000000, s2;
	s6 =	simm.s32 $0x108;
	_ =	swait.ge @!p0 [sflag:s8], $0x0  }
0x24: {  	s3 =	sadd.s32 $0x88, s3;
	s6 =	simm.s32 @!p1 $0x1082;
	[sflag:s4] =	ssyncset.s32 $0xFFFFF086  }
0x25: {  	[simem:s6], [sflag:s4] =	dma.local [hbm:s3], $0xF7A  }
0x26: {  	[smem:$0x3F8F] =	sst s1;
	(tag) =	ssettag s2;
	_ =	strace s9  }
0x27: {  	s1 =	sld [smem:$0x3F9F]  }
0x28: {  	s2 =	sld [smem:$0x3FA0]  }
0x29: {  	s4 =	sld [smem:$0x3FA2]  }
0x2a: {  	p0 =	seq.s32 s5, $0x0;
	s5 =	sld [smem:$0x3FA3]  }
0x2b: {  	s6 =	sld [smem:$0x3FA4]  }
0x2c: {  	s7 =	sld [smem:$0x3FA5]  }
0x2d: {  	s3 =	simm.s32 $0x108;
	s8 =	sld [smem:$0x3FA6]  }
0x2e: {  	s3 =	simm.s32 @!p0 $0x1082;
	s9 =	sld [smem:$0x3FA7]  }
0x2f: {  	lr =	sadd.s32 s0, s3;
	s0 =	sld [smem:$0x3F9E]  }
0x30: {  	s3 =	sld [smem:$0x3FA1]  }
0x31: {  	[smem:$0x3FAA] =	sst s10  }
0x32: {  	s10 =	sld [smem:$0x3FA8];
	_ =	sdelay $0x3  }
0x33: {  	p0 =	seq.s32 s10, $0x1;
	s10 =	sld [smem:$0x3FAA];
	_ =	sdelay $0x3  }
0x34: {  	[smem:$0x3FAA] =	sst s10  }
0x35: {  	s10 =	sld [smem:$0x3FA9];
	_ =	sdelay $0x3  }
0x36: {  	p1 =	seq.s32 s10, $0x1;
	s10 =	sld [smem:$0x3FAA];
	_ =	sdelay $0x3  }
0x37: {  	[smem:$0x3FAA] =	sst s10  }
0x38: {  	s10 =	sld [smem:$0x3FAB]  }
0x39: {  	_ = 	snop;
	(pc) =	sbr.ind lr, $3  }
0x3a: {  	_ = 	snop  }
0x3b: {  	_ = 	snop  }
0x3c: {  	p2 =	seq.s32 s10, $0x1;
	s10 =	sld [smem:$0x3FAA]  }
0x3d: {  	_ =	shalt  }
0x3e: {  	_ =	shalt  }
0x3f: {  	_ =	shalt  }
0x40: {  	_ =	shalt  }
0x41: {  	_ =	shalt  }
0x42: {  	_ =	shalt  }
0x43: {  	_ =	shalt  }
0x44: {  	_ =	shalt  }
0x45: {  	_ =	shalt  }
0x46: {  	_ =	shalt  }
0x47: {  	_ =	shalt  }
0x48: {  	_ =	shalt  }
0x49: {  	_ =	shalt  }
0x4a: {  	_ =	shalt  }
0x4b: {  	_ =	shalt  }
0x4c: {  	_ =	shalt  }
0x4d: {  	_ =	shalt  }
0x4e: {  	_ =	shalt  }
0x4f: {  	_ =	shalt  }
0x50: {  	_ =	shalt  }
0x51: {  	_ =	shalt  }
0x52: {  	_ =	shalt  }
0x53: {  	_ =	shalt  }
0x54: {  	_ =	shalt  }
0x55: {  	_ =	shalt  }
0x56: {  	_ =	shalt  }
0x57: {  	_ =	shalt  }
0x58: {  	_ =	shalt  }
0x59: {  	_ =	shalt  }
0x5a: {  	_ =	shalt  }
0x5b: {  	_ =	shalt  }
0x5c: {  	_ =	shalt  }
0x5d: {  	_ =	shalt  }
0x5e: {  	_ =	shalt  }
0x5f: {  	_ =	shalt  }
0x60: {  	_ =	shalt  }
0x61: {  	_ =	shalt  }
0x62: {  	_ =	shalt  }
0x63: {  	_ =	shalt  }
0x64: {  	_ =	shalt  }
0x65: {  	_ =	shalt  }
0x66: {  	_ =	shalt  }
0x67: {  	_ =	shalt  }
0x68: {  	_ =	shalt  }
0x69: {  	_ =	shalt  }
0x6a: {  	_ =	shalt  }
0x6b: {  	_ =	shalt  }
0x6c: {  	_ =	shalt  }
0x6d: {  	_ =	shalt  }
0x6e: {  	_ =	shalt  }
0x6f: {  	_ =	shalt  }
0x70: {  	_ =	shalt  }
0x71: {  	_ =	shalt  }
0x72: {  	_ =	shalt  }
0x73: {  	_ =	shalt  }
0x74: {  	_ =	shalt  }
0x75: {  	_ =	shalt  }
0x76: {  	_ =	shalt  }
0x77: {  	_ =	shalt  }
0x78: {  	_ =	shalt  }
0x79: {  	_ =	shalt  }
0x7a: {  	_ =	shalt  }
0x7b: {  	_ =	shalt  }
0x7c: {  	_ =	shalt  }
0x7d: {  	_ =	shalt  }
0x7e: {  	_ =	shalt  }
0x7f: {  	_ =	shalt  }
0x80: {  	_ =	shalt  }
0x81: {  	_ =	shalt  }
0x82: {  	_ =	shalt  }
0x83: {  	_ =	shalt  }
0x84: {  	_ =	shalt  }
0x85: {  	_ =	shalt  }
0x86: {  	_ =	shalt  }
0x87: {  	_ =	shalt  }
.Lfunc_end0:
.L_simem_size_0:
called_computation_lowered:
.L_overlay_start_0:
0x88: {  	s2 =	sld [smem:$0x3FD9]  }
0x89: {  	s3 =	sld [smem:$0x3FFE];
	_ =	sdelay $0x1  }
0x8a: {  	s1 =	srdreg.scid  }
0x8b: {  	s0 =	sand.u32 $0x1, s1  }
0x8c: {  	s17 =	sshll.u32 s0, $0xA;
	s2 =	sadd.s32 s3, s2  }
0x8d: {  	s2 =	sadd.s32 s2, s17  }
0x8e: {  	[smem:$0x3FB6] =	sst s2  }
0x8f: {  	_ = 	snop  }
0x90: {  	s2 =	sld [smem:$0x3FD0];
	(tm) =	ssettm $0x1  }
0x91: {  	s18 =	sld [smem:$0x3FFB];
	_ =	sdelay $0x3  }
0x92: {  	_ =	strace s18  }
0x93: {  	s3 =	sld [smem:$0x3FFC];
	_ =	sdelay $0x3  }
0x94: {  	_ =	strace s3  }
0x95: {  	s3 =	sld [smem:$0x3FFD];
	_ =	sdelay $0x3  }
0x96: {  	_ =	strace s3  }
0x97: {  	_ =	strace $0x8FFFFFFF  }
0x98: {  	s19 =	sld [smem:$0x3FDB];
	_ =	sdelay $0x1  }
0x99: {  	s4 =	simm.s32 $_scs_section_size  }
0x9a: {  	s5 =	simm.s32 $_size__tile_overlayer_lowered;
	s6 =	simm.s32 $_tile_overlayer_lowered  }
0x9b: {  	s22 =	simm.s32 $0x1BFF;
	s21 =	sshll.u32 s6, $0x1;
	s3 =	sadd.s32 s4, s19  }
0x9c: {  	s7 =	simm.s32 $0x0;
	s20 =	sshll.u32 s5, $0x1;
	s5 =	sadd.s32 s21, s3  }
0x9d: {  	[timem:s7], [sflag:s22] =	dma.local [hbm:s5], s20  }
0x9e: {  	_ =	swait.ge [sflag:s22], s20  }
0x9f: {  	s4 =	ssub.s32 $0x0, s20;
	[sflag:s22] =	ssyncset.done $0x0  }
0xa0: {  	[sflag:s22] =	ssyncadd.s32 s4;
	_ =	sdelay $0x1  }
0xa1: {  	s23 =	simm.s32 $0x1B8B  }
0xa2: {  	_ =	swait.ge [sflag:s23], $0x1  }
0xa3: {  	[sflag:s23] =	ssyncset.done $0x0  }
0xa4: {  	s25 =	simm.s32 $0x1B8E;
	s24 =	sld [smem:$0x3FFE];
	[sflag:s23] =	ssyncadd.s32 $0xFFFFFFFF  }
0xa5: {  	s26 =	simm.s32 $execute0_lowered;
	[smem:$0x3FD2] =	sst s25  }
0xa6: {  	s5 =	sshll.u32 s26, $0x1;
	_ =	strace $0x80000046;
	[dreg:$0x1] =	wrdreg $0xFFFFFFFF  }
0xa7: {  	s28 =	simm.s32 $_size_execute0_lowered;
	s3 =	sadd.s32 s3, s5;
	[dreg:$0x0] =	wrdreg $0x0  }
0xa8: {  	s5 =	sshll.u32 s28, $0x1;
	[dreg:$0x2] =	wrdreg s3  }
0xa9: {  	[dreg:$0x3] =	wrdreg s5  }
0xaa: {  	[dreg:$0x4] =	wrdreg $0xC0  }
0xab: {  	_ =	task [dreg:s7], $0x5FFFF  }
0xac: {  	[dreg:$0x1] =	wrdreg $0xFFFFFFFF  }
0xad: {  	[dreg:$0x0] =	wrdreg $0x60  }
0xae: {  	[dreg:$0x2] =	wrdreg s2  }
0xaf: {  	[dreg:$0x3] =	wrdreg s24  }
0xb0: {  	[dreg:$0x4] =	wrdreg $0x68000  }
0xb1: {  	[dreg:$0x5] =	wrdreg $0x9  }
0xb2: {  	_ =	task.clear_ibuf [dreg:s7], $0x6FFFF;
	_ =	strace $0x90000046  }
0xb3: {  	s29 =	simm.s32 $0x9;
	_ =	strace $0x80000048  }
0xb4: {  	_ =	swait.ge [sflag:s29], $0x1  }
0xb5: {  	[sflag:s29] =	ssyncadd.s32 $0xFFFFFFFF  }
0xb6: {  	_ =	strace $0x90000048  }
0xb7: {  	_ =	sfence  }
0xb8: {  	s30 =	sld [smem:$0x0];
	_ =	sdelay $0x2  }
0xb9: {  	s31 =	sshll.u32 s1, $0xD;
	s1 =	sshrl.u32 s1, $0x2  }
0xba: {  	s3 =	sand.u32 $0x4000, s31;
	s1 =	sadd.s32 s1, s30  }
0xbb: {  	s0 =	sor.u32 s3, s0;
	s1 =	sshll.u32 s1, $0x11  }
0xbc: {  	s0 =	sor.u32 s1, s0  }
0xbd: {  	s0 =	sadd.s32 $0x8F2B, s0  }
0xbe: {  	[sflag:s0] =	ssyncadd.remote.s32 $0x1  }
0xbf: {  	_ =	sfence.sel $0xFFFF  }
0xc0: {  	[dreg:$0x0] =	wrdreg $0xFFFFFFFF;
	(pc) =	sbr.abs _section_cstart, $3  }
0xc1: {  	[dreg:$0x1] =	wrdreg $0xFFFFFFFF  }
0xc2: {  	_ =	task.clear_ibuf [dreg:s7], $0x2FFFF;
	_ =	strace $0x9FFFFFFF  }
0xc3: {  	(tm) =	ssettm $0x7FFFFFFF  }
tec
execute0_lowered:
.L_overlay_start_1:
0x0: {  	(tag) =	ssettag $0x1  }
0x1: {  	s4 =	rddreg [dreg:$0x0]  }
0x2: {  	s5 =	rddreg [dreg:$0x1]  }
0x3: {  	s2 =	rddreg [dreg:$0x2]  }
0x4: {  	s0 =	srdreg.scid;
	s1 =	rddreg [dreg:$0x3]  }
0x5: {  	s12 =	simm.s32 $0x2800;
	s13 =	simm.s32 $0x3;
	s14 =	simm.s32 $0x2  }
0x6: {  	s15 =	simm.s32 $0x7D;
	s16 =	simm.s32 $0x80;
	s6 =	sand.u32 $0x1, s0  }
0x7: {  	s17 =	simm.s32 $0x100;
	s0 =	stileid.u32;
	s7 =	smul.u32 $0x140000, s6  }
0x8: {  	s18 =	simm.s32 $0x1;
	s21 =	simm.s32 $0x0;
	s8 =	smul.u32 $0x14000, s0  }
0x9: {  	s3 =	sshll.u32 s0, $0x1;
	s26 =	smul.u32 $0x50000, s0;
	s28 =	ssub.s32 $0x2, s6  }
0xa: {  	s19 =	sshll.u32 s0, $0x6;
	s9 =	sor.u32 s6, s3;
	s3 =	simm.s32 $0x0  }
0xb: {  	s6 =	sshrl.u32 s28, $0x1;
	s19 =	sor.u32 $0x1C03, s19;
	s7 =	sadd.s32 s8, s7  }
0xc: {  	s25 =	smul.u32 $0x2800, s9;
	[smem:$0x7FF] =	sst s3;
	s30 =	sshrl.u32 s26, $0x2  }
0xd: {  	s11 =	ssub.s32 s28, s6;
	s7 =	sshrl.u32 s7, $0x3;
	_ =	strace $0x80000047  }
0xe: {  	s11 =	smax.u32 s11, $0x1;
	s10 =	sadd.s32 s7, s5;
	s29 =	sshrl.u32 s25, $0x3  }
0xf: {  	s31 =	sadd.s32 s4, s29;
	s4 =	sadd.s32 s30, s2;
	s10 =	sadd.s32 $0x4800, s10  }
0x10: {  	s5 =	sadd.s32 $0xA000, s31;
	s6 =	sadd.s32 $0x4000, s4;
	s7 =	sadd.s32 $0x8000, s4  }
0x11: {  	v0 =	vimm.f32 $0.0e+00;
	v1 =	vimm.f32 $1.000000000e+00;
	s8 =	sadd.s32 $0xC000, s4;
	s9 =	sadd.s32 $0x10000, s4;
	s20 =	sshrl.u32 s4, $0x3  }
.LBB2_1:
0x12: {  	[tilespmem:s3], [sflag:$0x2] =	stream.linear.gather [hbm4b:s5+s3], $0x2800, $0x38;
	[tilespmem:$0x1A800] =	vst v63  }
0x13: {  	s22 =	simm.s32 $0x2840  }
0x14: {  	[tilespmem:s22+$0xFFFFFFC0] =	vst v0  }
0x15: {  	[tilespmem:s22+$0x30] =	vst v0  }
0x16: {  	[tilespmem:s22+$0x20] =	vst v0  }
0x17: {  	[tilespmem:s22+$0x10] =	vst v0  }
0x18: {  	[tilespmem:s22+$0x0] =	vst v0  }
0x19: {  	[tilespmem:s22+$0xFFFFFFF0] =	vst v0  }
0x1a: {  	s23 =	simm.s32 $0x0;
	[tilespmem:s22+$0xFFFFFFE0] =	vst v0  }
.LBB2_2:
0x1b: {  	s23 =	sadd.s32 $0x8, s23;
	[tilespmem:s22+$0xFFFFFFD0] =	vst v0;
	s22 =	sadd.s32 $0x80, s22  }
0x1c: {  	[tilespmem:s22+$0xFFFFFFC0] =	vst v0;
	p0 =	slt.u32 s23, $0x3F8  }
0x1d: {  	[tilespmem:s22+$0x30] =	vst v0  }
.Ltmp0:
0x1e: {  	[tilespmem:s22+$0x20] =	vst v0;
	(pc) =	sbr.rel @p0 .LBB2_2-.Ltmp0, $4  }
0x1f: {  	[tilespmem:s22+$0x10] =	vst v0  }
0x20: {  	[tilespmem:s22+$0x0] =	vst v0  }
0x21: {  	[tilespmem:s22+$0xFFFFFFF0] =	vst v0  }
0x22: {  	[tilespmem:s22+$0xFFFFFFE0] =	vst v0  }
0x23: {  	[tilespmem:s22+$0xFFFFFFD0] =	vst v0  }
0x24: {  	[spmem:s4] =	stream.linear.scatter [tilespmem:s12], [sflag:$0x3], $0x4000, $0x38;
	[tilespmem:$0x1A800] =	vst v63  }
0x25: {  	_ =	swait.ge [sflag:s13], $0x4000  }
0x26: {  	[sflag:s13] =	ssyncset.done $0x0  }
0x27: {  	[sflag:s13] =	ssyncadd.s32 $0xFFFFC000  }
0x28: {  	[spmem:s6] =	stream.linear.scatter [tilespmem:s12], [sflag:$0x3], $0x4000, $0x38;
	[tilespmem:$0x1A800] =	vst v63  }
0x29: {  	_ =	swait.ge [sflag:s13], $0x4000  }
0x2a: {  	[sflag:s13] =	ssyncset.done $0x0  }
0x2b: {  	[sflag:s13] =	ssyncadd.s32 $0xFFFFC000  }
0x2c: {  	[spmem:s7] =	stream.linear.scatter [tilespmem:s12], [sflag:$0x3], $0x4000, $0x38;
	[tilespmem:$0x1A800] =	vst v63  }
0x2d: {  	_ =	swait.ge [sflag:s13], $0x4000  }
0x2e: {  	[sflag:s13] =	ssyncset.done $0x0  }
0x2f: {  	[sflag:s13] =	ssyncadd.s32 $0xFFFFC000  }
0x30: {  	[spmem:s8] =	stream.linear.scatter [tilespmem:s12], [sflag:$0x3], $0x4000, $0x38;
	[tilespmem:$0x1A800] =	vst v63  }
0x31: {  	_ =	swait.ge [sflag:s13], $0x4000  }
0x32: {  	[sflag:s13] =	ssyncset.done $0x0  }
0x33: {  	[sflag:s13] =	ssyncadd.s32 $0xFFFFC000  }
0x34: {  	[spmem:s9] =	stream.linear.scatter [tilespmem:s12], [sflag:$0x3], $0x4000, $0x38;
	[tilespmem:$0x1A800] =	vst v63  }
0x35: {  	_ =	swait.ge [sflag:s13], $0x4000  }
0x36: {  	[sflag:s13] =	ssyncset.done $0x0  }
0x37: {  	s22 =	simm.s32 $0x2840;
	[sflag:s13] =	ssyncadd.s32 $0xFFFFC000  }
0x38: {  	[tilespmem:s22+$0xFFFFFFC0] =	vst v1  }
0x39: {  	[tilespmem:s22+$0x30] =	vst v1  }
0x3a: {  	[tilespmem:s22+$0x20] =	vst v1  }
0x3b: {  	[tilespmem:s22+$0x10] =	vst v1  }
0x3c: {  	[tilespmem:s22+$0x0] =	vst v1  }
0x3d: {  	[tilespmem:s22+$0xFFFFFFF0] =	vst v1  }
0x3e: {  	s23 =	simm.s32 $0x0;
	[tilespmem:s22+$0xFFFFFFE0] =	vst v1  }
.LBB2_4:
0x3f: {  	s23 =	sadd.s32 $0x8, s23;
	[tilespmem:s22+$0xFFFFFFD0] =	vst v1;
	s22 =	sadd.s32 $0x80, s22  }
0x40: {  	[tilespmem:s22+$0xFFFFFFC0] =	vst v1;
	p0 =	slt.u32 s23, $0x3F8  }
0x41: {  	[tilespmem:s22+$0x30] =	vst v1  }
.Ltmp1:
0x42: {  	[tilespmem:s22+$0x20] =	vst v1;
	(pc) =	sbr.rel @p0 .LBB2_4-.Ltmp1, $4  }
0x43: {  	[tilespmem:s22+$0x10] =	vst v1  }
0x44: {  	[tilespmem:s22+$0x0] =	vst v1  }
0x45: {  	[tilespmem:s22+$0xFFFFFFF0] =	vst v1  }
0x46: {  	[tilespmem:s22+$0xFFFFFFE0] =	vst v1  }
0x47: {  	[tilespmem:s22+$0xFFFFFFD0] =	vst v1  }
0x48: {  	_ =	swait.ge [sflag:s14], $0x2800  }
0x49: {  	[sflag:s14] =	ssyncset.done $0x0  }
0x4a: {  	[sflag:s14] =	ssyncadd.s32 $0xFFFFD800  }
0x4b: {  	[bflag:$0x0] =	sbarrier.arrive $0xFFFF  }
0x4c: {  	[spmem:s2] =	stream.indirect.scatter.add.f32 [tilespmem:s12], [sflag:$0x1], $0x80, s3, s15, $0xb8;
	[tilespmem:$0x1A800] =	vst v63  }
0x4d: {  	_ = 	snop  }
0x4e: {  	[spmem:s2] =	stream.indirect.scatter.add.f32 [tilespmem:s12], [sflag:$0x1], $0x80, s16, s15, $0xb8;
	[tilespmem:$0x1A800] =	vst v63  }
0x4f: {  	_ = 	snop  }
0x50: {  	[spmem:s2] =	stream.indirect.scatter.add.f32 [tilespmem:s12], [sflag:$0x1], $0x80, s17, s15, $0xb8;
	[tilespmem:$0x1A800] =	vst v63  }
0x51: {  	s31 =	simm.s32 $0x180  }
0x52: {  	[spmem:s2] =	stream.indirect.scatter.add.f32 [tilespmem:s12], [sflag:$0x1], $0x80, s31, s15, $0xb8;
	[tilespmem:$0x1A800] =	vst v63  }
0x53: {  	_ =	swait.ge [sflag:s18], $0x3E80  }
0x54: {  	s22 =	simm.s32 $0x800;
	[sflag:s18] =	ssyncset.done $0x0  }
.LBB2_6:
0x55: {  	s23 =	sshra.s32 s22, $0x2;
	[sflag:s18] =	ssyncadd.s32 $0xFFFFC180;
	p0 =	sne.s32 s22, $0x9E00  }
0x56: {  	[spmem:s2] =	stream.indirect.scatter.add.f32 [tilespmem:s12], [sflag:$0x1], $0x80, s23, s15, $0xb8;
	[tilespmem:$0x1A800] =	vst v63  }
.Ltmp2:
0x57: {  	_ = 	snop;
	(pc) =	sbr.rel @p0 .LBB2_6-.Ltmp2, $4  }
0x58: {  	_ = 	snop  }
0x59: {  	s22 =	sadd.s32 $0x200, s22  }
0x5a: {  	_ =	swait.ge [sflag:s18], $0x3E80  }
0x5b: {  	[sflag:s18] =	ssyncset.done $0x0  }
0x5c: {  	[sflag:s18] =	ssyncadd.s32 $0xFFFFC180  }
0x5d: {  	_ =	swait.ge [sflag:s18], $0x3E80  }
0x5e: {  	[sflag:s18] =	ssyncset.done $0x0  }
0x5f: {  	[sflag:s18] =	ssyncadd.s32 $0xFFFFC180  }
0x60: {  	_ =	swait.ge [sflag:s18], $0x3E80  }
0x61: {  	[sflag:s18] =	ssyncset.done $0x0  }
0x62: {  	[sflag:s18] =	ssyncadd.s32 $0xFFFFC180  }
0x63: {  	_ =	swait.ge [sflag:s18], $0x3E80  }
0x64: {  	s21 =	sadd.s32 $0x1, s21;
	[sflag:s18] =	ssyncset.done $0x0  }
0x65: {  	p0 =	sne.s32 s21, s11;
	[sflag:s18] =	ssyncadd.s32 $0xFFFFC180  }
.Ltmp3:
0x66: {  	[bflag:$0x0] =	sbarrier.arrive $0xFFFF;
	(pc) =	sbr.rel @p0 .LBB2_1-.Ltmp3, $4  }
0x67: {  	[hbm:s10], [sflag:s19] =	dma.local [spmem:s20], $0x2800  }
0x68: {  	_ =	swait.ge [sflag:s13], $0x2800  }
0x69: {  	[sflag:s13] =	ssyncset.done $0x0  }
0x6a: {  	[sflag:s13] =	ssyncadd.s32 $0xFFFFD800  }
0x6b: {  	_ =	sfence.sel $0x180000  }
0x6c: {  	[bflag:$0x0] =	sbarrier.arrive $0xFFFF  }
0x6d: {  	p0 =	sne.s32 s0, $0x0;
	_ =	strace $0x90000047  }
0x6e: {  	s0 =	sadd.s32 @!p0 $0x100000, s1;
	[bflag:$0x2] =	sbarrier.arrive $0xFFFF  }
0x6f: {  	[sflag:s0] =	ssyncadd.tile.s32 @!p0 $0x1;
	_ =	shalt  }
.Lfunc_end2:
_tile_overlayer_lowered:
.L_overlay_start_2:
0x70: {  	(tag) =	ssettag $0x2  }
0x71: {  	s0 =	rddreg [dreg:$0x0];
	s2 =	stileid.u32  }
0x72: {  	s1 =	rddreg [dreg:$0x1];
	p0 =	sne.s32 s2, $0x0  }
0x73: {  	s3 =	rddreg [dreg:$0x2];
	[bflag:$0x3] =	sbarrier.arrive $0xFFFF;
	s2 =	simm.s32 @!p0 $0x1C03  }
0x74: {  	[timem:s3], [sflag:s2] =	dma.local @!p0 [hbm:s0], s1  }
0x75: {  	s0 =	simm.s32 @!p0 $0x3  }
0x76: {  	_ =	swait.ge @!p0 [sflag:s0], s1  }
0x77: {  	s1 =	ssub.s32 @!p0 $0x0, s1;
	[sflag:s0] =	ssyncset.done @!p0 $0x0  }
0x78: {  	[sflag:s0] =	ssyncadd.s32 @!p0 s1  }
0x79: {  	[bflag:$0x3] =	sbarrier.arrive $0xFFFF  }
0x7a: {  	_ =	shalt  }

// kernel: kernel.14.cloned.1.call-start
scs
__scs_entry_jumppad:
0x0: {  	(pc) =	sbr.rel $0x88, $3  }
0x1: {  	(tag) =	ssettag $0x0;
	lr =	simm.s32 $0x1  }
0x2: {  	[smem:$0x3F8F] =	sst lr;
	_ =	strace $0xD0000000  }
0x3: {  	_ = 	snop  }
0x4: {  	_ = 	snop  }
0x5: {  	_ = 	snop  }
0x6: {  	_ = 	snop  }
0x7: {  	_ = 	snop  }
__scs_overlays_trampoline_lowered:
0x8: {  	[smem:$0x3F9E] =	sst s0  }
0x9: {  	[smem:$0x3F9F] =	sst s1  }
0xa: {  	[smem:$0x3FA0] =	sst s2  }
0xb: {  	[smem:$0x3FA1] =	sst s3  }
0xc: {  	[smem:$0x3FA2] =	sst s4  }
0xd: {  	[smem:$0x3FA3] =	sst s5  }
0xe: {  	[smem:$0x3FA4] =	sst s6  }
0xf: {  	[smem:$0x3FA5] =	sst s7  }
0x10: {  	[smem:$0x3FA6] =	sst s8  }
0x11: {  	[smem:$0x3FA7] =	sst s9;
	s0 =	simm.s32 @!p0 $0x0  }
0x12: {  	s1 =	sld [smem:$0x3F8D];
	s0 =	simm.s32 @p0 $0x1  }
0x13: {  	[smem:$0x3FA8] =	sst s0;
	s0 =	simm.s32 @!p1 $0x0  }
0x14: {  	s2 =	sld [smem:$0x3F8C];
	s0 =	simm.s32 @p1 $0x1  }
0x15: {  	[smem:$0x3FA9] =	sst s0;
	s0 =	simm.s32 @!p2 $0x0  }
0x16: {  	s3 =	sld [smem:$0x3FDB];
	s0 =	simm.s32 @p2 $0x1  }
0x17: {  	s4 =	simm.s32 $0x1BF5;
	[smem:$0x3FAB] =	sst s0  }
0x18: {  	s0 =	sld [smem:$0x3F8E];
	_ =	swait.ge [sflag:s4], $0x0  }
0x19: {  	s7 =	sld [smem:$0x3F8F]  }
0x1a: {  	s8 =	sadd.s32 $0xFFFFE003, lr  }
0x1b: {  	s9 =	sadd.s32 $0xFFFFFEF7, lr;
	s5 =	simm.s32 $0xFFFFFFFF;
	p2 =	slt.u32 s8, $0xFFFFF086  }
0x1c: {  	p1 =	slt.u32 s9, $0xF7A;
	s5 =	simm.s32 @!p2 $0x0  }
0x1d: {  	s5 =	simm.s32 @p1 $0x1;
	p0 =	seq.s32 s7, s2  }
0x1e: {  	s7 =	smul.u32 @!p0 $0xF7A, s2;
	p2 =	seq.s32 @!p0 s5, $0x0  }
0x1f: {  	s9 =	smul.u32 $0xF7A, s1;
	s8 =	simm.s32 @!p0 $0x1BF5;
	p2 =	por !p2, p0  }
0x20: {  	[sflag:s8] =	ssyncset.s32 @!p0 $0xFFFFF086;
	s6 =	sadd.s32 @!p0 s3, s7;
	s7 =	simm.s32 @!p0 $0x108  }
0x21: {  	s3 =	sadd.s32 s3, s9;
	s6 =	sadd.s32 @!p0 $0x88, s6;
	s7 =	simm.s32 @p2 $0x1082  }
0x22: {  	[simem:s7], [sflag:s8] =	dma.local @!p0 [hbm:s6], $0xF7A  }
0x23: {  	s9 =	sor.u32 $0xD0000000, s2;
	s6 =	simm.s32 $0x108;
	_ =	swait.ge @!p0 [sflag:s8], $0x0  }
0x24: {  	s3 =	sadd.s32 $0x88, s3;
	s6 =	simm.s32 @!p1 $0x1082;
	[sflag:s4] =	ssyncset.s32 $0xFFFFF086  }
0x25: {  	[simem:s6], [sflag:s4] =	dma.local [hbm:s3], $0xF7A  }
0x26: {  	[smem:$0x3F8F] =	sst s1;
	(tag) =	ssettag s2;
	_ =	strace s9  }
0x27: {  	s1 =	sld [smem:$0x3F9F]  }
0x28: {  	s2 =	sld [smem:$0x3FA0]  }
0x29: {  	s4 =	sld [smem:$0x3FA2]  }
0x2a: {  	p0 =	seq.s32 s5, $0x0;
	s5 =	sld [smem:$0x3FA3]  }
0x2b: {  	s6 =	sld [smem:$0x3FA4]  }
0x2c: {  	s7 =	sld [smem:$0x3FA5]  }
0x2d: {  	s3 =	simm.s32 $0x108;
	s8 =	sld [smem:$0x3FA6]  }
0x2e: {  	s3 =	simm.s32 @!p0 $0x1082;
	s9 =	sld [smem:$0x3FA7]  }
0x2f: {  	lr =	sadd.s32 s0, s3;
	s0 =	sld [smem:$0x3F9E]  }
0x30: {  	s3 =	sld [smem:$0x3FA1]  }
0x31: {  	[smem:$0x3FAA] =	sst s10  }
0x32: {  	s10 =	sld [smem:$0x3FA8];
	_ =	sdelay $0x3  }
0x33: {  	p0 =	seq.s32 s10, $0x1;
	s10 =	sld [smem:$0x3FAA];
	_ =	sdelay $0x3  }
0x34: {  	[smem:$0x3FAA] =	sst s10  }
0x35: {  	s10 =	sld [smem:$0x3FA9];
	_ =	sdelay $0x3  }
0x36: {  	p1 =	seq.s32 s10, $0x1;
	s10 =	sld [smem:$0x3FAA];
	_ =	sdelay $0x3  }
0x37: {  	[smem:$0x3FAA] =	sst s10  }
0x38: {  	s10 =	sld [smem:$0x3FAB]  }
0x39: {  	_ = 	snop;
	(pc) =	sbr.ind lr, $3  }
0x3a: {  	_ = 	snop  }
0x3b: {  	_ = 	snop  }
0x3c: {  	p2 =	seq.s32 s10, $0x1;
	s10 =	sld [smem:$0x3FAA]  }
0x3d: {  	_ =	shalt  }
0x3e: {  	_ =	shalt  }
0x3f: {  	_ =	shalt  }
0x40: {  	_ =	shalt  }
0x41: {  	_ =	shalt  }
0x42: {  	_ =	shalt  }
0x43: {  	_ =	shalt  }
0x44: {  	_ =	shalt  }
0x45: {  	_ =	shalt  }
0x46: {  	_ =	shalt  }
0x47: {  	_ =	shalt  }
0x48: {  	_ =	shalt  }
0x49: {  	_ =	shalt  }
0x4a: {  	_ =	shalt  }
0x4b: {  	_ =	shalt  }
0x4c: {  	_ =	shalt  }
0x4d: {  	_ =	shalt  }
0x4e: {  	_ =	shalt  }
0x4f: {  	_ =	shalt  }
0x50: {  	_ =	shalt  }
0x51: {  	_ =	shalt  }
0x52: {  	_ =	shalt  }
0x53: {  	_ =	shalt  }
0x54: {  	_ =	shalt  }
0x55: {  	_ =	shalt  }
0x56: {  	_ =	shalt  }
0x57: {  	_ =	shalt  }
0x58: {  	_ =	shalt  }
0x59: {  	_ =	shalt  }
0x5a: {  	_ =	shalt  }
0x5b: {  	_ =	shalt  }
0x5c: {  	_ =	shalt  }
0x5d: {  	_ =	shalt  }
0x5e: {  	_ =	shalt  }
0x5f: {  	_ =	shalt  }
0x60: {  	_ =	shalt  }
0x61: {  	_ =	shalt  }
0x62: {  	_ =	shalt  }
0x63: {  	_ =	shalt  }
0x64: {  	_ =	shalt  }
0x65: {  	_ =	shalt  }
0x66: {  	_ =	shalt  }
0x67: {  	_ =	shalt  }
0x68: {  	_ =	shalt  }
0x69: {  	_ =	shalt  }
0x6a: {  	_ =	shalt  }
0x6b: {  	_ =	shalt  }
0x6c: {  	_ =	shalt  }
0x6d: {  	_ =	shalt  }
0x6e: {  	_ =	shalt  }
0x6f: {  	_ =	shalt  }
0x70: {  	_ =	shalt  }
0x71: {  	_ =	shalt  }
0x72: {  	_ =	shalt  }
0x73: {  	_ =	shalt  }
0x74: {  	_ =	shalt  }
0x75: {  	_ =	shalt  }
0x76: {  	_ =	shalt  }
0x77: {  	_ =	shalt  }
0x78: {  	_ =	shalt  }
0x79: {  	_ =	shalt  }
0x7a: {  	_ =	shalt  }
0x7b: {  	_ =	shalt  }
0x7c: {  	_ =	shalt  }
0x7d: {  	_ =	shalt  }
0x7e: {  	_ =	shalt  }
0x7f: {  	_ =	shalt  }
0x80: {  	_ =	shalt  }
0x81: {  	_ =	shalt  }
0x82: {  	_ =	shalt  }
0x83: {  	_ =	shalt  }
0x84: {  	_ =	shalt  }
0x85: {  	_ =	shalt  }
0x86: {  	_ =	shalt  }
0x87: {  	_ =	shalt  }
.Lfunc_end0:
.L_simem_size_0:
called_computation.1_lowered:
.L_overlay_start_0:
0x88: {  	s2 =	sld [smem:$0x3FD9]  }
0x89: {  	s3 =	sld [smem:$0x3FFE];
	_ =	sdelay $0x1  }
0x8a: {  	s1 =	srdreg.scid  }
0x8b: {  	s0 =	sand.u32 $0x1, s1  }
0x8c: {  	s17 =	sshll.u32 s0, $0xA;
	s2 =	sadd.s32 s3, s2  }
0x8d: {  	s2 =	sadd.s32 s2, s17  }
0x8e: {  	[smem:$0x3FB6] =	sst s2  }
0x8f: {  	_ = 	snop  }
0x90: {  	s2 =	sld [smem:$0x3FD0];
	(tm) =	ssettm $0x1  }
0x91: {  	s18 =	sld [smem:$0x3FFB];
	_ =	sdelay $0x3  }
0x92: {  	_ =	strace s18  }
0x93: {  	s3 =	sld [smem:$0x3FFC];
	_ =	sdelay $0x3  }
0x94: {  	_ =	strace s3  }
0x95: {  	s3 =	sld [smem:$0x3FFD];
	_ =	sdelay $0x3  }
0x96: {  	_ =	strace s3  }
0x97: {  	_ =	strace $0x8FFFFFFF  }
0x98: {  	s19 =	sld [smem:$0x3FDB];
	_ =	sdelay $0x1  }
0x99: {  	s4 =	simm.s32 $_scs_section_size  }
0x9a: {  	s5 =	simm.s32 $_size__tile_overlayer_lowered;
	s6 =	simm.s32 $_tile_overlayer_lowered  }
0x9b: {  	s22 =	simm.s32 $0x1BFF;
	s21 =	sshll.u32 s6, $0x1;
	s3 =	sadd.s32 s4, s19  }
0x9c: {  	s7 =	simm.s32 $0x0;
	s20 =	sshll.u32 s5, $0x1;
	s5 =	sadd.s32 s21, s3  }
0x9d: {  	[timem:s7], [sflag:s22] =	dma.local [hbm:s5], s20  }
0x9e: {  	_ =	swait.ge [sflag:s22], s20  }
0x9f: {  	s4 =	ssub.s32 $0x0, s20;
	[sflag:s22] =	ssyncset.done $0x0  }
0xa0: {  	[sflag:s22] =	ssyncadd.s32 s4;
	_ =	sdelay $0x1  }
0xa1: {  	s23 =	simm.s32 $0x1B8B  }
0xa2: {  	_ =	swait.ge [sflag:s23], $0x1  }
0xa3: {  	[sflag:s23] =	ssyncset.done $0x0  }
0xa4: {  	s25 =	simm.s32 $0x1B8E;
	s24 =	sld [smem:$0x3FFE];
	[sflag:s23] =	ssyncadd.s32 $0xFFFFFFFF  }
0xa5: {  	s26 =	simm.s32 $execute0_lowered;
	[smem:$0x3FD2] =	sst s25  }
0xa6: {  	s5 =	sshll.u32 s26, $0x1;
	_ =	strace $0x80000049;
	[dreg:$0x1] =	wrdreg $0xFFFFFFFF  }
0xa7: {  	s28 =	simm.s32 $_size_execute0_lowered;
	s3 =	sadd.s32 s3, s5;
	[dreg:$0x0] =	wrdreg $0x0  }
0xa8: {  	s5 =	sshll.u32 s28, $0x1;
	[dreg:$0x2] =	wrdreg s3  }
0xa9: {  	[dreg:$0x3] =	wrdreg s5  }
0xaa: {  	[dreg:$0x4] =	wrdreg $0xC0  }
0xab: {  	_ =	task [dreg:s7], $0x5FFFF  }
0xac: {  	[dreg:$0x1] =	wrdreg $0xFFFFFFFF  }
0xad: {  	[dreg:$0x0] =	wrdreg $0x60  }
0xae: {  	[dreg:$0x2] =	wrdreg s24  }
0xaf: {  	[dreg:$0x3] =	wrdreg s2  }
0xb0: {  	[dreg:$0x4] =	wrdreg $0xB0000  }
0xb1: {  	[dreg:$0x5] =	wrdreg $0x9  }
0xb2: {  	_ =	task.clear_ibuf [dreg:s7], $0x6FFFF;
	_ =	strace $0x90000049  }
0xb3: {  	s29 =	simm.s32 $0x9;
	_ =	strace $0x8000004B  }
0xb4: {  	_ =	swait.ge [sflag:s29], $0x1  }
0xb5: {  	[sflag:s29] =	ssyncadd.s32 $0xFFFFFFFF  }
0xb6: {  	_ =	strace $0x9000004B  }
0xb7: {  	_ =	sfence  }
0xb8: {  	s30 =	sld [smem:$0x0];
	_ =	sdelay $0x2  }
0xb9: {  	s31 =	sshll.u32 s1, $0xD;
	s1 =	sshrl.u32 s1, $0x2  }
0xba: {  	s3 =	sand.u32 $0x4000, s31;
	s1 =	sadd.s32 s1, s30  }
0xbb: {  	s0 =	sor.u32 s3, s0;
	s1 =	sshll.u32 s1, $0x11  }
0xbc: {  	s0 =	sor.u32 s1, s0  }
0xbd: {  	s0 =	sadd.s32 $0x8F2B, s0  }
0xbe: {  	[sflag:s0] =	ssyncadd.remote.s32 $0x1  }
0xbf: {  	_ =	sfence.sel $0xFFFF  }
0xc0: {  	[dreg:$0x0] =	wrdreg $0xFFFFFFFF;
	(pc) =	sbr.abs _section_cstart, $3  }
0xc1: {  	[dreg:$0x1] =	wrdreg $0xFFFFFFFF  }
0xc2: {  	_ =	task.clear_ibuf [dreg:s7], $0x2FFFF;
	_ =	strace $0x9FFFFFFF  }
0xc3: {  	(tm) =	ssettm $0x7FFFFFFF  }
tec
execute0_lowered:
.L_overlay_start_1:
0x0: {  	(tag) =	ssettag $0x1  }
0x1: {  	s0 =	rddreg [dreg:$0x0]  }
0x2: {  	s1 =	rddreg [dreg:$0x1]  }
0x3: {  	s2 =	rddreg [dreg:$0x2];
	s3 =	srdreg.scid  }
0x4: {  	s9 =	stileid.u32;
	s15 =	simm.s32 $0x3000;
	s16 =	simm.s32 $0x6  }
0x5: {  	s17 =	simm.s32 $0x5;
	s18 =	simm.s32 $0x2800;
	s20 =	simm.s32 $0x7D  }
0x6: {  	s22 =	simm.s32 $0x7000;
	s28 =	simm.s32 $0x4;
	s29 =	simm.s32 $0x2  }
0x7: {  	s30 =	simm.s32 $0x0;
	s4 =	sand.u32 $0x1, s3;
	s6 =	smul.u32 $0x14000, s9  }
0x8: {  	s3 =	simm.s32 $0x0;
	s7 =	sshll.u32 s9, $0x1;
	s9 =	smul.u32 $0x50000, s9  }
0x9: {  	s5 =	smul.u32 $0x140000, s4;
	[smem:$0x7FF] =	sst s3;
	s7 =	sor.u32 s4, s7  }
0xa: {  	s8 =	ssub.s32 $0x2, s4;
	s4 =	sadd.s32 $0x4800, s0;
	_ =	strace $0x8000004A  }
0xb: {  	s23 =	smul.u32 $0x2800, s7;
	s24 =	sshrl.u32 s8, $0x1;
	s26 =	sshrl.u32 s9, $0x2  }
0xc: {  	s12 =	smul.u32 $0x500, s7;
	s5 =	sadd.s32 s6, s5;
	s14 =	ssub.s32 s8, s24  }
0xd: {  	s6 =	sadd.s32 s26, s2;
	s26 =	simm.s32 $0x1;
	s5 =	sshrl.u32 s5, $0x3  }
.Ltmp0:
0xe: {  	s25 =	sshrl.u32 s23, $0x3;
	s8 =	sadd.s32 $0x4000, s6;
	(pc) =	sbr.rel .LBB2_1-.Ltmp0, $4  }
0xf: {  	s9 =	sadd.s32 $0x8000, s6;
	s10 =	sadd.s32 $0xC000, s6;
	s11 =	sadd.s32 $0x10000, s6  }
0x10: {  	s14 =	smax.u32 s14, $0x1;
	s0 =	sadd.s32 s5, s0;
	s5 =	sadd.s32 s1, s25  }
0x11: {  	s23 =	simm.s32 $0x3;
	s1 =	sadd.s32 s12, s1;
	s31 =	sadd.s32 $0xA000, s5  }
0x12: {  	v0 =	vimm.f32 $0.0e+00;
	s12 =	sadd.s32 $0x80, s1;
	s13 =	sadd.s32 $0x2C800, s0;
	[dreg:$0x4] =	wrdreg s31  }
.LBB2_6:
0x13: {  	[spmem:s2] =	stream.indirect.scatter.add.f32 [tilespmem:s22], [sflag:$0x4], $0x80, s19, s20, $0xb8;
	[tilespmem:$0x1F000] =	vst v63  }
0x14: {  	s0 =	stileid.u32;
	_ =	swait.ge [sflag:s28], $0x3E80  }
0x15: {  	s1 =	sshrl.u32 s6, $0x3;
	s30 =	sadd.s32 $0x1, s30;
	[sflag:s28] =	ssyncset.done $0x0  }
0x16: {  	s0 =	sshll.u32 s0, $0x6;
	p0 =	sne.s32 s30, s14;
	[sflag:s28] =	ssyncadd.s32 $0xFFFFC180  }
.Ltmp1:
0x17: {  	s0 =	sor.u32 $0x1C06, s0;
	[bflag:$0x0] =	sbarrier.arrive $0xFFFF;
	(pc) =	sbr.rel @!p0 .LBB2_7-.Ltmp1, $4  }
0x18: {  	[hbm:s13], [sflag:s0] =	dma.local [spmem:s1], $0x2800  }
0x19: {  	_ =	swait.ge [sflag:s16], $0x2800  }
0x1a: {  	[sflag:s16] =	ssyncset.done $0x0  }
0x1b: {  	[sflag:s16] =	ssyncadd.s32 $0xFFFFD800  }
.LBB2_1:
0x1c: {  	s0 =	rddreg [dreg:$0x4];
	s25 =	simm.s32 $0x0  }
0x1d: {  	[tilespmem:s3], [sflag:$0x5] =	stream.linear.gather [hbm4b:s0+s3], $0x2800, $0x38;
	[tilespmem:$0x1F000] =	vst v63  }
0x1e: {  	s0 =	sand.u32 $0x7F80, s25  }
0x1f: {  	[tilespmem:s0+$0x3070] =	vst v0  }
0x20: {  	[tilespmem:s0+$0x3000] =	vst v0  }
0x21: {  	[tilespmem:s0+$0x3010] =	vst v0  }
0x22: {  	[tilespmem:s0+$0x3020] =	vst v0  }
0x23: {  	[tilespmem:s0+$0x3030] =	vst v0  }
0x24: {  	s1 =	simm.s32 $0x0;
	s31 =	simm.s32 $0x200;
	[tilespmem:s0+$0x3040] =	vst v0  }
.LBB2_2:
0x25: {  	s19 =	sshrl.u32 s31, $0x2;
	s1 =	sadd.s32 $0x8, s1;
	[tilespmem:s0+$0x3050] =	vst v0  }
0x26: {  	p0 =	slt.u32 s1, $0x7F8;
	[tilespmem:s0+$0x3060] =	vst v0;
	s0 =	sand.u32 $0x7F80, s19  }
0x27: {  	[tilespmem:s0+$0x3070] =	vst v0  }
.Ltmp2:
0x28: {  	[tilespmem:s0+$0x3000] =	vst v0;
	(pc) =	sbr.rel @p0 .LBB2_2-.Ltmp2, $4  }
0x29: {  	[tilespmem:s0+$0x3010] =	vst v0  }
0x2a: {  	[tilespmem:s0+$0x3020] =	vst v0  }
0x2b: {  	[tilespmem:s0+$0x3030] =	vst v0  }
0x2c: {  	s31 =	sadd.s32 $0x200, s31;
	[tilespmem:s0+$0x3040] =	vst v0  }
0x2d: {  	[tilespmem:s0+$0x3050] =	vst v0  }
0x2e: {  	[tilespmem:s0+$0x3060] =	vst v0  }
0x2f: {  	[spmem:s6] =	stream.linear.scatter [tilespmem:s15], [sflag:$0x6], $0x4000, $0x38;
	[tilespmem:$0x1F000] =	vst v63  }
0x30: {  	_ =	swait.ge [sflag:s16], $0x4000  }
0x31: {  	[sflag:s16] =	ssyncset.done $0x0  }
0x32: {  	[sflag:s16] =	ssyncadd.s32 $0xFFFFC000  }
0x33: {  	[spmem:s8] =	stream.linear.scatter [tilespmem:s15], [sflag:$0x6], $0x4000, $0x38;
	[tilespmem:$0x1F000] =	vst v63  }
0x34: {  	_ =	swait.ge [sflag:s16], $0x4000  }
0x35: {  	[sflag:s16] =	ssyncset.done $0x0  }
0x36: {  	[sflag:s16] =	ssyncadd.s32 $0xFFFFC000  }
0x37: {  	[spmem:s9] =	stream.linear.scatter [tilespmem:s15], [sflag:$0x6], $0x4000, $0x38;
	[tilespmem:$0x1F000] =	vst v63  }
0x38: {  	_ =	swait.ge [sflag:s16], $0x4000  }
0x39: {  	[sflag:s16] =	ssyncset.done $0x0  }
0x3a: {  	[sflag:s16] =	ssyncadd.s32 $0xFFFFC000  }
0x3b: {  	[spmem:s10] =	stream.linear.scatter [tilespmem:s15], [sflag:$0x6], $0x4000, $0x38;
	[tilespmem:$0x1F000] =	vst v63  }
0x3c: {  	_ =	swait.ge [sflag:s16], $0x4000  }
0x3d: {  	[sflag:s16] =	ssyncset.done $0x0  }
0x3e: {  	[sflag:s16] =	ssyncadd.s32 $0xFFFFC000  }
0x3f: {  	[spmem:s11] =	stream.linear.scatter [tilespmem:s15], [sflag:$0x6], $0x4000, $0x38;
	[tilespmem:$0x1F000] =	vst v63  }
0x40: {  	_ =	swait.ge [sflag:s16], $0x4000  }
0x41: {  	[sflag:s16] =	ssyncset.done $0x0  }
0x42: {  	[sflag:s16] =	ssyncadd.s32 $0xFFFFC000  }
0x43: {  	_ =	swait.ge [sflag:s17], $0x2800  }
0x44: {  	[sflag:s17] =	ssyncset.done $0x0  }
0x45: {  	[sflag:s17] =	ssyncadd.s32 $0xFFFFD800  }
0x46: {  	[tilespmem:s18], [sflag:$0x5] =	stream.linear.gather [hbm4b:s5+s3], $0x400, $0x38;
	[tilespmem:$0x1F000] =	vst v63  }
0x47: {  	_ =	swait.ge [sflag:s17], $0x400  }
0x48: {  	[sflag:s17] =	ssyncset.done $0x0  }
0x49: {  	s21 =	simm.s32 $0x2C00;
	[sflag:s17] =	ssyncadd.s32 $0xFFFFFC00  }
0x4a: {  	[tilespmem:s21], [sflag:$0x5] =	stream.linear.gather [hbm4b:s12+s3], $0x400, $0x38;
	[tilespmem:$0x1F000] =	vst v63  }
0x4b: {  	s31 =	simm.s32 $0x1;
	[bflag:$0x0] =	sbarrier.arrive $0xFFFF  }
0x4c: {  	[tilespmem:s15], [sflag:$0x1] =	stream.indirect.gather [hbm4b:s4+s20], $0x80, s3, s20, $0xb8;
	[tilespmem:$0x1F000] =	vst v63  }
0x4d: {  	_ =	swait.ge [sflag:s31], $0x3E80  }
0x4e: {  	[sflag:s31] =	ssyncset.done $0x0  }
0x4f: {  	s24 =	simm.s32 $0x80;
	[sflag:s31] =	ssyncadd.s32 $0xFFFFC180  }
0x50: {  	[tilespmem:s22], [sflag:$0x2] =	stream.indirect.gather [hbm4b:s4+s20], $0x80, s24, s20, $0xb8;
	[tilespmem:$0x1F000] =	vst v63  }
0x51: {  	s0 =	simm.s32 $0x2  }
0x52: {  	[spmem:s2] =	stream.indirect.scatter.add.f32 [tilespmem:s15], [sflag:$0x3], $0x80, s18, s20, $0xb8;
	[tilespmem:$0x1F000] =	vst v63  }
0x53: {  	_ =	swait.ge [sflag:s0], $0x3E80  }
0x54: {  	[sflag:s0] =	ssyncset.done $0x0  }
0x55: {  	[sflag:s0] =	ssyncadd.s32 $0xFFFFC180  }
0x56: {  	_ =	swait.ge [sflag:s23], $0x3E80  }
0x57: {  	[sflag:s23] =	ssyncset.done $0x0  }
0x58: {  	s1 =	simm.s32 $0x100;
	[sflag:s23] =	ssyncadd.s32 $0xFFFFC180  }
0x59: {  	[tilespmem:s15], [sflag:$0x1] =	stream.indirect.gather [hbm4b:s4+s20], $0x80, s1, s20, $0xb8;
	[tilespmem:$0x1F000] =	vst v63  }
0x5a: {  	s25 =	simm.s32 $0x2880;
	s1 =	simm.s32 $0x200  }
0x5b: {  	[spmem:s2] =	stream.indirect.scatter.add.f32 [tilespmem:s22], [sflag:$0x4], $0x80, s25, s20, $0xb8;
	[tilespmem:$0x1F000] =	vst v63  }
.LBB2_4:
0x5c: {  	_ =	swait.ge [sflag:s26], $0x3E80  }
0x5d: {  	s19 =	sshrl.u32 s31, $0x2;
	[sflag:s26] =	ssyncset.done $0x0  }
0x5e: {  	s21 =	sand.u32 $0x6, s0;
	p0 =	seq.s32 s19, $0x0;
	[sflag:s26] =	ssyncadd.s32 $0xFFFFC180  }
0x5f: {  	p1 =	sne.s32 @!p0 s21, $0x0;
	_ =	swait.ge [sflag:s28], $0x3E80  }
0x60: {  	p2 =	por p1, p0;
	[sflag:s28] =	ssyncset.done $0x0  }
0x61: {  	s24 =	simm.s32 @!p2 $0x5;
	p3 =	sgt.u32 @!p2 s31, $0x23;
	[sflag:s28] =	ssyncadd.s32 $0xFFFFC180  }
0x62: {  	p1 =	por @!p0 p3, p1;
	_ =	swait.ge @!p2 [sflag:s24], $0x400  }
0x63: {  	s25 =	sand.u32 $0x1, s19;
	p0 =	por p1, p0;
	[sflag:s24] =	ssyncset.done @!p2 $0x0  }
0x64: {  	s19 =	sshll.u32 @!p0 s19, $0x7;
	[sflag:s24] =	ssyncadd.s32 @!p2 $0xFFFFFC00;
	s24 =	sshll.u32 @!p0 s25, $0xA  }
0x65: {  	s7 =	simm.s32 @!p0 $0x0;
	s19 =	sadd.s32 @!p0 s12, s19;
	s24 =	sxor.u32 @!p0 $0x2C00, s24  }
0x66: {  	[tilespmem:s24], [sflag:$0x5] =	stream.linear.gather @!p0 [hbm4b:s19+s7], $0x400, $0x38;
	[tilespmem:$0x1F000] =	vst v63  }
0x67: {  	s24 =	sshll.u32 s25, $0xA;
	s25 =	sshll.u32 s21, $0x7  }
0x68: {  	s19 =	sadd.s32 $0xFFFFFF80, s1;
	s7 =	sor.u32 s25, s24  }
0x69: {  	[tilespmem:s22], [sflag:$0x2] =	stream.indirect.gather [hbm4b:s4+s20], $0x80, s19, s20, $0xb8;
	[tilespmem:$0x1F000] =	vst v63  }
0x6a: {  	s7 =	sor.u32 $0x2800, s7  }
0x6b: {  	[spmem:s2] =	stream.indirect.scatter.add.f32 [tilespmem:s15], [sflag:$0x3], $0x80, s7, s20, $0xb8;
	[tilespmem:$0x1F000] =	vst v63  }
0x6c: {  	p0 =	seq.s32 s31, $0x27;
	_ =	swait.ge [sflag:s29], $0x3E80  }
.Ltmp3:
0x6d: {  	[sflag:s29] =	ssyncset.done $0x0;
	(pc) =	sbr.rel @p0 .LBB2_6-.Ltmp3, $4  }
0x6e: {  	[sflag:s29] =	ssyncadd.s32 $0xFFFFC180  }
0x6f: {  	_ =	swait.ge [sflag:s23], $0x3E80  }
0x70: {  	[sflag:s23] =	ssyncset.done $0x0  }
0x71: {  	s19 =	sadd.s32 $0x80, s7;
	[sflag:s23] =	ssyncadd.s32 $0xFFFFC180  }
.Ltmp4:
0x72: {  	(pc) =	sbr.rel .LBB2_4-.Ltmp4, $4  }
0x73: {  	_ = 	snop  }
0x74: {  	[tilespmem:s15], [sflag:$0x1] =	stream.indirect.gather [hbm4b:s4+s20], $0x80, s1, s20, $0xb8;
	[tilespmem:$0x1F000] =	vst v63  }
0x75: {  	s31 =	sadd.s32 $0x1, s31;
	s1 =	sadd.s32 $0x100, s1;
	s0 =	sadd.s32 $0x2, s0  }
0x76: {  	[spmem:s2] =	stream.indirect.scatter.add.f32 [tilespmem:s22], [sflag:$0x4], $0x80, s19, s20, $0xb8;
	[tilespmem:$0x1F000] =	vst v63  }
.LBB2_7:
0x77: {  	_ =	sfence.sel $0x180000  }
0x78: {  	[bflag:$0x0] =	sbarrier.arrive $0xFFFF  }
0x79: {  	_ =	strace $0x9000004A  }
0x7a: {  	s0 =	stileid.u32;
	[bflag:$0x2] =	sbarrier.arrive $0xFFFF  }
0x7b: {  	p0 =	sne.s32 s0, $0x0;
	s0 =	rddreg [dreg:$0x3]  }
0x7c: {  	s0 =	sadd.s32 @!p0 $0x100000, s0  }
0x7d: {  	[sflag:s0] =	ssyncadd.tile.s32 @!p0 $0x1;
	_ =	shalt  }
.Lfunc_end2:
_tile_overlayer_lowered:
.L_overlay_start_2:
0x7e: {  	(tag) =	ssettag $0x2  }
0x7f: {  	s0 =	rddreg [dreg:$0x0];
	s2 =	stileid.u32  }
0x80: {  	s1 =	rddreg [dreg:$0x1];
	p0 =	sne.s32 s2, $0x0  }
0x81: {  	s3 =	rddreg [dreg:$0x2];
	[bflag:$0x3] =	sbarrier.arrive $0xFFFF;
	s2 =	simm.s32 @!p0 $0x1C06  }
0x82: {  	[timem:s3], [sflag:s2] =	dma.local @!p0 [hbm:s0], s1  }
0x83: {  	s0 =	simm.s32 @!p0 $0x6  }
0x84: {  	_ =	swait.ge @!p0 [sflag:s0], s1  }
0x85: {  	s1 =	ssub.s32 @!p0 $0x0, s1;
	[sflag:s0] =	ssyncset.done @!p0 $0x0  }
0x86: {  	[sflag:s0] =	ssyncadd.s32 @!p0 s1  }
0x87: {  	[bflag:$0x3] =	sbarrier.arrive $0xFFFF  }
0x88: {  	_ =	shalt  }

// kernel: kernel.17.cloned.1.call-start
scs
__scs_entry_jumppad:
0x0: {  	(pc) =	sbr.rel $0x88, $3  }
0x1: {  	(tag) =	ssettag $0x0;
	lr =	simm.s32 $0x1  }
0x2: {  	[smem:$0x3F8F] =	sst lr;
	_ =	strace $0xD0000000  }
0x3: {  	_ = 	snop  }
0x4: {  	_ = 	snop  }
0x5: {  	_ = 	snop  }
0x6: {  	_ = 	snop  }
0x7: {  	_ = 	snop  }
__scs_overlays_trampoline_lowered:
0x8: {  	[smem:$0x3F9E] =	sst s0  }
0x9: {  	[smem:$0x3F9F] =	sst s1  }
0xa: {  	[smem:$0x3FA0] =	sst s2  }
0xb: {  	[smem:$0x3FA1] =	sst s3  }
0xc: {  	[smem:$0x3FA2] =	sst s4  }
0xd: {  	[smem:$0x3FA3] =	sst s5  }
0xe: {  	[smem:$0x3FA4] =	sst s6  }
0xf: {  	[smem:$0x3FA5] =	sst s7  }
0x10: {  	[smem:$0x3FA6] =	sst s8  }
0x11: {  	[smem:$0x3FA7] =	sst s9;
	s0 =	simm.s32 @!p0 $0x0  }
0x12: {  	s1 =	sld [smem:$0x3F8D];
	s0 =	simm.s32 @p0 $0x1  }
0x13: {  	[smem:$0x3FA8] =	sst s0;
	s0 =	simm.s32 @!p1 $0x0  }
0x14: {  	s2 =	sld [smem:$0x3F8C];
	s0 =	simm.s32 @p1 $0x1  }
0x15: {  	[smem:$0x3FA9] =	sst s0;
	s0 =	simm.s32 @!p2 $0x0  }
0x16: {  	s3 =	sld [smem:$0x3FDB];
	s0 =	simm.s32 @p2 $0x1  }
0x17: {  	s4 =	simm.s32 $0x1BF5;
	[smem:$0x3FAB] =	sst s0  }
0x18: {  	s0 =	sld [smem:$0x3F8E];
	_ =	swait.ge [sflag:s4], $0x0  }
0x19: {  	s7 =	sld [smem:$0x3F8F]  }
0x1a: {  	s8 =	sadd.s32 $0xFFFFE003, lr  }
0x1b: {  	s9 =	sadd.s32 $0xFFFFFEF7, lr;
	s5 =	simm.s32 $0xFFFFFFFF;
	p2 =	slt.u32 s8, $0xFFFFF086  }
0x1c: {  	p1 =	slt.u32 s9, $0xF7A;
	s5 =	simm.s32 @!p2 $0x0  }
0x1d: {  	s5 =	simm.s32 @p1 $0x1;
	p0 =	seq.s32 s7, s2  }
0x1e: {  	s7 =	smul.u32 @!p0 $0xF7A, s2;
	p2 =	seq.s32 @!p0 s5, $0x0  }
0x1f: {  	s9 =	smul.u32 $0xF7A, s1;
	s8 =	simm.s32 @!p0 $0x1BF5;
	p2 =	por !p2, p0  }
0x20: {  	[sflag:s8] =	ssyncset.s32 @!p0 $0xFFFFF086;
	s6 =	sadd.s32 @!p0 s3, s7;
	s7 =	simm.s32 @!p0 $0x108  }
0x21: {  	s3 =	sadd.s32 s3, s9;
	s6 =	sadd.s32 @!p0 $0x88, s6;
	s7 =	simm.s32 @p2 $0x1082  }
0x22: {  	[simem:s7], [sflag:s8] =	dma.local @!p0 [hbm:s6], $0xF7A  }
0x23: {  	s9 =	sor.u32 $0xD0000000, s2;
	s6 =	simm.s32 $0x108;
	_ =	swait.ge @!p0 [sflag:s8], $0x0  }
0x24: {  	s3 =	sadd.s32 $0x88, s3;
	s6 =	simm.s32 @!p1 $0x1082;
	[sflag:s4] =	ssyncset.s32 $0xFFFFF086  }
0x25: {  	[simem:s6], [sflag:s4] =	dma.local [hbm:s3], $0xF7A  }
0x26: {  	[smem:$0x3F8F] =	sst s1;
	(tag) =	ssettag s2;
	_ =	strace s9  }
0x27: {  	s1 =	sld [smem:$0x3F9F]  }
0x28: {  	s2 =	sld [smem:$0x3FA0]  }
0x29: {  	s4 =	sld [smem:$0x3FA2]  }
0x2a: {  	p0 =	seq.s32 s5, $0x0;
	s5 =	sld [smem:$0x3FA3]  }
0x2b: {  	s6 =	sld [smem:$0x3FA4]  }
0x2c: {  	s7 =	sld [smem:$0x3FA5]  }
0x2d: {  	s3 =	simm.s32 $0x108;
	s8 =	sld [smem:$0x3FA6]  }
0x2e: {  	s3 =	simm.s32 @!p0 $0x1082;
	s9 =	sld [smem:$0x3FA7]  }
0x2f: {  	lr =	sadd.s32 s0, s3;
	s0 =	sld [smem:$0x3F9E]  }
0x30: {  	s3 =	sld [smem:$0x3FA1]  }
0x31: {  	[smem:$0x3FAA] =	sst s10  }
0x32: {  	s10 =	sld [smem:$0x3FA8];
	_ =	sdelay $0x3  }
0x33: {  	p0 =	seq.s32 s10, $0x1;
	s10 =	sld [smem:$0x3FAA];
	_ =	sdelay $0x3  }
0x34: {  	[smem:$0x3FAA] =	sst s10  }
0x35: {  	s10 =	sld [smem:$0x3FA9];
	_ =	sdelay $0x3  }
0x36: {  	p1 =	seq.s32 s10, $0x1;
	s10 =	sld [smem:$0x3FAA];
	_ =	sdelay $0x3  }
0x37: {  	[smem:$0x3FAA] =	sst s10  }
0x38: {  	s10 =	sld [smem:$0x3FAB]  }
0x39: {  	_ = 	snop;
	(pc) =	sbr.ind lr, $3  }
0x3a: {  	_ = 	snop  }
0x3b: {  	_ = 	snop  }
0x3c: {  	p2 =	seq.s32 s10, $0x1;
	s10 =	sld [smem:$0x3FAA]  }
0x3d: {  	_ =	shalt  }
0x3e: {  	_ =	shalt  }
0x3f: {  	_ =	shalt  }
0x40: {  	_ =	shalt  }
0x41: {  	_ =	shalt  }
0x42: {  	_ =	shalt  }
0x43: {  	_ =	shalt  }
0x44: {  	_ =	shalt  }
0x45: {  	_ =	shalt  }
0x46: {  	_ =	shalt  }
0x47: {  	_ =	shalt  }
0x48: {  	_ =	shalt  }
0x49: {  	_ =	shalt  }
0x4a: {  	_ =	shalt  }
0x4b: {  	_ =	shalt  }
0x4c: {  	_ =	shalt  }
0x4d: {  	_ =	shalt  }
0x4e: {  	_ =	shalt  }
0x4f: {  	_ =	shalt  }
0x50: {  	_ =	shalt  }
0x51: {  	_ =	shalt  }
0x52: {  	_ =	shalt  }
0x53: {  	_ =	shalt  }
0x54: {  	_ =	shalt  }
0x55: {  	_ =	shalt  }
0x56: {  	_ =	shalt  }
0x57: {  	_ =	shalt  }
0x58: {  	_ =	shalt  }
0x59: {  	_ =	shalt  }
0x5a: {  	_ =	shalt  }
0x5b: {  	_ =	shalt  }
0x5c: {  	_ =	shalt  }
0x5d: {  	_ =	shalt  }
0x5e: {  	_ =	shalt  }
0x5f: {  	_ =	shalt  }
0x60: {  	_ =	shalt  }
0x61: {  	_ =	shalt  }
0x62: {  	_ =	shalt  }
0x63: {  	_ =	shalt  }
0x64: {  	_ =	shalt  }
0x65: {  	_ =	shalt  }
0x66: {  	_ =	shalt  }
0x67: {  	_ =	shalt  }
0x68: {  	_ =	shalt  }
0x69: {  	_ =	shalt  }
0x6a: {  	_ =	shalt  }
0x6b: {  	_ =	shalt  }
0x6c: {  	_ =	shalt  }
0x6d: {  	_ =	shalt  }
0x6e: {  	_ =	shalt  }
0x6f: {  	_ =	shalt  }
0x70: {  	_ =	shalt  }
0x71: {  	_ =	shalt  }
0x72: {  	_ =	shalt  }
0x73: {  	_ =	shalt  }
0x74: {  	_ =	shalt  }
0x75: {  	_ =	shalt  }
0x76: {  	_ =	shalt  }
0x77: {  	_ =	shalt  }
0x78: {  	_ =	shalt  }
0x79: {  	_ =	shalt  }
0x7a: {  	_ =	shalt  }
0x7b: {  	_ =	shalt  }
0x7c: {  	_ =	shalt  }
0x7d: {  	_ =	shalt  }
0x7e: {  	_ =	shalt  }
0x7f: {  	_ =	shalt  }
0x80: {  	_ =	shalt  }
0x81: {  	_ =	shalt  }
0x82: {  	_ =	shalt  }
0x83: {  	_ =	shalt  }
0x84: {  	_ =	shalt  }
0x85: {  	_ =	shalt  }
0x86: {  	_ =	shalt  }
0x87: {  	_ =	shalt  }
.Lfunc_end0:
.L_simem_size_0:
called_computation.2_lowered:
.L_overlay_start_0:
0x88: {  	s2 =	sld [smem:$0x3FD9]  }
0x89: {  	s3 =	sld [smem:$0x3FFE];
	_ =	sdelay $0x1  }
0x8a: {  	s1 =	srdreg.scid  }
0x8b: {  	s0 =	sand.u32 $0x1, s1  }
0x8c: {  	s17 =	sshll.u32 s0, $0xA;
	s2 =	sadd.s32 s3, s2  }
0x8d: {  	s2 =	sadd.s32 s2, s17  }
0x8e: {  	[smem:$0x3FB6] =	sst s2  }
0x8f: {  	_ = 	snop  }
0x90: {  	s2 =	sld [smem:$0x3FD0];
	(tm) =	ssettm $0x1  }
0x91: {  	s18 =	sld [smem:$0x3FFB];
	_ =	sdelay $0x3  }
0x92: {  	_ =	strace s18  }
0x93: {  	s3 =	sld [smem:$0x3FFC];
	_ =	sdelay $0x3  }
0x94: {  	_ =	strace s3  }
0x95: {  	s3 =	sld [smem:$0x3FFD];
	_ =	sdelay $0x3  }
0x96: {  	_ =	strace s3  }
0x97: {  	_ =	strace $0x8FFFFFFF  }
0x98: {  	s19 =	sld [smem:$0x3FDB];
	_ =	sdelay $0x1  }
0x99: {  	s4 =	simm.s32 $_scs_section_size  }
0x9a: {  	s5 =	simm.s32 $_size__tile_overlayer_lowered;
	s6 =	simm.s32 $_tile_overlayer_lowered  }
0x9b: {  	s22 =	simm.s32 $0x1BFF;
	s21 =	sshll.u32 s6, $0x1;
	s3 =	sadd.s32 s4, s19  }
0x9c: {  	s7 =	simm.s32 $0x0;
	s20 =	sshll.u32 s5, $0x1;
	s5 =	sadd.s32 s21, s3  }
0x9d: {  	[timem:s7], [sflag:s22] =	dma.local [hbm:s5], s20  }
0x9e: {  	_ =	swait.ge [sflag:s22], s20  }
0x9f: {  	s4 =	ssub.s32 $0x0, s20;
	[sflag:s22] =	ssyncset.done $0x0  }
0xa0: {  	[sflag:s22] =	ssyncadd.s32 s4;
	_ =	sdelay $0x1  }
0xa1: {  	s23 =	simm.s32 $0x1B8B  }
0xa2: {  	_ =	swait.ge [sflag:s23], $0x1  }
0xa3: {  	[sflag:s23] =	ssyncset.done $0x0  }
0xa4: {  	s25 =	simm.s32 $0x1B8E;
	s24 =	sld [smem:$0x3FFE];
	[sflag:s23] =	ssyncadd.s32 $0xFFFFFFFF  }
0xa5: {  	s26 =	simm.s32 $execute0_lowered;
	[smem:$0x3FD2] =	sst s25  }
0xa6: {  	s5 =	sshll.u32 s26, $0x1;
	_ =	strace $0x8000004C;
	[dreg:$0x1] =	wrdreg $0xFFFFFFFF  }
0xa7: {  	s28 =	simm.s32 $_size_execute0_lowered;
	s3 =	sadd.s32 s3, s5;
	[dreg:$0x0] =	wrdreg $0x0  }
0xa8: {  	s5 =	sshll.u32 s28, $0x1;
	[dreg:$0x2] =	wrdreg s3  }
0xa9: {  	[dreg:$0x3] =	wrdreg s5  }
0xaa: {  	[dreg:$0x4] =	wrdreg $0xC0  }
0xab: {  	_ =	task [dreg:s7], $0x5FFFF  }
0xac: {  	[dreg:$0x1] =	wrdreg $0xFFFFFFFF  }
0xad: {  	[dreg:$0x0] =	wrdreg $0x60  }
0xae: {  	[dreg:$0x2] =	wrdreg s24  }
0xaf: {  	[dreg:$0x3] =	wrdreg s2  }
0xb0: {  	[dreg:$0x4] =	wrdreg $0xB0000  }
0xb1: {  	[dreg:$0x5] =	wrdreg $0x9  }
0xb2: {  	_ =	task.clear_ibuf [dreg:s7], $0x6FFFF;
	_ =	strace $0x9000004C  }
0xb3: {  	s29 =	simm.s32 $0x9;
	_ =	strace $0x8000004E  }
0xb4: {  	_ =	swait.ge [sflag:s29], $0x1  }
0xb5: {  	[sflag:s29] =	ssyncadd.s32 $0xFFFFFFFF  }
0xb6: {  	_ =	strace $0x9000004E  }
0xb7: {  	_ =	sfence  }
0xb8: {  	s30 =	sld [smem:$0x0];
	_ =	sdelay $0x2  }
0xb9: {  	s31 =	sshll.u32 s1, $0xD;
	s1 =	sshrl.u32 s1, $0x2  }
0xba: {  	s3 =	sand.u32 $0x4000, s31;
	s1 =	sadd.s32 s1, s30  }
0xbb: {  	s0 =	sor.u32 s3, s0;
	s1 =	sshll.u32 s1, $0x11  }
0xbc: {  	s0 =	sor.u32 s1, s0  }
0xbd: {  	s0 =	sadd.s32 $0x8F2B, s0  }
0xbe: {  	[sflag:s0] =	ssyncadd.remote.s32 $0x1  }
0xbf: {  	_ =	sfence.sel $0xFFFF  }
0xc0: {  	[dreg:$0x0] =	wrdreg $0xFFFFFFFF;
	(pc) =	sbr.abs _section_cstart, $3  }
0xc1: {  	[dreg:$0x1] =	wrdreg $0xFFFFFFFF  }
0xc2: {  	_ =	task.clear_ibuf [dreg:s7], $0x2FFFF;
	_ =	strace $0x9FFFFFFF  }
0xc3: {  	(tm) =	ssettm $0x7FFFFFFF  }
tec
execute0_lowered:
.L_overlay_start_1:
0x0: {  	(tag) =	ssettag $0x1  }
0x1: {  	s0 =	rddreg [dreg:$0x0]  }
0x2: {  	s1 =	rddreg [dreg:$0x1]  }
0x3: {  	s2 =	rddreg [dreg:$0x2];
	s3 =	srdreg.scid  }
0x4: {  	s9 =	stileid.u32;
	s15 =	simm.s32 $0x3000;
	s16 =	simm.s32 $0x6  }
0x5: {  	s17 =	simm.s32 $0x5;
	s18 =	simm.s32 $0x2800;
	s20 =	simm.s32 $0x7D  }
0x6: {  	s22 =	simm.s32 $0x7000;
	s28 =	simm.s32 $0x4;
	s29 =	simm.s32 $0x2  }
0x7: {  	s30 =	simm.s32 $0x0;
	s4 =	sand.u32 $0x1, s3;
	s6 =	smul.u32 $0x14000, s9  }
0x8: {  	s3 =	simm.s32 $0x0;
	s7 =	sshll.u32 s9, $0x1;
	s9 =	smul.u32 $0x50000, s9  }
0x9: {  	s5 =	smul.u32 $0x140000, s4;
	[smem:$0x7FF] =	sst s3;
	s7 =	sor.u32 s4, s7  }
0xa: {  	s8 =	ssub.s32 $0x2, s4;
	s4 =	sadd.s32 $0x4800, s0;
	_ =	strace $0x8000004D  }
0xb: {  	s23 =	smul.u32 $0x2800, s7;
	s24 =	sshrl.u32 s8, $0x1;
	s26 =	sshrl.u32 s9, $0x2  }
0xc: {  	s12 =	smul.u32 $0x500, s7;
	s5 =	sadd.s32 s6, s5;
	s14 =	ssub.s32 s8, s24  }
0xd: {  	s6 =	sadd.s32 s26, s2;
	s26 =	simm.s32 $0x1;
	s5 =	sshrl.u32 s5, $0x3  }
.Ltmp0:
0xe: {  	s25 =	sshrl.u32 s23, $0x3;
	s8 =	sadd.s32 $0x4000, s6;
	(pc) =	sbr.rel .LBB2_1-.Ltmp0, $4  }
0xf: {  	s9 =	sadd.s32 $0x8000, s6;
	s10 =	sadd.s32 $0xC000, s6;
	s11 =	sadd.s32 $0x10000, s6  }
0x10: {  	s14 =	smax.u32 s14, $0x1;
	s0 =	sadd.s32 s5, s0;
	s5 =	sadd.s32 s1, s25  }
0x11: {  	s23 =	simm.s32 $0x3;
	s1 =	sadd.s32 s12, s1;
	s31 =	sadd.s32 $0xA000, s5  }
0x12: {  	v0 =	vimm.f32 $0.0e+00;
	s12 =	sadd.s32 $0x80, s1;
	s13 =	sadd.s32 $0x2C800, s0;
	[dreg:$0x4] =	wrdreg s31  }
.LBB2_6:
0x13: {  	[spmem:s2] =	stream.indirect.scatter.add.f32 [tilespmem:s22], [sflag:$0x4], $0x80, s19, s20, $0xb8;
	[tilespmem:$0x1F000] =	vst v63  }
0x14: {  	s0 =	stileid.u32;
	_ =	swait.ge [sflag:s28], $0x3E80  }
0x15: {  	s1 =	sshrl.u32 s6, $0x3;
	s30 =	sadd.s32 $0x1, s30;
	[sflag:s28] =	ssyncset.done $0x0  }
0x16: {  	s0 =	sshll.u32 s0, $0x6;
	p0 =	sne.s32 s30, s14;
	[sflag:s28] =	ssyncadd.s32 $0xFFFFC180  }
.Ltmp1:
0x17: {  	s0 =	sor.u32 $0x1C06, s0;
	[bflag:$0x0] =	sbarrier.arrive $0xFFFF;
	(pc) =	sbr.rel @!p0 .LBB2_7-.Ltmp1, $4  }
0x18: {  	[hbm:s13], [sflag:s0] =	dma.local [spmem:s1], $0x2800  }
0x19: {  	_ =	swait.ge [sflag:s16], $0x2800  }
0x1a: {  	[sflag:s16] =	ssyncset.done $0x0  }
0x1b: {  	[sflag:s16] =	ssyncadd.s32 $0xFFFFD800  }
.LBB2_1:
0x1c: {  	s0 =	rddreg [dreg:$0x4];
	s25 =	simm.s32 $0x0  }
0x1d: {  	[tilespmem:s3], [sflag:$0x5] =	stream.linear.gather [hbm4b:s0+s3], $0x2800, $0x38;
	[tilespmem:$0x1F000] =	vst v63  }
0x1e: {  	s0 =	sand.u32 $0x7F80, s25  }
0x1f: {  	[tilespmem:s0+$0x3070] =	vst v0  }
0x20: {  	[tilespmem:s0+$0x3000] =	vst v0  }
0x21: {  	[tilespmem:s0+$0x3010] =	vst v0  }
0x22: {  	[tilespmem:s0+$0x3020] =	vst v0  }
0x23: {  	[tilespmem:s0+$0x3030] =	vst v0  }
0x24: {  	s1 =	simm.s32 $0x0;
	s31 =	simm.s32 $0x200;
	[tilespmem:s0+$0x3040] =	vst v0  }
.LBB2_2:
0x25: {  	s19 =	sshrl.u32 s31, $0x2;
	s1 =	sadd.s32 $0x8, s1;
	[tilespmem:s0+$0x3050] =	vst v0  }
0x26: {  	p0 =	slt.u32 s1, $0x7F8;
	[tilespmem:s0+$0x3060] =	vst v0;
	s0 =	sand.u32 $0x7F80, s19  }
0x27: {  	[tilespmem:s0+$0x3070] =	vst v0  }
.Ltmp2:
0x28: {  	[tilespmem:s0+$0x3000] =	vst v0;
	(pc) =	sbr.rel @p0 .LBB2_2-.Ltmp2, $4  }
0x29: {  	[tilespmem:s0+$0x3010] =	vst v0  }
0x2a: {  	[tilespmem:s0+$0x3020] =	vst v0  }
0x2b: {  	[tilespmem:s0+$0x3030] =	vst v0  }
0x2c: {  	s31 =	sadd.s32 $0x200, s31;
	[tilespmem:s0+$0x3040] =	vst v0  }
0x2d: {  	[tilespmem:s0+$0x3050] =	vst v0  }
0x2e: {  	[tilespmem:s0+$0x3060] =	vst v0  }
0x2f: {  	[spmem:s6] =	stream.linear.scatter [tilespmem:s15], [sflag:$0x6], $0x4000, $0x38;
	[tilespmem:$0x1F000] =	vst v63  }
0x30: {  	_ =	swait.ge [sflag:s16], $0x4000  }
0x31: {  	[sflag:s16] =	ssyncset.done $0x0  }
0x32: {  	[sflag:s16] =	ssyncadd.s32 $0xFFFFC000  }
0x33: {  	[spmem:s8] =	stream.linear.scatter [tilespmem:s15], [sflag:$0x6], $0x4000, $0x38;
	[tilespmem:$0x1F000] =	vst v63  }
0x34: {  	_ =	swait.ge [sflag:s16], $0x4000  }
0x35: {  	[sflag:s16] =	ssyncset.done $0x0  }
0x36: {  	[sflag:s16] =	ssyncadd.s32 $0xFFFFC000  }
0x37: {  	[spmem:s9] =	stream.linear.scatter [tilespmem:s15], [sflag:$0x6], $0x4000, $0x38;
	[tilespmem:$0x1F000] =	vst v63  }
0x38: {  	_ =	swait.ge [sflag:s16], $0x4000  }
0x39: {  	[sflag:s16] =	ssyncset.done $0x0  }
0x3a: {  	[sflag:s16] =	ssyncadd.s32 $0xFFFFC000  }
0x3b: {  	[spmem:s10] =	stream.linear.scatter [tilespmem:s15], [sflag:$0x6], $0x4000, $0x38;
	[tilespmem:$0x1F000] =	vst v63  }
0x3c: {  	_ =	swait.ge [sflag:s16], $0x4000  }
0x3d: {  	[sflag:s16] =	ssyncset.done $0x0  }
0x3e: {  	[sflag:s16] =	ssyncadd.s32 $0xFFFFC000  }
0x3f: {  	[spmem:s11] =	stream.linear.scatter [tilespmem:s15], [sflag:$0x6], $0x4000, $0x38;
	[tilespmem:$0x1F000] =	vst v63  }
0x40: {  	_ =	swait.ge [sflag:s16], $0x4000  }
0x41: {  	[sflag:s16] =	ssyncset.done $0x0  }
0x42: {  	[sflag:s16] =	ssyncadd.s32 $0xFFFFC000  }
0x43: {  	_ =	swait.ge [sflag:s17], $0x2800  }
0x44: {  	[sflag:s17] =	ssyncset.done $0x0  }
0x45: {  	[sflag:s17] =	ssyncadd.s32 $0xFFFFD800  }
0x46: {  	[tilespmem:s18], [sflag:$0x5] =	stream.linear.gather [hbm4b:s5+s3], $0x400, $0x38;
	[tilespmem:$0x1F000] =	vst v63  }
0x47: {  	_ =	swait.ge [sflag:s17], $0x400  }
0x48: {  	[sflag:s17] =	ssyncset.done $0x0  }
0x49: {  	s21 =	simm.s32 $0x2C00;
	[sflag:s17] =	ssyncadd.s32 $0xFFFFFC00  }
0x4a: {  	[tilespmem:s21], [sflag:$0x5] =	stream.linear.gather [hbm4b:s12+s3], $0x400, $0x38;
	[tilespmem:$0x1F000] =	vst v63  }
0x4b: {  	s31 =	simm.s32 $0x1;
	[bflag:$0x0] =	sbarrier.arrive $0xFFFF  }
0x4c: {  	[tilespmem:s15], [sflag:$0x1] =	stream.indirect.gather [hbm4b:s4+s20], $0x80, s3, s20, $0xb8;
	[tilespmem:$0x1F000] =	vst v63  }
0x4d: {  	_ =	swait.ge [sflag:s31], $0x3E80  }
0x4e: {  	[sflag:s31] =	ssyncset.done $0x0  }
0x4f: {  	s24 =	simm.s32 $0x80;
	[sflag:s31] =	ssyncadd.s32 $0xFFFFC180  }
0x50: {  	[tilespmem:s22], [sflag:$0x2] =	stream.indirect.gather [hbm4b:s4+s20], $0x80, s24, s20, $0xb8;
	[tilespmem:$0x1F000] =	vst v63  }
0x51: {  	s0 =	simm.s32 $0x2  }
0x52: {  	[spmem:s2] =	stream.indirect.scatter.add.f32 [tilespmem:s15], [sflag:$0x3], $0x80, s18, s20, $0xb8;
	[tilespmem:$0x1F000] =	vst v63  }
0x53: {  	_ =	swait.ge [sflag:s0], $0x3E80  }
0x54: {  	[sflag:s0] =	ssyncset.done $0x0  }
0x55: {  	[sflag:s0] =	ssyncadd.s32 $0xFFFFC180  }
0x56: {  	_ =	swait.ge [sflag:s23], $0x3E80  }
0x57: {  	[sflag:s23] =	ssyncset.done $0x0  }
0x58: {  	s1 =	simm.s32 $0x100;
	[sflag:s23] =	ssyncadd.s32 $0xFFFFC180  }
0x59: {  	[tilespmem:s15], [sflag:$0x1] =	stream.indirect.gather [hbm4b:s4+s20], $0x80, s1, s20, $0xb8;
	[tilespmem:$0x1F000] =	vst v63  }
0x5a: {  	s25 =	simm.s32 $0x2880;
	s1 =	simm.s32 $0x200  }
0x5b: {  	[spmem:s2] =	stream.indirect.scatter.add.f32 [tilespmem:s22], [sflag:$0x4], $0x80, s25, s20, $0xb8;
	[tilespmem:$0x1F000] =	vst v63  }
.LBB2_4:
0x5c: {  	_ =	swait.ge [sflag:s26], $0x3E80  }
0x5d: {  	s19 =	sshrl.u32 s31, $0x2;
	[sflag:s26] =	ssyncset.done $0x0  }
0x5e: {  	s21 =	sand.u32 $0x6, s0;
	p0 =	seq.s32 s19, $0x0;
	[sflag:s26] =	ssyncadd.s32 $0xFFFFC180  }
0x5f: {  	p1 =	sne.s32 @!p0 s21, $0x0;
	_ =	swait.ge [sflag:s28], $0x3E80  }
0x60: {  	p2 =	por p1, p0;
	[sflag:s28] =	ssyncset.done $0x0  }
0x61: {  	s24 =	simm.s32 @!p2 $0x5;
	p3 =	sgt.u32 @!p2 s31, $0x23;
	[sflag:s28] =	ssyncadd.s32 $0xFFFFC180  }
0x62: {  	p1 =	por @!p0 p3, p1;
	_ =	swait.ge @!p2 [sflag:s24], $0x400  }
0x63: {  	s25 =	sand.u32 $0x1, s19;
	p0 =	por p1, p0;
	[sflag:s24] =	ssyncset.done @!p2 $0x0  }
0x64: {  	s19 =	sshll.u32 @!p0 s19, $0x7;
	[sflag:s24] =	ssyncadd.s32 @!p2 $0xFFFFFC00;
	s24 =	sshll.u32 @!p0 s25, $0xA  }
0x65: {  	s7 =	simm.s32 @!p0 $0x0;
	s19 =	sadd.s32 @!p0 s12, s19;
	s24 =	sxor.u32 @!p0 $0x2C00, s24  }
0x66: {  	[tilespmem:s24], [sflag:$0x5] =	stream.linear.gather @!p0 [hbm4b:s19+s7], $0x400, $0x38;
	[tilespmem:$0x1F000] =	vst v63  }
0x67: {  	s24 =	sshll.u32 s25, $0xA;
	s25 =	sshll.u32 s21, $0x7  }
0x68: {  	s19 =	sadd.s32 $0xFFFFFF80, s1;
	s7 =	sor.u32 s25, s24  }
0x69: {  	[tilespmem:s22], [sflag:$0x2] =	stream.indirect.gather [hbm4b:s4+s20], $0x80, s19, s20, $0xb8;
	[tilespmem:$0x1F000] =	vst v63  }
0x6a: {  	s7 =	sor.u32 $0x2800, s7  }
0x6b: {  	[spmem:s2] =	stream.indirect.scatter.add.f32 [tilespmem:s15], [sflag:$0x3], $0x80, s7, s20, $0xb8;
	[tilespmem:$0x1F000] =	vst v63  }
0x6c: {  	p0 =	seq.s32 s31, $0x27;
	_ =	swait.ge [sflag:s29], $0x3E80  }
.Ltmp3:
0x6d: {  	[sflag:s29] =	ssyncset.done $0x0;
	(pc) =	sbr.rel @p0 .LBB2_6-.Ltmp3, $4  }
0x6e: {  	[sflag:s29] =	ssyncadd.s32 $0xFFFFC180  }
0x6f: {  	_ =	swait.ge [sflag:s23], $0x3E80  }
0x70: {  	[sflag:s23] =	ssyncset.done $0x0  }
0x71: {  	s19 =	sadd.s32 $0x80, s7;
	[sflag:s23] =	ssyncadd.s32 $0xFFFFC180  }
.Ltmp4:
0x72: {  	(pc) =	sbr.rel .LBB2_4-.Ltmp4, $4  }
0x73: {  	_ = 	snop  }
0x74: {  	[tilespmem:s15], [sflag:$0x1] =	stream.indirect.gather [hbm4b:s4+s20], $0x80, s1, s20, $0xb8;
	[tilespmem:$0x1F000] =	vst v63  }
0x75: {  	s31 =	sadd.s32 $0x1, s31;
	s1 =	sadd.s32 $0x100, s1;
	s0 =	sadd.s32 $0x2, s0  }
0x76: {  	[spmem:s2] =	stream.indirect.scatter.add.f32 [tilespmem:s22], [sflag:$0x4], $0x80, s19, s20, $0xb8;
	[tilespmem:$0x1F000] =	vst v63  }
.LBB2_7:
0x77: {  	_ =	sfence.sel $0x180000  }
0x78: {  	[bflag:$0x0] =	sbarrier.arrive $0xFFFF  }
0x79: {  	_ =	strace $0x9000004D  }
0x7a: {  	s0 =	stileid.u32;
	[bflag:$0x2] =	sbarrier.arrive $0xFFFF  }
0x7b: {  	p0 =	sne.s32 s0, $0x0;
	s0 =	rddreg [dreg:$0x3]  }
0x7c: {  	s0 =	sadd.s32 @!p0 $0x100000, s0  }
0x7d: {  	[sflag:s0] =	ssyncadd.tile.s32 @!p0 $0x1;
	_ =	shalt  }
.Lfunc_end2:
_tile_overlayer_lowered:
.L_overlay_start_2:
0x7e: {  	(tag) =	ssettag $0x2  }
0x7f: {  	s0 =	rddreg [dreg:$0x0];
	s2 =	stileid.u32  }
0x80: {  	s1 =	rddreg [dreg:$0x1];
	p0 =	sne.s32 s2, $0x0  }
0x81: {  	s3 =	rddreg [dreg:$0x2];
	[bflag:$0x3] =	sbarrier.arrive $0xFFFF;
	s2 =	simm.s32 @!p0 $0x1C06  }
0x82: {  	[timem:s3], [sflag:s2] =	dma.local @!p0 [hbm:s0], s1  }
0x83: {  	s0 =	simm.s32 @!p0 $0x6  }
0x84: {  	_ =	swait.ge @!p0 [sflag:s0], s1  }
0x85: {  	s1 =	ssub.s32 @!p0 $0x0, s1;
	[sflag:s0] =	ssyncset.done @!p0 $0x0  }
0x86: {  	[sflag:s0] =	ssyncadd.s32 @!p0 s1  }
0x87: {  	[bflag:$0x3] =	sbarrier.arrive $0xFFFF  }
0x88: {  	_ =	shalt  }

// kernel: kernel.20.cloned.1.call-start
scs
__scs_entry_jumppad:
0x0: {  	(pc) =	sbr.rel $0x88, $3  }
0x1: {  	(tag) =	ssettag $0x0;
	lr =	simm.s32 $0x1  }
0x2: {  	[smem:$0x3F8F] =	sst lr;
	_ =	strace $0xD0000000  }
0x3: {  	_ = 	snop  }
0x4: {  	_ = 	snop  }
0x5: {  	_ = 	snop  }
0x6: {  	_ = 	snop  }
0x7: {  	_ = 	snop  }
__scs_overlays_trampoline_lowered:
0x8: {  	[smem:$0x3F9E] =	sst s0  }
0x9: {  	[smem:$0x3F9F] =	sst s1  }
0xa: {  	[smem:$0x3FA0] =	sst s2  }
0xb: {  	[smem:$0x3FA1] =	sst s3  }
0xc: {  	[smem:$0x3FA2] =	sst s4  }
0xd: {  	[smem:$0x3FA3] =	sst s5  }
0xe: {  	[smem:$0x3FA4] =	sst s6  }
0xf: {  	[smem:$0x3FA5] =	sst s7  }
0x10: {  	[smem:$0x3FA6] =	sst s8  }
0x11: {  	[smem:$0x3FA7] =	sst s9;
	s0 =	simm.s32 @!p0 $0x0  }
0x12: {  	s1 =	sld [smem:$0x3F8D];
	s0 =	simm.s32 @p0 $0x1  }
0x13: {  	[smem:$0x3FA8] =	sst s0;
	s0 =	simm.s32 @!p1 $0x0  }
0x14: {  	s2 =	sld [smem:$0x3F8C];
	s0 =	simm.s32 @p1 $0x1  }
0x15: {  	[smem:$0x3FA9] =	sst s0;
	s0 =	simm.s32 @!p2 $0x0  }
0x16: {  	s3 =	sld [smem:$0x3FDB];
	s0 =	simm.s32 @p2 $0x1  }
0x17: {  	s4 =	simm.s32 $0x1BF5;
	[smem:$0x3FAB] =	sst s0  }
0x18: {  	s0 =	sld [smem:$0x3F8E];
	_ =	swait.ge [sflag:s4], $0x0  }
0x19: {  	s7 =	sld [smem:$0x3F8F]  }
0x1a: {  	s8 =	sadd.s32 $0xFFFFE003, lr  }
0x1b: {  	s9 =	sadd.s32 $0xFFFFFEF7, lr;
	s5 =	simm.s32 $0xFFFFFFFF;
	p2 =	slt.u32 s8, $0xFFFFF086  }
0x1c: {  	p1 =	slt.u32 s9, $0xF7A;
	s5 =	simm.s32 @!p2 $0x0  }
0x1d: {  	s5 =	simm.s32 @p1 $0x1;
	p0 =	seq.s32 s7, s2  }
0x1e: {  	s7 =	smul.u32 @!p0 $0xF7A, s2;
	p2 =	seq.s32 @!p0 s5, $0x0  }
0x1f: {  	s9 =	smul.u32 $0xF7A, s1;
	s8 =	simm.s32 @!p0 $0x1BF5;
	p2 =	por !p2, p0  }
0x20: {  	[sflag:s8] =	ssyncset.s32 @!p0 $0xFFFFF086;
	s6 =	sadd.s32 @!p0 s3, s7;
	s7 =	simm.s32 @!p0 $0x108  }
0x21: {  	s3 =	sadd.s32 s3, s9;
	s6 =	sadd.s32 @!p0 $0x88, s6;
	s7 =	simm.s32 @p2 $0x1082  }
0x22: {  	[simem:s7], [sflag:s8] =	dma.local @!p0 [hbm:s6], $0xF7A  }
0x23: {  	s9 =	sor.u32 $0xD0000000, s2;
	s6 =	simm.s32 $0x108;
	_ =	swait.ge @!p0 [sflag:s8], $0x0  }
0x24: {  	s3 =	sadd.s32 $0x88, s3;
	s6 =	simm.s32 @!p1 $0x1082;
	[sflag:s4] =	ssyncset.s32 $0xFFFFF086  }
0x25: {  	[simem:s6], [sflag:s4] =	dma.local [hbm:s3], $0xF7A  }
0x26: {  	[smem:$0x3F8F] =	sst s1;
	(tag) =	ssettag s2;
	_ =	strace s9  }
0x27: {  	s1 =	sld [smem:$0x3F9F]  }
0x28: {  	s2 =	sld [smem:$0x3FA0]  }
0x29: {  	s4 =	sld [smem:$0x3FA2]  }
0x2a: {  	p0 =	seq.s32 s5, $0x0;
	s5 =	sld [smem:$0x3FA3]  }
0x2b: {  	s6 =	sld [smem:$0x3FA4]  }
0x2c: {  	s7 =	sld [smem:$0x3FA5]  }
0x2d: {  	s3 =	simm.s32 $0x108;
	s8 =	sld [smem:$0x3FA6]  }
0x2e: {  	s3 =	simm.s32 @!p0 $0x1082;
	s9 =	sld [smem:$0x3FA7]  }
0x2f: {  	lr =	sadd.s32 s0, s3;
	s0 =	sld [smem:$0x3F9E]  }
0x30: {  	s3 =	sld [smem:$0x3FA1]  }
0x31: {  	[smem:$0x3FAA] =	sst s10  }
0x32: {  	s10 =	sld [smem:$0x3FA8];
	_ =	sdelay $0x3  }
0x33: {  	p0 =	seq.s32 s10, $0x1;
	s10 =	sld [smem:$0x3FAA];
	_ =	sdelay $0x3  }
0x34: {  	[smem:$0x3FAA] =	sst s10  }
0x35: {  	s10 =	sld [smem:$0x3FA9];
	_ =	sdelay $0x3  }
0x36: {  	p1 =	seq.s32 s10, $0x1;
	s10 =	sld [smem:$0x3FAA];
	_ =	sdelay $0x3  }
0x37: {  	[smem:$0x3FAA] =	sst s10  }
0x38: {  	s10 =	sld [smem:$0x3FAB]  }
0x39: {  	_ = 	snop;
	(pc) =	sbr.ind lr, $3  }
0x3a: {  	_ = 	snop  }
0x3b: {  	_ = 	snop  }
0x3c: {  	p2 =	seq.s32 s10, $0x1;
	s10 =	sld [smem:$0x3FAA]  }
0x3d: {  	_ =	shalt  }
0x3e: {  	_ =	shalt  }
0x3f: {  	_ =	shalt  }
0x40: {  	_ =	shalt  }
0x41: {  	_ =	shalt  }
0x42: {  	_ =	shalt  }
0x43: {  	_ =	shalt  }
0x44: {  	_ =	shalt  }
0x45: {  	_ =	shalt  }
0x46: {  	_ =	shalt  }
0x47: {  	_ =	shalt  }
0x48: {  	_ =	shalt  }
0x49: {  	_ =	shalt  }
0x4a: {  	_ =	shalt  }
0x4b: {  	_ =	shalt  }
0x4c: {  	_ =	shalt  }
0x4d: {  	_ =	shalt  }
0x4e: {  	_ =	shalt  }
0x4f: {  	_ =	shalt  }
0x50: {  	_ =	shalt  }
0x51: {  	_ =	shalt  }
0x52: {  	_ =	shalt  }
0x53: {  	_ =	shalt  }
0x54: {  	_ =	shalt  }
0x55: {  	_ =	shalt  }
0x56: {  	_ =	shalt  }
0x57: {  	_ =	shalt  }
0x58: {  	_ =	shalt  }
0x59: {  	_ =	shalt  }
0x5a: {  	_ =	shalt  }
0x5b: {  	_ =	shalt  }
0x5c: {  	_ =	shalt  }
0x5d: {  	_ =	shalt  }
0x5e: {  	_ =	shalt  }
0x5f: {  	_ =	shalt  }
0x60: {  	_ =	shalt  }
0x61: {  	_ =	shalt  }
0x62: {  	_ =	shalt  }
0x63: {  	_ =	shalt  }
0x64: {  	_ =	shalt  }
0x65: {  	_ =	shalt  }
0x66: {  	_ =	shalt  }
0x67: {  	_ =	shalt  }
0x68: {  	_ =	shalt  }
0x69: {  	_ =	shalt  }
0x6a: {  	_ =	shalt  }
0x6b: {  	_ =	shalt  }
0x6c: {  	_ =	shalt  }
0x6d: {  	_ =	shalt  }
0x6e: {  	_ =	shalt  }
0x6f: {  	_ =	shalt  }
0x70: {  	_ =	shalt  }
0x71: {  	_ =	shalt  }
0x72: {  	_ =	shalt  }
0x73: {  	_ =	shalt  }
0x74: {  	_ =	shalt  }
0x75: {  	_ =	shalt  }
0x76: {  	_ =	shalt  }
0x77: {  	_ =	shalt  }
0x78: {  	_ =	shalt  }
0x79: {  	_ =	shalt  }
0x7a: {  	_ =	shalt  }
0x7b: {  	_ =	shalt  }
0x7c: {  	_ =	shalt  }
0x7d: {  	_ =	shalt  }
0x7e: {  	_ =	shalt  }
0x7f: {  	_ =	shalt  }
0x80: {  	_ =	shalt  }
0x81: {  	_ =	shalt  }
0x82: {  	_ =	shalt  }
0x83: {  	_ =	shalt  }
0x84: {  	_ =	shalt  }
0x85: {  	_ =	shalt  }
0x86: {  	_ =	shalt  }
0x87: {  	_ =	shalt  }
.Lfunc_end0:
.L_simem_size_0:
called_computation.3_lowered:
.L_overlay_start_0:
0x88: {  	s2 =	sld [smem:$0x3FD9]  }
0x89: {  	s3 =	sld [smem:$0x3FFE];
	_ =	sdelay $0x1  }
0x8a: {  	s1 =	srdreg.scid  }
0x8b: {  	s0 =	sand.u32 $0x1, s1  }
0x8c: {  	s17 =	sshll.u32 s0, $0xA;
	s2 =	sadd.s32 s3, s2  }
0x8d: {  	s2 =	sadd.s32 s2, s17  }
0x8e: {  	[smem:$0x3FB6] =	sst s2  }
0x8f: {  	_ = 	snop  }
0x90: {  	s2 =	sld [smem:$0x3FD0];
	(tm) =	ssettm $0x1  }
0x91: {  	s18 =	sld [smem:$0x3FFB];
	_ =	sdelay $0x3  }
0x92: {  	_ =	strace s18  }
0x93: {  	s3 =	sld [smem:$0x3FFC];
	_ =	sdelay $0x3  }
0x94: {  	_ =	strace s3  }
0x95: {  	s3 =	sld [smem:$0x3FFD];
	_ =	sdelay $0x3  }
0x96: {  	_ =	strace s3  }
0x97: {  	_ =	strace $0x8FFFFFFF  }
0x98: {  	s19 =	sld [smem:$0x3FDB];
	_ =	sdelay $0x1  }
0x99: {  	s4 =	simm.s32 $_scs_section_size  }
0x9a: {  	s5 =	simm.s32 $_size__tile_overlayer_lowered;
	s6 =	simm.s32 $_tile_overlayer_lowered  }
0x9b: {  	s22 =	simm.s32 $0x1BFF;
	s21 =	sshll.u32 s6, $0x1;
	s3 =	sadd.s32 s4, s19  }
0x9c: {  	s7 =	simm.s32 $0x0;
	s20 =	sshll.u32 s5, $0x1;
	s5 =	sadd.s32 s21, s3  }
0x9d: {  	[timem:s7], [sflag:s22] =	dma.local [hbm:s5], s20  }
0x9e: {  	_ =	swait.ge [sflag:s22], s20  }
0x9f: {  	s4 =	ssub.s32 $0x0, s20;
	[sflag:s22] =	ssyncset.done $0x0  }
0xa0: {  	[sflag:s22] =	ssyncadd.s32 s4;
	_ =	sdelay $0x1  }
0xa1: {  	s23 =	simm.s32 $0x1B8B  }
0xa2: {  	_ =	swait.ge [sflag:s23], $0x1  }
0xa3: {  	[sflag:s23] =	ssyncset.done $0x0  }
0xa4: {  	s25 =	simm.s32 $0x1B8E;
	s24 =	sld [smem:$0x3FFE];
	[sflag:s23] =	ssyncadd.s32 $0xFFFFFFFF  }
0xa5: {  	s26 =	simm.s32 $execute0_lowered;
	[smem:$0x3FD2] =	sst s25  }
0xa6: {  	s5 =	sshll.u32 s26, $0x1;
	_ =	strace $0x8000004F;
	[dreg:$0x1] =	wrdreg $0xFFFFFFFF  }
0xa7: {  	s28 =	simm.s32 $_size_execute0_lowered;
	s3 =	sadd.s32 s3, s5;
	[dreg:$0x0] =	wrdreg $0x0  }
0xa8: {  	s5 =	sshll.u32 s28, $0x1;
	[dreg:$0x2] =	wrdreg s3  }
0xa9: {  	[dreg:$0x3] =	wrdreg s5  }
0xaa: {  	[dreg:$0x4] =	wrdreg $0xC0  }
0xab: {  	_ =	task [dreg:s7], $0x5FFFF  }
0xac: {  	[dreg:$0x1] =	wrdreg $0xFFFFFFFF  }
0xad: {  	[dreg:$0x0] =	wrdreg $0x60  }
0xae: {  	[dreg:$0x2] =	wrdreg s24  }
0xaf: {  	[dreg:$0x3] =	wrdreg s2  }
0xb0: {  	[dreg:$0x4] =	wrdreg $0xB0000  }
0xb1: {  	[dreg:$0x5] =	wrdreg $0x9  }
0xb2: {  	_ =	task.clear_ibuf [dreg:s7], $0x6FFFF;
	_ =	strace $0x9000004F  }
0xb3: {  	s29 =	simm.s32 $0x9;
	_ =	strace $0x80000051  }
0xb4: {  	_ =	swait.ge [sflag:s29], $0x1  }
0xb5: {  	[sflag:s29] =	ssyncadd.s32 $0xFFFFFFFF  }
0xb6: {  	_ =	strace $0x90000051  }
0xb7: {  	_ =	sfence  }
0xb8: {  	s30 =	sld [smem:$0x0];
	_ =	sdelay $0x2  }
0xb9: {  	s31 =	sshll.u32 s1, $0xD;
	s1 =	sshrl.u32 s1, $0x2  }
0xba: {  	s3 =	sand.u32 $0x4000, s31;
	s1 =	sadd.s32 s1, s30  }
0xbb: {  	s0 =	sor.u32 s3, s0;
	s1 =	sshll.u32 s1, $0x11  }
0xbc: {  	s0 =	sor.u32 s1, s0  }
0xbd: {  	s0 =	sadd.s32 $0x8F2B, s0  }
0xbe: {  	[sflag:s0] =	ssyncadd.remote.s32 $0x1  }
0xbf: {  	_ =	sfence.sel $0xFFFF  }
0xc0: {  	[dreg:$0x0] =	wrdreg $0xFFFFFFFF;
	(pc) =	sbr.abs _section_cstart, $3  }
0xc1: {  	[dreg:$0x1] =	wrdreg $0xFFFFFFFF  }
0xc2: {  	_ =	task.clear_ibuf [dreg:s7], $0x2FFFF;
	_ =	strace $0x9FFFFFFF  }
0xc3: {  	(tm) =	ssettm $0x7FFFFFFF  }
tec
execute0_lowered:
.L_overlay_start_1:
0x0: {  	(tag) =	ssettag $0x1  }
0x1: {  	s0 =	rddreg [dreg:$0x0]  }
0x2: {  	s1 =	rddreg [dreg:$0x1]  }
0x3: {  	s2 =	rddreg [dreg:$0x2];
	s3 =	srdreg.scid  }
0x4: {  	s9 =	stileid.u32;
	s15 =	simm.s32 $0x3000;
	s16 =	simm.s32 $0x6  }
0x5: {  	s17 =	simm.s32 $0x5;
	s18 =	simm.s32 $0x2800;
	s20 =	simm.s32 $0x7D  }
0x6: {  	s22 =	simm.s32 $0x7000;
	s28 =	simm.s32 $0x4;
	s29 =	simm.s32 $0x2  }
0x7: {  	s30 =	simm.s32 $0x0;
	s4 =	sand.u32 $0x1, s3;
	s6 =	smul.u32 $0x14000, s9  }
0x8: {  	s3 =	simm.s32 $0x0;
	s7 =	sshll.u32 s9, $0x1;
	s9 =	smul.u32 $0x50000, s9  }
0x9: {  	s5 =	smul.u32 $0x140000, s4;
	[smem:$0x7FF] =	sst s3;
	s7 =	sor.u32 s4, s7  }
0xa: {  	s8 =	ssub.s32 $0x2, s4;
	s4 =	sadd.s32 $0x4800, s0;
	_ =	strace $0x80000050  }
0xb: {  	s23 =	smul.u32 $0x2800, s7;
	s24 =	sshrl.u32 s8, $0x1;
	s26 =	sshrl.u32 s9, $0x2  }
0xc: {  	s12 =	smul.u32 $0x500, s7;
	s5 =	sadd.s32 s6, s5;
	s14 =	ssub.s32 s8, s24  }
0xd: {  	s6 =	sadd.s32 s26, s2;
	s26 =	simm.s32 $0x1;
	s5 =	sshrl.u32 s5, $0x3  }
.Ltmp0:
0xe: {  	s25 =	sshrl.u32 s23, $0x3;
	s8 =	sadd.s32 $0x4000, s6;
	(pc) =	sbr.rel .LBB2_1-.Ltmp0, $4  }
0xf: {  	s9 =	sadd.s32 $0x8000, s6;
	s10 =	sadd.s32 $0xC000, s6;
	s11 =	sadd.s32 $0x10000, s6  }
0x10: {  	s14 =	smax.u32 s14, $0x1;
	s0 =	sadd.s32 s5, s0;
	s5 =	sadd.s32 s1, s25  }
0x11: {  	s23 =	simm.s32 $0x3;
	s1 =	sadd.s32 s12, s1;
	s31 =	sadd.s32 $0xA000, s5  }
0x12: {  	v0 =	vimm.f32 $0.0e+00;
	s12 =	sadd.s32 $0x80, s1;
	s13 =	sadd.s32 $0x2C800, s0;
	[dreg:$0x4] =	wrdreg s31  }
.LBB2_6:
0x13: {  	[spmem:s2] =	stream.indirect.scatter.add.f32 [tilespmem:s22], [sflag:$0x4], $0x80, s19, s20, $0xb8;
	[tilespmem:$0x1F000] =	vst v63  }
0x14: {  	s0 =	stileid.u32;
	_ =	swait.ge [sflag:s28], $0x3E80  }
0x15: {  	s1 =	sshrl.u32 s6, $0x3;
	s30 =	sadd.s32 $0x1, s30;
	[sflag:s28] =	ssyncset.done $0x0  }
0x16: {  	s0 =	sshll.u32 s0, $0x6;
	p0 =	sne.s32 s30, s14;
	[sflag:s28] =	ssyncadd.s32 $0xFFFFC180  }
.Ltmp1:
0x17: {  	s0 =	sor.u32 $0x1C06, s0;
	[bflag:$0x0] =	sbarrier.arrive $0xFFFF;
	(pc) =	sbr.rel @!p0 .LBB2_7-.Ltmp1, $4  }
0x18: {  	[hbm:s13], [sflag:s0] =	dma.local [spmem:s1], $0x2800  }
0x19: {  	_ =	swait.ge [sflag:s16], $0x2800  }
0x1a: {  	[sflag:s16] =	ssyncset.done $0x0  }
0x1b: {  	[sflag:s16] =	ssyncadd.s32 $0xFFFFD800  }
.LBB2_1:
0x1c: {  	s0 =	rddreg [dreg:$0x4];
	s25 =	simm.s32 $0x0  }
0x1d: {  	[tilespmem:s3], [sflag:$0x5] =	stream.linear.gather [hbm4b:s0+s3], $0x2800, $0x38;
	[tilespmem:$0x1F000] =	vst v63  }
0x1e: {  	s0 =	sand.u32 $0x7F80, s25  }
0x1f: {  	[tilespmem:s0+$0x3070] =	vst v0  }
0x20: {  	[tilespmem:s0+$0x3000] =	vst v0  }
0x21: {  	[tilespmem:s0+$0x3010] =	vst v0  }
0x22: {  	[tilespmem:s0+$0x3020] =	vst v0  }
0x23: {  	[tilespmem:s0+$0x3030] =	vst v0  }
0x24: {  	s1 =	simm.s32 $0x0;
	s31 =	simm.s32 $0x200;
	[tilespmem:s0+$0x3040] =	vst v0  }
.LBB2_2:
0x25: {  	s19 =	sshrl.u32 s31, $0x2;
	s1 =	sadd.s32 $0x8, s1;
	[tilespmem:s0+$0x3050] =	vst v0  }
0x26: {  	p0 =	slt.u32 s1, $0x7F8;
	[tilespmem:s0+$0x3060] =	vst v0;
	s0 =	sand.u32 $0x7F80, s19  }
0x27: {  	[tilespmem:s0+$0x3070] =	vst v0  }
.Ltmp2:
0x28: {  	[tilespmem:s0+$0x3000] =	vst v0;
	(pc) =	sbr.rel @p0 .LBB2_2-.Ltmp2, $4  }
0x29: {  	[tilespmem:s0+$0x3010] =	vst v0  }
0x2a: {  	[tilespmem:s0+$0x3020] =	vst v0  }
0x2b: {  	[tilespmem:s0+$0x3030] =	vst v0  }
0x2c: {  	s31 =	sadd.s32 $0x200, s31;
	[tilespmem:s0+$0x3040] =	vst v0  }
0x2d: {  	[tilespmem:s0+$0x3050] =	vst v0  }
0x2e: {  	[tilespmem:s0+$0x3060] =	vst v0  }
0x2f: {  	[spmem:s6] =	stream.linear.scatter [tilespmem:s15], [sflag:$0x6], $0x4000, $0x38;
	[tilespmem:$0x1F000] =	vst v63  }
0x30: {  	_ =	swait.ge [sflag:s16], $0x4000  }
0x31: {  	[sflag:s16] =	ssyncset.done $0x0  }
0x32: {  	[sflag:s16] =	ssyncadd.s32 $0xFFFFC000  }
0x33: {  	[spmem:s8] =	stream.linear.scatter [tilespmem:s15], [sflag:$0x6], $0x4000, $0x38;
	[tilespmem:$0x1F000] =	vst v63  }
0x34: {  	_ =	swait.ge [sflag:s16], $0x4000  }
0x35: {  	[sflag:s16] =	ssyncset.done $0x0  }
0x36: {  	[sflag:s16] =	ssyncadd.s32 $0xFFFFC000  }
0x37: {  	[spmem:s9] =	stream.linear.scatter [tilespmem:s15], [sflag:$0x6], $0x4000, $0x38;
	[tilespmem:$0x1F000] =	vst v63  }
0x38: {  	_ =	swait.ge [sflag:s16], $0x4000  }
0x39: {  	[sflag:s16] =	ssyncset.done $0x0  }
0x3a: {  	[sflag:s16] =	ssyncadd.s32 $0xFFFFC000  }
0x3b: {  	[spmem:s10] =	stream.linear.scatter [tilespmem:s15], [sflag:$0x6], $0x4000, $0x38;
	[tilespmem:$0x1F000] =	vst v63  }
0x3c: {  	_ =	swait.ge [sflag:s16], $0x4000  }
0x3d: {  	[sflag:s16] =	ssyncset.done $0x0  }
0x3e: {  	[sflag:s16] =	ssyncadd.s32 $0xFFFFC000  }
0x3f: {  	[spmem:s11] =	stream.linear.scatter [tilespmem:s15], [sflag:$0x6], $0x4000, $0x38;
	[tilespmem:$0x1F000] =	vst v63  }
0x40: {  	_ =	swait.ge [sflag:s16], $0x4000  }
0x41: {  	[sflag:s16] =	ssyncset.done $0x0  }
0x42: {  	[sflag:s16] =	ssyncadd.s32 $0xFFFFC000  }
0x43: {  	_ =	swait.ge [sflag:s17], $0x2800  }
0x44: {  	[sflag:s17] =	ssyncset.done $0x0  }
0x45: {  	[sflag:s17] =	ssyncadd.s32 $0xFFFFD800  }
0x46: {  	[tilespmem:s18], [sflag:$0x5] =	stream.linear.gather [hbm4b:s5+s3], $0x400, $0x38;
	[tilespmem:$0x1F000] =	vst v63  }
0x47: {  	_ =	swait.ge [sflag:s17], $0x400  }
0x48: {  	[sflag:s17] =	ssyncset.done $0x0  }
0x49: {  	s21 =	simm.s32 $0x2C00;
	[sflag:s17] =	ssyncadd.s32 $0xFFFFFC00  }
0x4a: {  	[tilespmem:s21], [sflag:$0x5] =	stream.linear.gather [hbm4b:s12+s3], $0x400, $0x38;
	[tilespmem:$0x1F000] =	vst v63  }
0x4b: {  	s31 =	simm.s32 $0x1;
	[bflag:$0x0] =	sbarrier.arrive $0xFFFF  }
0x4c: {  	[tilespmem:s15], [sflag:$0x1] =	stream.indirect.gather [hbm4b:s4+s20], $0x80, s3, s20, $0xb8;
	[tilespmem:$0x1F000] =	vst v63  }
0x4d: {  	_ =	swait.ge [sflag:s31], $0x3E80  }
0x4e: {  	[sflag:s31] =	ssyncset.done $0x0  }
0x4f: {  	s24 =	simm.s32 $0x80;
	[sflag:s31] =	ssyncadd.s32 $0xFFFFC180  }
0x50: {  	[tilespmem:s22], [sflag:$0x2] =	stream.indirect.gather [hbm4b:s4+s20], $0x80, s24, s20, $0xb8;
	[tilespmem:$0x1F000] =	vst v63  }
0x51: {  	s0 =	simm.s32 $0x2  }
0x52: {  	[spmem:s2] =	stream.indirect.scatter.add.f32 [tilespmem:s15], [sflag:$0x3], $0x80, s18, s20, $0xb8;
	[tilespmem:$0x1F000] =	vst v63  }
0x53: {  	_ =	swait.ge [sflag:s0], $0x3E80  }
0x54: {  	[sflag:s0] =	ssyncset.done $0x0  }
0x55: {  	[sflag:s0] =	ssyncadd.s32 $0xFFFFC180  }
0x56: {  	_ =	swait.ge [sflag:s23], $0x3E80  }
0x57: {  	[sflag:s23] =	ssyncset.done $0x0  }
0x58: {  	s1 =	simm.s32 $0x100;
	[sflag:s23] =	ssyncadd.s32 $0xFFFFC180  }
0x59: {  	[tilespmem:s15], [sflag:$0x1] =	stream.indirect.gather [hbm4b:s4+s20], $0x80, s1, s20, $0xb8;
	[tilespmem:$0x1F000] =	vst v63  }
0x5a: {  	s25 =	simm.s32 $0x2880;
	s1 =	simm.s32 $0x200  }
0x5b: {  	[spmem:s2] =	stream.indirect.scatter.add.f32 [tilespmem:s22], [sflag:$0x4], $0x80, s25, s20, $0xb8;
	[tilespmem:$0x1F000] =	vst v63  }
.LBB2_4:
0x5c: {  	_ =	swait.ge [sflag:s26], $0x3E80  }
0x5d: {  	s19 =	sshrl.u32 s31, $0x2;
	[sflag:s26] =	ssyncset.done $0x0  }
0x5e: {  	s21 =	sand.u32 $0x6, s0;
	p0 =	seq.s32 s19, $0x0;
	[sflag:s26] =	ssyncadd.s32 $0xFFFFC180  }
0x5f: {  	p1 =	sne.s32 @!p0 s21, $0x0;
	_ =	swait.ge [sflag:s28], $0x3E80  }
0x60: {  	p2 =	por p1, p0;
	[sflag:s28] =	ssyncset.done $0x0  }
0x61: {  	s24 =	simm.s32 @!p2 $0x5;
	p3 =	sgt.u32 @!p2 s31, $0x23;
	[sflag:s28] =	ssyncadd.s32 $0xFFFFC180  }
0x62: {  	p1 =	por @!p0 p3, p1;
	_ =	swait.ge @!p2 [sflag:s24], $0x400  }
0x63: {  	s25 =	sand.u32 $0x1, s19;
	p0 =	por p1, p0;
	[sflag:s24] =	ssyncset.done @!p2 $0x0  }
0x64: {  	s19 =	sshll.u32 @!p0 s19, $0x7;
	[sflag:s24] =	ssyncadd.s32 @!p2 $0xFFFFFC00;
	s24 =	sshll.u32 @!p0 s25, $0xA  }
0x65: {  	s7 =	simm.s32 @!p0 $0x0;
	s19 =	sadd.s32 @!p0 s12, s19;
	s24 =	sxor.u32 @!p0 $0x2C00, s24  }
0x66: {  	[tilespmem:s24], [sflag:$0x5] =	stream.linear.gather @!p0 [hbm4b:s19+s7], $0x400, $0x38;
	[tilespmem:$0x1F000] =	vst v63  }
0x67: {  	s24 =	sshll.u32 s25, $0xA;
	s25 =	sshll.u32 s21, $0x7  }
0x68: {  	s19 =	sadd.s32 $0xFFFFFF80, s1;
	s7 =	sor.u32 s25, s24  }
0x69: {  	[tilespmem:s22], [sflag:$0x2] =	stream.indirect.gather [hbm4b:s4+s20], $0x80, s19, s20, $0xb8;
	[tilespmem:$0x1F000] =	vst v63  }
0x6a: {  	s7 =	sor.u32 $0x2800, s7  }
0x6b: {  	[spmem:s2] =	stream.indirect.scatter.add.f32 [tilespmem:s15], [sflag:$0x3], $0x80, s7, s20, $0xb8;
	[tilespmem:$0x1F000] =	vst v63  }
0x6c: {  	p0 =	seq.s32 s31, $0x27;
	_ =	swait.ge [sflag:s29], $0x3E80  }
.Ltmp3:
0x6d: {  	[sflag:s29] =	ssyncset.done $0x0;
	(pc) =	sbr.rel @p0 .LBB2_6-.Ltmp3, $4  }
0x6e: {  	[sflag:s29] =	ssyncadd.s32 $0xFFFFC180  }
0x6f: {  	_ =	swait.ge [sflag:s23], $0x3E80  }
0x70: {  	[sflag:s23] =	ssyncset.done $0x0  }
0x71: {  	s19 =	sadd.s32 $0x80, s7;
	[sflag:s23] =	ssyncadd.s32 $0xFFFFC180  }
.Ltmp4:
0x72: {  	(pc) =	sbr.rel .LBB2_4-.Ltmp4, $4  }
0x73: {  	_ = 	snop  }
0x74: {  	[tilespmem:s15], [sflag:$0x1] =	stream.indirect.gather [hbm4b:s4+s20], $0x80, s1, s20, $0xb8;
	[tilespmem:$0x1F000] =	vst v63  }
0x75: {  	s31 =	sadd.s32 $0x1, s31;
	s1 =	sadd.s32 $0x100, s1;
	s0 =	sadd.s32 $0x2, s0  }
0x76: {  	[spmem:s2] =	stream.indirect.scatter.add.f32 [tilespmem:s22], [sflag:$0x4], $0x80, s19, s20, $0xb8;
	[tilespmem:$0x1F000] =	vst v63  }
.LBB2_7:
0x77: {  	_ =	sfence.sel $0x180000  }
0x78: {  	[bflag:$0x0] =	sbarrier.arrive $0xFFFF  }
0x79: {  	_ =	strace $0x90000050  }
0x7a: {  	s0 =	stileid.u32;
	[bflag:$0x2] =	sbarrier.arrive $0xFFFF  }
0x7b: {  	p0 =	sne.s32 s0, $0x0;
	s0 =	rddreg [dreg:$0x3]  }
0x7c: {  	s0 =	sadd.s32 @!p0 $0x100000, s0  }
0x7d: {  	[sflag:s0] =	ssyncadd.tile.s32 @!p0 $0x1;
	_ =	shalt  }
.Lfunc_end2:
_tile_overlayer_lowered:
.L_overlay_start_2:
0x7e: {  	(tag) =	ssettag $0x2  }
0x7f: {  	s0 =	rddreg [dreg:$0x0];
	s2 =	stileid.u32  }
0x80: {  	s1 =	rddreg [dreg:$0x1];
	p0 =	sne.s32 s2, $0x0  }
0x81: {  	s3 =	rddreg [dreg:$0x2];
	[bflag:$0x3] =	sbarrier.arrive $0xFFFF;
	s2 =	simm.s32 @!p0 $0x1C06  }
0x82: {  	[timem:s3], [sflag:s2] =	dma.local @!p0 [hbm:s0], s1  }
0x83: {  	s0 =	simm.s32 @!p0 $0x6  }
0x84: {  	_ =	swait.ge @!p0 [sflag:s0], s1  }
0x85: {  	s1 =	ssub.s32 @!p0 $0x0, s1;
	[sflag:s0] =	ssyncset.done @!p0 $0x0  }
0x86: {  	[sflag:s0] =	ssyncadd.s32 @!p0 s1  }
0x87: {  	[bflag:$0x3] =	sbarrier.arrive $0xFFFF  }
0x88: {  	_ =	shalt  }

</sc_bundles>
